<compile_context>
chip_gen: v7x
topology: tpu7x:2x2x1
jax: 0.10.2.dev20260603
libtpu: 0.0.44.dev20260713+nightly
codegen_flags: <defaults>
</compile_context>

<pallas_src>
import functools

import jax
import jax.numpy as jnp
from jax import lax
from jax.experimental import pallas as pl
from jax.experimental.pallas import tpu as pltpu
from jax.experimental.pallas import tpu_sc as plsc

N_NODES_ = 10000
N_EDGES_ = 320000
NP = 10240
NCORES = 2
NSUB = 16
NTILES = NCORES * NSUB
EDGES_PER_TILE = 10240
EPAD = EDGES_PER_TILE * NTILES
BATCH = 128
NBATCH = EDGES_PER_TILE // BATCH
ROWS_PER_TILE = NP // NSUB

_MESH = plsc.VectorSubcoreMesh(core_axis_name="c", subcore_axis_name="s")

SBATCH = 32
NBTOT = EPAD // SBATCH
NBT = EDGES_PER_TILE // SBATCH
NST0, NST1 = 5, 5
ST = NBT // (NST0 + NST1) * 2
NBUF = 8
assert (NST0 + NST1) * ST * NSUB == NBTOT and ST % NBUF == 0


@functools.partial(
    pl.kernel,
    out_type=[jax.ShapeDtypeStruct((NP,), jnp.float32),
              jax.ShapeDtypeStruct((NP,), jnp.float32)],
    mesh=_MESH,
    scratch_types=[
        pltpu.VMEM_SHARED((NSUB, NP), jnp.float32),
        pltpu.VMEM((NBT, SBATCH), jnp.int32),
        pltpu.VMEM((NP,), jnp.float32),
        pltpu.VMEM((ROWS_PER_TILE,), jnp.float32),
        pltpu.VMEM((ROWS_PER_TILE,), jnp.float32),
    ],
    compiler_params=pltpu.CompilerParams(needs_layout_passes=False),
)
def _deg_kernel(dst_hbm, out0, out1, sh, dst_v, hist, red_a, red_b):
    c = lax.axis_index("c")
    s = lax.axis_index("s")
    wid = c * NSUB + s
    pltpu.sync_copy(dst_hbm.at[pl.ds(wid * NBT, NBT)], dst_v)

    zero16 = jnp.zeros((16,), jnp.float32)
    one16 = jnp.ones((16,), jnp.float32)

    def zstep(i, carry):
        hist[pl.ds(i * 16, 16)] = zero16
        return carry

    lax.fori_loop(0, NP // 16, zstep, 0)

    def hstep(j, carry):
        for k in range(SBATCH // 16):
            idx = dst_v[j, pl.ds(k * 16, 16)]
            plsc.addupdate_scatter(hist, [idx], one16)
        return carry

    lax.fori_loop(0, NBT, hstep, 0)

    pltpu.sync_copy(hist, sh.at[s])
    plsc.subcore_barrier()

    sl = pl.ds(ROWS_PER_TILE * s, ROWS_PER_TILE)
    pltpu.sync_copy(sh.at[0].at[sl], red_a)
    for k in range(1, NSUB):
        pltpu.sync_copy(sh.at[k].at[sl], red_b)

        def astep(m, carry):
            red_a[pl.ds(m * 16, 16)] = (red_a[pl.ds(m * 16, 16)]
                                        + red_b[pl.ds(m * 16, 16)])
            return carry

        lax.fori_loop(0, ROWS_PER_TILE // 16, astep, 0)

    @pl.when(c == 0)
    def _():
        pltpu.sync_copy(red_a, out0.at[sl])

    @pl.when(c == 1)
    def _():
        pltpu.sync_copy(red_a, out1.at[sl])



def _make_agg(feat):
    @functools.partial(
        pl.kernel,
        out_type=jax.ShapeDtypeStruct((NCORES, NP, feat), jnp.float32),
        mesh=_MESH,
        scratch_types=[
            pltpu.VMEM_SHARED((NP, feat), jnp.float32),
            pltpu.VMEM((ST, SBATCH), jnp.int32),
            pltpu.VMEM((ST, SBATCH), jnp.int32),
            [pltpu.VMEM((SBATCH, feat), jnp.float32) for _ in range(NBUF)],
            [pltpu.SemaphoreType.DMA for _ in range(NBUF)],
        ],
    )
    def agg(x_hbm, src_hbm, dst_hbm, out_hbm,
            acc, src_v, dst_v, bufs, sems):
        c = lax.axis_index("c")
        s = lax.axis_index("s")

        zero16 = jnp.zeros((16,), jnp.float32)

        def zfill(i, carry):
            r = i // (feat // 16)
            k = i % (feat // 16)
            bufs[0][r, pl.ds(k * 16, 16)] = zero16
            return carry

        lax.fori_loop(0, SBATCH * feat // 16, zfill, 0)
        for r in range(ROWS_PER_TILE // SBATCH):
            pltpu.sync_copy(
                bufs[0],
                acc.at[pl.ds(ROWS_PER_TILE * s + r * SBATCH, SBATCH)])
        plsc.subcore_barrier()

        nst = jnp.where(c == 0, NST0, NST1)
        row0 = jnp.where(c == 0, ST * NST0 * s,
                         ST * NST0 * NSUB + ST * NST1 * s)

        def stage(h, carry):
            base = row0 + h * ST
            pltpu.sync_copy(src_hbm.at[pl.ds(base, ST)], src_v)
            pltpu.sync_copy(dst_hbm.at[pl.ds(base, ST)], dst_v)
            for q in range(NBUF - 1):
                pltpu.async_copy(x_hbm.at[src_v.at[q]], bufs[q], sems[q])

            def step(i, carry2):
                for q in range(NBUF):
                    j = NBUF * i + q
                    pltpu.make_async_copy(
                        x_hbm.at[src_v.at[j]], bufs[q], sems[q]).wait()
                    pltpu.sync_copy(bufs[q], acc.at[dst_v.at[j]], add=True)
                    qn = (q + NBUF - 1) % NBUF

                    @pl.when(j + NBUF - 1 < ST)
                    def _():
                        pltpu.async_copy(
                            x_hbm.at[src_v.at[j + NBUF - 1]],
                            bufs[qn], sems[qn])
                return carry2

            lax.fori_loop(0, ST // NBUF, step, 0)
            return carry

        lax.fori_loop(0, nst, stage, 0)
        plsc.subcore_barrier()
        sl = pl.ds(ROWS_PER_TILE * s, ROWS_PER_TILE)
        pltpu.sync_copy(acc.at[sl], out_hbm.at[c].at[sl])

    return agg


_agg128 = _make_agg(128)


BLK = 1024
GRID = NP // BLK


def _scale_body(deg0_ref, deg1_ref, x_ref, dinv_ref, xt_ref):
    d = deg0_ref[...] + deg1_ref[...] + 1.0
    di = lax.rsqrt(d)
    dinv_ref[...] = di
    xt_ref[...] = x_ref[...] * di


def _scale_call(deg0, deg1, x_pad):
    return pl.pallas_call(
        _scale_body,
        grid=(GRID,),
        in_specs=[
            pl.BlockSpec((BLK, 1), lambda i: (i, 0)),
            pl.BlockSpec((BLK, 1), lambda i: (i, 0)),
            pl.BlockSpec((BLK, 128), lambda i: (i, 0)),
        ],
        out_specs=[
            pl.BlockSpec((BLK, 1), lambda i: (i, 0)),
            pl.BlockSpec((BLK, 128), lambda i: (i, 0)),
        ],
        out_shape=[
            jax.ShapeDtypeStruct((NP, 1), jnp.float32),
            jax.ShapeDtypeStruct((NP, 128), jnp.float32),
        ],
    )(deg0, deg1, x_pad)


def _fused_body(acc_ref, xt_ref, dinv_ref, w1_ref, b1_ref, w2_ref, out_ref):
    di = dinv_ref[...]
    z = (acc_ref[0] + acc_ref[1] + xt_ref[...]) * di
    h = jnp.dot(z, w1_ref[...], preferred_element_type=jnp.float32)
    h = jnp.maximum(h + b1_ref[...], 0.0)
    t = jnp.dot(h, w2_ref[...], preferred_element_type=jnp.float32)
    out_ref[...] = jnp.concatenate(
        [t * di, jnp.zeros((t.shape[0], 64), jnp.float32)], axis=1)


def _fused_call(acc1, xt, dinv, W1, b1, W2):
    return pl.pallas_call(
        _fused_body,
        grid=(GRID,),
        in_specs=[
            pl.BlockSpec((NCORES, BLK, 128), lambda i: (0, i, 0)),
            pl.BlockSpec((BLK, 128), lambda i: (i, 0)),
            pl.BlockSpec((BLK, 1), lambda i: (i, 0)),
            pl.BlockSpec((128, 1024), lambda i: (0, 0)),
            pl.BlockSpec((1, 1024), lambda i: (0, 0)),
            pl.BlockSpec((1024, 64), lambda i: (0, 0)),
        ],
        out_specs=pl.BlockSpec((BLK, 128), lambda i: (i, 0)),
        out_shape=jax.ShapeDtypeStruct((NP, 128), jnp.float32),
    )(acc1, xt, dinv, W1, b1.reshape(1, 1024), W2)


def _softmax_body(acc_ref, tt_ref, dinv_ref, b2_ref, out_ref):
    z128 = (acc_ref[0] + acc_ref[1] + tt_ref[...]) * dinv_ref[...]
    z = z128[:, :64] + b2_ref[...]
    m = jnp.max(z, axis=1, keepdims=True)
    e = jnp.exp(z - m)
    out_ref[...] = e / jnp.sum(e, axis=1, keepdims=True)


def _softmax_call(acc2, tt, dinv, b2):
    return pl.pallas_call(
        _softmax_body,
        grid=(GRID,),
        in_specs=[
            pl.BlockSpec((NCORES, BLK, 128), lambda i: (0, i, 0)),
            pl.BlockSpec((BLK, 128), lambda i: (i, 0)),
            pl.BlockSpec((BLK, 1), lambda i: (i, 0)),
            pl.BlockSpec((1, 64), lambda i: (0, 0)),
        ],
        out_specs=pl.BlockSpec((BLK, 64), lambda i: (i, 0)),
        out_shape=jax.ShapeDtypeStruct((NP, 64), jnp.float32),
    )(acc2, tt, dinv, b2.reshape(1, 64))


def kernel(x, edge_index, W1, b1, W2, b2):
    n = x.shape[0]
    e = edge_index.shape[1]
    src = edge_index[0].astype(jnp.int32)
    dst = edge_index[1].astype(jnp.int32)
    pad = EPAD - e
    pad_idx = n + (jnp.arange(pad, dtype=jnp.int32) % (NP - n))
    src_p = jnp.concatenate([src, pad_idx])
    dst_p = jnp.concatenate([dst, pad_idx])
    src64 = src_p.reshape(EPAD // SBATCH, SBATCH)
    dst64 = dst_p.reshape(EPAD // SBATCH, SBATCH)
    x_pad = jnp.zeros((NP, 128), jnp.float32).at[:n].set(x)

    deg0, deg1 = _deg_kernel(dst64)
    dinv, xt = _scale_call(deg0.reshape(NP, 1), deg1.reshape(NP, 1), x_pad)
    acc1 = _agg128(xt, src64, dst64)
    tt = _fused_call(acc1, xt, dinv, W1, b1, W2)
    acc2 = _agg128(tt, src64, dst64)
    out = _softmax_call(acc2, tt, dinv, b2)
    return out[:n]

# --- scband reference (transcript-rebuilt; emitter-appended) ---
"""Pipeline reference for scband-gcn-67594195304512 (READ-ONLY COPY).

The authoritative reference and input builder live on the scoring server;
editing this copy changes nothing except your own understanding.
"""

import jax, jax.numpy as jnp
import numpy as np

N_NODES = 10000
N_EDGES = 320000
F_IN = 128
F_HID = 1024
N_CLASSES = 64


def setup_inputs(seed: int = 0) -> dict:
    key = jax.random.key(seed)
    k1, k2, k3, k4, k5, k6 = jax.random.split(key, 6)
    x = jax.random.normal(k1, (N_NODES, F_IN), dtype=jnp.float32)
    edge_index = jax.random.randint(k2, (2, N_EDGES), 0, N_NODES, dtype=jnp.int64)
    W1 = jax.random.normal(k3, (F_IN, F_HID), dtype=jnp.float32) * (1.0 / np.sqrt(F_IN))
    b1 = jnp.zeros((F_HID,), dtype=jnp.float32)
    W2 = jax.random.normal(k4, (F_HID, N_CLASSES), dtype=jnp.float32) * (1.0 / np.sqrt(F_HID))
    b2 = jnp.zeros((N_CLASSES,), dtype=jnp.float32)
    return {"x": x, "edge_index": edge_index, "W1": W1, "b1": b1, "W2": W2, "b2": b2}


def gcn_conv(x, edge_index, W, b, num_nodes):
    # PyG-style GCNConv: linear transform, add self-loops, symmetric normalization, scatter-add
    x = x @ W
    src = edge_index[0]
    dst = edge_index[1]
    loop = jnp.arange(num_nodes, dtype=edge_index.dtype)
    src = jnp.concatenate([src, loop])
    dst = jnp.concatenate([dst, loop])
    ones = jnp.ones(src.shape[0], dtype=x.dtype)
    deg = jnp.zeros((num_nodes,), dtype=x.dtype).at[dst].add(ones)
    dinv = jnp.where(deg > 0, jax.lax.rsqrt(deg), 0.0)
    norm = dinv[src] * dinv[dst]
    msg = jnp.take(x, src, axis=0) * norm[:, None]
    out = jnp.zeros((num_nodes, x.shape[1]), dtype=x.dtype).at[dst].add(msg)
    return out + b


def reference(x, edge_index, W1, b1, W2, b2):
    h = gcn_conv(x, edge_index, W1, b1, N_NODES)
    h = jax.nn.relu(h)
    # dropout is identity in eval/reference mode
    h = gcn_conv(h, edge_index, W2, b2, N_NODES)
    return jax.nn.softmax(h, axis=1)

if __name__ == "__main__":
    import jax
    _d = setup_inputs()
    print(jax.jit(kernel)(*tuple(_d.values())))

</pallas_src>

<mosaic_0001>
#map = affine_map<(d0, d1) -> (0, 0)>
#map1 = affine_map<(d0, d1) -> (0, 0, 0)>
module attributes {stable_mosaic.version = 14 : i64} {
  func.func @agg(%arg0: i32, %arg1: i32, %arg2: memref<10240x128xf32, #tpu.memory_space<hbm>>, %arg3: memref<10240x32xi32, #tpu.memory_space<hbm>>, %arg4: memref<10240x32xi32, #tpu.memory_space<hbm>>, %arg5: memref<2x10240x128xf32, #tpu.memory_space<hbm>>, %arg6: memref<10240x128xf32, #tpu.memory_space<vmem_shared>>, %arg7: memref<64x32xi32, #tpu.memory_space<vmem>>, %arg8: memref<64x32xi32, #tpu.memory_space<vmem>>, %arg9: memref<32x128xf32, #tpu.memory_space<vmem>>, %arg10: memref<32x128xf32, #tpu.memory_space<vmem>>, %arg11: memref<32x128xf32, #tpu.memory_space<vmem>>, %arg12: memref<32x128xf32, #tpu.memory_space<vmem>>, %arg13: memref<32x128xf32, #tpu.memory_space<vmem>>, %arg14: memref<32x128xf32, #tpu.memory_space<vmem>>, %arg15: memref<32x128xf32, #tpu.memory_space<vmem>>, %arg16: memref<32x128xf32, #tpu.memory_space<vmem>>, %arg17: memref<!tpu.dma_semaphore, #tpu.memory_space<semaphore_mem>>, %arg18: memref<!tpu.dma_semaphore, #tpu.memory_space<semaphore_mem>>, %arg19: memref<!tpu.dma_semaphore, #tpu.memory_space<semaphore_mem>>, %arg20: memref<!tpu.dma_semaphore, #tpu.memory_space<semaphore_mem>>, %arg21: memref<!tpu.dma_semaphore, #tpu.memory_space<semaphore_mem>>, %arg22: memref<!tpu.dma_semaphore, #tpu.memory_space<semaphore_mem>>, %arg23: memref<!tpu.dma_semaphore, #tpu.memory_space<semaphore_mem>>, %arg24: memref<!tpu.dma_semaphore, #tpu.memory_space<semaphore_mem>>) attributes {dimension_semantics = [#tpu.dimension_semantics<core_parallel>, #tpu.dimension_semantics<subcore_parallel>], iteration_bounds = array<i64: 2, 16>, scalar_prefetch = 0 : i64, scratch_operands = 19 : i64, tpu.core_type = #tpu.core_type<sc_vector_subcore>, window_params = [{transform_indices = #map}, {transform_indices = #map}, {transform_indices = #map}, {transform_indices = #map1}]} {
    %broadcast_in_dim3A = arith.constant 0.000000e+00 : f32
    %broadcast_in_dim3A_0 = vector.broadcast %broadcast_in_dim3A : f32 to vector<16xf32>
    %scan3A = arith.constant 0 : i32
    %scan3A_1 = arith.constant 0 : i32
    %scan3A_2 = arith.constant 256 : i32
    %scan3A_3 = arith.addi %scan3A_1, %scan3A_2 : i32
    %scan3A_4 = arith.constant 1 : i32
    scf.for %scan3A_107 = %scan3A_1 to %scan3A_3 step %scan3A_4  : i32 {
      %jit3A_108 = arith.constant 8 : i32
      %div3A = arith.divsi %scan3A_107, %jit3A_108 : i32
      %sign3A = arith.constant 0 : i32
      %sign3A_109 = arith.cmpi sgt, %scan3A_107, %sign3A : i32
      %sign3A_110 = arith.extui %sign3A_109 : i1 to i32
      %sign3A_111 = arith.constant 0 : i32
      %sign3A_112 = arith.cmpi slt, %scan3A_107, %sign3A_111 : i32
      %sign3A_113 = arith.extui %sign3A_112 : i1 to i32
      %sign3A_114 = arith.subi %sign3A_110, %sign3A_113 : i32
      %sign3A_115 = arith.constant 0 : i32
      %sign3A_116 = arith.cmpi sgt, %jit3A_108, %sign3A_115 : i32
      %sign3A_117 = arith.extui %sign3A_116 : i1 to i32
      %sign3A_118 = arith.constant 0 : i32
      %sign3A_119 = arith.cmpi slt, %jit3A_108, %sign3A_118 : i32
      %sign3A_120 = arith.extui %sign3A_119 : i1 to i32
      %sign3A_121 = arith.subi %sign3A_117, %sign3A_120 : i32
      %ne3A = arith.cmpi ne, %sign3A_114, %sign3A_121 : i32
      %rem3A = arith.remsi %scan3A_107, %jit3A_108 : i32
      %ne3A_122 = arith.constant 0 : i32
      %ne3A_123 = arith.cmpi ne, %rem3A, %ne3A_122 : i32
      %and3A = arith.andi %ne3A, %ne3A_123 : i1
      %sub3A = arith.constant 1 : i32
      %sub3A_124 = arith.subi %div3A, %sub3A : i32
      %select_n3A_125 = arith.select %and3A, %sub3A_124, %div3A : i32
      %jit3A_126 = arith.constant 8 : i32
      %eq3A_127 = arith.constant 0 : i32
      %eq3A_128 = arith.cmpi eq, %jit3A_126, %eq3A_127 : i32
      %jit3A_129 = arith.constant 1 : i32
      %select_n3A_130 = arith.select %eq3A_128, %jit3A_129, %jit3A_126 : i32
      %rem3A_131 = arith.remsi %scan3A_107, %select_n3A_130 : i32
      %ne3A_132 = arith.constant 0 : i32
      %ne3A_133 = arith.cmpi ne, %rem3A_131, %ne3A_132 : i32
      %lt3A = arith.constant 0 : i32
      %lt3A_134 = arith.cmpi slt, %rem3A_131, %lt3A : i32
      %lt3A_135 = arith.constant 0 : i32
      %lt3A_136 = arith.cmpi slt, %select_n3A_130, %lt3A_135 : i32
      %ne3A_137 = arith.xori %lt3A_134, %lt3A_136 : i1
      %and3A_138 = arith.andi %ne3A_137, %ne3A_133 : i1
      %add3A_139 = arith.addi %rem3A_131, %select_n3A_130 : i32
      %select_n3A_140 = arith.select %and3A_138, %add3A_139, %rem3A_131 : i32
      %mul3A_141 = arith.constant 16 : i32
      %mul3A_142 = arith.muli %select_n3A_140, %mul3A_141 : i32
      %swap3A = arith.index_cast %select_n3A_125 : i32 to index
      %swap3A_143 = arith.index_cast %mul3A_142 : i32 to index
      %swap3A_144 = tpu.vector_load %arg9[%swap3A, %swap3A_143] {strides = array<i32>} : memref<32x128xf32, #tpu.memory_space<vmem>>, vector<1x16xf32>,
      %swap3A_145 = vector.shape_cast %swap3A_144 : vector<1x16xf32> to vector<16xf32>
      %swap3A_146 = vector.shape_cast %broadcast_in_dim3A_0 : vector<16xf32> to vector<1x16xf32>
      tpu.vector_store %arg9[%swap3A, %swap3A_143], %swap3A_146 {strides = array<i32>} : memref<32x128xf32, #tpu.memory_space<vmem>>, vector<1x16xf32>,
    }
    %scan3A_5 = arith.constant 256 : i32
    %mul3A = arith.constant 640 : i32
    %mul3A_6 = arith.muli %mul3A, %arg1 : i32
    %add3A = arith.constant 0 : i32
    %add3A_7 = arith.addi %mul3A_6, %add3A : i32
    "tpu.region"() ({
      %run_scoped3A = tpu.sem_alloc : memref<!tpu.dma_semaphore, #tpu.memory_space<semaphore_mem>>
      %dma_start3A = arith.constant 0 : i32
      %dma_start3A_107 = tpu.memref_slice %arg6[%add3A_7, %dma_start3A] : memref<10240x128xf32, #tpu.memory_space<vmem_shared>> -> memref<32x128xf32, #tpu.memory_space<vmem_shared>>
      %dma_start3A_108 = arith.constant 0 : i32
      %dma_start3A_109 = tpu.memref_slice %arg6[%add3A_7, %dma_start3A_108] : memref<10240x128xf32, #tpu.memory_space<vmem_shared>> -> memref<32x128xf32, #tpu.memory_space<vmem_shared>>
      tpu.enqueue_dma source(%arg9 : memref<32x128xf32, #tpu.memory_space<vmem>>) target(%dma_start3A_109 : memref<32x128xf32, #tpu.memory_space<vmem_shared>>) target_semaphore(%run_scoped3A : memref<!tpu.dma_semaphore, #tpu.memory_space<semaphore_mem>>)
      %dma_wait3A = arith.constant 0 : i32
      %dma_wait3A_110 = tpu.memref_slice %arg6[%add3A_7, %dma_wait3A] : memref<10240x128xf32, #tpu.memory_space<vmem_shared>> -> memref<32x128xf32, #tpu.memory_space<vmem_shared>>
      %dma_wait3A_111 = arith.constant 0 : i32
      %dma_wait3A_112 = tpu.memref_slice %arg6[%add3A_7, %dma_wait3A_111] : memref<10240x128xf32, #tpu.memory_space<vmem_shared>> -> memref<32x128xf32, #tpu.memory_space<vmem_shared>>
      tpu.wait_dma2 semaphore(%run_scoped3A : memref<!tpu.dma_semaphore, #tpu.memory_space<semaphore_mem>>) src(%arg9 : memref<32x128xf32, #tpu.memory_space<vmem>>) dst(%dma_wait3A_112 : memref<32x128xf32, #tpu.memory_space<vmem_shared>>)
      tpu.yield
    }) : () -> ()
    %mul3A_8 = arith.constant 640 : i32
    %mul3A_9 = arith.muli %mul3A_8, %arg1 : i32
    %add3A_10 = arith.constant 32 : i32
    %add3A_11 = arith.addi %mul3A_9, %add3A_10 : i32
    "tpu.region"() ({
      %run_scoped3A = tpu.sem_alloc : memref<!tpu.dma_semaphore, #tpu.memory_space<semaphore_mem>>
      %dma_start3A = arith.constant 0 : i32
      %dma_start3A_107 = tpu.memref_slice %arg6[%add3A_11, %dma_start3A] : memref<10240x128xf32, #tpu.memory_space<vmem_shared>> -> memref<32x128xf32, #tpu.memory_space<vmem_shared>>
      %dma_start3A_108 = arith.constant 0 : i32
      %dma_start3A_109 = tpu.memref_slice %arg6[%add3A_11, %dma_start3A_108] : memref<10240x128xf32, #tpu.memory_space<vmem_shared>> -> memref<32x128xf32, #tpu.memory_space<vmem_shared>>
      tpu.enqueue_dma source(%arg9 : memref<32x128xf32, #tpu.memory_space<vmem>>) target(%dma_start3A_109 : memref<32x128xf32, #tpu.memory_space<vmem_shared>>) target_semaphore(%run_scoped3A : memref<!tpu.dma_semaphore, #tpu.memory_space<semaphore_mem>>)
      %dma_wait3A = arith.constant 0 : i32
      %dma_wait3A_110 = tpu.memref_slice %arg6[%add3A_11, %dma_wait3A] : memref<10240x128xf32, #tpu.memory_space<vmem_shared>> -> memref<32x128xf32, #tpu.memory_space<vmem_shared>>
      %dma_wait3A_111 = arith.constant 0 : i32
      %dma_wait3A_112 = tpu.memref_slice %arg6[%add3A_11, %dma_wait3A_111] : memref<10240x128xf32, #tpu.memory_space<vmem_shared>> -> memref<32x128xf32, #tpu.memory_space<vmem_shared>>
      tpu.wait_dma2 semaphore(%run_scoped3A : memref<!tpu.dma_semaphore, #tpu.memory_space<semaphore_mem>>) src(%arg9 : memref<32x128xf32, #tpu.memory_space<vmem>>) dst(%dma_wait3A_112 : memref<32x128xf32, #tpu.memory_space<vmem_shared>>)
      tpu.yield
    }) : () -> ()
    %mul3A_12 = arith.constant 640 : i32
    %mul3A_13 = arith.muli %mul3A_12, %arg1 : i32
    %add3A_14 = arith.constant 64 : i32
    %add3A_15 = arith.addi %mul3A_13, %add3A_14 : i32
    "tpu.region"() ({
      %run_scoped3A = tpu.sem_alloc : memref<!tpu.dma_semaphore, #tpu.memory_space<semaphore_mem>>
      %dma_start3A = arith.constant 0 : i32
      %dma_start3A_107 = tpu.memref_slice %arg6[%add3A_15, %dma_start3A] : memref<10240x128xf32, #tpu.memory_space<vmem_shared>> -> memref<32x128xf32, #tpu.memory_space<vmem_shared>>
      %dma_start3A_108 = arith.constant 0 : i32
      %dma_start3A_109 = tpu.memref_slice %arg6[%add3A_15, %dma_start3A_108] : memref<10240x128xf32, #tpu.memory_space<vmem_shared>> -> memref<32x128xf32, #tpu.memory_space<vmem_shared>>
      tpu.enqueue_dma source(%arg9 : memref<32x128xf32, #tpu.memory_space<vmem>>) target(%dma_start3A_109 : memref<32x128xf32, #tpu.memory_space<vmem_shared>>) target_semaphore(%run_scoped3A : memref<!tpu.dma_semaphore, #tpu.memory_space<semaphore_mem>>)
      %dma_wait3A = arith.constant 0 : i32
      %dma_wait3A_110 = tpu.memref_slice %arg6[%add3A_15, %dma_wait3A] : memref<10240x128xf32, #tpu.memory_space<vmem_shared>> -> memref<32x128xf32, #tpu.memory_space<vmem_shared>>
      %dma_wait3A_111 = arith.constant 0 : i32
      %dma_wait3A_112 = tpu.memref_slice %arg6[%add3A_15, %dma_wait3A_111] : memref<10240x128xf32, #tpu.memory_space<vmem_shared>> -> memref<32x128xf32, #tpu.memory_space<vmem_shared>>
      tpu.wait_dma2 semaphore(%run_scoped3A : memref<!tpu.dma_semaphore, #tpu.memory_space<semaphore_mem>>) src(%arg9 : memref<32x128xf32, #tpu.memory_space<vmem>>) dst(%dma_wait3A_112 : memref<32x128xf32, #tpu.memory_space<vmem_shared>>)
      tpu.yield
    }) : () -> ()
    %mul3A_16 = arith.constant 640 : i32
    %mul3A_17 = arith.muli %mul3A_16, %arg1 : i32
    %add3A_18 = arith.constant 96 : i32
    %add3A_19 = arith.addi %mul3A_17, %add3A_18 : i32
    "tpu.region"() ({
      %run_scoped3A = tpu.sem_alloc : memref<!tpu.dma_semaphore, #tpu.memory_space<semaphore_mem>>
      %dma_start3A = arith.constant 0 : i32
      %dma_start3A_107 = tpu.memref_slice %arg6[%add3A_19, %dma_start3A] : memref<10240x128xf32, #tpu.memory_space<vmem_shared>> -> memref<32x128xf32, #tpu.memory_space<vmem_shared>>
      %dma_start3A_108 = arith.constant 0 : i32
      %dma_start3A_109 = tpu.memref_slice %arg6[%add3A_19, %dma_start3A_108] : memref<10240x128xf32, #tpu.memory_space<vmem_shared>> -> memref<32x128xf32, #tpu.memory_space<vmem_shared>>
      tpu.enqueue_dma source(%arg9 : memref<32x128xf32, #tpu.memory_space<vmem>>) target(%dma_start3A_109 : memref<32x128xf32, #tpu.memory_space<vmem_shared>>) target_semaphore(%run_scoped3A : memref<!tpu.dma_semaphore, #tpu.memory_space<semaphore_mem>>)
      %dma_wait3A = arith.constant 0 : i32
      %dma_wait3A_110 = tpu.memref_slice %arg6[%add3A_19, %dma_wait3A] : memref<10240x128xf32, #tpu.memory_space<vmem_shared>> -> memref<32x128xf32, #tpu.memory_space<vmem_shared>>
      %dma_wait3A_111 = arith.constant 0 : i32
      %dma_wait3A_112 = tpu.memref_slice %arg6[%add3A_19, %dma_wait3A_111] : memref<10240x128xf32, #tpu.memory_space<vmem_shared>> -> memref<32x128xf32, #tpu.memory_space<vmem_shared>>
      tpu.wait_dma2 semaphore(%run_scoped3A : memref<!tpu.dma_semaphore, #tpu.memory_space<semaphore_mem>>) src(%arg9 : memref<32x128xf32, #tpu.memory_space<vmem>>) dst(%dma_wait3A_112 : memref<32x128xf32, #tpu.memory_space<vmem_shared>>)
      tpu.yield
    }) : () -> ()
    %mul3A_20 = arith.constant 640 : i32
    %mul3A_21 = arith.muli %mul3A_20, %arg1 : i32
    %add3A_22 = arith.constant 128 : i32
    %add3A_23 = arith.addi %mul3A_21, %add3A_22 : i32
    "tpu.region"() ({
      %run_scoped3A = tpu.sem_alloc : memref<!tpu.dma_semaphore, #tpu.memory_space<semaphore_mem>>
      %dma_start3A = arith.constant 0 : i32
      %dma_start3A_107 = tpu.memref_slice %arg6[%add3A_23, %dma_start3A] : memref<10240x128xf32, #tpu.memory_space<vmem_shared>> -> memref<32x128xf32, #tpu.memory_space<vmem_shared>>
      %dma_start3A_108 = arith.constant 0 : i32
      %dma_start3A_109 = tpu.memref_slice %arg6[%add3A_23, %dma_start3A_108] : memref<10240x128xf32, #tpu.memory_space<vmem_shared>> -> memref<32x128xf32, #tpu.memory_space<vmem_shared>>
      tpu.enqueue_dma source(%arg9 : memref<32x128xf32, #tpu.memory_space<vmem>>) target(%dma_start3A_109 : memref<32x128xf32, #tpu.memory_space<vmem_shared>>) target_semaphore(%run_scoped3A : memref<!tpu.dma_semaphore, #tpu.memory_space<semaphore_mem>>)
      %dma_wait3A = arith.constant 0 : i32
      %dma_wait3A_110 = tpu.memref_slice %arg6[%add3A_23, %dma_wait3A] : memref<10240x128xf32, #tpu.memory_space<vmem_shared>> -> memref<32x128xf32, #tpu.memory_space<vmem_shared>>
      %dma_wait3A_111 = arith.constant 0 : i32
      %dma_wait3A_112 = tpu.memref_slice %arg6[%add3A_23, %dma_wait3A_111] : memref<10240x128xf32, #tpu.memory_space<vmem_shared>> -> memref<32x128xf32, #tpu.memory_space<vmem_shared>>
      tpu.wait_dma2 semaphore(%run_scoped3A : memref<!tpu.dma_semaphore, #tpu.memory_space<semaphore_mem>>) src(%arg9 : memref<32x128xf32, #tpu.memory_space<vmem>>) dst(%dma_wait3A_112 : memref<32x128xf32, #tpu.memory_space<vmem_shared>>)
      tpu.yield
    }) : () -> ()
    %mul3A_24 = arith.constant 640 : i32
    %mul3A_25 = arith.muli %mul3A_24, %arg1 : i32
    %add3A_26 = arith.constant 160 : i32
    %add3A_27 = arith.addi %mul3A_25, %add3A_26 : i32
    "tpu.region"() ({
      %run_scoped3A = tpu.sem_alloc : memref<!tpu.dma_semaphore, #tpu.memory_space<semaphore_mem>>
      %dma_start3A = arith.constant 0 : i32
      %dma_start3A_107 = tpu.memref_slice %arg6[%add3A_27, %dma_start3A] : memref<10240x128xf32, #tpu.memory_space<vmem_shared>> -> memref<32x128xf32, #tpu.memory_space<vmem_shared>>
      %dma_start3A_108 = arith.constant 0 : i32
      %dma_start3A_109 = tpu.memref_slice %arg6[%add3A_27, %dma_start3A_108] : memref<10240x128xf32, #tpu.memory_space<vmem_shared>> -> memref<32x128xf32, #tpu.memory_space<vmem_shared>>
      tpu.enqueue_dma source(%arg9 : memref<32x128xf32, #tpu.memory_space<vmem>>) target(%dma_start3A_109 : memref<32x128xf32, #tpu.memory_space<vmem_shared>>) target_semaphore(%run_scoped3A : memref<!tpu.dma_semaphore, #tpu.memory_space<semaphore_mem>>)
      %dma_wait3A = arith.constant 0 : i32
      %dma_wait3A_110 = tpu.memref_slice %arg6[%add3A_27, %dma_wait3A] : memref<10240x128xf32, #tpu.memory_space<vmem_shared>> -> memref<32x128xf32, #tpu.memory_space<vmem_shared>>
      %dma_wait3A_111 = arith.constant 0 : i32
      %dma_wait3A_112 = tpu.memref_slice %arg6[%add3A_27, %dma_wait3A_111] : memref<10240x128xf32, #tpu.memory_space<vmem_shared>> -> memref<32x128xf32, #tpu.memory_space<vmem_shared>>
      tpu.wait_dma2 semaphore(%run_scoped3A : memref<!tpu.dma_semaphore, #tpu.memory_space<semaphore_mem>>) src(%arg9 : memref<32x128xf32, #tpu.memory_space<vmem>>) dst(%dma_wait3A_112 : memref<32x128xf32, #tpu.memory_space<vmem_shared>>)
      tpu.yield
    }) : () -> ()
    %mul3A_28 = arith.constant 640 : i32
    %mul3A_29 = arith.muli %mul3A_28, %arg1 : i32
    %add3A_30 = arith.constant 192 : i32
    %add3A_31 = arith.addi %mul3A_29, %add3A_30 : i32
    "tpu.region"() ({
      %run_scoped3A = tpu.sem_alloc : memref<!tpu.dma_semaphore, #tpu.memory_space<semaphore_mem>>
      %dma_start3A = arith.constant 0 : i32
      %dma_start3A_107 = tpu.memref_slice %arg6[%add3A_31, %dma_start3A] : memref<10240x128xf32, #tpu.memory_space<vmem_shared>> -> memref<32x128xf32, #tpu.memory_space<vmem_shared>>
      %dma_start3A_108 = arith.constant 0 : i32
      %dma_start3A_109 = tpu.memref_slice %arg6[%add3A_31, %dma_start3A_108] : memref<10240x128xf32, #tpu.memory_space<vmem_shared>> -> memref<32x128xf32, #tpu.memory_space<vmem_shared>>
      tpu.enqueue_dma source(%arg9 : memref<32x128xf32, #tpu.memory_space<vmem>>) target(%dma_start3A_109 : memref<32x128xf32, #tpu.memory_space<vmem_shared>>) target_semaphore(%run_scoped3A : memref<!tpu.dma_semaphore, #tpu.memory_space<semaphore_mem>>)
      %dma_wait3A = arith.constant 0 : i32
      %dma_wait3A_110 = tpu.memref_slice %arg6[%add3A_31, %dma_wait3A] : memref<10240x128xf32, #tpu.memory_space<vmem_shared>> -> memref<32x128xf32, #tpu.memory_space<vmem_shared>>
      %dma_wait3A_111 = arith.constant 0 : i32
      %dma_wait3A_112 = tpu.memref_slice %arg6[%add3A_31, %dma_wait3A_111] : memref<10240x128xf32, #tpu.memory_space<vmem_shared>> -> memref<32x128xf32, #tpu.memory_space<vmem_shared>>
      tpu.wait_dma2 semaphore(%run_scoped3A : memref<!tpu.dma_semaphore, #tpu.memory_space<semaphore_mem>>) src(%arg9 : memref<32x128xf32, #tpu.memory_space<vmem>>) dst(%dma_wait3A_112 : memref<32x128xf32, #tpu.memory_space<vmem_shared>>)
      tpu.yield
    }) : () -> ()
    %mul3A_32 = arith.constant 640 : i32
    %mul3A_33 = arith.muli %mul3A_32, %arg1 : i32
    %add3A_34 = arith.constant 224 : i32
    %add3A_35 = arith.addi %mul3A_33, %add3A_34 : i32
    "tpu.region"() ({
      %run_scoped3A = tpu.sem_alloc : memref<!tpu.dma_semaphore, #tpu.memory_space<semaphore_mem>>
      %dma_start3A = arith.constant 0 : i32
      %dma_start3A_107 = tpu.memref_slice %arg6[%add3A_35, %dma_start3A] : memref<10240x128xf32, #tpu.memory_space<vmem_shared>> -> memref<32x128xf32, #tpu.memory_space<vmem_shared>>
      %dma_start3A_108 = arith.constant 0 : i32
      %dma_start3A_109 = tpu.memref_slice %arg6[%add3A_35, %dma_start3A_108] : memref<10240x128xf32, #tpu.memory_space<vmem_shared>> -> memref<32x128xf32, #tpu.memory_space<vmem_shared>>
      tpu.enqueue_dma source(%arg9 : memref<32x128xf32, #tpu.memory_space<vmem>>) target(%dma_start3A_109 : memref<32x128xf32, #tpu.memory_space<vmem_shared>>) target_semaphore(%run_scoped3A : memref<!tpu.dma_semaphore, #tpu.memory_space<semaphore_mem>>)
      %dma_wait3A = arith.constant 0 : i32
      %dma_wait3A_110 = tpu.memref_slice %arg6[%add3A_35, %dma_wait3A] : memref<10240x128xf32, #tpu.memory_space<vmem_shared>> -> memref<32x128xf32, #tpu.memory_space<vmem_shared>>
      %dma_wait3A_111 = arith.constant 0 : i32
      %dma_wait3A_112 = tpu.memref_slice %arg6[%add3A_35, %dma_wait3A_111] : memref<10240x128xf32, #tpu.memory_space<vmem_shared>> -> memref<32x128xf32, #tpu.memory_space<vmem_shared>>
      tpu.wait_dma2 semaphore(%run_scoped3A : memref<!tpu.dma_semaphore, #tpu.memory_space<semaphore_mem>>) src(%arg9 : memref<32x128xf32, #tpu.memory_space<vmem>>) dst(%dma_wait3A_112 : memref<32x128xf32, #tpu.memory_space<vmem_shared>>)
      tpu.yield
    }) : () -> ()
    %mul3A_36 = arith.constant 640 : i32
    %mul3A_37 = arith.muli %mul3A_36, %arg1 : i32
    %add3A_38 = arith.constant 256 : i32
    %add3A_39 = arith.addi %mul3A_37, %add3A_38 : i32
    "tpu.region"() ({
      %run_scoped3A = tpu.sem_alloc : memref<!tpu.dma_semaphore, #tpu.memory_space<semaphore_mem>>
      %dma_start3A = arith.constant 0 : i32
      %dma_start3A_107 = tpu.memref_slice %arg6[%add3A_39, %dma_start3A] : memref<10240x128xf32, #tpu.memory_space<vmem_shared>> -> memref<32x128xf32, #tpu.memory_space<vmem_shared>>
      %dma_start3A_108 = arith.constant 0 : i32
      %dma_start3A_109 = tpu.memref_slice %arg6[%add3A_39, %dma_start3A_108] : memref<10240x128xf32, #tpu.memory_space<vmem_shared>> -> memref<32x128xf32, #tpu.memory_space<vmem_shared>>
      tpu.enqueue_dma source(%arg9 : memref<32x128xf32, #tpu.memory_space<vmem>>) target(%dma_start3A_109 : memref<32x128xf32, #tpu.memory_space<vmem_shared>>) target_semaphore(%run_scoped3A : memref<!tpu.dma_semaphore, #tpu.memory_space<semaphore_mem>>)
      %dma_wait3A = arith.constant 0 : i32
      %dma_wait3A_110 = tpu.memref_slice %arg6[%add3A_39, %dma_wait3A] : memref<10240x128xf32, #tpu.memory_space<vmem_shared>> -> memref<32x128xf32, #tpu.memory_space<vmem_shared>>
      %dma_wait3A_111 = arith.constant 0 : i32
      %dma_wait3A_112 = tpu.memref_slice %arg6[%add3A_39, %dma_wait3A_111] : memref<10240x128xf32, #tpu.memory_space<vmem_shared>> -> memref<32x128xf32, #tpu.memory_space<vmem_shared>>
      tpu.wait_dma2 semaphore(%run_scoped3A : memref<!tpu.dma_semaphore, #tpu.memory_space<semaphore_mem>>) src(%arg9 : memref<32x128xf32, #tpu.memory_space<vmem>>) dst(%dma_wait3A_112 : memref<32x128xf32, #tpu.memory_space<vmem_shared>>)
      tpu.yield
    }) : () -> ()
    %mul3A_40 = arith.constant 640 : i32
    %mul3A_41 = arith.muli %mul3A_40, %arg1 : i32
    %add3A_42 = arith.constant 288 : i32
    %add3A_43 = arith.addi %mul3A_41, %add3A_42 : i32
    "tpu.region"() ({
      %run_scoped3A = tpu.sem_alloc : memref<!tpu.dma_semaphore, #tpu.memory_space<semaphore_mem>>
      %dma_start3A = arith.constant 0 : i32
      %dma_start3A_107 = tpu.memref_slice %arg6[%add3A_43, %dma_start3A] : memref<10240x128xf32, #tpu.memory_space<vmem_shared>> -> memref<32x128xf32, #tpu.memory_space<vmem_shared>>
      %dma_start3A_108 = arith.constant 0 : i32
      %dma_start3A_109 = tpu.memref_slice %arg6[%add3A_43, %dma_start3A_108] : memref<10240x128xf32, #tpu.memory_space<vmem_shared>> -> memref<32x128xf32, #tpu.memory_space<vmem_shared>>
      tpu.enqueue_dma source(%arg9 : memref<32x128xf32, #tpu.memory_space<vmem>>) target(%dma_start3A_109 : memref<32x128xf32, #tpu.memory_space<vmem_shared>>) target_semaphore(%run_scoped3A : memref<!tpu.dma_semaphore, #tpu.memory_space<semaphore_mem>>)
      %dma_wait3A = arith.constant 0 : i32
      %dma_wait3A_110 = tpu.memref_slice %arg6[%add3A_43, %dma_wait3A] : memref<10240x128xf32, #tpu.memory_space<vmem_shared>> -> memref<32x128xf32, #tpu.memory_space<vmem_shared>>
      %dma_wait3A_111 = arith.constant 0 : i32
      %dma_wait3A_112 = tpu.memref_slice %arg6[%add3A_43, %dma_wait3A_111] : memref<10240x128xf32, #tpu.memory_space<vmem_shared>> -> memref<32x128xf32, #tpu.memory_space<vmem_shared>>
      tpu.wait_dma2 semaphore(%run_scoped3A : memref<!tpu.dma_semaphore, #tpu.memory_space<semaphore_mem>>) src(%arg9 : memref<32x128xf32, #tpu.memory_space<vmem>>) dst(%dma_wait3A_112 : memref<32x128xf32, #tpu.memory_space<vmem_shared>>)
      tpu.yield
    }) : () -> ()
    %mul3A_44 = arith.constant 640 : i32
    %mul3A_45 = arith.muli %mul3A_44, %arg1 : i32
    %add3A_46 = arith.constant 320 : i32
    %add3A_47 = arith.addi %mul3A_45, %add3A_46 : i32
    "tpu.region"() ({
      %run_scoped3A = tpu.sem_alloc : memref<!tpu.dma_semaphore, #tpu.memory_space<semaphore_mem>>
      %dma_start3A = arith.constant 0 : i32
      %dma_start3A_107 = tpu.memref_slice %arg6[%add3A_47, %dma_start3A] : memref<10240x128xf32, #tpu.memory_space<vmem_shared>> -> memref<32x128xf32, #tpu.memory_space<vmem_shared>>
      %dma_start3A_108 = arith.constant 0 : i32
      %dma_start3A_109 = tpu.memref_slice %arg6[%add3A_47, %dma_start3A_108] : memref<10240x128xf32, #tpu.memory_space<vmem_shared>> -> memref<32x128xf32, #tpu.memory_space<vmem_shared>>
      tpu.enqueue_dma source(%arg9 : memref<32x128xf32, #tpu.memory_space<vmem>>) target(%dma_start3A_109 : memref<32x128xf32, #tpu.memory_space<vmem_shared>>) target_semaphore(%run_scoped3A : memref<!tpu.dma_semaphore, #tpu.memory_space<semaphore_mem>>)
      %dma_wait3A = arith.constant 0 : i32
      %dma_wait3A_110 = tpu.memref_slice %arg6[%add3A_47, %dma_wait3A] : memref<10240x128xf32, #tpu.memory_space<vmem_shared>> -> memref<32x128xf32, #tpu.memory_space<vmem_shared>>
      %dma_wait3A_111 = arith.constant 0 : i32
      %dma_wait3A_112 = tpu.memref_slice %arg6[%add3A_47, %dma_wait3A_111] : memref<10240x128xf32, #tpu.memory_space<vmem_shared>> -> memref<32x128xf32, #tpu.memory_space<vmem_shared>>
      tpu.wait_dma2 semaphore(%run_scoped3A : memref<!tpu.dma_semaphore, #tpu.memory_space<semaphore_mem>>) src(%arg9 : memref<32x128xf32, #tpu.memory_space<vmem>>) dst(%dma_wait3A_112 : memref<32x128xf32, #tpu.memory_space<vmem_shared>>)
      tpu.yield
    }) : () -> ()
    %mul3A_48 = arith.constant 640 : i32
    %mul3A_49 = arith.muli %mul3A_48, %arg1 : i32
    %add3A_50 = arith.constant 352 : i32
    %add3A_51 = arith.addi %mul3A_49, %add3A_50 : i32
    "tpu.region"() ({
      %run_scoped3A = tpu.sem_alloc : memref<!tpu.dma_semaphore, #tpu.memory_space<semaphore_mem>>
      %dma_start3A = arith.constant 0 : i32
      %dma_start3A_107 = tpu.memref_slice %arg6[%add3A_51, %dma_start3A] : memref<10240x128xf32, #tpu.memory_space<vmem_shared>> -> memref<32x128xf32, #tpu.memory_space<vmem_shared>>
      %dma_start3A_108 = arith.constant 0 : i32
      %dma_start3A_109 = tpu.memref_slice %arg6[%add3A_51, %dma_start3A_108] : memref<10240x128xf32, #tpu.memory_space<vmem_shared>> -> memref<32x128xf32, #tpu.memory_space<vmem_shared>>
      tpu.enqueue_dma source(%arg9 : memref<32x128xf32, #tpu.memory_space<vmem>>) target(%dma_start3A_109 : memref<32x128xf32, #tpu.memory_space<vmem_shared>>) target_semaphore(%run_scoped3A : memref<!tpu.dma_semaphore, #tpu.memory_space<semaphore_mem>>)
      %dma_wait3A = arith.constant 0 : i32
      %dma_wait3A_110 = tpu.memref_slice %arg6[%add3A_51, %dma_wait3A] : memref<10240x128xf32, #tpu.memory_space<vmem_shared>> -> memref<32x128xf32, #tpu.memory_space<vmem_shared>>
      %dma_wait3A_111 = arith.constant 0 : i32
      %dma_wait3A_112 = tpu.memref_slice %arg6[%add3A_51, %dma_wait3A_111] : memref<10240x128xf32, #tpu.memory_space<vmem_shared>> -> memref<32x128xf32, #tpu.memory_space<vmem_shared>>
      tpu.wait_dma2 semaphore(%run_scoped3A : memref<!tpu.dma_semaphore, #tpu.memory_space<semaphore_mem>>) src(%arg9 : memref<32x128xf32, #tpu.memory_space<vmem>>) dst(%dma_wait3A_112 : memref<32x128xf32, #tpu.memory_space<vmem_shared>>)
      tpu.yield
    }) : () -> ()
    %mul3A_52 = arith.constant 640 : i32
    %mul3A_53 = arith.muli %mul3A_52, %arg1 : i32
    %add3A_54 = arith.constant 384 : i32
    %add3A_55 = arith.addi %mul3A_53, %add3A_54 : i32
    "tpu.region"() ({
      %run_scoped3A = tpu.sem_alloc : memref<!tpu.dma_semaphore, #tpu.memory_space<semaphore_mem>>
      %dma_start3A = arith.constant 0 : i32
      %dma_start3A_107 = tpu.memref_slice %arg6[%add3A_55, %dma_start3A] : memref<10240x128xf32, #tpu.memory_space<vmem_shared>> -> memref<32x128xf32, #tpu.memory_space<vmem_shared>>
      %dma_start3A_108 = arith.constant 0 : i32
      %dma_start3A_109 = tpu.memref_slice %arg6[%add3A_55, %dma_start3A_108] : memref<10240x128xf32, #tpu.memory_space<vmem_shared>> -> memref<32x128xf32, #tpu.memory_space<vmem_shared>>
      tpu.enqueue_dma source(%arg9 : memref<32x128xf32, #tpu.memory_space<vmem>>) target(%dma_start3A_109 : memref<32x128xf32, #tpu.memory_space<vmem_shared>>) target_semaphore(%run_scoped3A : memref<!tpu.dma_semaphore, #tpu.memory_space<semaphore_mem>>)
      %dma_wait3A = arith.constant 0 : i32
      %dma_wait3A_110 = tpu.memref_slice %arg6[%add3A_55, %dma_wait3A] : memref<10240x128xf32, #tpu.memory_space<vmem_shared>> -> memref<32x128xf32, #tpu.memory_space<vmem_shared>>
      %dma_wait3A_111 = arith.constant 0 : i32
      %dma_wait3A_112 = tpu.memref_slice %arg6[%add3A_55, %dma_wait3A_111] : memref<10240x128xf32, #tpu.memory_space<vmem_shared>> -> memref<32x128xf32, #tpu.memory_space<vmem_shared>>
      tpu.wait_dma2 semaphore(%run_scoped3A : memref<!tpu.dma_semaphore, #tpu.memory_space<semaphore_mem>>) src(%arg9 : memref<32x128xf32, #tpu.memory_space<vmem>>) dst(%dma_wait3A_112 : memref<32x128xf32, #tpu.memory_space<vmem_shared>>)
      tpu.yield
    }) : () -> ()
    %mul3A_56 = arith.constant 640 : i32
    %mul3A_57 = arith.muli %mul3A_56, %arg1 : i32
    %add3A_58 = arith.constant 416 : i32
    %add3A_59 = arith.addi %mul3A_57, %add3A_58 : i32
    "tpu.region"() ({
      %run_scoped3A = tpu.sem_alloc : memref<!tpu.dma_semaphore, #tpu.memory_space<semaphore_mem>>
      %dma_start3A = arith.constant 0 : i32
      %dma_start3A_107 = tpu.memref_slice %arg6[%add3A_59, %dma_start3A] : memref<10240x128xf32, #tpu.memory_space<vmem_shared>> -> memref<32x128xf32, #tpu.memory_space<vmem_shared>>
      %dma_start3A_108 = arith.constant 0 : i32
      %dma_start3A_109 = tpu.memref_slice %arg6[%add3A_59, %dma_start3A_108] : memref<10240x128xf32, #tpu.memory_space<vmem_shared>> -> memref<32x128xf32, #tpu.memory_space<vmem_shared>>
      tpu.enqueue_dma source(%arg9 : memref<32x128xf32, #tpu.memory_space<vmem>>) target(%dma_start3A_109 : memref<32x128xf32, #tpu.memory_space<vmem_shared>>) target_semaphore(%run_scoped3A : memref<!tpu.dma_semaphore, #tpu.memory_space<semaphore_mem>>)
      %dma_wait3A = arith.constant 0 : i32
      %dma_wait3A_110 = tpu.memref_slice %arg6[%add3A_59, %dma_wait3A] : memref<10240x128xf32, #tpu.memory_space<vmem_shared>> -> memref<32x128xf32, #tpu.memory_space<vmem_shared>>
      %dma_wait3A_111 = arith.constant 0 : i32
      %dma_wait3A_112 = tpu.memref_slice %arg6[%add3A_59, %dma_wait3A_111] : memref<10240x128xf32, #tpu.memory_space<vmem_shared>> -> memref<32x128xf32, #tpu.memory_space<vmem_shared>>
      tpu.wait_dma2 semaphore(%run_scoped3A : memref<!tpu.dma_semaphore, #tpu.memory_space<semaphore_mem>>) src(%arg9 : memref<32x128xf32, #tpu.memory_space<vmem>>) dst(%dma_wait3A_112 : memref<32x128xf32, #tpu.memory_space<vmem_shared>>)
      tpu.yield
    }) : () -> ()
    %mul3A_60 = arith.constant 640 : i32
    %mul3A_61 = arith.muli %mul3A_60, %arg1 : i32
    %add3A_62 = arith.constant 448 : i32
    %add3A_63 = arith.addi %mul3A_61, %add3A_62 : i32
    "tpu.region"() ({
      %run_scoped3A = tpu.sem_alloc : memref<!tpu.dma_semaphore, #tpu.memory_space<semaphore_mem>>
      %dma_start3A = arith.constant 0 : i32
      %dma_start3A_107 = tpu.memref_slice %arg6[%add3A_63, %dma_start3A] : memref<10240x128xf32, #tpu.memory_space<vmem_shared>> -> memref<32x128xf32, #tpu.memory_space<vmem_shared>>
      %dma_start3A_108 = arith.constant 0 : i32
      %dma_start3A_109 = tpu.memref_slice %arg6[%add3A_63, %dma_start3A_108] : memref<10240x128xf32, #tpu.memory_space<vmem_shared>> -> memref<32x128xf32, #tpu.memory_space<vmem_shared>>
      tpu.enqueue_dma source(%arg9 : memref<32x128xf32, #tpu.memory_space<vmem>>) target(%dma_start3A_109 : memref<32x128xf32, #tpu.memory_space<vmem_shared>>) target_semaphore(%run_scoped3A : memref<!tpu.dma_semaphore, #tpu.memory_space<semaphore_mem>>)
      %dma_wait3A = arith.constant 0 : i32
      %dma_wait3A_110 = tpu.memref_slice %arg6[%add3A_63, %dma_wait3A] : memref<10240x128xf32, #tpu.memory_space<vmem_shared>> -> memref<32x128xf32, #tpu.memory_space<vmem_shared>>
      %dma_wait3A_111 = arith.constant 0 : i32
      %dma_wait3A_112 = tpu.memref_slice %arg6[%add3A_63, %dma_wait3A_111] : memref<10240x128xf32, #tpu.memory_space<vmem_shared>> -> memref<32x128xf32, #tpu.memory_space<vmem_shared>>
      tpu.wait_dma2 semaphore(%run_scoped3A : memref<!tpu.dma_semaphore, #tpu.memory_space<semaphore_mem>>) src(%arg9 : memref<32x128xf32, #tpu.memory_space<vmem>>) dst(%dma_wait3A_112 : memref<32x128xf32, #tpu.memory_space<vmem_shared>>)
      tpu.yield
    }) : () -> ()
    %mul3A_64 = arith.constant 640 : i32
    %mul3A_65 = arith.muli %mul3A_64, %arg1 : i32
    %add3A_66 = arith.constant 480 : i32
    %add3A_67 = arith.addi %mul3A_65, %add3A_66 : i32
    "tpu.region"() ({
      %run_scoped3A = tpu.sem_alloc : memref<!tpu.dma_semaphore, #tpu.memory_space<semaphore_mem>>
      %dma_start3A = arith.constant 0 : i32
      %dma_start3A_107 = tpu.memref_slice %arg6[%add3A_67, %dma_start3A] : memref<10240x128xf32, #tpu.memory_space<vmem_shared>> -> memref<32x128xf32, #tpu.memory_space<vmem_shared>>
      %dma_start3A_108 = arith.constant 0 : i32
      %dma_start3A_109 = tpu.memref_slice %arg6[%add3A_67, %dma_start3A_108] : memref<10240x128xf32, #tpu.memory_space<vmem_shared>> -> memref<32x128xf32, #tpu.memory_space<vmem_shared>>
      tpu.enqueue_dma source(%arg9 : memref<32x128xf32, #tpu.memory_space<vmem>>) target(%dma_start3A_109 : memref<32x128xf32, #tpu.memory_space<vmem_shared>>) target_semaphore(%run_scoped3A : memref<!tpu.dma_semaphore, #tpu.memory_space<semaphore_mem>>)
      %dma_wait3A = arith.constant 0 : i32
      %dma_wait3A_110 = tpu.memref_slice %arg6[%add3A_67, %dma_wait3A] : memref<10240x128xf32, #tpu.memory_space<vmem_shared>> -> memref<32x128xf32, #tpu.memory_space<vmem_shared>>
      %dma_wait3A_111 = arith.constant 0 : i32
      %dma_wait3A_112 = tpu.memref_slice %arg6[%add3A_67, %dma_wait3A_111] : memref<10240x128xf32, #tpu.memory_space<vmem_shared>> -> memref<32x128xf32, #tpu.memory_space<vmem_shared>>
      tpu.wait_dma2 semaphore(%run_scoped3A : memref<!tpu.dma_semaphore, #tpu.memory_space<semaphore_mem>>) src(%arg9 : memref<32x128xf32, #tpu.memory_space<vmem>>) dst(%dma_wait3A_112 : memref<32x128xf32, #tpu.memory_space<vmem_shared>>)
      tpu.yield
    }) : () -> ()
    %mul3A_68 = arith.constant 640 : i32
    %mul3A_69 = arith.muli %mul3A_68, %arg1 : i32
    %add3A_70 = arith.constant 512 : i32
    %add3A_71 = arith.addi %mul3A_69, %add3A_70 : i32
    "tpu.region"() ({
      %run_scoped3A = tpu.sem_alloc : memref<!tpu.dma_semaphore, #tpu.memory_space<semaphore_mem>>
      %dma_start3A = arith.constant 0 : i32
      %dma_start3A_107 = tpu.memref_slice %arg6[%add3A_71, %dma_start3A] : memref<10240x128xf32, #tpu.memory_space<vmem_shared>> -> memref<32x128xf32, #tpu.memory_space<vmem_shared>>
      %dma_start3A_108 = arith.constant 0 : i32
      %dma_start3A_109 = tpu.memref_slice %arg6[%add3A_71, %dma_start3A_108] : memref<10240x128xf32, #tpu.memory_space<vmem_shared>> -> memref<32x128xf32, #tpu.memory_space<vmem_shared>>
      tpu.enqueue_dma source(%arg9 : memref<32x128xf32, #tpu.memory_space<vmem>>) target(%dma_start3A_109 : memref<32x128xf32, #tpu.memory_space<vmem_shared>>) target_semaphore(%run_scoped3A : memref<!tpu.dma_semaphore, #tpu.memory_space<semaphore_mem>>)
      %dma_wait3A = arith.constant 0 : i32
      %dma_wait3A_110 = tpu.memref_slice %arg6[%add3A_71, %dma_wait3A] : memref<10240x128xf32, #tpu.memory_space<vmem_shared>> -> memref<32x128xf32, #tpu.memory_space<vmem_shared>>
      %dma_wait3A_111 = arith.constant 0 : i32
      %dma_wait3A_112 = tpu.memref_slice %arg6[%add3A_71, %dma_wait3A_111] : memref<10240x128xf32, #tpu.memory_space<vmem_shared>> -> memref<32x128xf32, #tpu.memory_space<vmem_shared>>
      tpu.wait_dma2 semaphore(%run_scoped3A : memref<!tpu.dma_semaphore, #tpu.memory_space<semaphore_mem>>) src(%arg9 : memref<32x128xf32, #tpu.memory_space<vmem>>) dst(%dma_wait3A_112 : memref<32x128xf32, #tpu.memory_space<vmem_shared>>)
      tpu.yield
    }) : () -> ()
    %mul3A_72 = arith.constant 640 : i32
    %mul3A_73 = arith.muli %mul3A_72, %arg1 : i32
    %add3A_74 = arith.constant 544 : i32
    %add3A_75 = arith.addi %mul3A_73, %add3A_74 : i32
    "tpu.region"() ({
      %run_scoped3A = tpu.sem_alloc : memref<!tpu.dma_semaphore, #tpu.memory_space<semaphore_mem>>
      %dma_start3A = arith.constant 0 : i32
      %dma_start3A_107 = tpu.memref_slice %arg6[%add3A_75, %dma_start3A] : memref<10240x128xf32, #tpu.memory_space<vmem_shared>> -> memref<32x128xf32, #tpu.memory_space<vmem_shared>>
      %dma_start3A_108 = arith.constant 0 : i32
      %dma_start3A_109 = tpu.memref_slice %arg6[%add3A_75, %dma_start3A_108] : memref<10240x128xf32, #tpu.memory_space<vmem_shared>> -> memref<32x128xf32, #tpu.memory_space<vmem_shared>>
      tpu.enqueue_dma source(%arg9 : memref<32x128xf32, #tpu.memory_space<vmem>>) target(%dma_start3A_109 : memref<32x128xf32, #tpu.memory_space<vmem_shared>>) target_semaphore(%run_scoped3A : memref<!tpu.dma_semaphore, #tpu.memory_space<semaphore_mem>>)
      %dma_wait3A = arith.constant 0 : i32
      %dma_wait3A_110 = tpu.memref_slice %arg6[%add3A_75, %dma_wait3A] : memref<10240x128xf32, #tpu.memory_space<vmem_shared>> -> memref<32x128xf32, #tpu.memory_space<vmem_shared>>
      %dma_wait3A_111 = arith.constant 0 : i32
      %dma_wait3A_112 = tpu.memref_slice %arg6[%add3A_75, %dma_wait3A_111] : memref<10240x128xf32, #tpu.memory_space<vmem_shared>> -> memref<32x128xf32, #tpu.memory_space<vmem_shared>>
      tpu.wait_dma2 semaphore(%run_scoped3A : memref<!tpu.dma_semaphore, #tpu.memory_space<semaphore_mem>>) src(%arg9 : memref<32x128xf32, #tpu.memory_space<vmem>>) dst(%dma_wait3A_112 : memref<32x128xf32, #tpu.memory_space<vmem_shared>>)
      tpu.yield
    }) : () -> ()
    %mul3A_76 = arith.constant 640 : i32
    %mul3A_77 = arith.muli %mul3A_76, %arg1 : i32
    %add3A_78 = arith.constant 576 : i32
    %add3A_79 = arith.addi %mul3A_77, %add3A_78 : i32
    "tpu.region"() ({
      %run_scoped3A = tpu.sem_alloc : memref<!tpu.dma_semaphore, #tpu.memory_space<semaphore_mem>>
      %dma_start3A = arith.constant 0 : i32
      %dma_start3A_107 = tpu.memref_slice %arg6[%add3A_79, %dma_start3A] : memref<10240x128xf32, #tpu.memory_space<vmem_shared>> -> memref<32x128xf32, #tpu.memory_space<vmem_shared>>
      %dma_start3A_108 = arith.constant 0 : i32
      %dma_start3A_109 = tpu.memref_slice %arg6[%add3A_79, %dma_start3A_108] : memref<10240x128xf32, #tpu.memory_space<vmem_shared>> -> memref<32x128xf32, #tpu.memory_space<vmem_shared>>
      tpu.enqueue_dma source(%arg9 : memref<32x128xf32, #tpu.memory_space<vmem>>) target(%dma_start3A_109 : memref<32x128xf32, #tpu.memory_space<vmem_shared>>) target_semaphore(%run_scoped3A : memref<!tpu.dma_semaphore, #tpu.memory_space<semaphore_mem>>)
      %dma_wait3A = arith.constant 0 : i32
      %dma_wait3A_110 = tpu.memref_slice %arg6[%add3A_79, %dma_wait3A] : memref<10240x128xf32, #tpu.memory_space<vmem_shared>> -> memref<32x128xf32, #tpu.memory_space<vmem_shared>>
      %dma_wait3A_111 = arith.constant 0 : i32
      %dma_wait3A_112 = tpu.memref_slice %arg6[%add3A_79, %dma_wait3A_111] : memref<10240x128xf32, #tpu.memory_space<vmem_shared>> -> memref<32x128xf32, #tpu.memory_space<vmem_shared>>
      tpu.wait_dma2 semaphore(%run_scoped3A : memref<!tpu.dma_semaphore, #tpu.memory_space<semaphore_mem>>) src(%arg9 : memref<32x128xf32, #tpu.memory_space<vmem>>) dst(%dma_wait3A_112 : memref<32x128xf32, #tpu.memory_space<vmem_shared>>)
      tpu.yield
    }) : () -> ()
    %mul3A_80 = arith.constant 640 : i32
    %mul3A_81 = arith.muli %mul3A_80, %arg1 : i32
    %add3A_82 = arith.constant 608 : i32
    %add3A_83 = arith.addi %mul3A_81, %add3A_82 : i32
    "tpu.region"() ({
      %run_scoped3A = tpu.sem_alloc : memref<!tpu.dma_semaphore, #tpu.memory_space<semaphore_mem>>
      %dma_start3A = arith.constant 0 : i32
      %dma_start3A_107 = tpu.memref_slice %arg6[%add3A_83, %dma_start3A] : memref<10240x128xf32, #tpu.memory_space<vmem_shared>> -> memref<32x128xf32, #tpu.memory_space<vmem_shared>>
      %dma_start3A_108 = arith.constant 0 : i32
      %dma_start3A_109 = tpu.memref_slice %arg6[%add3A_83, %dma_start3A_108] : memref<10240x128xf32, #tpu.memory_space<vmem_shared>> -> memref<32x128xf32, #tpu.memory_space<vmem_shared>>
      tpu.enqueue_dma source(%arg9 : memref<32x128xf32, #tpu.memory_space<vmem>>) target(%dma_start3A_109 : memref<32x128xf32, #tpu.memory_space<vmem_shared>>) target_semaphore(%run_scoped3A : memref<!tpu.dma_semaphore, #tpu.memory_space<semaphore_mem>>)
      %dma_wait3A = arith.constant 0 : i32
      %dma_wait3A_110 = tpu.memref_slice %arg6[%add3A_83, %dma_wait3A] : memref<10240x128xf32, #tpu.memory_space<vmem_shared>> -> memref<32x128xf32, #tpu.memory_space<vmem_shared>>
      %dma_wait3A_111 = arith.constant 0 : i32
      %dma_wait3A_112 = tpu.memref_slice %arg6[%add3A_83, %dma_wait3A_111] : memref<10240x128xf32, #tpu.memory_space<vmem_shared>> -> memref<32x128xf32, #tpu.memory_space<vmem_shared>>
      tpu.wait_dma2 semaphore(%run_scoped3A : memref<!tpu.dma_semaphore, #tpu.memory_space<semaphore_mem>>) src(%arg9 : memref<32x128xf32, #tpu.memory_space<vmem>>) dst(%dma_wait3A_112 : memref<32x128xf32, #tpu.memory_space<vmem_shared>>)
      tpu.yield
    }) : () -> ()
    %barrier3A = arith.constant 0 : index
    tpu.barrier barrier_id(%barrier3A)
    %eq3A = arith.constant 0 : i32
    %eq3A_84 = arith.cmpi eq, %arg0, %eq3A : i32
    %jit3A = arith.constant 5 : i32
    %jit3A_85 = arith.constant 5 : i32
    %select_n3A = arith.select %eq3A_84, %jit3A, %jit3A_85 : i32
    %eq3A_86 = arith.constant 0 : i32
    %eq3A_87 = arith.cmpi eq, %arg0, %eq3A_86 : i32
    %mul3A_88 = arith.constant 320 : i32
    %mul3A_89 = arith.muli %mul3A_88, %arg1 : i32
    %mul3A_90 = arith.constant 320 : i32
    %mul3A_91 = arith.muli %mul3A_90, %arg1 : i32
    %add3A_92 = arith.constant 5120 : i32
    %add3A_93 = arith.addi %add3A_92, %mul3A_91 : i32
    %select_n3A_94 = arith.select %eq3A_87, %mul3A_89, %add3A_93 : i32
    %while3A = arith.constant 0 : i32
    %while3A_95 = arith.constant 0 : i32
    %while3A_96 = arith.subi %select_n3A, %while3A_95 : i32
    %while3A_97 = arith.addi %while3A_95, %while3A_96 : i32
    %while3A_98 = arith.constant 1 : i32
    %while3A_99 = arith.divsi %while3A_96, %while3A_98 : i32
    %while3A_100 = arith.muli %while3A_99, %while3A_98 : i32
    %while3A_101 = arith.addi %while3A_95, %while3A_100 : i32
    %while3A_102 = arith.constant 1 : i32
    scf.for %while3A_107 = %while3A_95 to %while3A_101 step %while3A_102  : i32 {
      %mul3A_108 = arith.constant 64 : i32
      %mul3A_109 = arith.muli %while3A_107, %mul3A_108 : i32
      %add3A_110 = arith.addi %select_n3A_94, %mul3A_109 : i32
      "tpu.region"() ({
        %run_scoped3A = tpu.sem_alloc : memref<!tpu.dma_semaphore, #tpu.memory_space<semaphore_mem>>
        %dma_start3A_165 = arith.constant 0 : i32
        %dma_start3A_166 = tpu.memref_slice %arg3[%add3A_110, %dma_start3A_165] : memref<10240x32xi32, #tpu.memory_space<hbm>> -> memref<64x32xi32, #tpu.memory_space<hbm>>
        %dma_start3A_167 = arith.constant 0 : i32
        %dma_start3A_168 = tpu.memref_slice %arg3[%add3A_110, %dma_start3A_167] : memref<10240x32xi32, #tpu.memory_space<hbm>> -> memref<64x32xi32, #tpu.memory_space<hbm>>
        tpu.enqueue_dma source(%dma_start3A_168 : memref<64x32xi32, #tpu.memory_space<hbm>>) target(%arg7 : memref<64x32xi32, #tpu.memory_space<vmem>>) target_semaphore(%run_scoped3A : memref<!tpu.dma_semaphore, #tpu.memory_space<semaphore_mem>>)
        %dma_wait3A = arith.constant 0 : i32
        %dma_wait3A_169 = tpu.memref_slice %arg3[%add3A_110, %dma_wait3A] : memref<10240x32xi32, #tpu.memory_space<hbm>> -> memref<64x32xi32, #tpu.memory_space<hbm>>
        %dma_wait3A_170 = arith.constant 0 : i32
        %dma_wait3A_171 = tpu.memref_slice %arg3[%add3A_110, %dma_wait3A_170] : memref<10240x32xi32, #tpu.memory_space<hbm>> -> memref<64x32xi32, #tpu.memory_space<hbm>>
        tpu.wait_dma2 semaphore(%run_scoped3A : memref<!tpu.dma_semaphore, #tpu.memory_space<semaphore_mem>>) src(%dma_wait3A_171 : memref<64x32xi32, #tpu.memory_space<hbm>>) dst(%arg7 : memref<64x32xi32, #tpu.memory_space<vmem>>)
        tpu.yield
      }) : () -> ()
      "tpu.region"() ({
        %run_scoped3A = tpu.sem_alloc : memref<!tpu.dma_semaphore, #tpu.memory_space<semaphore_mem>>
        %dma_start3A_165 = arith.constant 0 : i32
        %dma_start3A_166 = tpu.memref_slice %arg4[%add3A_110, %dma_start3A_165] : memref<10240x32xi32, #tpu.memory_space<hbm>> -> memref<64x32xi32, #tpu.memory_space<hbm>>
        %dma_start3A_167 = arith.constant 0 : i32
        %dma_start3A_168 = tpu.memref_slice %arg4[%add3A_110, %dma_start3A_167] : memref<10240x32xi32, #tpu.memory_space<hbm>> -> memref<64x32xi32, #tpu.memory_space<hbm>>
        tpu.enqueue_dma source(%dma_start3A_168 : memref<64x32xi32, #tpu.memory_space<hbm>>) target(%arg8 : memref<64x32xi32, #tpu.memory_space<vmem>>) target_semaphore(%run_scoped3A : memref<!tpu.dma_semaphore, #tpu.memory_space<semaphore_mem>>)
        %dma_wait3A = arith.constant 0 : i32
        %dma_wait3A_169 = tpu.memref_slice %arg4[%add3A_110, %dma_wait3A] : memref<10240x32xi32, #tpu.memory_space<hbm>> -> memref<64x32xi32, #tpu.memory_space<hbm>>
        %dma_wait3A_170 = arith.constant 0 : i32
        %dma_wait3A_171 = tpu.memref_slice %arg4[%add3A_110, %dma_wait3A_170] : memref<10240x32xi32, #tpu.memory_space<hbm>> -> memref<64x32xi32, #tpu.memory_space<hbm>>
        tpu.wait_dma2 semaphore(%run_scoped3A : memref<!tpu.dma_semaphore, #tpu.memory_space<semaphore_mem>>) src(%dma_wait3A_171 : memref<64x32xi32, #tpu.memory_space<hbm>>) dst(%arg8 : memref<64x32xi32, #tpu.memory_space<vmem>>)
        tpu.yield
      }) : () -> ()
      %dma_start3A = arith.constant 0 : i32
      %dma_start3A_111 = arith.constant 0 : i32
      %dma_start3A_112 = tpu.memref_slice %arg7[%dma_start3A, %dma_start3A_111] : memref<64x32xi32, #tpu.memory_space<vmem>> -> memref<1x32xi32, #tpu.memory_space<vmem>>
      %dma_start3A_113 = tpu.memref_squeeze %dma_start3A_112 : memref<1x32xi32, #tpu.memory_space<vmem>> -> memref<32xi32, #tpu.memory_space<vmem>>
      %dma_start3A_114 = arith.constant 0 : i32
      %dma_start3A_115 = arith.constant 0 : i32
      %dma_start3A_116 = tpu.memref_slice %arg2[%dma_start3A_114, %dma_start3A_115] : memref<10240x128xf32, #tpu.memory_space<hbm>> -> memref<10240x128xf32, #tpu.memory_space<hbm>>
      tpu.enqueue_indirect_dma source(%dma_start3A_116 : memref<10240x128xf32, #tpu.memory_space<hbm>>) target(%arg9 : memref<32x128xf32, #tpu.memory_space<vmem>>) offsets(%dma_start3A_113 : memref<32xi32, #tpu.memory_space<vmem>>) semaphore(%arg17 : memref<!tpu.dma_semaphore, #tpu.memory_space<semaphore_mem>>)
      %dma_start3A_117 = arith.constant 1 : i32
      %dma_start3A_118 = arith.constant 0 : i32
      %dma_start3A_119 = tpu.memref_slice %arg7[%dma_start3A_117, %dma_start3A_118] : memref<64x32xi32, #tpu.memory_space<vmem>> -> memref<1x32xi32, #tpu.memory_space<vmem>>
      %dma_start3A_120 = tpu.memref_squeeze %dma_start3A_119 : memref<1x32xi32, #tpu.memory_space<vmem>> -> memref<32xi32, #tpu.memory_space<vmem>>
      %dma_start3A_121 = arith.constant 0 : i32
      %dma_start3A_122 = arith.constant 0 : i32
      %dma_start3A_123 = tpu.memref_slice %arg2[%dma_start3A_121, %dma_start3A_122] : memref<10240x128xf32, #tpu.memory_space<hbm>> -> memref<10240x128xf32, #tpu.memory_space<hbm>>
      tpu.enqueue_indirect_dma source(%dma_start3A_123 : memref<10240x128xf32, #tpu.memory_space<hbm>>) target(%arg10 : memref<32x128xf32, #tpu.memory_space<vmem>>) offsets(%dma_start3A_120 : memref<32xi32, #tpu.memory_space<vmem>>) semaphore(%arg18 : memref<!tpu.dma_semaphore, #tpu.memory_space<semaphore_mem>>)
      %dma_start3A_124 = arith.constant 2 : i32
      %dma_start3A_125 = arith.constant 0 : i32
      %dma_start3A_126 = tpu.memref_slice %arg7[%dma_start3A_124, %dma_start3A_125] : memref<64x32xi32, #tpu.memory_space<vmem>> -> memref<1x32xi32, #tpu.memory_space<vmem>>
      %dma_start3A_127 = tpu.memref_squeeze %dma_start3A_126 : memref<1x32xi32, #tpu.memory_space<vmem>> -> memref<32xi32, #tpu.memory_space<vmem>>
      %dma_start3A_128 = arith.constant 0 : i32
      %dma_start3A_129 = arith.constant 0 : i32
      %dma_start3A_130 = tpu.memref_slice %arg2[%dma_start3A_128, %dma_start3A_129] : memref<10240x128xf32, #tpu.memory_space<hbm>> -> memref<10240x128xf32, #tpu.memory_space<hbm>>
      tpu.enqueue_indirect_dma source(%dma_start3A_130 : memref<10240x128xf32, #tpu.memory_space<hbm>>) target(%arg11 : memref<32x128xf32, #tpu.memory_space<vmem>>) offsets(%dma_start3A_127 : memref<32xi32, #tpu.memory_space<vmem>>) semaphore(%arg19 : memref<!tpu.dma_semaphore, #tpu.memory_space<semaphore_mem>>)
      %dma_start3A_131 = arith.constant 3 : i32
      %dma_start3A_132 = arith.constant 0 : i32
      %dma_start3A_133 = tpu.memref_slice %arg7[%dma_start3A_131, %dma_start3A_132] : memref<64x32xi32, #tpu.memory_space<vmem>> -> memref<1x32xi32, #tpu.memory_space<vmem>>
      %dma_start3A_134 = tpu.memref_squeeze %dma_start3A_133 : memref<1x32xi32, #tpu.memory_space<vmem>> -> memref<32xi32, #tpu.memory_space<vmem>>
      %dma_start3A_135 = arith.constant 0 : i32
      %dma_start3A_136 = arith.constant 0 : i32
      %dma_start3A_137 = tpu.memref_slice %arg2[%dma_start3A_135, %dma_start3A_136] : memref<10240x128xf32, #tpu.memory_space<hbm>> -> memref<10240x128xf32, #tpu.memory_space<hbm>>
      tpu.enqueue_indirect_dma source(%dma_start3A_137 : memref<10240x128xf32, #tpu.memory_space<hbm>>) target(%arg12 : memref<32x128xf32, #tpu.memory_space<vmem>>) offsets(%dma_start3A_134 : memref<32xi32, #tpu.memory_space<vmem>>) semaphore(%arg20 : memref<!tpu.dma_semaphore, #tpu.memory_space<semaphore_mem>>)
      %dma_start3A_138 = arith.constant 4 : i32
      %dma_start3A_139 = arith.constant 0 : i32
      %dma_start3A_140 = tpu.memref_slice %arg7[%dma_start3A_138, %dma_start3A_139] : memref<64x32xi32, #tpu.memory_space<vmem>> -> memref<1x32xi32, #tpu.memory_space<vmem>>
      %dma_start3A_141 = tpu.memref_squeeze %dma_start3A_140 : memref<1x32xi32, #tpu.memory_space<vmem>> -> memref<32xi32, #tpu.memory_space<vmem>>
      %dma_start3A_142 = arith.constant 0 : i32
      %dma_start3A_143 = arith.constant 0 : i32
      %dma_start3A_144 = tpu.memref_slice %arg2[%dma_start3A_142, %dma_start3A_143] : memref<10240x128xf32, #tpu.memory_space<hbm>> -> memref<10240x128xf32, #tpu.memory_space<hbm>>
      tpu.enqueue_indirect_dma source(%dma_start3A_144 : memref<10240x128xf32, #tpu.memory_space<hbm>>) target(%arg13 : memref<32x128xf32, #tpu.memory_space<vmem>>) offsets(%dma_start3A_141 : memref<32xi32, #tpu.memory_space<vmem>>) semaphore(%arg21 : memref<!tpu.dma_semaphore, #tpu.memory_space<semaphore_mem>>)
      %dma_start3A_145 = arith.constant 5 : i32
      %dma_start3A_146 = arith.constant 0 : i32
      %dma_start3A_147 = tpu.memref_slice %arg7[%dma_start3A_145, %dma_start3A_146] : memref<64x32xi32, #tpu.memory_space<vmem>> -> memref<1x32xi32, #tpu.memory_space<vmem>>
      %dma_start3A_148 = tpu.memref_squeeze %dma_start3A_147 : memref<1x32xi32, #tpu.memory_space<vmem>> -> memref<32xi32, #tpu.memory_space<vmem>>
      %dma_start3A_149 = arith.constant 0 : i32
      %dma_start3A_150 = arith.constant 0 : i32
      %dma_start3A_151 = tpu.memref_slice %arg2[%dma_start3A_149, %dma_start3A_150] : memref<10240x128xf32, #tpu.memory_space<hbm>> -> memref<10240x128xf32, #tpu.memory_space<hbm>>
      tpu.enqueue_indirect_dma source(%dma_start3A_151 : memref<10240x128xf32, #tpu.memory_space<hbm>>) target(%arg14 : memref<32x128xf32, #tpu.memory_space<vmem>>) offsets(%dma_start3A_148 : memref<32xi32, #tpu.memory_space<vmem>>) semaphore(%arg22 : memref<!tpu.dma_semaphore, #tpu.memory_space<semaphore_mem>>)
      %dma_start3A_152 = arith.constant 6 : i32
      %dma_start3A_153 = arith.constant 0 : i32
      %dma_start3A_154 = tpu.memref_slice %arg7[%dma_start3A_152, %dma_start3A_153] : memref<64x32xi32, #tpu.memory_space<vmem>> -> memref<1x32xi32, #tpu.memory_space<vmem>>
      %dma_start3A_155 = tpu.memref_squeeze %dma_start3A_154 : memref<1x32xi32, #tpu.memory_space<vmem>> -> memref<32xi32, #tpu.memory_space<vmem>>
      %dma_start3A_156 = arith.constant 0 : i32
      %dma_start3A_157 = arith.constant 0 : i32
      %dma_start3A_158 = tpu.memref_slice %arg2[%dma_start3A_156, %dma_start3A_157] : memref<10240x128xf32, #tpu.memory_space<hbm>> -> memref<10240x128xf32, #tpu.memory_space<hbm>>
      tpu.enqueue_indirect_dma source(%dma_start3A_158 : memref<10240x128xf32, #tpu.memory_space<hbm>>) target(%arg15 : memref<32x128xf32, #tpu.memory_space<vmem>>) offsets(%dma_start3A_155 : memref<32xi32, #tpu.memory_space<vmem>>) semaphore(%arg23 : memref<!tpu.dma_semaphore, #tpu.memory_space<semaphore_mem>>)
      %scan3A_159 = arith.constant 0 : i32
      %scan3A_160 = arith.constant 0 : i32
      %scan3A_161 = arith.constant 8 : i32
      %scan3A_162 = arith.addi %scan3A_160, %scan3A_161 : i32
      %scan3A_163 = arith.constant 1 : i32
      scf.for %scan3A_165 = %scan3A_160 to %scan3A_162 step %scan3A_163  : i32 {
        %mul3A_166 = arith.constant 8 : i32
        %mul3A_167 = arith.muli %mul3A_166, %scan3A_165 : i32
        %add3A_168 = arith.constant 0 : i32
        %add3A_169 = arith.addi %mul3A_167, %add3A_168 : i32
        %dma_wait3A = arith.constant 0 : i32
        %dma_wait3A_170 = tpu.memref_slice %arg7[%add3A_169, %dma_wait3A] : memref<64x32xi32, #tpu.memory_space<vmem>> -> memref<1x32xi32, #tpu.memory_space<vmem>>
        %dma_wait3A_171 = tpu.memref_squeeze %dma_wait3A_170 : memref<1x32xi32, #tpu.memory_space<vmem>> -> memref<32xi32, #tpu.memory_space<vmem>>
        %dma_wait3A_172 = arith.constant 0 : i32
        %dma_wait3A_173 = arith.constant 0 : i32
        %dma_wait3A_174 = tpu.memref_slice %arg2[%dma_wait3A_172, %dma_wait3A_173] : memref<10240x128xf32, #tpu.memory_space<hbm>> -> memref<10240x128xf32, #tpu.memory_space<hbm>>
        tpu.wait_indirect_dma semaphore(%arg17 : memref<!tpu.dma_semaphore, #tpu.memory_space<semaphore_mem>>) src(%dma_wait3A_174 : memref<10240x128xf32, #tpu.memory_space<hbm>>) dst(%arg9 : memref<32x128xf32, #tpu.memory_space<vmem>>)
        "tpu.region"() ({
          %run_scoped3A = tpu.sem_alloc : memref<!tpu.dma_semaphore, #tpu.memory_space<semaphore_mem>>
          %dma_start3A_313 = arith.constant 0 : i32
          %dma_start3A_314 = tpu.memref_slice %arg8[%add3A_169, %dma_start3A_313] : memref<64x32xi32, #tpu.memory_space<vmem>> -> memref<1x32xi32, #tpu.memory_space<vmem>>
          %dma_start3A_315 = tpu.memref_squeeze %dma_start3A_314 : memref<1x32xi32, #tpu.memory_space<vmem>> -> memref<32xi32, #tpu.memory_space<vmem>>
          %dma_start3A_316 = arith.constant 0 : i32
          %dma_start3A_317 = arith.constant 0 : i32
          %dma_start3A_318 = tpu.memref_slice %arg6[%dma_start3A_316, %dma_start3A_317] : memref<10240x128xf32, #tpu.memory_space<vmem_shared>> -> memref<10240x128xf32, #tpu.memory_space<vmem_shared>>
          tpu.enqueue_indirect_dma source(%arg9 : memref<32x128xf32, #tpu.memory_space<vmem>>) target(%dma_start3A_318 : memref<10240x128xf32, #tpu.memory_space<vmem_shared>>) offsets(%dma_start3A_315 : memref<32xi32, #tpu.memory_space<vmem>>) semaphore(%run_scoped3A : memref<!tpu.dma_semaphore, #tpu.memory_space<semaphore_mem>>) {add = true}
          %dma_wait3A_319 = arith.constant 0 : i32
          %dma_wait3A_320 = tpu.memref_slice %arg8[%add3A_169, %dma_wait3A_319] : memref<64x32xi32, #tpu.memory_space<vmem>> -> memref<1x32xi32, #tpu.memory_space<vmem>>
          %dma_wait3A_321 = tpu.memref_squeeze %dma_wait3A_320 : memref<1x32xi32, #tpu.memory_space<vmem>> -> memref<32xi32, #tpu.memory_space<vmem>>
          %dma_wait3A_322 = arith.constant 0 : i32
          %dma_wait3A_323 = arith.constant 0 : i32
          %dma_wait3A_324 = tpu.memref_slice %arg6[%dma_wait3A_322, %dma_wait3A_323] : memref<10240x128xf32, #tpu.memory_space<vmem_shared>> -> memref<10240x128xf32, #tpu.memory_space<vmem_shared>>
          tpu.wait_indirect_dma semaphore(%run_scoped3A : memref<!tpu.dma_semaphore, #tpu.memory_space<semaphore_mem>>) src(%arg9 : memref<32x128xf32, #tpu.memory_space<vmem>>) dst(%dma_wait3A_324 : memref<10240x128xf32, #tpu.memory_space<vmem_shared>>)
          tpu.yield
        }) : () -> ()
        %add3A_175 = arith.constant 8 : i32
        %add3A_176 = arith.addi %add3A_169, %add3A_175 : i32
        %sub3A = arith.constant 1 : i32
        %sub3A_177 = arith.subi %add3A_176, %sub3A : i32
        %lt3A = arith.constant 64 : i32
        %lt3A_178 = arith.cmpi slt, %sub3A_177, %lt3A : i32
        %convert_element_type3A = arith.extui %lt3A_178 : i1 to i32
        %cond3A = arith.constant 0 : i32
        %cond3A_179 = arith.cmpi ne, %convert_element_type3A, %cond3A : i32
        scf.if %cond3A_179 {
          %add3A_313 = arith.constant 8 : i32
          %add3A_314 = arith.addi %add3A_169, %add3A_313 : i32
          %sub3A_315 = arith.constant 1 : i32
          %sub3A_316 = arith.subi %add3A_314, %sub3A_315 : i32
          %dma_start3A_317 = arith.constant 0 : i32
          %dma_start3A_318 = tpu.memref_slice %arg7[%sub3A_316, %dma_start3A_317] : memref<64x32xi32, #tpu.memory_space<vmem>> -> memref<1x32xi32, #tpu.memory_space<vmem>>
          %dma_start3A_319 = tpu.memref_squeeze %dma_start3A_318 : memref<1x32xi32, #tpu.memory_space<vmem>> -> memref<32xi32, #tpu.memory_space<vmem>>
          %dma_start3A_320 = arith.constant 0 : i32
          %dma_start3A_321 = arith.constant 0 : i32
          %dma_start3A_322 = tpu.memref_slice %arg2[%dma_start3A_320, %dma_start3A_321] : memref<10240x128xf32, #tpu.memory_space<hbm>> -> memref<10240x128xf32, #tpu.memory_space<hbm>>
          tpu.enqueue_indirect_dma source(%dma_start3A_322 : memref<10240x128xf32, #tpu.memory_space<hbm>>) target(%arg16 : memref<32x128xf32, #tpu.memory_space<vmem>>) offsets(%dma_start3A_319 : memref<32xi32, #tpu.memory_space<vmem>>) semaphore(%arg24 : memref<!tpu.dma_semaphore, #tpu.memory_space<semaphore_mem>>)
        } else {
        }
        %mul3A_180 = arith.constant 8 : i32
        %mul3A_181 = arith.muli %mul3A_180, %scan3A_165 : i32
        %add3A_182 = arith.constant 1 : i32
        %add3A_183 = arith.addi %mul3A_181, %add3A_182 : i32
        %dma_wait3A_184 = arith.constant 0 : i32
        %dma_wait3A_185 = tpu.memref_slice %arg7[%add3A_183, %dma_wait3A_184] : memref<64x32xi32, #tpu.memory_space<vmem>> -> memref<1x32xi32, #tpu.memory_space<vmem>>
        %dma_wait3A_186 = tpu.memref_squeeze %dma_wait3A_185 : memref<1x32xi32, #tpu.memory_space<vmem>> -> memref<32xi32, #tpu.memory_space<vmem>>
        %dma_wait3A_187 = arith.constant 0 : i32
        %dma_wait3A_188 = arith.constant 0 : i32
        %dma_wait3A_189 = tpu.memref_slice %arg2[%dma_wait3A_187, %dma_wait3A_188] : memref<10240x128xf32, #tpu.memory_space<hbm>> -> memref<10240x128xf32, #tpu.memory_space<hbm>>
        tpu.wait_indirect_dma semaphore(%arg18 : memref<!tpu.dma_semaphore, #tpu.memory_space<semaphore_mem>>) src(%dma_wait3A_189 : memref<10240x128xf32, #tpu.memory_space<hbm>>) dst(%arg10 : memref<32x128xf32, #tpu.memory_space<vmem>>)
        "tpu.region"() ({
          %run_scoped3A = tpu.sem_alloc : memref<!tpu.dma_semaphore, #tpu.memory_space<semaphore_mem>>
          %dma_start3A_313 = arith.constant 0 : i32
          %dma_start3A_314 = tpu.memref_slice %arg8[%add3A_183, %dma_start3A_313] : memref<64x32xi32, #tpu.memory_space<vmem>> -> memref<1x32xi32, #tpu.memory_space<vmem>>
          %dma_start3A_315 = tpu.memref_squeeze %dma_start3A_314 : memref<1x32xi32, #tpu.memory_space<vmem>> -> memref<32xi32, #tpu.memory_space<vmem>>
          %dma_start3A_316 = arith.constant 0 : i32
          %dma_start3A_317 = arith.constant 0 : i32
          %dma_start3A_318 = tpu.memref_slice %arg6[%dma_start3A_316, %dma_start3A_317] : memref<10240x128xf32, #tpu.memory_space<vmem_shared>> -> memref<10240x128xf32, #tpu.memory_space<vmem_shared>>
          tpu.enqueue_indirect_dma source(%arg10 : memref<32x128xf32, #tpu.memory_space<vmem>>) target(%dma_start3A_318 : memref<10240x128xf32, #tpu.memory_space<vmem_shared>>) offsets(%dma_start3A_315 : memref<32xi32, #tpu.memory_space<vmem>>) semaphore(%run_scoped3A : memref<!tpu.dma_semaphore, #tpu.memory_space<semaphore_mem>>) {add = true}
          %dma_wait3A_319 = arith.constant 0 : i32
          %dma_wait3A_320 = tpu.memref_slice %arg8[%add3A_183, %dma_wait3A_319] : memref<64x32xi32, #tpu.memory_space<vmem>> -> memref<1x32xi32, #tpu.memory_space<vmem>>
          %dma_wait3A_321 = tpu.memref_squeeze %dma_wait3A_320 : memref<1x32xi32, #tpu.memory_space<vmem>> -> memref<32xi32, #tpu.memory_space<vmem>>
          %dma_wait3A_322 = arith.constant 0 : i32
          %dma_wait3A_323 = arith.constant 0 : i32
          %dma_wait3A_324 = tpu.memref_slice %arg6[%dma_wait3A_322, %dma_wait3A_323] : memref<10240x128xf32, #tpu.memory_space<vmem_shared>> -> memref<10240x128xf32, #tpu.memory_space<vmem_shared>>
          tpu.wait_indirect_dma semaphore(%run_scoped3A : memref<!tpu.dma_semaphore, #tpu.memory_space<semaphore_mem>>) src(%arg10 : memref<32x128xf32, #tpu.memory_space<vmem>>) dst(%dma_wait3A_324 : memref<10240x128xf32, #tpu.memory_space<vmem_shared>>)
          tpu.yield
        }) : () -> ()
        %add3A_190 = arith.constant 8 : i32
        %add3A_191 = arith.addi %add3A_183, %add3A_190 : i32
        %sub3A_192 = arith.constant 1 : i32
        %sub3A_193 = arith.subi %add3A_191, %sub3A_192 : i32
        %lt3A_194 = arith.constant 64 : i32
        %lt3A_195 = arith.cmpi slt, %sub3A_193, %lt3A_194 : i32
        %convert_element_type3A_196 = arith.extui %lt3A_195 : i1 to i32
        %cond3A_197 = arith.constant 0 : i32
        %cond3A_198 = arith.cmpi ne, %convert_element_type3A_196, %cond3A_197 : i32
        scf.if %cond3A_198 {
          %add3A_313 = arith.constant 8 : i32
          %add3A_314 = arith.addi %add3A_183, %add3A_313 : i32
          %sub3A_315 = arith.constant 1 : i32
          %sub3A_316 = arith.subi %add3A_314, %sub3A_315 : i32
          %dma_start3A_317 = arith.constant 0 : i32
          %dma_start3A_318 = tpu.memref_slice %arg7[%sub3A_316, %dma_start3A_317] : memref<64x32xi32, #tpu.memory_space<vmem>> -> memref<1x32xi32, #tpu.memory_space<vmem>>
          %dma_start3A_319 = tpu.memref_squeeze %dma_start3A_318 : memref<1x32xi32, #tpu.memory_space<vmem>> -> memref<32xi32, #tpu.memory_space<vmem>>
          %dma_start3A_320 = arith.constant 0 : i32
          %dma_start3A_321 = arith.constant 0 : i32
          %dma_start3A_322 = tpu.memref_slice %arg2[%dma_start3A_320, %dma_start3A_321] : memref<10240x128xf32, #tpu.memory_space<hbm>> -> memref<10240x128xf32, #tpu.memory_space<hbm>>
          tpu.enqueue_indirect_dma source(%dma_start3A_322 : memref<10240x128xf32, #tpu.memory_space<hbm>>) target(%arg9 : memref<32x128xf32, #tpu.memory_space<vmem>>) offsets(%dma_start3A_319 : memref<32xi32, #tpu.memory_space<vmem>>) semaphore(%arg17 : memref<!tpu.dma_semaphore, #tpu.memory_space<semaphore_mem>>)
        } else {
        }
        %mul3A_199 = arith.constant 8 : i32
        %mul3A_200 = arith.muli %mul3A_199, %scan3A_165 : i32
        %add3A_201 = arith.constant 2 : i32
        %add3A_202 = arith.addi %mul3A_200, %add3A_201 : i32
        %dma_wait3A_203 = arith.constant 0 : i32
        %dma_wait3A_204 = tpu.memref_slice %arg7[%add3A_202, %dma_wait3A_203] : memref<64x32xi32, #tpu.memory_space<vmem>> -> memref<1x32xi32, #tpu.memory_space<vmem>>
        %dma_wait3A_205 = tpu.memref_squeeze %dma_wait3A_204 : memref<1x32xi32, #tpu.memory_space<vmem>> -> memref<32xi32, #tpu.memory_space<vmem>>
        %dma_wait3A_206 = arith.constant 0 : i32
        %dma_wait3A_207 = arith.constant 0 : i32
        %dma_wait3A_208 = tpu.memref_slice %arg2[%dma_wait3A_206, %dma_wait3A_207] : memref<10240x128xf32, #tpu.memory_space<hbm>> -> memref<10240x128xf32, #tpu.memory_space<hbm>>
        tpu.wait_indirect_dma semaphore(%arg19 : memref<!tpu.dma_semaphore, #tpu.memory_space<semaphore_mem>>) src(%dma_wait3A_208 : memref<10240x128xf32, #tpu.memory_space<hbm>>) dst(%arg11 : memref<32x128xf32, #tpu.memory_space<vmem>>)
        "tpu.region"() ({
          %run_scoped3A = tpu.sem_alloc : memref<!tpu.dma_semaphore, #tpu.memory_space<semaphore_mem>>
          %dma_start3A_313 = arith.constant 0 : i32
          %dma_start3A_314 = tpu.memref_slice %arg8[%add3A_202, %dma_start3A_313] : memref<64x32xi32, #tpu.memory_space<vmem>> -> memref<1x32xi32, #tpu.memory_space<vmem>>
          %dma_start3A_315 = tpu.memref_squeeze %dma_start3A_314 : memref<1x32xi32, #tpu.memory_space<vmem>> -> memref<32xi32, #tpu.memory_space<vmem>>
          %dma_start3A_316 = arith.constant 0 : i32
          %dma_start3A_317 = arith.constant 0 : i32
          %dma_start3A_318 = tpu.memref_slice %arg6[%dma_start3A_316, %dma_start3A_317] : memref<10240x128xf32, #tpu.memory_space<vmem_shared>> -> memref<10240x128xf32, #tpu.memory_space<vmem_shared>>
          tpu.enqueue_indirect_dma source(%arg11 : memref<32x128xf32, #tpu.memory_space<vmem>>) target(%dma_start3A_318 : memref<10240x128xf32, #tpu.memory_space<vmem_shared>>) offsets(%dma_start3A_315 : memref<32xi32, #tpu.memory_space<vmem>>) semaphore(%run_scoped3A : memref<!tpu.dma_semaphore, #tpu.memory_space<semaphore_mem>>) {add = true}
          %dma_wait3A_319 = arith.constant 0 : i32
          %dma_wait3A_320 = tpu.memref_slice %arg8[%add3A_202, %dma_wait3A_319] : memref<64x32xi32, #tpu.memory_space<vmem>> -> memref<1x32xi32, #tpu.memory_space<vmem>>
          %dma_wait3A_321 = tpu.memref_squeeze %dma_wait3A_320 : memref<1x32xi32, #tpu.memory_space<vmem>> -> memref<32xi32, #tpu.memory_space<vmem>>
          %dma_wait3A_322 = arith.constant 0 : i32
          %dma_wait3A_323 = arith.constant 0 : i32
          %dma_wait3A_324 = tpu.memref_slice %arg6[%dma_wait3A_322, %dma_wait3A_323] : memref<10240x128xf32, #tpu.memory_space<vmem_shared>> -> memref<10240x128xf32, #tpu.memory_space<vmem_shared>>
          tpu.wait_indirect_dma semaphore(%run_scoped3A : memref<!tpu.dma_semaphore, #tpu.memory_space<semaphore_mem>>) src(%arg11 : memref<32x128xf32, #tpu.memory_space<vmem>>) dst(%dma_wait3A_324 : memref<10240x128xf32, #tpu.memory_space<vmem_shared>>)
          tpu.yield
        }) : () -> ()
        %add3A_209 = arith.constant 8 : i32
        %add3A_210 = arith.addi %add3A_202, %add3A_209 : i32
        %sub3A_211 = arith.constant 1 : i32
        %sub3A_212 = arith.subi %add3A_210, %sub3A_211 : i32
        %lt3A_213 = arith.constant 64 : i32
        %lt3A_214 = arith.cmpi slt, %sub3A_212, %lt3A_213 : i32
        %convert_element_type3A_215 = arith.extui %lt3A_214 : i1 to i32
        %cond3A_216 = arith.constant 0 : i32
        %cond3A_217 = arith.cmpi ne, %convert_element_type3A_215, %cond3A_216 : i32
        scf.if %cond3A_217 {
          %add3A_313 = arith.constant 8 : i32
          %add3A_314 = arith.addi %add3A_202, %add3A_313 : i32
          %sub3A_315 = arith.constant 1 : i32
          %sub3A_316 = arith.subi %add3A_314, %sub3A_315 : i32
          %dma_start3A_317 = arith.constant 0 : i32
          %dma_start3A_318 = tpu.memref_slice %arg7[%sub3A_316, %dma_start3A_317] : memref<64x32xi32, #tpu.memory_space<vmem>> -> memref<1x32xi32, #tpu.memory_space<vmem>>
          %dma_start3A_319 = tpu.memref_squeeze %dma_start3A_318 : memref<1x32xi32, #tpu.memory_space<vmem>> -> memref<32xi32, #tpu.memory_space<vmem>>
          %dma_start3A_320 = arith.constant 0 : i32
          %dma_start3A_321 = arith.constant 0 : i32
          %dma_start3A_322 = tpu.memref_slice %arg2[%dma_start3A_320, %dma_start3A_321] : memref<10240x128xf32, #tpu.memory_space<hbm>> -> memref<10240x128xf32, #tpu.memory_space<hbm>>
          tpu.enqueue_indirect_dma source(%dma_start3A_322 : memref<10240x128xf32, #tpu.memory_space<hbm>>) target(%arg10 : memref<32x128xf32, #tpu.memory_space<vmem>>) offsets(%dma_start3A_319 : memref<32xi32, #tpu.memory_space<vmem>>) semaphore(%arg18 : memref<!tpu.dma_semaphore, #tpu.memory_space<semaphore_mem>>)
        } else {
        }
        %mul3A_218 = arith.constant 8 : i32
        %mul3A_219 = arith.muli %mul3A_218, %scan3A_165 : i32
        %add3A_220 = arith.constant 3 : i32
        %add3A_221 = arith.addi %mul3A_219, %add3A_220 : i32
        %dma_wait3A_222 = arith.constant 0 : i32
        %dma_wait3A_223 = tpu.memref_slice %arg7[%add3A_221, %dma_wait3A_222] : memref<64x32xi32, #tpu.memory_space<vmem>> -> memref<1x32xi32, #tpu.memory_space<vmem>>
        %dma_wait3A_224 = tpu.memref_squeeze %dma_wait3A_223 : memref<1x32xi32, #tpu.memory_space<vmem>> -> memref<32xi32, #tpu.memory_space<vmem>>
        %dma_wait3A_225 = arith.constant 0 : i32
        %dma_wait3A_226 = arith.constant 0 : i32
        %dma_wait3A_227 = tpu.memref_slice %arg2[%dma_wait3A_225, %dma_wait3A_226] : memref<10240x128xf32, #tpu.memory_space<hbm>> -> memref<10240x128xf32, #tpu.memory_space<hbm>>
        tpu.wait_indirect_dma semaphore(%arg20 : memref<!tpu.dma_semaphore, #tpu.memory_space<semaphore_mem>>) src(%dma_wait3A_227 : memref<10240x128xf32, #tpu.memory_space<hbm>>) dst(%arg12 : memref<32x128xf32, #tpu.memory_space<vmem>>)
        "tpu.region"() ({
          %run_scoped3A = tpu.sem_alloc : memref<!tpu.dma_semaphore, #tpu.memory_space<semaphore_mem>>
          %dma_start3A_313 = arith.constant 0 : i32
          %dma_start3A_314 = tpu.memref_slice %arg8[%add3A_221, %dma_start3A_313] : memref<64x32xi32, #tpu.memory_space<vmem>> -> memref<1x32xi32, #tpu.memory_space<vmem>>
          %dma_start3A_315 = tpu.memref_squeeze %dma_start3A_314 : memref<1x32xi32, #tpu.memory_space<vmem>> -> memref<32xi32, #tpu.memory_space<vmem>>
          %dma_start3A_316 = arith.constant 0 : i32
          %dma_start3A_317 = arith.constant 0 : i32
          %dma_start3A_318 = tpu.memref_slice %arg6[%dma_start3A_316, %dma_start3A_317] : memref<10240x128xf32, #tpu.memory_space<vmem_shared>> -> memref<10240x128xf32, #tpu.memory_space<vmem_shared>>
          tpu.enqueue_indirect_dma source(%arg12 : memref<32x128xf32, #tpu.memory_space<vmem>>) target(%dma_start3A_318 : memref<10240x128xf32, #tpu.memory_space<vmem_shared>>) offsets(%dma_start3A_315 : memref<32xi32, #tpu.memory_space<vmem>>) semaphore(%run_scoped3A : memref<!tpu.dma_semaphore, #tpu.memory_space<semaphore_mem>>) {add = true}
          %dma_wait3A_319 = arith.constant 0 : i32
          %dma_wait3A_320 = tpu.memref_slice %arg8[%add3A_221, %dma_wait3A_319] : memref<64x32xi32, #tpu.memory_space<vmem>> -> memref<1x32xi32, #tpu.memory_space<vmem>>
          %dma_wait3A_321 = tpu.memref_squeeze %dma_wait3A_320 : memref<1x32xi32, #tpu.memory_space<vmem>> -> memref<32xi32, #tpu.memory_space<vmem>>
          %dma_wait3A_322 = arith.constant 0 : i32
          %dma_wait3A_323 = arith.constant 0 : i32
          %dma_wait3A_324 = tpu.memref_slice %arg6[%dma_wait3A_322, %dma_wait3A_323] : memref<10240x128xf32, #tpu.memory_space<vmem_shared>> -> memref<10240x128xf32, #tpu.memory_space<vmem_shared>>
          tpu.wait_indirect_dma semaphore(%run_scoped3A : memref<!tpu.dma_semaphore, #tpu.memory_space<semaphore_mem>>) src(%arg12 : memref<32x128xf32, #tpu.memory_space<vmem>>) dst(%dma_wait3A_324 : memref<10240x128xf32, #tpu.memory_space<vmem_shared>>)
          tpu.yield
        }) : () -> ()
        %add3A_228 = arith.constant 8 : i32
        %add3A_229 = arith.addi %add3A_221, %add3A_228 : i32
        %sub3A_230 = arith.constant 1 : i32
        %sub3A_231 = arith.subi %add3A_229, %sub3A_230 : i32
        %lt3A_232 = arith.constant 64 : i32
        %lt3A_233 = arith.cmpi slt, %sub3A_231, %lt3A_232 : i32
        %convert_element_type3A_234 = arith.extui %lt3A_233 : i1 to i32
        %cond3A_235 = arith.constant 0 : i32
        %cond3A_236 = arith.cmpi ne, %convert_element_type3A_234, %cond3A_235 : i32
        scf.if %cond3A_236 {
          %add3A_313 = arith.constant 8 : i32
          %add3A_314 = arith.addi %add3A_221, %add3A_313 : i32
          %sub3A_315 = arith.constant 1 : i32
          %sub3A_316 = arith.subi %add3A_314, %sub3A_315 : i32
          %dma_start3A_317 = arith.constant 0 : i32
          %dma_start3A_318 = tpu.memref_slice %arg7[%sub3A_316, %dma_start3A_317] : memref<64x32xi32, #tpu.memory_space<vmem>> -> memref<1x32xi32, #tpu.memory_space<vmem>>
          %dma_start3A_319 = tpu.memref_squeeze %dma_start3A_318 : memref<1x32xi32, #tpu.memory_space<vmem>> -> memref<32xi32, #tpu.memory_space<vmem>>
          %dma_start3A_320 = arith.constant 0 : i32
          %dma_start3A_321 = arith.constant 0 : i32
          %dma_start3A_322 = tpu.memref_slice %arg2[%dma_start3A_320, %dma_start3A_321] : memref<10240x128xf32, #tpu.memory_space<hbm>> -> memref<10240x128xf32, #tpu.memory_space<hbm>>
          tpu.enqueue_indirect_dma source(%dma_start3A_322 : memref<10240x128xf32, #tpu.memory_space<hbm>>) target(%arg11 : memref<32x128xf32, #tpu.memory_space<vmem>>) offsets(%dma_start3A_319 : memref<32xi32, #tpu.memory_space<vmem>>) semaphore(%arg19 : memref<!tpu.dma_semaphore, #tpu.memory_space<semaphore_mem>>)
        } else {
        }
        %mul3A_237 = arith.constant 8 : i32
        %mul3A_238 = arith.muli %mul3A_237, %scan3A_165 : i32
        %add3A_239 = arith.constant 4 : i32
        %add3A_240 = arith.addi %mul3A_238, %add3A_239 : i32
        %dma_wait3A_241 = arith.constant 0 : i32
        %dma_wait3A_242 = tpu.memref_slice %arg7[%add3A_240, %dma_wait3A_241] : memref<64x32xi32, #tpu.memory_space<vmem>> -> memref<1x32xi32, #tpu.memory_space<vmem>>
        %dma_wait3A_243 = tpu.memref_squeeze %dma_wait3A_242 : memref<1x32xi32, #tpu.memory_space<vmem>> -> memref<32xi32, #tpu.memory_space<vmem>>
        %dma_wait3A_244 = arith.constant 0 : i32
        %dma_wait3A_245 = arith.constant 0 : i32
        %dma_wait3A_246 = tpu.memref_slice %arg2[%dma_wait3A_244, %dma_wait3A_245] : memref<10240x128xf32, #tpu.memory_space<hbm>> -> memref<10240x128xf32, #tpu.memory_space<hbm>>
        tpu.wait_indirect_dma semaphore(%arg21 : memref<!tpu.dma_semaphore, #tpu.memory_space<semaphore_mem>>) src(%dma_wait3A_246 : memref<10240x128xf32, #tpu.memory_space<hbm>>) dst(%arg13 : memref<32x128xf32, #tpu.memory_space<vmem>>)
        "tpu.region"() ({
          %run_scoped3A = tpu.sem_alloc : memref<!tpu.dma_semaphore, #tpu.memory_space<semaphore_mem>>
          %dma_start3A_313 = arith.constant 0 : i32
          %dma_start3A_314 = tpu.memref_slice %arg8[%add3A_240, %dma_start3A_313] : memref<64x32xi32, #tpu.memory_space<vmem>> -> memref<1x32xi32, #tpu.memory_space<vmem>>
          %dma_start3A_315 = tpu.memref_squeeze %dma_start3A_314 : memref<1x32xi32, #tpu.memory_space<vmem>> -> memref<32xi32, #tpu.memory_space<vmem>>
          %dma_start3A_316 = arith.constant 0 : i32
          %dma_start3A_317 = arith.constant 0 : i32
          %dma_start3A_318 = tpu.memref_slice %arg6[%dma_start3A_316, %dma_start3A_317] : memref<10240x128xf32, #tpu.memory_space<vmem_shared>> -> memref<10240x128xf32, #tpu.memory_space<vmem_shared>>
          tpu.enqueue_indirect_dma source(%arg13 : memref<32x128xf32, #tpu.memory_space<vmem>>) target(%dma_start3A_318 : memref<10240x128xf32, #tpu.memory_space<vmem_shared>>) offsets(%dma_start3A_315 : memref<32xi32, #tpu.memory_space<vmem>>) semaphore(%run_scoped3A : memref<!tpu.dma_semaphore, #tpu.memory_space<semaphore_mem>>) {add = true}
          %dma_wait3A_319 = arith.constant 0 : i32
          %dma_wait3A_320 = tpu.memref_slice %arg8[%add3A_240, %dma_wait3A_319] : memref<64x32xi32, #tpu.memory_space<vmem>> -> memref<1x32xi32, #tpu.memory_space<vmem>>
          %dma_wait3A_321 = tpu.memref_squeeze %dma_wait3A_320 : memref<1x32xi32, #tpu.memory_space<vmem>> -> memref<32xi32, #tpu.memory_space<vmem>>
          %dma_wait3A_322 = arith.constant 0 : i32
          %dma_wait3A_323 = arith.constant 0 : i32
          %dma_wait3A_324 = tpu.memref_slice %arg6[%dma_wait3A_322, %dma_wait3A_323] : memref<10240x128xf32, #tpu.memory_space<vmem_shared>> -> memref<10240x128xf32, #tpu.memory_space<vmem_shared>>
          tpu.wait_indirect_dma semaphore(%run_scoped3A : memref<!tpu.dma_semaphore, #tpu.memory_space<semaphore_mem>>) src(%arg13 : memref<32x128xf32, #tpu.memory_space<vmem>>) dst(%dma_wait3A_324 : memref<10240x128xf32, #tpu.memory_space<vmem_shared>>)
          tpu.yield
        }) : () -> ()
        %add3A_247 = arith.constant 8 : i32
        %add3A_248 = arith.addi %add3A_240, %add3A_247 : i32
        %sub3A_249 = arith.constant 1 : i32
        %sub3A_250 = arith.subi %add3A_248, %sub3A_249 : i32
        %lt3A_251 = arith.constant 64 : i32
        %lt3A_252 = arith.cmpi slt, %sub3A_250, %lt3A_251 : i32
        %convert_element_type3A_253 = arith.extui %lt3A_252 : i1 to i32
        %cond3A_254 = arith.constant 0 : i32
        %cond3A_255 = arith.cmpi ne, %convert_element_type3A_253, %cond3A_254 : i32
        scf.if %cond3A_255 {
          %add3A_313 = arith.constant 8 : i32
          %add3A_314 = arith.addi %add3A_240, %add3A_313 : i32
          %sub3A_315 = arith.constant 1 : i32
          %sub3A_316 = arith.subi %add3A_314, %sub3A_315 : i32
          %dma_start3A_317 = arith.constant 0 : i32
          %dma_start3A_318 = tpu.memref_slice %arg7[%sub3A_316, %dma_start3A_317] : memref<64x32xi32, #tpu.memory_space<vmem>> -> memref<1x32xi32, #tpu.memory_space<vmem>>
          %dma_start3A_319 = tpu.memref_squeeze %dma_start3A_318 : memref<1x32xi32, #tpu.memory_space<vmem>> -> memref<32xi32, #tpu.memory_space<vmem>>
          %dma_start3A_320 = arith.constant 0 : i32
          %dma_start3A_321 = arith.constant 0 : i32
          %dma_start3A_322 = tpu.memref_slice %arg2[%dma_start3A_320, %dma_start3A_321] : memref<10240x128xf32, #tpu.memory_space<hbm>> -> memref<10240x128xf32, #tpu.memory_space<hbm>>
          tpu.enqueue_indirect_dma source(%dma_start3A_322 : memref<10240x128xf32, #tpu.memory_space<hbm>>) target(%arg12 : memref<32x128xf32, #tpu.memory_space<vmem>>) offsets(%dma_start3A_319 : memref<32xi32, #tpu.memory_space<vmem>>) semaphore(%arg20 : memref<!tpu.dma_semaphore, #tpu.memory_space<semaphore_mem>>)
        } else {
        }
        %mul3A_256 = arith.constant 8 : i32
        %mul3A_257 = arith.muli %mul3A_256, %scan3A_165 : i32
        %add3A_258 = arith.constant 5 : i32
        %add3A_259 = arith.addi %mul3A_257, %add3A_258 : i32
        %dma_wait3A_260 = arith.constant 0 : i32
        %dma_wait3A_261 = tpu.memref_slice %arg7[%add3A_259, %dma_wait3A_260] : memref<64x32xi32, #tpu.memory_space<vmem>> -> memref<1x32xi32, #tpu.memory_space<vmem>>
        %dma_wait3A_262 = tpu.memref_squeeze %dma_wait3A_261 : memref<1x32xi32, #tpu.memory_space<vmem>> -> memref<32xi32, #tpu.memory_space<vmem>>
        %dma_wait3A_263 = arith.constant 0 : i32
        %dma_wait3A_264 = arith.constant 0 : i32
        %dma_wait3A_265 = tpu.memref_slice %arg2[%dma_wait3A_263, %dma_wait3A_264] : memref<10240x128xf32, #tpu.memory_space<hbm>> -> memref<10240x128xf32, #tpu.memory_space<hbm>>
        tpu.wait_indirect_dma semaphore(%arg22 : memref<!tpu.dma_semaphore, #tpu.memory_space<semaphore_mem>>) src(%dma_wait3A_265 : memref<10240x128xf32, #tpu.memory_space<hbm>>) dst(%arg14 : memref<32x128xf32, #tpu.memory_space<vmem>>)
        "tpu.region"() ({
          %run_scoped3A = tpu.sem_alloc : memref<!tpu.dma_semaphore, #tpu.memory_space<semaphore_mem>>
          %dma_start3A_313 = arith.constant 0 : i32
          %dma_start3A_314 = tpu.memref_slice %arg8[%add3A_259, %dma_start3A_313] : memref<64x32xi32, #tpu.memory_space<vmem>> -> memref<1x32xi32, #tpu.memory_space<vmem>>
          %dma_start3A_315 = tpu.memref_squeeze %dma_start3A_314 : memref<1x32xi32, #tpu.memory_space<vmem>> -> memref<32xi32, #tpu.memory_space<vmem>>
          %dma_start3A_316 = arith.constant 0 : i32
          %dma_start3A_317 = arith.constant 0 : i32
          %dma_start3A_318 = tpu.memref_slice %arg6[%dma_start3A_316, %dma_start3A_317] : memref<10240x128xf32, #tpu.memory_space<vmem_shared>> -> memref<10240x128xf32, #tpu.memory_space<vmem_shared>>
          tpu.enqueue_indirect_dma source(%arg14 : memref<32x128xf32, #tpu.memory_space<vmem>>) target(%dma_start3A_318 : memref<10240x128xf32, #tpu.memory_space<vmem_shared>>) offsets(%dma_start3A_315 : memref<32xi32, #tpu.memory_space<vmem>>) semaphore(%run_scoped3A : memref<!tpu.dma_semaphore, #tpu.memory_space<semaphore_mem>>) {add = true}
          %dma_wait3A_319 = arith.constant 0 : i32
          %dma_wait3A_320 = tpu.memref_slice %arg8[%add3A_259, %dma_wait3A_319] : memref<64x32xi32, #tpu.memory_space<vmem>> -> memref<1x32xi32, #tpu.memory_space<vmem>>
          %dma_wait3A_321 = tpu.memref_squeeze %dma_wait3A_320 : memref<1x32xi32, #tpu.memory_space<vmem>> -> memref<32xi32, #tpu.memory_space<vmem>>
          %dma_wait3A_322 = arith.constant 0 : i32
          %dma_wait3A_323 = arith.constant 0 : i32
          %dma_wait3A_324 = tpu.memref_slice %arg6[%dma_wait3A_322, %dma_wait3A_323] : memref<10240x128xf32, #tpu.memory_space<vmem_shared>> -> memref<10240x128xf32, #tpu.memory_space<vmem_shared>>
          tpu.wait_indirect_dma semaphore(%run_scoped3A : memref<!tpu.dma_semaphore, #tpu.memory_space<semaphore_mem>>) src(%arg14 : memref<32x128xf32, #tpu.memory_space<vmem>>) dst(%dma_wait3A_324 : memref<10240x128xf32, #tpu.memory_space<vmem_shared>>)
          tpu.yield
        }) : () -> ()
        %add3A_266 = arith.constant 8 : i32
        %add3A_267 = arith.addi %add3A_259, %add3A_266 : i32
        %sub3A_268 = arith.constant 1 : i32
        %sub3A_269 = arith.subi %add3A_267, %sub3A_268 : i32
        %lt3A_270 = arith.constant 64 : i32
        %lt3A_271 = arith.cmpi slt, %sub3A_269, %lt3A_270 : i32
        %convert_element_type3A_272 = arith.extui %lt3A_271 : i1 to i32
        %cond3A_273 = arith.constant 0 : i32
        %cond3A_274 = arith.cmpi ne, %convert_element_type3A_272, %cond3A_273 : i32
        scf.if %cond3A_274 {
          %add3A_313 = arith.constant 8 : i32
          %add3A_314 = arith.addi %add3A_259, %add3A_313 : i32
          %sub3A_315 = arith.constant 1 : i32
          %sub3A_316 = arith.subi %add3A_314, %sub3A_315 : i32
          %dma_start3A_317 = arith.constant 0 : i32
          %dma_start3A_318 = tpu.memref_slice %arg7[%sub3A_316, %dma_start3A_317] : memref<64x32xi32, #tpu.memory_space<vmem>> -> memref<1x32xi32, #tpu.memory_space<vmem>>
          %dma_start3A_319 = tpu.memref_squeeze %dma_start3A_318 : memref<1x32xi32, #tpu.memory_space<vmem>> -> memref<32xi32, #tpu.memory_space<vmem>>
          %dma_start3A_320 = arith.constant 0 : i32
          %dma_start3A_321 = arith.constant 0 : i32
          %dma_start3A_322 = tpu.memref_slice %arg2[%dma_start3A_320, %dma_start3A_321] : memref<10240x128xf32, #tpu.memory_space<hbm>> -> memref<10240x128xf32, #tpu.memory_space<hbm>>
          tpu.enqueue_indirect_dma source(%dma_start3A_322 : memref<10240x128xf32, #tpu.memory_space<hbm>>) target(%arg13 : memref<32x128xf32, #tpu.memory_space<vmem>>) offsets(%dma_start3A_319 : memref<32xi32, #tpu.memory_space<vmem>>) semaphore(%arg21 : memref<!tpu.dma_semaphore, #tpu.memory_space<semaphore_mem>>)
        } else {
        }
        %mul3A_275 = arith.constant 8 : i32
        %mul3A_276 = arith.muli %mul3A_275, %scan3A_165 : i32
        %add3A_277 = arith.constant 6 : i32
        %add3A_278 = arith.addi %mul3A_276, %add3A_277 : i32
        %dma_wait3A_279 = arith.constant 0 : i32
        %dma_wait3A_280 = tpu.memref_slice %arg7[%add3A_278, %dma_wait3A_279] : memref<64x32xi32, #tpu.memory_space<vmem>> -> memref<1x32xi32, #tpu.memory_space<vmem>>
        %dma_wait3A_281 = tpu.memref_squeeze %dma_wait3A_280 : memref<1x32xi32, #tpu.memory_space<vmem>> -> memref<32xi32, #tpu.memory_space<vmem>>
        %dma_wait3A_282 = arith.constant 0 : i32
        %dma_wait3A_283 = arith.constant 0 : i32
        %dma_wait3A_284 = tpu.memref_slice %arg2[%dma_wait3A_282, %dma_wait3A_283] : memref<10240x128xf32, #tpu.memory_space<hbm>> -> memref<10240x128xf32, #tpu.memory_space<hbm>>
        tpu.wait_indirect_dma semaphore(%arg23 : memref<!tpu.dma_semaphore, #tpu.memory_space<semaphore_mem>>) src(%dma_wait3A_284 : memref<10240x128xf32, #tpu.memory_space<hbm>>) dst(%arg15 : memref<32x128xf32, #tpu.memory_space<vmem>>)
        "tpu.region"() ({
          %run_scoped3A = tpu.sem_alloc : memref<!tpu.dma_semaphore, #tpu.memory_space<semaphore_mem>>
          %dma_start3A_313 = arith.constant 0 : i32
          %dma_start3A_314 = tpu.memref_slice %arg8[%add3A_278, %dma_start3A_313] : memref<64x32xi32, #tpu.memory_space<vmem>> -> memref<1x32xi32, #tpu.memory_space<vmem>>
          %dma_start3A_315 = tpu.memref_squeeze %dma_start3A_314 : memref<1x32xi32, #tpu.memory_space<vmem>> -> memref<32xi32, #tpu.memory_space<vmem>>
          %dma_start3A_316 = arith.constant 0 : i32
          %dma_start3A_317 = arith.constant 0 : i32
          %dma_start3A_318 = tpu.memref_slice %arg6[%dma_start3A_316, %dma_start3A_317] : memref<10240x128xf32, #tpu.memory_space<vmem_shared>> -> memref<10240x128xf32, #tpu.memory_space<vmem_shared>>
          tpu.enqueue_indirect_dma source(%arg15 : memref<32x128xf32, #tpu.memory_space<vmem>>) target(%dma_start3A_318 : memref<10240x128xf32, #tpu.memory_space<vmem_shared>>) offsets(%dma_start3A_315 : memref<32xi32, #tpu.memory_space<vmem>>) semaphore(%run_scoped3A : memref<!tpu.dma_semaphore, #tpu.memory_space<semaphore_mem>>) {add = true}
          %dma_wait3A_319 = arith.constant 0 : i32
          %dma_wait3A_320 = tpu.memref_slice %arg8[%add3A_278, %dma_wait3A_319] : memref<64x32xi32, #tpu.memory_space<vmem>> -> memref<1x32xi32, #tpu.memory_space<vmem>>
          %dma_wait3A_321 = tpu.memref_squeeze %dma_wait3A_320 : memref<1x32xi32, #tpu.memory_space<vmem>> -> memref<32xi32, #tpu.memory_space<vmem>>
          %dma_wait3A_322 = arith.constant 0 : i32
          %dma_wait3A_323 = arith.constant 0 : i32
          %dma_wait3A_324 = tpu.memref_slice %arg6[%dma_wait3A_322, %dma_wait3A_323] : memref<10240x128xf32, #tpu.memory_space<vmem_shared>> -> memref<10240x128xf32, #tpu.memory_space<vmem_shared>>
          tpu.wait_indirect_dma semaphore(%run_scoped3A : memref<!tpu.dma_semaphore, #tpu.memory_space<semaphore_mem>>) src(%arg15 : memref<32x128xf32, #tpu.memory_space<vmem>>) dst(%dma_wait3A_324 : memref<10240x128xf32, #tpu.memory_space<vmem_shared>>)
          tpu.yield
        }) : () -> ()
        %add3A_285 = arith.constant 8 : i32
        %add3A_286 = arith.addi %add3A_278, %add3A_285 : i32
        %sub3A_287 = arith.constant 1 : i32
        %sub3A_288 = arith.subi %add3A_286, %sub3A_287 : i32
        %lt3A_289 = arith.constant 64 : i32
        %lt3A_290 = arith.cmpi slt, %sub3A_288, %lt3A_289 : i32
        %convert_element_type3A_291 = arith.extui %lt3A_290 : i1 to i32
        %cond3A_292 = arith.constant 0 : i32
        %cond3A_293 = arith.cmpi ne, %convert_element_type3A_291, %cond3A_292 : i32
        scf.if %cond3A_293 {
          %add3A_313 = arith.constant 8 : i32
          %add3A_314 = arith.addi %add3A_278, %add3A_313 : i32
          %sub3A_315 = arith.constant 1 : i32
          %sub3A_316 = arith.subi %add3A_314, %sub3A_315 : i32
          %dma_start3A_317 = arith.constant 0 : i32
          %dma_start3A_318 = tpu.memref_slice %arg7[%sub3A_316, %dma_start3A_317] : memref<64x32xi32, #tpu.memory_space<vmem>> -> memref<1x32xi32, #tpu.memory_space<vmem>>
          %dma_start3A_319 = tpu.memref_squeeze %dma_start3A_318 : memref<1x32xi32, #tpu.memory_space<vmem>> -> memref<32xi32, #tpu.memory_space<vmem>>
          %dma_start3A_320 = arith.constant 0 : i32
          %dma_start3A_321 = arith.constant 0 : i32
          %dma_start3A_322 = tpu.memref_slice %arg2[%dma_start3A_320, %dma_start3A_321] : memref<10240x128xf32, #tpu.memory_space<hbm>> -> memref<10240x128xf32, #tpu.memory_space<hbm>>
          tpu.enqueue_indirect_dma source(%dma_start3A_322 : memref<10240x128xf32, #tpu.memory_space<hbm>>) target(%arg14 : memref<32x128xf32, #tpu.memory_space<vmem>>) offsets(%dma_start3A_319 : memref<32xi32, #tpu.memory_space<vmem>>) semaphore(%arg22 : memref<!tpu.dma_semaphore, #tpu.memory_space<semaphore_mem>>)
        } else {
        }
        %mul3A_294 = arith.constant 8 : i32
        %mul3A_295 = arith.muli %mul3A_294, %scan3A_165 : i32
        %add3A_296 = arith.constant 7 : i32
        %add3A_297 = arith.addi %mul3A_295, %add3A_296 : i32
        %dma_wait3A_298 = arith.constant 0 : i32
        %dma_wait3A_299 = tpu.memref_slice %arg7[%add3A_297, %dma_wait3A_298] : memref<64x32xi32, #tpu.memory_space<vmem>> -> memref<1x32xi32, #tpu.memory_space<vmem>>
        %dma_wait3A_300 = tpu.memref_squeeze %dma_wait3A_299 : memref<1x32xi32, #tpu.memory_space<vmem>> -> memref<32xi32, #tpu.memory_space<vmem>>
        %dma_wait3A_301 = arith.constant 0 : i32
        %dma_wait3A_302 = arith.constant 0 : i32
        %dma_wait3A_303 = tpu.memref_slice %arg2[%dma_wait3A_301, %dma_wait3A_302] : memref<10240x128xf32, #tpu.memory_space<hbm>> -> memref<10240x128xf32, #tpu.memory_space<hbm>>
        tpu.wait_indirect_dma semaphore(%arg24 : memref<!tpu.dma_semaphore, #tpu.memory_space<semaphore_mem>>) src(%dma_wait3A_303 : memref<10240x128xf32, #tpu.memory_space<hbm>>) dst(%arg16 : memref<32x128xf32, #tpu.memory_space<vmem>>)
        "tpu.region"() ({
          %run_scoped3A = tpu.sem_alloc : memref<!tpu.dma_semaphore, #tpu.memory_space<semaphore_mem>>
          %dma_start3A_313 = arith.constant 0 : i32
          %dma_start3A_314 = tpu.memref_slice %arg8[%add3A_297, %dma_start3A_313] : memref<64x32xi32, #tpu.memory_space<vmem>> -> memref<1x32xi32, #tpu.memory_space<vmem>>
          %dma_start3A_315 = tpu.memref_squeeze %dma_start3A_314 : memref<1x32xi32, #tpu.memory_space<vmem>> -> memref<32xi32, #tpu.memory_space<vmem>>
          %dma_start3A_316 = arith.constant 0 : i32
          %dma_start3A_317 = arith.constant 0 : i32
          %dma_start3A_318 = tpu.memref_slice %arg6[%dma_start3A_316, %dma_start3A_317] : memref<10240x128xf32, #tpu.memory_space<vmem_shared>> -> memref<10240x128xf32, #tpu.memory_space<vmem_shared>>
          tpu.enqueue_indirect_dma source(%arg16 : memref<32x128xf32, #tpu.memory_space<vmem>>) target(%dma_start3A_318 : memref<10240x128xf32, #tpu.memory_space<vmem_shared>>) offsets(%dma_start3A_315 : memref<32xi32, #tpu.memory_space<vmem>>) semaphore(%run_scoped3A : memref<!tpu.dma_semaphore, #tpu.memory_space<semaphore_mem>>) {add = true}
          %dma_wait3A_319 = arith.constant 0 : i32
          %dma_wait3A_320 = tpu.memref_slice %arg8[%add3A_297, %dma_wait3A_319] : memref<64x32xi32, #tpu.memory_space<vmem>> -> memref<1x32xi32, #tpu.memory_space<vmem>>
          %dma_wait3A_321 = tpu.memref_squeeze %dma_wait3A_320 : memref<1x32xi32, #tpu.memory_space<vmem>> -> memref<32xi32, #tpu.memory_space<vmem>>
          %dma_wait3A_322 = arith.constant 0 : i32
          %dma_wait3A_323 = arith.constant 0 : i32
          %dma_wait3A_324 = tpu.memref_slice %arg6[%dma_wait3A_322, %dma_wait3A_323] : memref<10240x128xf32, #tpu.memory_space<vmem_shared>> -> memref<10240x128xf32, #tpu.memory_space<vmem_shared>>
          tpu.wait_indirect_dma semaphore(%run_scoped3A : memref<!tpu.dma_semaphore, #tpu.memory_space<semaphore_mem>>) src(%arg16 : memref<32x128xf32, #tpu.memory_space<vmem>>) dst(%dma_wait3A_324 : memref<10240x128xf32, #tpu.memory_space<vmem_shared>>)
          tpu.yield
        }) : () -> ()
        %add3A_304 = arith.constant 8 : i32
        %add3A_305 = arith.addi %add3A_297, %add3A_304 : i32
        %sub3A_306 = arith.constant 1 : i32
        %sub3A_307 = arith.subi %add3A_305, %sub3A_306 : i32
        %lt3A_308 = arith.constant 64 : i32
        %lt3A_309 = arith.cmpi slt, %sub3A_307, %lt3A_308 : i32
        %convert_element_type3A_310 = arith.extui %lt3A_309 : i1 to i32
        %cond3A_311 = arith.constant 0 : i32
        %cond3A_312 = arith.cmpi ne, %convert_element_type3A_310, %cond3A_311 : i32
        scf.if %cond3A_312 {
          %add3A_313 = arith.constant 8 : i32
          %add3A_314 = arith.addi %add3A_297, %add3A_313 : i32
          %sub3A_315 = arith.constant 1 : i32
          %sub3A_316 = arith.subi %add3A_314, %sub3A_315 : i32
          %dma_start3A_317 = arith.constant 0 : i32
          %dma_start3A_318 = tpu.memref_slice %arg7[%sub3A_316, %dma_start3A_317] : memref<64x32xi32, #tpu.memory_space<vmem>> -> memref<1x32xi32, #tpu.memory_space<vmem>>
          %dma_start3A_319 = tpu.memref_squeeze %dma_start3A_318 : memref<1x32xi32, #tpu.memory_space<vmem>> -> memref<32xi32, #tpu.memory_space<vmem>>
          %dma_start3A_320 = arith.constant 0 : i32
          %dma_start3A_321 = arith.constant 0 : i32
          %dma_start3A_322 = tpu.memref_slice %arg2[%dma_start3A_320, %dma_start3A_321] : memref<10240x128xf32, #tpu.memory_space<hbm>> -> memref<10240x128xf32, #tpu.memory_space<hbm>>
          tpu.enqueue_indirect_dma source(%dma_start3A_322 : memref<10240x128xf32, #tpu.memory_space<hbm>>) target(%arg15 : memref<32x128xf32, #tpu.memory_space<vmem>>) offsets(%dma_start3A_319 : memref<32xi32, #tpu.memory_space<vmem>>) semaphore(%arg23 : memref<!tpu.dma_semaphore, #tpu.memory_space<semaphore_mem>>)
        } else {
        }
      }
      %scan3A_164 = arith.constant 8 : i32
    }
    %while3A_103 = arith.constant 1 : i32
    scf.for %while3A_107 = %while3A_101 to %while3A_97 step %while3A_103  : i32 {
      %mul3A_108 = arith.constant 64 : i32
      %mul3A_109 = arith.muli %while3A_107, %mul3A_108 : i32
      %add3A_110 = arith.addi %select_n3A_94, %mul3A_109 : i32
      "tpu.region"() ({
        %run_scoped3A = tpu.sem_alloc : memref<!tpu.dma_semaphore, #tpu.memory_space<semaphore_mem>>
        %dma_start3A_165 = arith.constant 0 : i32
        %dma_start3A_166 = tpu.memref_slice %arg3[%add3A_110, %dma_start3A_165] : memref<10240x32xi32, #tpu.memory_space<hbm>> -> memref<64x32xi32, #tpu.memory_space<hbm>>
        %dma_start3A_167 = arith.constant 0 : i32
        %dma_start3A_168 = tpu.memref_slice %arg3[%add3A_110, %dma_start3A_167] : memref<10240x32xi32, #tpu.memory_space<hbm>> -> memref<64x32xi32, #tpu.memory_space<hbm>>
        tpu.enqueue_dma source(%dma_start3A_168 : memref<64x32xi32, #tpu.memory_space<hbm>>) target(%arg7 : memref<64x32xi32, #tpu.memory_space<vmem>>) target_semaphore(%run_scoped3A : memref<!tpu.dma_semaphore, #tpu.memory_space<semaphore_mem>>)
        %dma_wait3A = arith.constant 0 : i32
        %dma_wait3A_169 = tpu.memref_slice %arg3[%add3A_110, %dma_wait3A] : memref<10240x32xi32, #tpu.memory_space<hbm>> -> memref<64x32xi32, #tpu.memory_space<hbm>>
        %dma_wait3A_170 = arith.constant 0 : i32
        %dma_wait3A_171 = tpu.memref_slice %arg3[%add3A_110, %dma_wait3A_170] : memref<10240x32xi32, #tpu.memory_space<hbm>> -> memref<64x32xi32, #tpu.memory_space<hbm>>
        tpu.wait_dma2 semaphore(%run_scoped3A : memref<!tpu.dma_semaphore, #tpu.memory_space<semaphore_mem>>) src(%dma_wait3A_171 : memref<64x32xi32, #tpu.memory_space<hbm>>) dst(%arg7 : memref<64x32xi32, #tpu.memory_space<vmem>>)
        tpu.yield
      }) : () -> ()
      "tpu.region"() ({
        %run_scoped3A = tpu.sem_alloc : memref<!tpu.dma_semaphore, #tpu.memory_space<semaphore_mem>>
        %dma_start3A_165 = arith.constant 0 : i32
        %dma_start3A_166 = tpu.memref_slice %arg4[%add3A_110, %dma_start3A_165] : memref<10240x32xi32, #tpu.memory_space<hbm>> -> memref<64x32xi32, #tpu.memory_space<hbm>>
        %dma_start3A_167 = arith.constant 0 : i32
        %dma_start3A_168 = tpu.memref_slice %arg4[%add3A_110, %dma_start3A_167] : memref<10240x32xi32, #tpu.memory_space<hbm>> -> memref<64x32xi32, #tpu.memory_space<hbm>>
        tpu.enqueue_dma source(%dma_start3A_168 : memref<64x32xi32, #tpu.memory_space<hbm>>) target(%arg8 : memref<64x32xi32, #tpu.memory_space<vmem>>) target_semaphore(%run_scoped3A : memref<!tpu.dma_semaphore, #tpu.memory_space<semaphore_mem>>)
        %dma_wait3A = arith.constant 0 : i32
        %dma_wait3A_169 = tpu.memref_slice %arg4[%add3A_110, %dma_wait3A] : memref<10240x32xi32, #tpu.memory_space<hbm>> -> memref<64x32xi32, #tpu.memory_space<hbm>>
        %dma_wait3A_170 = arith.constant 0 : i32
        %dma_wait3A_171 = tpu.memref_slice %arg4[%add3A_110, %dma_wait3A_170] : memref<10240x32xi32, #tpu.memory_space<hbm>> -> memref<64x32xi32, #tpu.memory_space<hbm>>
        tpu.wait_dma2 semaphore(%run_scoped3A : memref<!tpu.dma_semaphore, #tpu.memory_space<semaphore_mem>>) src(%dma_wait3A_171 : memref<64x32xi32, #tpu.memory_space<hbm>>) dst(%arg8 : memref<64x32xi32, #tpu.memory_space<vmem>>)
        tpu.yield
      }) : () -> ()
      %dma_start3A = arith.constant 0 : i32
      %dma_start3A_111 = arith.constant 0 : i32
      %dma_start3A_112 = tpu.memref_slice %arg7[%dma_start3A, %dma_start3A_111] : memref<64x32xi32, #tpu.memory_space<vmem>> -> memref<1x32xi32, #tpu.memory_space<vmem>>
      %dma_start3A_113 = tpu.memref_squeeze %dma_start3A_112 : memref<1x32xi32, #tpu.memory_space<vmem>> -> memref<32xi32, #tpu.memory_space<vmem>>
      %dma_start3A_114 = arith.constant 0 : i32
      %dma_start3A_115 = arith.constant 0 : i32
      %dma_start3A_116 = tpu.memref_slice %arg2[%dma_start3A_114, %dma_start3A_115] : memref<10240x128xf32, #tpu.memory_space<hbm>> -> memref<10240x128xf32, #tpu.memory_space<hbm>>
      tpu.enqueue_indirect_dma source(%dma_start3A_116 : memref<10240x128xf32, #tpu.memory_space<hbm>>) target(%arg9 : memref<32x128xf32, #tpu.memory_space<vmem>>) offsets(%dma_start3A_113 : memref<32xi32, #tpu.memory_space<vmem>>) semaphore(%arg17 : memref<!tpu.dma_semaphore, #tpu.memory_space<semaphore_mem>>)
      %dma_start3A_117 = arith.constant 1 : i32
      %dma_start3A_118 = arith.constant 0 : i32
      %dma_start3A_119 = tpu.memref_slice %arg7[%dma_start3A_117, %dma_start3A_118] : memref<64x32xi32, #tpu.memory_space<vmem>> -> memref<1x32xi32, #tpu.memory_space<vmem>>
      %dma_start3A_120 = tpu.memref_squeeze %dma_start3A_119 : memref<1x32xi32, #tpu.memory_space<vmem>> -> memref<32xi32, #tpu.memory_space<vmem>>
      %dma_start3A_121 = arith.constant 0 : i32
      %dma_start3A_122 = arith.constant 0 : i32
      %dma_start3A_123 = tpu.memref_slice %arg2[%dma_start3A_121, %dma_start3A_122] : memref<10240x128xf32, #tpu.memory_space<hbm>> -> memref<10240x128xf32, #tpu.memory_space<hbm>>
      tpu.enqueue_indirect_dma source(%dma_start3A_123 : memref<10240x128xf32, #tpu.memory_space<hbm>>) target(%arg10 : memref<32x128xf32, #tpu.memory_space<vmem>>) offsets(%dma_start3A_120 : memref<32xi32, #tpu.memory_space<vmem>>) semaphore(%arg18 : memref<!tpu.dma_semaphore, #tpu.memory_space<semaphore_mem>>)
      %dma_start3A_124 = arith.constant 2 : i32
      %dma_start3A_125 = arith.constant 0 : i32
      %dma_start3A_126 = tpu.memref_slice %arg7[%dma_start3A_124, %dma_start3A_125] : memref<64x32xi32, #tpu.memory_space<vmem>> -> memref<1x32xi32, #tpu.memory_space<vmem>>
      %dma_start3A_127 = tpu.memref_squeeze %dma_start3A_126 : memref<1x32xi32, #tpu.memory_space<vmem>> -> memref<32xi32, #tpu.memory_space<vmem>>
      %dma_start3A_128 = arith.constant 0 : i32
      %dma_start3A_129 = arith.constant 0 : i32
      %dma_start3A_130 = tpu.memref_slice %arg2[%dma_start3A_128, %dma_start3A_129] : memref<10240x128xf32, #tpu.memory_space<hbm>> -> memref<10240x128xf32, #tpu.memory_space<hbm>>
      tpu.enqueue_indirect_dma source(%dma_start3A_130 : memref<10240x128xf32, #tpu.memory_space<hbm>>) target(%arg11 : memref<32x128xf32, #tpu.memory_space<vmem>>) offsets(%dma_start3A_127 : memref<32xi32, #tpu.memory_space<vmem>>) semaphore(%arg19 : memref<!tpu.dma_semaphore, #tpu.memory_space<semaphore_mem>>)
      %dma_start3A_131 = arith.constant 3 : i32
      %dma_start3A_132 = arith.constant 0 : i32
      %dma_start3A_133 = tpu.memref_slice %arg7[%dma_start3A_131, %dma_start3A_132] : memref<64x32xi32, #tpu.memory_space<vmem>> -> memref<1x32xi32, #tpu.memory_space<vmem>>
      %dma_start3A_134 = tpu.memref_squeeze %dma_start3A_133 : memref<1x32xi32, #tpu.memory_space<vmem>> -> memref<32xi32, #tpu.memory_space<vmem>>
      %dma_start3A_135 = arith.constant 0 : i32
      %dma_start3A_136 = arith.constant 0 : i32
      %dma_start3A_137 = tpu.memref_slice %arg2[%dma_start3A_135, %dma_start3A_136] : memref<10240x128xf32, #tpu.memory_space<hbm>> -> memref<10240x128xf32, #tpu.memory_space<hbm>>
      tpu.enqueue_indirect_dma source(%dma_start3A_137 : memref<10240x128xf32, #tpu.memory_space<hbm>>) target(%arg12 : memref<32x128xf32, #tpu.memory_space<vmem>>) offsets(%dma_start3A_134 : memref<32xi32, #tpu.memory_space<vmem>>) semaphore(%arg20 : memref<!tpu.dma_semaphore, #tpu.memory_space<semaphore_mem>>)
      %dma_start3A_138 = arith.constant 4 : i32
      %dma_start3A_139 = arith.constant 0 : i32
      %dma_start3A_140 = tpu.memref_slice %arg7[%dma_start3A_138, %dma_start3A_139] : memref<64x32xi32, #tpu.memory_space<vmem>> -> memref<1x32xi32, #tpu.memory_space<vmem>>
      %dma_start3A_141 = tpu.memref_squeeze %dma_start3A_140 : memref<1x32xi32, #tpu.memory_space<vmem>> -> memref<32xi32, #tpu.memory_space<vmem>>
      %dma_start3A_142 = arith.constant 0 : i32
      %dma_start3A_143 = arith.constant 0 : i32
      %dma_start3A_144 = tpu.memref_slice %arg2[%dma_start3A_142, %dma_start3A_143] : memref<10240x128xf32, #tpu.memory_space<hbm>> -> memref<10240x128xf32, #tpu.memory_space<hbm>>
      tpu.enqueue_indirect_dma source(%dma_start3A_144 : memref<10240x128xf32, #tpu.memory_space<hbm>>) target(%arg13 : memref<32x128xf32, #tpu.memory_space<vmem>>) offsets(%dma_start3A_141 : memref<32xi32, #tpu.memory_space<vmem>>) semaphore(%arg21 : memref<!tpu.dma_semaphore, #tpu.memory_space<semaphore_mem>>)
      %dma_start3A_145 = arith.constant 5 : i32
      %dma_start3A_146 = arith.constant 0 : i32
      %dma_start3A_147 = tpu.memref_slice %arg7[%dma_start3A_145, %dma_start3A_146] : memref<64x32xi32, #tpu.memory_space<vmem>> -> memref<1x32xi32, #tpu.memory_space<vmem>>
      %dma_start3A_148 = tpu.memref_squeeze %dma_start3A_147 : memref<1x32xi32, #tpu.memory_space<vmem>> -> memref<32xi32, #tpu.memory_space<vmem>>
      %dma_start3A_149 = arith.constant 0 : i32
      %dma_start3A_150 = arith.constant 0 : i32
      %dma_start3A_151 = tpu.memref_slice %arg2[%dma_start3A_149, %dma_start3A_150] : memref<10240x128xf32, #tpu.memory_space<hbm>> -> memref<10240x128xf32, #tpu.memory_space<hbm>>
      tpu.enqueue_indirect_dma source(%dma_start3A_151 : memref<10240x128xf32, #tpu.memory_space<hbm>>) target(%arg14 : memref<32x128xf32, #tpu.memory_space<vmem>>) offsets(%dma_start3A_148 : memref<32xi32, #tpu.memory_space<vmem>>) semaphore(%arg22 : memref<!tpu.dma_semaphore, #tpu.memory_space<semaphore_mem>>)
      %dma_start3A_152 = arith.constant 6 : i32
      %dma_start3A_153 = arith.constant 0 : i32
      %dma_start3A_154 = tpu.memref_slice %arg7[%dma_start3A_152, %dma_start3A_153] : memref<64x32xi32, #tpu.memory_space<vmem>> -> memref<1x32xi32, #tpu.memory_space<vmem>>
      %dma_start3A_155 = tpu.memref_squeeze %dma_start3A_154 : memref<1x32xi32, #tpu.memory_space<vmem>> -> memref<32xi32, #tpu.memory_space<vmem>>
      %dma_start3A_156 = arith.constant 0 : i32
      %dma_start3A_157 = arith.constant 0 : i32
      %dma_start3A_158 = tpu.memref_slice %arg2[%dma_start3A_156, %dma_start3A_157] : memref<10240x128xf32, #tpu.memory_space<hbm>> -> memref<10240x128xf32, #tpu.memory_space<hbm>>
      tpu.enqueue_indirect_dma source(%dma_start3A_158 : memref<10240x128xf32, #tpu.memory_space<hbm>>) target(%arg15 : memref<32x128xf32, #tpu.memory_space<vmem>>) offsets(%dma_start3A_155 : memref<32xi32, #tpu.memory_space<vmem>>) semaphore(%arg23 : memref<!tpu.dma_semaphore, #tpu.memory_space<semaphore_mem>>)
      %scan3A_159 = arith.constant 0 : i32
      %scan3A_160 = arith.constant 0 : i32
      %scan3A_161 = arith.constant 8 : i32
      %scan3A_162 = arith.addi %scan3A_160, %scan3A_161 : i32
      %scan3A_163 = arith.constant 1 : i32
      scf.for %scan3A_165 = %scan3A_160 to %scan3A_162 step %scan3A_163  : i32 {
        %mul3A_166 = arith.constant 8 : i32
        %mul3A_167 = arith.muli %mul3A_166, %scan3A_165 : i32
        %add3A_168 = arith.constant 0 : i32
        %add3A_169 = arith.addi %mul3A_167, %add3A_168 : i32
        %dma_wait3A = arith.constant 0 : i32
        %dma_wait3A_170 = tpu.memref_slice %arg7[%add3A_169, %dma_wait3A] : memref<64x32xi32, #tpu.memory_space<vmem>> -> memref<1x32xi32, #tpu.memory_space<vmem>>
        %dma_wait3A_171 = tpu.memref_squeeze %dma_wait3A_170 : memref<1x32xi32, #tpu.memory_space<vmem>> -> memref<32xi32, #tpu.memory_space<vmem>>
        %dma_wait3A_172 = arith.constant 0 : i32
        %dma_wait3A_173 = arith.constant 0 : i32
        %dma_wait3A_174 = tpu.memref_slice %arg2[%dma_wait3A_172, %dma_wait3A_173] : memref<10240x128xf32, #tpu.memory_space<hbm>> -> memref<10240x128xf32, #tpu.memory_space<hbm>>
        tpu.wait_indirect_dma semaphore(%arg17 : memref<!tpu.dma_semaphore, #tpu.memory_space<semaphore_mem>>) src(%dma_wait3A_174 : memref<10240x128xf32, #tpu.memory_space<hbm>>) dst(%arg9 : memref<32x128xf32, #tpu.memory_space<vmem>>)
        "tpu.region"() ({
          %run_scoped3A = tpu.sem_alloc : memref<!tpu.dma_semaphore, #tpu.memory_space<semaphore_mem>>
          %dma_start3A_313 = arith.constant 0 : i32
          %dma_start3A_314 = tpu.memref_slice %arg8[%add3A_169, %dma_start3A_313] : memref<64x32xi32, #tpu.memory_space<vmem>> -> memref<1x32xi32, #tpu.memory_space<vmem>>
          %dma_start3A_315 = tpu.memref_squeeze %dma_start3A_314 : memref<1x32xi32, #tpu.memory_space<vmem>> -> memref<32xi32, #tpu.memory_space<vmem>>
          %dma_start3A_316 = arith.constant 0 : i32
          %dma_start3A_317 = arith.constant 0 : i32
          %dma_start3A_318 = tpu.memref_slice %arg6[%dma_start3A_316, %dma_start3A_317] : memref<10240x128xf32, #tpu.memory_space<vmem_shared>> -> memref<10240x128xf32, #tpu.memory_space<vmem_shared>>
          tpu.enqueue_indirect_dma source(%arg9 : memref<32x128xf32, #tpu.memory_space<vmem>>) target(%dma_start3A_318 : memref<10240x128xf32, #tpu.memory_space<vmem_shared>>) offsets(%dma_start3A_315 : memref<32xi32, #tpu.memory_space<vmem>>) semaphore(%run_scoped3A : memref<!tpu.dma_semaphore, #tpu.memory_space<semaphore_mem>>) {add = true}
          %dma_wait3A_319 = arith.constant 0 : i32
          %dma_wait3A_320 = tpu.memref_slice %arg8[%add3A_169, %dma_wait3A_319] : memref<64x32xi32, #tpu.memory_space<vmem>> -> memref<1x32xi32, #tpu.memory_space<vmem>>
          %dma_wait3A_321 = tpu.memref_squeeze %dma_wait3A_320 : memref<1x32xi32, #tpu.memory_space<vmem>> -> memref<32xi32, #tpu.memory_space<vmem>>
          %dma_wait3A_322 = arith.constant 0 : i32
          %dma_wait3A_323 = arith.constant 0 : i32
          %dma_wait3A_324 = tpu.memref_slice %arg6[%dma_wait3A_322, %dma_wait3A_323] : memref<10240x128xf32, #tpu.memory_space<vmem_shared>> -> memref<10240x128xf32, #tpu.memory_space<vmem_shared>>
          tpu.wait_indirect_dma semaphore(%run_scoped3A : memref<!tpu.dma_semaphore, #tpu.memory_space<semaphore_mem>>) src(%arg9 : memref<32x128xf32, #tpu.memory_space<vmem>>) dst(%dma_wait3A_324 : memref<10240x128xf32, #tpu.memory_space<vmem_shared>>)
          tpu.yield
        }) : () -> ()
        %add3A_175 = arith.constant 8 : i32
        %add3A_176 = arith.addi %add3A_169, %add3A_175 : i32
        %sub3A = arith.constant 1 : i32
        %sub3A_177 = arith.subi %add3A_176, %sub3A : i32
        %lt3A = arith.constant 64 : i32
        %lt3A_178 = arith.cmpi slt, %sub3A_177, %lt3A : i32
        %convert_element_type3A = arith.extui %lt3A_178 : i1 to i32
        %cond3A = arith.constant 0 : i32
        %cond3A_179 = arith.cmpi ne, %convert_element_type3A, %cond3A : i32
        scf.if %cond3A_179 {
          %add3A_313 = arith.constant 8 : i32
          %add3A_314 = arith.addi %add3A_169, %add3A_313 : i32
          %sub3A_315 = arith.constant 1 : i32
          %sub3A_316 = arith.subi %add3A_314, %sub3A_315 : i32
          %dma_start3A_317 = arith.constant 0 : i32
          %dma_start3A_318 = tpu.memref_slice %arg7[%sub3A_316, %dma_start3A_317] : memref<64x32xi32, #tpu.memory_space<vmem>> -> memref<1x32xi32, #tpu.memory_space<vmem>>
          %dma_start3A_319 = tpu.memref_squeeze %dma_start3A_318 : memref<1x32xi32, #tpu.memory_space<vmem>> -> memref<32xi32, #tpu.memory_space<vmem>>
          %dma_start3A_320 = arith.constant 0 : i32
          %dma_start3A_321 = arith.constant 0 : i32
          %dma_start3A_322 = tpu.memref_slice %arg2[%dma_start3A_320, %dma_start3A_321] : memref<10240x128xf32, #tpu.memory_space<hbm>> -> memref<10240x128xf32, #tpu.memory_space<hbm>>
          tpu.enqueue_indirect_dma source(%dma_start3A_322 : memref<10240x128xf32, #tpu.memory_space<hbm>>) target(%arg16 : memref<32x128xf32, #tpu.memory_space<vmem>>) offsets(%dma_start3A_319 : memref<32xi32, #tpu.memory_space<vmem>>) semaphore(%arg24 : memref<!tpu.dma_semaphore, #tpu.memory_space<semaphore_mem>>)
        } else {
        }
        %mul3A_180 = arith.constant 8 : i32
        %mul3A_181 = arith.muli %mul3A_180, %scan3A_165 : i32
        %add3A_182 = arith.constant 1 : i32
        %add3A_183 = arith.addi %mul3A_181, %add3A_182 : i32
        %dma_wait3A_184 = arith.constant 0 : i32
        %dma_wait3A_185 = tpu.memref_slice %arg7[%add3A_183, %dma_wait3A_184] : memref<64x32xi32, #tpu.memory_space<vmem>> -> memref<1x32xi32, #tpu.memory_space<vmem>>
        %dma_wait3A_186 = tpu.memref_squeeze %dma_wait3A_185 : memref<1x32xi32, #tpu.memory_space<vmem>> -> memref<32xi32, #tpu.memory_space<vmem>>
        %dma_wait3A_187 = arith.constant 0 : i32
        %dma_wait3A_188 = arith.constant 0 : i32
        %dma_wait3A_189 = tpu.memref_slice %arg2[%dma_wait3A_187, %dma_wait3A_188] : memref<10240x128xf32, #tpu.memory_space<hbm>> -> memref<10240x128xf32, #tpu.memory_space<hbm>>
        tpu.wait_indirect_dma semaphore(%arg18 : memref<!tpu.dma_semaphore, #tpu.memory_space<semaphore_mem>>) src(%dma_wait3A_189 : memref<10240x128xf32, #tpu.memory_space<hbm>>) dst(%arg10 : memref<32x128xf32, #tpu.memory_space<vmem>>)
        "tpu.region"() ({
          %run_scoped3A = tpu.sem_alloc : memref<!tpu.dma_semaphore, #tpu.memory_space<semaphore_mem>>
          %dma_start3A_313 = arith.constant 0 : i32
          %dma_start3A_314 = tpu.memref_slice %arg8[%add3A_183, %dma_start3A_313] : memref<64x32xi32, #tpu.memory_space<vmem>> -> memref<1x32xi32, #tpu.memory_space<vmem>>
          %dma_start3A_315 = tpu.memref_squeeze %dma_start3A_314 : memref<1x32xi32, #tpu.memory_space<vmem>> -> memref<32xi32, #tpu.memory_space<vmem>>
          %dma_start3A_316 = arith.constant 0 : i32
          %dma_start3A_317 = arith.constant 0 : i32
          %dma_start3A_318 = tpu.memref_slice %arg6[%dma_start3A_316, %dma_start3A_317] : memref<10240x128xf32, #tpu.memory_space<vmem_shared>> -> memref<10240x128xf32, #tpu.memory_space<vmem_shared>>
          tpu.enqueue_indirect_dma source(%arg10 : memref<32x128xf32, #tpu.memory_space<vmem>>) target(%dma_start3A_318 : memref<10240x128xf32, #tpu.memory_space<vmem_shared>>) offsets(%dma_start3A_315 : memref<32xi32, #tpu.memory_space<vmem>>) semaphore(%run_scoped3A : memref<!tpu.dma_semaphore, #tpu.memory_space<semaphore_mem>>) {add = true}
          %dma_wait3A_319 = arith.constant 0 : i32
          %dma_wait3A_320 = tpu.memref_slice %arg8[%add3A_183, %dma_wait3A_319] : memref<64x32xi32, #tpu.memory_space<vmem>> -> memref<1x32xi32, #tpu.memory_space<vmem>>
          %dma_wait3A_321 = tpu.memref_squeeze %dma_wait3A_320 : memref<1x32xi32, #tpu.memory_space<vmem>> -> memref<32xi32, #tpu.memory_space<vmem>>
          %dma_wait3A_322 = arith.constant 0 : i32
          %dma_wait3A_323 = arith.constant 0 : i32
          %dma_wait3A_324 = tpu.memref_slice %arg6[%dma_wait3A_322, %dma_wait3A_323] : memref<10240x128xf32, #tpu.memory_space<vmem_shared>> -> memref<10240x128xf32, #tpu.memory_space<vmem_shared>>
          tpu.wait_indirect_dma semaphore(%run_scoped3A : memref<!tpu.dma_semaphore, #tpu.memory_space<semaphore_mem>>) src(%arg10 : memref<32x128xf32, #tpu.memory_space<vmem>>) dst(%dma_wait3A_324 : memref<10240x128xf32, #tpu.memory_space<vmem_shared>>)
          tpu.yield
        }) : () -> ()
        %add3A_190 = arith.constant 8 : i32
        %add3A_191 = arith.addi %add3A_183, %add3A_190 : i32
        %sub3A_192 = arith.constant 1 : i32
        %sub3A_193 = arith.subi %add3A_191, %sub3A_192 : i32
        %lt3A_194 = arith.constant 64 : i32
        %lt3A_195 = arith.cmpi slt, %sub3A_193, %lt3A_194 : i32
        %convert_element_type3A_196 = arith.extui %lt3A_195 : i1 to i32
        %cond3A_197 = arith.constant 0 : i32
        %cond3A_198 = arith.cmpi ne, %convert_element_type3A_196, %cond3A_197 : i32
        scf.if %cond3A_198 {
          %add3A_313 = arith.constant 8 : i32
          %add3A_314 = arith.addi %add3A_183, %add3A_313 : i32
          %sub3A_315 = arith.constant 1 : i32
          %sub3A_316 = arith.subi %add3A_314, %sub3A_315 : i32
          %dma_start3A_317 = arith.constant 0 : i32
          %dma_start3A_318 = tpu.memref_slice %arg7[%sub3A_316, %dma_start3A_317] : memref<64x32xi32, #tpu.memory_space<vmem>> -> memref<1x32xi32, #tpu.memory_space<vmem>>
          %dma_start3A_319 = tpu.memref_squeeze %dma_start3A_318 : memref<1x32xi32, #tpu.memory_space<vmem>> -> memref<32xi32, #tpu.memory_space<vmem>>
          %dma_start3A_320 = arith.constant 0 : i32
          %dma_start3A_321 = arith.constant 0 : i32
          %dma_start3A_322 = tpu.memref_slice %arg2[%dma_start3A_320, %dma_start3A_321] : memref<10240x128xf32, #tpu.memory_space<hbm>> -> memref<10240x128xf32, #tpu.memory_space<hbm>>
          tpu.enqueue_indirect_dma source(%dma_start3A_322 : memref<10240x128xf32, #tpu.memory_space<hbm>>) target(%arg9 : memref<32x128xf32, #tpu.memory_space<vmem>>) offsets(%dma_start3A_319 : memref<32xi32, #tpu.memory_space<vmem>>) semaphore(%arg17 : memref<!tpu.dma_semaphore, #tpu.memory_space<semaphore_mem>>)
        } else {
        }
        %mul3A_199 = arith.constant 8 : i32
        %mul3A_200 = arith.muli %mul3A_199, %scan3A_165 : i32
        %add3A_201 = arith.constant 2 : i32
        %add3A_202 = arith.addi %mul3A_200, %add3A_201 : i32
        %dma_wait3A_203 = arith.constant 0 : i32
        %dma_wait3A_204 = tpu.memref_slice %arg7[%add3A_202, %dma_wait3A_203] : memref<64x32xi32, #tpu.memory_space<vmem>> -> memref<1x32xi32, #tpu.memory_space<vmem>>
        %dma_wait3A_205 = tpu.memref_squeeze %dma_wait3A_204 : memref<1x32xi32, #tpu.memory_space<vmem>> -> memref<32xi32, #tpu.memory_space<vmem>>
        %dma_wait3A_206 = arith.constant 0 : i32
        %dma_wait3A_207 = arith.constant 0 : i32
        %dma_wait3A_208 = tpu.memref_slice %arg2[%dma_wait3A_206, %dma_wait3A_207] : memref<10240x128xf32, #tpu.memory_space<hbm>> -> memref<10240x128xf32, #tpu.memory_space<hbm>>
        tpu.wait_indirect_dma semaphore(%arg19 : memref<!tpu.dma_semaphore, #tpu.memory_space<semaphore_mem>>) src(%dma_wait3A_208 : memref<10240x128xf32, #tpu.memory_space<hbm>>) dst(%arg11 : memref<32x128xf32, #tpu.memory_space<vmem>>)
        "tpu.region"() ({
          %run_scoped3A = tpu.sem_alloc : memref<!tpu.dma_semaphore, #tpu.memory_space<semaphore_mem>>
          %dma_start3A_313 = arith.constant 0 : i32
          %dma_start3A_314 = tpu.memref_slice %arg8[%add3A_202, %dma_start3A_313] : memref<64x32xi32, #tpu.memory_space<vmem>> -> memref<1x32xi32, #tpu.memory_space<vmem>>
          %dma_start3A_315 = tpu.memref_squeeze %dma_start3A_314 : memref<1x32xi32, #tpu.memory_space<vmem>> -> memref<32xi32, #tpu.memory_space<vmem>>
          %dma_start3A_316 = arith.constant 0 : i32
          %dma_start3A_317 = arith.constant 0 : i32
          %dma_start3A_318 = tpu.memref_slice %arg6[%dma_start3A_316, %dma_start3A_317] : memref<10240x128xf32, #tpu.memory_space<vmem_shared>> -> memref<10240x128xf32, #tpu.memory_space<vmem_shared>>
          tpu.enqueue_indirect_dma source(%arg11 : memref<32x128xf32, #tpu.memory_space<vmem>>) target(%dma_start3A_318 : memref<10240x128xf32, #tpu.memory_space<vmem_shared>>) offsets(%dma_start3A_315 : memref<32xi32, #tpu.memory_space<vmem>>) semaphore(%run_scoped3A : memref<!tpu.dma_semaphore, #tpu.memory_space<semaphore_mem>>) {add = true}
          %dma_wait3A_319 = arith.constant 0 : i32
          %dma_wait3A_320 = tpu.memref_slice %arg8[%add3A_202, %dma_wait3A_319] : memref<64x32xi32, #tpu.memory_space<vmem>> -> memref<1x32xi32, #tpu.memory_space<vmem>>
          %dma_wait3A_321 = tpu.memref_squeeze %dma_wait3A_320 : memref<1x32xi32, #tpu.memory_space<vmem>> -> memref<32xi32, #tpu.memory_space<vmem>>
          %dma_wait3A_322 = arith.constant 0 : i32
          %dma_wait3A_323 = arith.constant 0 : i32
          %dma_wait3A_324 = tpu.memref_slice %arg6[%dma_wait3A_322, %dma_wait3A_323] : memref<10240x128xf32, #tpu.memory_space<vmem_shared>> -> memref<10240x128xf32, #tpu.memory_space<vmem_shared>>
          tpu.wait_indirect_dma semaphore(%run_scoped3A : memref<!tpu.dma_semaphore, #tpu.memory_space<semaphore_mem>>) src(%arg11 : memref<32x128xf32, #tpu.memory_space<vmem>>) dst(%dma_wait3A_324 : memref<10240x128xf32, #tpu.memory_space<vmem_shared>>)
          tpu.yield
        }) : () -> ()
        %add3A_209 = arith.constant 8 : i32
        %add3A_210 = arith.addi %add3A_202, %add3A_209 : i32
        %sub3A_211 = arith.constant 1 : i32
        %sub3A_212 = arith.subi %add3A_210, %sub3A_211 : i32
        %lt3A_213 = arith.constant 64 : i32
        %lt3A_214 = arith.cmpi slt, %sub3A_212, %lt3A_213 : i32
        %convert_element_type3A_215 = arith.extui %lt3A_214 : i1 to i32
        %cond3A_216 = arith.constant 0 : i32
        %cond3A_217 = arith.cmpi ne, %convert_element_type3A_215, %cond3A_216 : i32
        scf.if %cond3A_217 {
          %add3A_313 = arith.constant 8 : i32
          %add3A_314 = arith.addi %add3A_202, %add3A_313 : i32
          %sub3A_315 = arith.constant 1 : i32
          %sub3A_316 = arith.subi %add3A_314, %sub3A_315 : i32
          %dma_start3A_317 = arith.constant 0 : i32
          %dma_start3A_318 = tpu.memref_slice %arg7[%sub3A_316, %dma_start3A_317] : memref<64x32xi32, #tpu.memory_space<vmem>> -> memref<1x32xi32, #tpu.memory_space<vmem>>
          %dma_start3A_319 = tpu.memref_squeeze %dma_start3A_318 : memref<1x32xi32, #tpu.memory_space<vmem>> -> memref<32xi32, #tpu.memory_space<vmem>>
          %dma_start3A_320 = arith.constant 0 : i32
          %dma_start3A_321 = arith.constant 0 : i32
          %dma_start3A_322 = tpu.memref_slice %arg2[%dma_start3A_320, %dma_start3A_321] : memref<10240x128xf32, #tpu.memory_space<hbm>> -> memref<10240x128xf32, #tpu.memory_space<hbm>>
          tpu.enqueue_indirect_dma source(%dma_start3A_322 : memref<10240x128xf32, #tpu.memory_space<hbm>>) target(%arg10 : memref<32x128xf32, #tpu.memory_space<vmem>>) offsets(%dma_start3A_319 : memref<32xi32, #tpu.memory_space<vmem>>) semaphore(%arg18 : memref<!tpu.dma_semaphore, #tpu.memory_space<semaphore_mem>>)
        } else {
        }
        %mul3A_218 = arith.constant 8 : i32
        %mul3A_219 = arith.muli %mul3A_218, %scan3A_165 : i32
        %add3A_220 = arith.constant 3 : i32
        %add3A_221 = arith.addi %mul3A_219, %add3A_220 : i32
        %dma_wait3A_222 = arith.constant 0 : i32
        %dma_wait3A_223 = tpu.memref_slice %arg7[%add3A_221, %dma_wait3A_222] : memref<64x32xi32, #tpu.memory_space<vmem>> -> memref<1x32xi32, #tpu.memory_space<vmem>>
        %dma_wait3A_224 = tpu.memref_squeeze %dma_wait3A_223 : memref<1x32xi32, #tpu.memory_space<vmem>> -> memref<32xi32, #tpu.memory_space<vmem>>
        %dma_wait3A_225 = arith.constant 0 : i32
        %dma_wait3A_226 = arith.constant 0 : i32
        %dma_wait3A_227 = tpu.memref_slice %arg2[%dma_wait3A_225, %dma_wait3A_226] : memref<10240x128xf32, #tpu.memory_space<hbm>> -> memref<10240x128xf32, #tpu.memory_space<hbm>>
        tpu.wait_indirect_dma semaphore(%arg20 : memref<!tpu.dma_semaphore, #tpu.memory_space<semaphore_mem>>) src(%dma_wait3A_227 : memref<10240x128xf32, #tpu.memory_space<hbm>>) dst(%arg12 : memref<32x128xf32, #tpu.memory_space<vmem>>)
        "tpu.region"() ({
          %run_scoped3A = tpu.sem_alloc : memref<!tpu.dma_semaphore, #tpu.memory_space<semaphore_mem>>
          %dma_start3A_313 = arith.constant 0 : i32
          %dma_start3A_314 = tpu.memref_slice %arg8[%add3A_221, %dma_start3A_313] : memref<64x32xi32, #tpu.memory_space<vmem>> -> memref<1x32xi32, #tpu.memory_space<vmem>>
          %dma_start3A_315 = tpu.memref_squeeze %dma_start3A_314 : memref<1x32xi32, #tpu.memory_space<vmem>> -> memref<32xi32, #tpu.memory_space<vmem>>
          %dma_start3A_316 = arith.constant 0 : i32
          %dma_start3A_317 = arith.constant 0 : i32
          %dma_start3A_318 = tpu.memref_slice %arg6[%dma_start3A_316, %dma_start3A_317] : memref<10240x128xf32, #tpu.memory_space<vmem_shared>> -> memref<10240x128xf32, #tpu.memory_space<vmem_shared>>
          tpu.enqueue_indirect_dma source(%arg12 : memref<32x128xf32, #tpu.memory_space<vmem>>) target(%dma_start3A_318 : memref<10240x128xf32, #tpu.memory_space<vmem_shared>>) offsets(%dma_start3A_315 : memref<32xi32, #tpu.memory_space<vmem>>) semaphore(%run_scoped3A : memref<!tpu.dma_semaphore, #tpu.memory_space<semaphore_mem>>) {add = true}
          %dma_wait3A_319 = arith.constant 0 : i32
          %dma_wait3A_320 = tpu.memref_slice %arg8[%add3A_221, %dma_wait3A_319] : memref<64x32xi32, #tpu.memory_space<vmem>> -> memref<1x32xi32, #tpu.memory_space<vmem>>
          %dma_wait3A_321 = tpu.memref_squeeze %dma_wait3A_320 : memref<1x32xi32, #tpu.memory_space<vmem>> -> memref<32xi32, #tpu.memory_space<vmem>>
          %dma_wait3A_322 = arith.constant 0 : i32
          %dma_wait3A_323 = arith.constant 0 : i32
          %dma_wait3A_324 = tpu.memref_slice %arg6[%dma_wait3A_322, %dma_wait3A_323] : memref<10240x128xf32, #tpu.memory_space<vmem_shared>> -> memref<10240x128xf32, #tpu.memory_space<vmem_shared>>
          tpu.wait_indirect_dma semaphore(%run_scoped3A : memref<!tpu.dma_semaphore, #tpu.memory_space<semaphore_mem>>) src(%arg12 : memref<32x128xf32, #tpu.memory_space<vmem>>) dst(%dma_wait3A_324 : memref<10240x128xf32, #tpu.memory_space<vmem_shared>>)
          tpu.yield
        }) : () -> ()
        %add3A_228 = arith.constant 8 : i32
        %add3A_229 = arith.addi %add3A_221, %add3A_228 : i32
        %sub3A_230 = arith.constant 1 : i32
        %sub3A_231 = arith.subi %add3A_229, %sub3A_230 : i32
        %lt3A_232 = arith.constant 64 : i32
        %lt3A_233 = arith.cmpi slt, %sub3A_231, %lt3A_232 : i32
        %convert_element_type3A_234 = arith.extui %lt3A_233 : i1 to i32
        %cond3A_235 = arith.constant 0 : i32
        %cond3A_236 = arith.cmpi ne, %convert_element_type3A_234, %cond3A_235 : i32
        scf.if %cond3A_236 {
          %add3A_313 = arith.constant 8 : i32
          %add3A_314 = arith.addi %add3A_221, %add3A_313 : i32
          %sub3A_315 = arith.constant 1 : i32
          %sub3A_316 = arith.subi %add3A_314, %sub3A_315 : i32
          %dma_start3A_317 = arith.constant 0 : i32
          %dma_start3A_318 = tpu.memref_slice %arg7[%sub3A_316, %dma_start3A_317] : memref<64x32xi32, #tpu.memory_space<vmem>> -> memref<1x32xi32, #tpu.memory_space<vmem>>
          %dma_start3A_319 = tpu.memref_squeeze %dma_start3A_318 : memref<1x32xi32, #tpu.memory_space<vmem>> -> memref<32xi32, #tpu.memory_space<vmem>>
          %dma_start3A_320 = arith.constant 0 : i32
          %dma_start3A_321 = arith.constant 0 : i32
          %dma_start3A_322 = tpu.memref_slice %arg2[%dma_start3A_320, %dma_start3A_321] : memref<10240x128xf32, #tpu.memory_space<hbm>> -> memref<10240x128xf32, #tpu.memory_space<hbm>>
          tpu.enqueue_indirect_dma source(%dma_start3A_322 : memref<10240x128xf32, #tpu.memory_space<hbm>>) target(%arg11 : memref<32x128xf32, #tpu.memory_space<vmem>>) offsets(%dma_start3A_319 : memref<32xi32, #tpu.memory_space<vmem>>) semaphore(%arg19 : memref<!tpu.dma_semaphore, #tpu.memory_space<semaphore_mem>>)
        } else {
        }
        %mul3A_237 = arith.constant 8 : i32
        %mul3A_238 = arith.muli %mul3A_237, %scan3A_165 : i32
        %add3A_239 = arith.constant 4 : i32
        %add3A_240 = arith.addi %mul3A_238, %add3A_239 : i32
        %dma_wait3A_241 = arith.constant 0 : i32
        %dma_wait3A_242 = tpu.memref_slice %arg7[%add3A_240, %dma_wait3A_241] : memref<64x32xi32, #tpu.memory_space<vmem>> -> memref<1x32xi32, #tpu.memory_space<vmem>>
        %dma_wait3A_243 = tpu.memref_squeeze %dma_wait3A_242 : memref<1x32xi32, #tpu.memory_space<vmem>> -> memref<32xi32, #tpu.memory_space<vmem>>
        %dma_wait3A_244 = arith.constant 0 : i32
        %dma_wait3A_245 = arith.constant 0 : i32
        %dma_wait3A_246 = tpu.memref_slice %arg2[%dma_wait3A_244, %dma_wait3A_245] : memref<10240x128xf32, #tpu.memory_space<hbm>> -> memref<10240x128xf32, #tpu.memory_space<hbm>>
        tpu.wait_indirect_dma semaphore(%arg21 : memref<!tpu.dma_semaphore, #tpu.memory_space<semaphore_mem>>) src(%dma_wait3A_246 : memref<10240x128xf32, #tpu.memory_space<hbm>>) dst(%arg13 : memref<32x128xf32, #tpu.memory_space<vmem>>)
        "tpu.region"() ({
          %run_scoped3A = tpu.sem_alloc : memref<!tpu.dma_semaphore, #tpu.memory_space<semaphore_mem>>
          %dma_start3A_313 = arith.constant 0 : i32
          %dma_start3A_314 = tpu.memref_slice %arg8[%add3A_240, %dma_start3A_313] : memref<64x32xi32, #tpu.memory_space<vmem>> -> memref<1x32xi32, #tpu.memory_space<vmem>>
          %dma_start3A_315 = tpu.memref_squeeze %dma_start3A_314 : memref<1x32xi32, #tpu.memory_space<vmem>> -> memref<32xi32, #tpu.memory_space<vmem>>
          %dma_start3A_316 = arith.constant 0 : i32
          %dma_start3A_317 = arith.constant 0 : i32
          %dma_start3A_318 = tpu.memref_slice %arg6[%dma_start3A_316, %dma_start3A_317] : memref<10240x128xf32, #tpu.memory_space<vmem_shared>> -> memref<10240x128xf32, #tpu.memory_space<vmem_shared>>
          tpu.enqueue_indirect_dma source(%arg13 : memref<32x128xf32, #tpu.memory_space<vmem>>) target(%dma_start3A_318 : memref<10240x128xf32, #tpu.memory_space<vmem_shared>>) offsets(%dma_start3A_315 : memref<32xi32, #tpu.memory_space<vmem>>) semaphore(%run_scoped3A : memref<!tpu.dma_semaphore, #tpu.memory_space<semaphore_mem>>) {add = true}
          %dma_wait3A_319 = arith.constant 0 : i32
          %dma_wait3A_320 = tpu.memref_slice %arg8[%add3A_240, %dma_wait3A_319] : memref<64x32xi32, #tpu.memory_space<vmem>> -> memref<1x32xi32, #tpu.memory_space<vmem>>
          %dma_wait3A_321 = tpu.memref_squeeze %dma_wait3A_320 : memref<1x32xi32, #tpu.memory_space<vmem>> -> memref<32xi32, #tpu.memory_space<vmem>>
          %dma_wait3A_322 = arith.constant 0 : i32
          %dma_wait3A_323 = arith.constant 0 : i32
          %dma_wait3A_324 = tpu.memref_slice %arg6[%dma_wait3A_322, %dma_wait3A_323] : memref<10240x128xf32, #tpu.memory_space<vmem_shared>> -> memref<10240x128xf32, #tpu.memory_space<vmem_shared>>
          tpu.wait_indirect_dma semaphore(%run_scoped3A : memref<!tpu.dma_semaphore, #tpu.memory_space<semaphore_mem>>) src(%arg13 : memref<32x128xf32, #tpu.memory_space<vmem>>) dst(%dma_wait3A_324 : memref<10240x128xf32, #tpu.memory_space<vmem_shared>>)
          tpu.yield
        }) : () -> ()
        %add3A_247 = arith.constant 8 : i32
        %add3A_248 = arith.addi %add3A_240, %add3A_247 : i32
        %sub3A_249 = arith.constant 1 : i32
        %sub3A_250 = arith.subi %add3A_248, %sub3A_249 : i32
        %lt3A_251 = arith.constant 64 : i32
        %lt3A_252 = arith.cmpi slt, %sub3A_250, %lt3A_251 : i32
        %convert_element_type3A_253 = arith.extui %lt3A_252 : i1 to i32
        %cond3A_254 = arith.constant 0 : i32
        %cond3A_255 = arith.cmpi ne, %convert_element_type3A_253, %cond3A_254 : i32
        scf.if %cond3A_255 {
          %add3A_313 = arith.constant 8 : i32
          %add3A_314 = arith.addi %add3A_240, %add3A_313 : i32
          %sub3A_315 = arith.constant 1 : i32
          %sub3A_316 = arith.subi %add3A_314, %sub3A_315 : i32
          %dma_start3A_317 = arith.constant 0 : i32
          %dma_start3A_318 = tpu.memref_slice %arg7[%sub3A_316, %dma_start3A_317] : memref<64x32xi32, #tpu.memory_space<vmem>> -> memref<1x32xi32, #tpu.memory_space<vmem>>
          %dma_start3A_319 = tpu.memref_squeeze %dma_start3A_318 : memref<1x32xi32, #tpu.memory_space<vmem>> -> memref<32xi32, #tpu.memory_space<vmem>>
          %dma_start3A_320 = arith.constant 0 : i32
          %dma_start3A_321 = arith.constant 0 : i32
          %dma_start3A_322 = tpu.memref_slice %arg2[%dma_start3A_320, %dma_start3A_321] : memref<10240x128xf32, #tpu.memory_space<hbm>> -> memref<10240x128xf32, #tpu.memory_space<hbm>>
          tpu.enqueue_indirect_dma source(%dma_start3A_322 : memref<10240x128xf32, #tpu.memory_space<hbm>>) target(%arg12 : memref<32x128xf32, #tpu.memory_space<vmem>>) offsets(%dma_start3A_319 : memref<32xi32, #tpu.memory_space<vmem>>) semaphore(%arg20 : memref<!tpu.dma_semaphore, #tpu.memory_space<semaphore_mem>>)
        } else {
        }
        %mul3A_256 = arith.constant 8 : i32
        %mul3A_257 = arith.muli %mul3A_256, %scan3A_165 : i32
        %add3A_258 = arith.constant 5 : i32
        %add3A_259 = arith.addi %mul3A_257, %add3A_258 : i32
        %dma_wait3A_260 = arith.constant 0 : i32
        %dma_wait3A_261 = tpu.memref_slice %arg7[%add3A_259, %dma_wait3A_260] : memref<64x32xi32, #tpu.memory_space<vmem>> -> memref<1x32xi32, #tpu.memory_space<vmem>>
        %dma_wait3A_262 = tpu.memref_squeeze %dma_wait3A_261 : memref<1x32xi32, #tpu.memory_space<vmem>> -> memref<32xi32, #tpu.memory_space<vmem>>
        %dma_wait3A_263 = arith.constant 0 : i32
        %dma_wait3A_264 = arith.constant 0 : i32
        %dma_wait3A_265 = tpu.memref_slice %arg2[%dma_wait3A_263, %dma_wait3A_264] : memref<10240x128xf32, #tpu.memory_space<hbm>> -> memref<10240x128xf32, #tpu.memory_space<hbm>>
        tpu.wait_indirect_dma semaphore(%arg22 : memref<!tpu.dma_semaphore, #tpu.memory_space<semaphore_mem>>) src(%dma_wait3A_265 : memref<10240x128xf32, #tpu.memory_space<hbm>>) dst(%arg14 : memref<32x128xf32, #tpu.memory_space<vmem>>)
        "tpu.region"() ({
          %run_scoped3A = tpu.sem_alloc : memref<!tpu.dma_semaphore, #tpu.memory_space<semaphore_mem>>
          %dma_start3A_313 = arith.constant 0 : i32
          %dma_start3A_314 = tpu.memref_slice %arg8[%add3A_259, %dma_start3A_313] : memref<64x32xi32, #tpu.memory_space<vmem>> -> memref<1x32xi32, #tpu.memory_space<vmem>>
          %dma_start3A_315 = tpu.memref_squeeze %dma_start3A_314 : memref<1x32xi32, #tpu.memory_space<vmem>> -> memref<32xi32, #tpu.memory_space<vmem>>
          %dma_start3A_316 = arith.constant 0 : i32
          %dma_start3A_317 = arith.constant 0 : i32
          %dma_start3A_318 = tpu.memref_slice %arg6[%dma_start3A_316, %dma_start3A_317] : memref<10240x128xf32, #tpu.memory_space<vmem_shared>> -> memref<10240x128xf32, #tpu.memory_space<vmem_shared>>
          tpu.enqueue_indirect_dma source(%arg14 : memref<32x128xf32, #tpu.memory_space<vmem>>) target(%dma_start3A_318 : memref<10240x128xf32, #tpu.memory_space<vmem_shared>>) offsets(%dma_start3A_315 : memref<32xi32, #tpu.memory_space<vmem>>) semaphore(%run_scoped3A : memref<!tpu.dma_semaphore, #tpu.memory_space<semaphore_mem>>) {add = true}
          %dma_wait3A_319 = arith.constant 0 : i32
          %dma_wait3A_320 = tpu.memref_slice %arg8[%add3A_259, %dma_wait3A_319] : memref<64x32xi32, #tpu.memory_space<vmem>> -> memref<1x32xi32, #tpu.memory_space<vmem>>
          %dma_wait3A_321 = tpu.memref_squeeze %dma_wait3A_320 : memref<1x32xi32, #tpu.memory_space<vmem>> -> memref<32xi32, #tpu.memory_space<vmem>>
          %dma_wait3A_322 = arith.constant 0 : i32
          %dma_wait3A_323 = arith.constant 0 : i32
          %dma_wait3A_324 = tpu.memref_slice %arg6[%dma_wait3A_322, %dma_wait3A_323] : memref<10240x128xf32, #tpu.memory_space<vmem_shared>> -> memref<10240x128xf32, #tpu.memory_space<vmem_shared>>
          tpu.wait_indirect_dma semaphore(%run_scoped3A : memref<!tpu.dma_semaphore, #tpu.memory_space<semaphore_mem>>) src(%arg14 : memref<32x128xf32, #tpu.memory_space<vmem>>) dst(%dma_wait3A_324 : memref<10240x128xf32, #tpu.memory_space<vmem_shared>>)
          tpu.yield
        }) : () -> ()
        %add3A_266 = arith.constant 8 : i32
        %add3A_267 = arith.addi %add3A_259, %add3A_266 : i32
        %sub3A_268 = arith.constant 1 : i32
        %sub3A_269 = arith.subi %add3A_267, %sub3A_268 : i32
        %lt3A_270 = arith.constant 64 : i32
        %lt3A_271 = arith.cmpi slt, %sub3A_269, %lt3A_270 : i32
        %convert_element_type3A_272 = arith.extui %lt3A_271 : i1 to i32
        %cond3A_273 = arith.constant 0 : i32
        %cond3A_274 = arith.cmpi ne, %convert_element_type3A_272, %cond3A_273 : i32
        scf.if %cond3A_274 {
          %add3A_313 = arith.constant 8 : i32
          %add3A_314 = arith.addi %add3A_259, %add3A_313 : i32
          %sub3A_315 = arith.constant 1 : i32
          %sub3A_316 = arith.subi %add3A_314, %sub3A_315 : i32
          %dma_start3A_317 = arith.constant 0 : i32
          %dma_start3A_318 = tpu.memref_slice %arg7[%sub3A_316, %dma_start3A_317] : memref<64x32xi32, #tpu.memory_space<vmem>> -> memref<1x32xi32, #tpu.memory_space<vmem>>
          %dma_start3A_319 = tpu.memref_squeeze %dma_start3A_318 : memref<1x32xi32, #tpu.memory_space<vmem>> -> memref<32xi32, #tpu.memory_space<vmem>>
          %dma_start3A_320 = arith.constant 0 : i32
          %dma_start3A_321 = arith.constant 0 : i32
          %dma_start3A_322 = tpu.memref_slice %arg2[%dma_start3A_320, %dma_start3A_321] : memref<10240x128xf32, #tpu.memory_space<hbm>> -> memref<10240x128xf32, #tpu.memory_space<hbm>>
          tpu.enqueue_indirect_dma source(%dma_start3A_322 : memref<10240x128xf32, #tpu.memory_space<hbm>>) target(%arg13 : memref<32x128xf32, #tpu.memory_space<vmem>>) offsets(%dma_start3A_319 : memref<32xi32, #tpu.memory_space<vmem>>) semaphore(%arg21 : memref<!tpu.dma_semaphore, #tpu.memory_space<semaphore_mem>>)
        } else {
        }
        %mul3A_275 = arith.constant 8 : i32
        %mul3A_276 = arith.muli %mul3A_275, %scan3A_165 : i32
        %add3A_277 = arith.constant 6 : i32
        %add3A_278 = arith.addi %mul3A_276, %add3A_277 : i32
        %dma_wait3A_279 = arith.constant 0 : i32
        %dma_wait3A_280 = tpu.memref_slice %arg7[%add3A_278, %dma_wait3A_279] : memref<64x32xi32, #tpu.memory_space<vmem>> -> memref<1x32xi32, #tpu.memory_space<vmem>>
        %dma_wait3A_281 = tpu.memref_squeeze %dma_wait3A_280 : memref<1x32xi32, #tpu.memory_space<vmem>> -> memref<32xi32, #tpu.memory_space<vmem>>
        %dma_wait3A_282 = arith.constant 0 : i32
        %dma_wait3A_283 = arith.constant 0 : i32
        %dma_wait3A_284 = tpu.memref_slice %arg2[%dma_wait3A_282, %dma_wait3A_283] : memref<10240x128xf32, #tpu.memory_space<hbm>> -> memref<10240x128xf32, #tpu.memory_space<hbm>>
        tpu.wait_indirect_dma semaphore(%arg23 : memref<!tpu.dma_semaphore, #tpu.memory_space<semaphore_mem>>) src(%dma_wait3A_284 : memref<10240x128xf32, #tpu.memory_space<hbm>>) dst(%arg15 : memref<32x128xf32, #tpu.memory_space<vmem>>)
        "tpu.region"() ({
          %run_scoped3A = tpu.sem_alloc : memref<!tpu.dma_semaphore, #tpu.memory_space<semaphore_mem>>
          %dma_start3A_313 = arith.constant 0 : i32
          %dma_start3A_314 = tpu.memref_slice %arg8[%add3A_278, %dma_start3A_313] : memref<64x32xi32, #tpu.memory_space<vmem>> -> memref<1x32xi32, #tpu.memory_space<vmem>>
          %dma_start3A_315 = tpu.memref_squeeze %dma_start3A_314 : memref<1x32xi32, #tpu.memory_space<vmem>> -> memref<32xi32, #tpu.memory_space<vmem>>
          %dma_start3A_316 = arith.constant 0 : i32
          %dma_start3A_317 = arith.constant 0 : i32
          %dma_start3A_318 = tpu.memref_slice %arg6[%dma_start3A_316, %dma_start3A_317] : memref<10240x128xf32, #tpu.memory_space<vmem_shared>> -> memref<10240x128xf32, #tpu.memory_space<vmem_shared>>
          tpu.enqueue_indirect_dma source(%arg15 : memref<32x128xf32, #tpu.memory_space<vmem>>) target(%dma_start3A_318 : memref<10240x128xf32, #tpu.memory_space<vmem_shared>>) offsets(%dma_start3A_315 : memref<32xi32, #tpu.memory_space<vmem>>) semaphore(%run_scoped3A : memref<!tpu.dma_semaphore, #tpu.memory_space<semaphore_mem>>) {add = true}
          %dma_wait3A_319 = arith.constant 0 : i32
          %dma_wait3A_320 = tpu.memref_slice %arg8[%add3A_278, %dma_wait3A_319] : memref<64x32xi32, #tpu.memory_space<vmem>> -> memref<1x32xi32, #tpu.memory_space<vmem>>
          %dma_wait3A_321 = tpu.memref_squeeze %dma_wait3A_320 : memref<1x32xi32, #tpu.memory_space<vmem>> -> memref<32xi32, #tpu.memory_space<vmem>>
          %dma_wait3A_322 = arith.constant 0 : i32
          %dma_wait3A_323 = arith.constant 0 : i32
          %dma_wait3A_324 = tpu.memref_slice %arg6[%dma_wait3A_322, %dma_wait3A_323] : memref<10240x128xf32, #tpu.memory_space<vmem_shared>> -> memref<10240x128xf32, #tpu.memory_space<vmem_shared>>
          tpu.wait_indirect_dma semaphore(%run_scoped3A : memref<!tpu.dma_semaphore, #tpu.memory_space<semaphore_mem>>) src(%arg15 : memref<32x128xf32, #tpu.memory_space<vmem>>) dst(%dma_wait3A_324 : memref<10240x128xf32, #tpu.memory_space<vmem_shared>>)
          tpu.yield
        }) : () -> ()
        %add3A_285 = arith.constant 8 : i32
        %add3A_286 = arith.addi %add3A_278, %add3A_285 : i32
        %sub3A_287 = arith.constant 1 : i32
        %sub3A_288 = arith.subi %add3A_286, %sub3A_287 : i32
        %lt3A_289 = arith.constant 64 : i32
        %lt3A_290 = arith.cmpi slt, %sub3A_288, %lt3A_289 : i32
        %convert_element_type3A_291 = arith.extui %lt3A_290 : i1 to i32
        %cond3A_292 = arith.constant 0 : i32
        %cond3A_293 = arith.cmpi ne, %convert_element_type3A_291, %cond3A_292 : i32
        scf.if %cond3A_293 {
          %add3A_313 = arith.constant 8 : i32
          %add3A_314 = arith.addi %add3A_278, %add3A_313 : i32
          %sub3A_315 = arith.constant 1 : i32
          %sub3A_316 = arith.subi %add3A_314, %sub3A_315 : i32
          %dma_start3A_317 = arith.constant 0 : i32
          %dma_start3A_318 = tpu.memref_slice %arg7[%sub3A_316, %dma_start3A_317] : memref<64x32xi32, #tpu.memory_space<vmem>> -> memref<1x32xi32, #tpu.memory_space<vmem>>
          %dma_start3A_319 = tpu.memref_squeeze %dma_start3A_318 : memref<1x32xi32, #tpu.memory_space<vmem>> -> memref<32xi32, #tpu.memory_space<vmem>>
          %dma_start3A_320 = arith.constant 0 : i32
          %dma_start3A_321 = arith.constant 0 : i32
          %dma_start3A_322 = tpu.memref_slice %arg2[%dma_start3A_320, %dma_start3A_321] : memref<10240x128xf32, #tpu.memory_space<hbm>> -> memref<10240x128xf32, #tpu.memory_space<hbm>>
          tpu.enqueue_indirect_dma source(%dma_start3A_322 : memref<10240x128xf32, #tpu.memory_space<hbm>>) target(%arg14 : memref<32x128xf32, #tpu.memory_space<vmem>>) offsets(%dma_start3A_319 : memref<32xi32, #tpu.memory_space<vmem>>) semaphore(%arg22 : memref<!tpu.dma_semaphore, #tpu.memory_space<semaphore_mem>>)
        } else {
        }
        %mul3A_294 = arith.constant 8 : i32
        %mul3A_295 = arith.muli %mul3A_294, %scan3A_165 : i32
        %add3A_296 = arith.constant 7 : i32
        %add3A_297 = arith.addi %mul3A_295, %add3A_296 : i32
        %dma_wait3A_298 = arith.constant 0 : i32
        %dma_wait3A_299 = tpu.memref_slice %arg7[%add3A_297, %dma_wait3A_298] : memref<64x32xi32, #tpu.memory_space<vmem>> -> memref<1x32xi32, #tpu.memory_space<vmem>>
        %dma_wait3A_300 = tpu.memref_squeeze %dma_wait3A_299 : memref<1x32xi32, #tpu.memory_space<vmem>> -> memref<32xi32, #tpu.memory_space<vmem>>
        %dma_wait3A_301 = arith.constant 0 : i32
        %dma_wait3A_302 = arith.constant 0 : i32
        %dma_wait3A_303 = tpu.memref_slice %arg2[%dma_wait3A_301, %dma_wait3A_302] : memref<10240x128xf32, #tpu.memory_space<hbm>> -> memref<10240x128xf32, #tpu.memory_space<hbm>>
        tpu.wait_indirect_dma semaphore(%arg24 : memref<!tpu.dma_semaphore, #tpu.memory_space<semaphore_mem>>) src(%dma_wait3A_303 : memref<10240x128xf32, #tpu.memory_space<hbm>>) dst(%arg16 : memref<32x128xf32, #tpu.memory_space<vmem>>)
        "tpu.region"() ({
          %run_scoped3A = tpu.sem_alloc : memref<!tpu.dma_semaphore, #tpu.memory_space<semaphore_mem>>
          %dma_start3A_313 = arith.constant 0 : i32
          %dma_start3A_314 = tpu.memref_slice %arg8[%add3A_297, %dma_start3A_313] : memref<64x32xi32, #tpu.memory_space<vmem>> -> memref<1x32xi32, #tpu.memory_space<vmem>>
          %dma_start3A_315 = tpu.memref_squeeze %dma_start3A_314 : memref<1x32xi32, #tpu.memory_space<vmem>> -> memref<32xi32, #tpu.memory_space<vmem>>
          %dma_start3A_316 = arith.constant 0 : i32
          %dma_start3A_317 = arith.constant 0 : i32
          %dma_start3A_318 = tpu.memref_slice %arg6[%dma_start3A_316, %dma_start3A_317] : memref<10240x128xf32, #tpu.memory_space<vmem_shared>> -> memref<10240x128xf32, #tpu.memory_space<vmem_shared>>
          tpu.enqueue_indirect_dma source(%arg16 : memref<32x128xf32, #tpu.memory_space<vmem>>) target(%dma_start3A_318 : memref<10240x128xf32, #tpu.memory_space<vmem_shared>>) offsets(%dma_start3A_315 : memref<32xi32, #tpu.memory_space<vmem>>) semaphore(%run_scoped3A : memref<!tpu.dma_semaphore, #tpu.memory_space<semaphore_mem>>) {add = true}
          %dma_wait3A_319 = arith.constant 0 : i32
          %dma_wait3A_320 = tpu.memref_slice %arg8[%add3A_297, %dma_wait3A_319] : memref<64x32xi32, #tpu.memory_space<vmem>> -> memref<1x32xi32, #tpu.memory_space<vmem>>
          %dma_wait3A_321 = tpu.memref_squeeze %dma_wait3A_320 : memref<1x32xi32, #tpu.memory_space<vmem>> -> memref<32xi32, #tpu.memory_space<vmem>>
          %dma_wait3A_322 = arith.constant 0 : i32
          %dma_wait3A_323 = arith.constant 0 : i32
          %dma_wait3A_324 = tpu.memref_slice %arg6[%dma_wait3A_322, %dma_wait3A_323] : memref<10240x128xf32, #tpu.memory_space<vmem_shared>> -> memref<10240x128xf32, #tpu.memory_space<vmem_shared>>
          tpu.wait_indirect_dma semaphore(%run_scoped3A : memref<!tpu.dma_semaphore, #tpu.memory_space<semaphore_mem>>) src(%arg16 : memref<32x128xf32, #tpu.memory_space<vmem>>) dst(%dma_wait3A_324 : memref<10240x128xf32, #tpu.memory_space<vmem_shared>>)
          tpu.yield
        }) : () -> ()
        %add3A_304 = arith.constant 8 : i32
        %add3A_305 = arith.addi %add3A_297, %add3A_304 : i32
        %sub3A_306 = arith.constant 1 : i32
        %sub3A_307 = arith.subi %add3A_305, %sub3A_306 : i32
        %lt3A_308 = arith.constant 64 : i32
        %lt3A_309 = arith.cmpi slt, %sub3A_307, %lt3A_308 : i32
        %convert_element_type3A_310 = arith.extui %lt3A_309 : i1 to i32
        %cond3A_311 = arith.constant 0 : i32
        %cond3A_312 = arith.cmpi ne, %convert_element_type3A_310, %cond3A_311 : i32
        scf.if %cond3A_312 {
          %add3A_313 = arith.constant 8 : i32
          %add3A_314 = arith.addi %add3A_297, %add3A_313 : i32
          %sub3A_315 = arith.constant 1 : i32
          %sub3A_316 = arith.subi %add3A_314, %sub3A_315 : i32
          %dma_start3A_317 = arith.constant 0 : i32
          %dma_start3A_318 = tpu.memref_slice %arg7[%sub3A_316, %dma_start3A_317] : memref<64x32xi32, #tpu.memory_space<vmem>> -> memref<1x32xi32, #tpu.memory_space<vmem>>
          %dma_start3A_319 = tpu.memref_squeeze %dma_start3A_318 : memref<1x32xi32, #tpu.memory_space<vmem>> -> memref<32xi32, #tpu.memory_space<vmem>>
          %dma_start3A_320 = arith.constant 0 : i32
          %dma_start3A_321 = arith.constant 0 : i32
          %dma_start3A_322 = tpu.memref_slice %arg2[%dma_start3A_320, %dma_start3A_321] : memref<10240x128xf32, #tpu.memory_space<hbm>> -> memref<10240x128xf32, #tpu.memory_space<hbm>>
          tpu.enqueue_indirect_dma source(%dma_start3A_322 : memref<10240x128xf32, #tpu.memory_space<hbm>>) target(%arg15 : memref<32x128xf32, #tpu.memory_space<vmem>>) offsets(%dma_start3A_319 : memref<32xi32, #tpu.memory_space<vmem>>) semaphore(%arg23 : memref<!tpu.dma_semaphore, #tpu.memory_space<semaphore_mem>>)
        } else {
        }
      }
      %scan3A_164 = arith.constant 8 : i32
    }
    %barrier3A_104 = arith.constant 0 : index
    tpu.barrier barrier_id(%barrier3A_104)
    %mul3A_105 = arith.constant 640 : i32
    %mul3A_106 = arith.muli %mul3A_105, %arg1 : i32
    "tpu.region"() ({
      %run_scoped3A = tpu.sem_alloc : memref<!tpu.dma_semaphore, #tpu.memory_space<semaphore_mem>>
      %dma_start3A = arith.constant 0 : i32
      %dma_start3A_107 = arith.constant 0 : i32
      %dma_start3A_108 = tpu.memref_slice %arg5[%arg0, %dma_start3A, %dma_start3A_107] : memref<2x10240x128xf32, #tpu.memory_space<hbm>> -> memref<1x10240x128xf32, #tpu.memory_space<hbm>>
      %dma_start3A_109 = tpu.memref_squeeze %dma_start3A_108 : memref<1x10240x128xf32, #tpu.memory_space<hbm>> -> memref<10240x128xf32, #tpu.memory_space<hbm>>
      %dma_start3A_110 = arith.constant 0 : i32
      %dma_start3A_111 = tpu.memref_slice %dma_start3A_109[%mul3A_106, %dma_start3A_110] : memref<10240x128xf32, #tpu.memory_space<hbm>> -> memref<640x128xf32, #tpu.memory_space<hbm>>
      %dma_start3A_112 = arith.constant 0 : i32
      %dma_start3A_113 = tpu.memref_slice %arg6[%mul3A_106, %dma_start3A_112] : memref<10240x128xf32, #tpu.memory_space<vmem_shared>> -> memref<640x128xf32, #tpu.memory_space<vmem_shared>>
      tpu.enqueue_dma source(%dma_start3A_113 : memref<640x128xf32, #tpu.memory_space<vmem_shared>>) target(%dma_start3A_111 : memref<640x128xf32, #tpu.memory_space<hbm>>) target_semaphore(%run_scoped3A : memref<!tpu.dma_semaphore, #tpu.memory_space<semaphore_mem>>)
      %dma_wait3A = arith.constant 0 : i32
      %dma_wait3A_114 = arith.constant 0 : i32
      %dma_wait3A_115 = tpu.memref_slice %arg5[%arg0, %dma_wait3A, %dma_wait3A_114] : memref<2x10240x128xf32, #tpu.memory_space<hbm>> -> memref<1x10240x128xf32, #tpu.memory_space<hbm>>
      %dma_wait3A_116 = tpu.memref_squeeze %dma_wait3A_115 : memref<1x10240x128xf32, #tpu.memory_space<hbm>> -> memref<10240x128xf32, #tpu.memory_space<hbm>>
      %dma_wait3A_117 = arith.constant 0 : i32
      %dma_wait3A_118 = tpu.memref_slice %dma_wait3A_116[%mul3A_106, %dma_wait3A_117] : memref<10240x128xf32, #tpu.memory_space<hbm>> -> memref<640x128xf32, #tpu.memory_space<hbm>>
      %dma_wait3A_119 = arith.constant 0 : i32
      %dma_wait3A_120 = tpu.memref_slice %arg6[%mul3A_106, %dma_wait3A_119] : memref<10240x128xf32, #tpu.memory_space<vmem_shared>> -> memref<640x128xf32, #tpu.memory_space<vmem_shared>>
      tpu.wait_dma2 semaphore(%run_scoped3A : memref<!tpu.dma_semaphore, #tpu.memory_space<semaphore_mem>>) src(%dma_wait3A_120 : memref<640x128xf32, #tpu.memory_space<vmem_shared>>) dst(%dma_wait3A_118 : memref<640x128xf32, #tpu.memory_space<hbm>>)
      tpu.yield
    }) : () -> ()
    return
  }
}

#map = affine_map<(d0, d1) -> (0, 0)>
#map1 = affine_map<(d0, d1) -> (0, 0, 0)>
module attributes {stable_mosaic.version = 14 : i64} {
  func.func @agg(%arg0: i32, %arg1: i32, %arg2: memref<10240x128xf32, #tpu.memory_space<hbm>>, %arg3: memref<10240x32xi32, #tpu.memory_space<hbm>>, %arg4: memref<10240x32xi32, #tpu.memory_space<hbm>>, %arg5: memref<2x10240x128xf32, #tpu.memory_space<hbm>>, %arg6: memref<10240x128xf32, #tpu.memory_space<vmem_shared>>, %arg7: memref<64x32xi32, #tpu.memory_space<vmem>>, %arg8: memref<64x32xi32, #tpu.memory_space<vmem>>, %arg9: memref<32x128xf32, #tpu.memory_space<vmem>>, %arg10: memref<32x128xf32, #tpu.memory_space<vmem>>, %arg11: memref<32x128xf32, #tpu.memory_space<vmem>>, %arg12: memref<32x128xf32, #tpu.memory_space<vmem>>, %arg13: memref<32x128xf32, #tpu.memory_space<vmem>>, %arg14: memref<32x128xf32, #tpu.memory_space<vmem>>, %arg15: memref<32x128xf32, #tpu.memory_space<vmem>>, %arg16: memref<32x128xf32, #tpu.memory_space<vmem>>, %arg17: memref<!tpu.dma_semaphore, #tpu.memory_space<semaphore_mem>>, %arg18: memref<!tpu.dma_semaphore, #tpu.memory_space<semaphore_mem>>, %arg19: memref<!tpu.dma_semaphore, #tpu.memory_space<semaphore_mem>>, %arg20: memref<!tpu.dma_semaphore, #tpu.memory_space<semaphore_mem>>, %arg21: memref<!tpu.dma_semaphore, #tpu.memory_space<semaphore_mem>>, %arg22: memref<!tpu.dma_semaphore, #tpu.memory_space<semaphore_mem>>, %arg23: memref<!tpu.dma_semaphore, #tpu.memory_space<semaphore_mem>>, %arg24: memref<!tpu.dma_semaphore, #tpu.memory_space<semaphore_mem>>) attributes {dimension_semantics = [#tpu.dimension_semantics<core_parallel>, #tpu.dimension_semantics<subcore_parallel>], iteration_bounds = array<i64: 2, 16>, scalar_prefetch = 0 : i64, scratch_operands = 19 : i64, tpu.core_type = #tpu.core_type<sc_vector_subcore>, window_params = [{transform_indices = #map}, {transform_indices = #map}, {transform_indices = #map}, {transform_indices = #map1}]} {
    %broadcast_in_dim3A = arith.constant 0.000000e+00 : f32
    %broadcast_in_dim3A_0 = vector.broadcast %broadcast_in_dim3A : f32 to vector<16xf32>
    %scan3A = arith.constant 0 : i32
    %scan3A_1 = arith.constant 0 : i32
    %scan3A_2 = arith.constant 256 : i32
    %scan3A_3 = arith.addi %scan3A_1, %scan3A_2 : i32
    %scan3A_4 = arith.constant 1 : i32
    scf.for %scan3A_107 = %scan3A_1 to %scan3A_3 step %scan3A_4  : i32 {
      %jit3A_108 = arith.constant 8 : i32
      %div3A = arith.divsi %scan3A_107, %jit3A_108 : i32
      %sign3A = arith.constant 0 : i32
      %sign3A_109 = arith.cmpi sgt, %scan3A_107, %sign3A : i32
      %sign3A_110 = arith.extui %sign3A_109 : i1 to i32
      %sign3A_111 = arith.constant 0 : i32
      %sign3A_112 = arith.cmpi slt, %scan3A_107, %sign3A_111 : i32
      %sign3A_113 = arith.extui %sign3A_112 : i1 to i32
      %sign3A_114 = arith.subi %sign3A_110, %sign3A_113 : i32
      %sign3A_115 = arith.constant 0 : i32
      %sign3A_116 = arith.cmpi sgt, %jit3A_108, %sign3A_115 : i32
      %sign3A_117 = arith.extui %sign3A_116 : i1 to i32
      %sign3A_118 = arith.constant 0 : i32
      %sign3A_119 = arith.cmpi slt, %jit3A_108, %sign3A_118 : i32
      %sign3A_120 = arith.extui %sign3A_119 : i1 to i32
      %sign3A_121 = arith.subi %sign3A_117, %sign3A_120 : i32
      %ne3A = arith.cmpi ne, %sign3A_114, %sign3A_121 : i32
      %rem3A = arith.remsi %scan3A_107, %jit3A_108 : i32
      %ne3A_122 = arith.constant 0 : i32
      %ne3A_123 = arith.cmpi ne, %rem3A, %ne3A_122 : i32
      %and3A = arith.andi %ne3A, %ne3A_123 : i1
      %sub3A = arith.constant 1 : i32
      %sub3A_124 = arith.subi %div3A, %sub3A : i32
      %select_n3A_125 = arith.select %and3A, %sub3A_124, %div3A : i32
      %jit3A_126 = arith.constant 8 : i32
      %eq3A_127 = arith.constant 0 : i32
      %eq3A_128 = arith.cmpi eq, %jit3A_126, %eq3A_127 : i32
      %jit3A_129 = arith.constant 1 : i32
      %select_n3A_130 = arith.select %eq3A_128, %jit3A_129, %jit3A_126 : i32
      %rem3A_131 = arith.remsi %scan3A_107, %select_n3A_130 : i32
      %ne3A_132 = arith.constant 0 : i32
      %ne3A_133 = arith.cmpi ne, %rem3A_131, %ne3A_132 : i32
      %lt3A = arith.constant 0 : i32
      %lt3A_134 = arith.cmpi slt, %rem3A_131, %lt3A : i32
      %lt3A_135 = arith.constant 0 : i32
      %lt3A_136 = arith.cmpi slt, %select_n3A_130, %lt3A_135 : i32
      %ne3A_137 = arith.xori %lt3A_134, %lt3A_136 : i1
      %and3A_138 = arith.andi %ne3A_137, %ne3A_133 : i1
      %add3A_139 = arith.addi %rem3A_131, %select_n3A_130 : i32
      %select_n3A_140 = arith.select %and3A_138, %add3A_139, %rem3A_131 : i32
      %mul3A_141 = arith.constant 16 : i32
      %mul3A_142 = arith.muli %select_n3A_140, %mul3A_141 : i32
      %swap3A = arith.index_cast %select_n3A_125 : i32 to index
      %swap3A_143 = arith.index_cast %mul3A_142 : i32 to index
      %swap3A_144 = tpu.vector_load %arg9[%swap3A, %swap3A_143] {strides = array<i32>} : memref<32x128xf32, #tpu.memory_space<vmem>>, vector<1x16xf32>,
      %swap3A_145 = vector.shape_cast %swap3A_144 : vector<1x16xf32> to vector<16xf32>
      %swap3A_146 = vector.shape_cast %broadcast_in_dim3A_0 : vector<16xf32> to vector<1x16xf32>
      tpu.vector_store %arg9[%swap3A, %swap3A_143], %swap3A_146 {strides = array<i32>} : memref<32x128xf32, #tpu.memory_space<vmem>>, vector<1x16xf32>,
    }
    %scan3A_5 = arith.constant 256 : i32
    %mul3A = arith.constant 640 : i32
    %mul3A_6 = arith.muli %mul3A, %arg1 : i32
    %add3A = arith.constant 0 : i32
    %add3A_7 = arith.addi %mul3A_6, %add3A : i32
    "tpu.region"() ({
      %run_scoped3A = tpu.sem_alloc : memref<!tpu.dma_semaphore, #tpu.memory_space<semaphore_mem>>
      %dma_start3A = arith.constant 0 : i32
      %dma_start3A_107 = tpu.memref_slice %arg6[%add3A_7, %dma_start3A] : memref<10240x128xf32, #tpu.memory_space<vmem_shared>> -> memref<32x128xf32, #tpu.memory_space<vmem_shared>>
      %dma_start3A_108 = arith.constant 0 : i32
      %dma_start3A_109 = tpu.memref_slice %arg6[%add3A_7, %dma_start3A_108] : memref<10240x128xf32, #tpu.memory_space<vmem_shared>> -> memref<32x128xf32, #tpu.memory_space<vmem_shared>>
      tpu.enqueue_dma source(%arg9 : memref<32x128xf32, #tpu.memory_space<vmem>>) target(%dma_start3A_109 : memref<32x128xf32, #tpu.memory_space<vmem_shared>>) target_semaphore(%run_scoped3A : memref<!tpu.dma_semaphore, #tpu.memory_space<semaphore_mem>>)
      %dma_wait3A = arith.constant 0 : i32
      %dma_wait3A_110 = tpu.memref_slice %arg6[%add3A_7, %dma_wait3A] : memref<10240x128xf32, #tpu.memory_space<vmem_shared>> -> memref<32x128xf32, #tpu.memory_space<vmem_shared>>
      %dma_wait3A_111 = arith.constant 0 : i32
      %dma_wait3A_112 = tpu.memref_slice %arg6[%add3A_7, %dma_wait3A_111] : memref<10240x128xf32, #tpu.memory_space<vmem_shared>> -> memref<32x128xf32, #tpu.memory_space<vmem_shared>>
      tpu.wait_dma2 semaphore(%run_scoped3A : memref<!tpu.dma_semaphore, #tpu.memory_space<semaphore_mem>>) src(%arg9 : memref<32x128xf32, #tpu.memory_space<vmem>>) dst(%dma_wait3A_112 : memref<32x128xf32, #tpu.memory_space<vmem_shared>>)
      tpu.yield
    }) : () -> ()
    %mul3A_8 = arith.constant 640 : i32
    %mul3A_9 = arith.muli %mul3A_8, %arg1 : i32
    %add3A_10 = arith.constant 32 : i32
    %add3A_11 = arith.addi %mul3A_9, %add3A_10 : i32
    "tpu.region"() ({
      %run_scoped3A = tpu.sem_alloc : memref<!tpu.dma_semaphore, #tpu.memory_space<semaphore_mem>>
      %dma_start3A = arith.constant 0 : i32
      %dma_start3A_107 = tpu.memref_slice %arg6[%add3A_11, %dma_start3A] : memref<10240x128xf32, #tpu.memory_space<vmem_shared>> -> memref<32x128xf32, #tpu.memory_space<vmem_shared>>
      %dma_start3A_108 = arith.constant 0 : i32
      %dma_start3A_109 = tpu.memref_slice %arg6[%add3A_11, %dma_start3A_108] : memref<10240x128xf32, #tpu.memory_space<vmem_shared>> -> memref<32x128xf32, #tpu.memory_space<vmem_shared>>
      tpu.enqueue_dma source(%arg9 : memref<32x128xf32, #tpu.memory_space<vmem>>) target(%dma_start3A_109 : memref<32x128xf32, #tpu.memory_space<vmem_shared>>) target_semaphore(%run_scoped3A : memref<!tpu.dma_semaphore, #tpu.memory_space<semaphore_mem>>)
      %dma_wait3A = arith.constant 0 : i32
      %dma_wait3A_110 = tpu.memref_slice %arg6[%add3A_11, %dma_wait3A] : memref<10240x128xf32, #tpu.memory_space<vmem_shared>> -> memref<32x128xf32, #tpu.memory_space<vmem_shared>>
      %dma_wait3A_111 = arith.constant 0 : i32
      %dma_wait3A_112 = tpu.memref_slice %arg6[%add3A_11, %dma_wait3A_111] : memref<10240x128xf32, #tpu.memory_space<vmem_shared>> -> memref<32x128xf32, #tpu.memory_space<vmem_shared>>
      tpu.wait_dma2 semaphore(%run_scoped3A : memref<!tpu.dma_semaphore, #tpu.memory_space<semaphore_mem>>) src(%arg9 : memref<32x128xf32, #tpu.memory_space<vmem>>) dst(%dma_wait3A_112 : memref<32x128xf32, #tpu.memory_space<vmem_shared>>)
      tpu.yield
    }) : () -> ()
    %mul3A_12 = arith.constant 640 : i32
    %mul3A_13 = arith.muli %mul3A_12, %arg1 : i32
    %add3A_14 = arith.constant 64 : i32
    %add3A_15 = arith.addi %mul3A_13, %add3A_14 : i32
    "tpu.region"() ({
      %run_scoped3A = tpu.sem_alloc : memref<!tpu.dma_semaphore, #tpu.memory_space<semaphore_mem>>
      %dma_start3A = arith.constant 0 : i32
      %dma_start3A_107 = tpu.memref_slice %arg6[%add3A_15, %dma_start3A] : memref<10240x128xf32, #tpu.memory_space<vmem_shared>> -> memref<32x128xf32, #tpu.memory_space<vmem_shared>>
      %dma_start3A_108 = arith.constant 0 : i32
      %dma_start3A_109 = tpu.memref_slice %arg6[%add3A_15, %dma_start3A_108] : memref<10240x128xf32, #tpu.memory_space<vmem_shared>> -> memref<32x128xf32, #tpu.memory_space<vmem_shared>>
      tpu.enqueue_dma source(%arg9 : memref<32x128xf32, #tpu.memory_space<vmem>>) target(%dma_start3A_109 : memref<32x128xf32, #tpu.memory_space<vmem_shared>>) target_semaphore(%run_scoped3A : memref<!tpu.dma_semaphore, #tpu.memory_space<semaphore_mem>>)
      %dma_wait3A = arith.constant 0 : i32
      %dma_wait3A_110 = tpu.memref_slice %arg6[%add3A_15, %dma_wait3A] : memref<10240x128xf32, #tpu.memory_space<vmem_shared>> -> memref<32x128xf32, #tpu.memory_space<vmem_shared>>
      %dma_wait3A_111 = arith.constant 0 : i32
      %dma_wait3A_112 = tpu.memref_slice %arg6[%add3A_15, %dma_wait3A_111] : memref<10240x128xf32, #tpu.memory_space<vmem_shared>> -> memref<32x128xf32, #tpu.memory_space<vmem_shared>>
      tpu.wait_dma2 semaphore(%run_scoped3A : memref<!tpu.dma_semaphore, #tpu.memory_space<semaphore_mem>>) src(%arg9 : memref<32x128xf32, #tpu.memory_space<vmem>>) dst(%dma_wait3A_112 : memref<32x128xf32, #tpu.memory_space<vmem_shared>>)
      tpu.yield
    }) : () -> ()
    %mul3A_16 = arith.constant 640 : i32
    %mul3A_17 = arith.muli %mul3A_16, %arg1 : i32
    %add3A_18 = arith.constant 96 : i32
    %add3A_19 = arith.addi %mul3A_17, %add3A_18 : i32
    "tpu.region"() ({
      %run_scoped3A = tpu.sem_alloc : memref<!tpu.dma_semaphore, #tpu.memory_space<semaphore_mem>>
      %dma_start3A = arith.constant 0 : i32
      %dma_start3A_107 = tpu.memref_slice %arg6[%add3A_19, %dma_start3A] : memref<10240x128xf32, #tpu.memory_space<vmem_shared>> -> memref<32x128xf32, #tpu.memory_space<vmem_shared>>
      %dma_start3A_108 = arith.constant 0 : i32
      %dma_start3A_109 = tpu.memref_slice %arg6[%add3A_19, %dma_start3A_108] : memref<10240x128xf32, #tpu.memory_space<vmem_shared>> -> memref<32x128xf32, #tpu.memory_space<vmem_shared>>
      tpu.enqueue_dma source(%arg9 : memref<32x128xf32, #tpu.memory_space<vmem>>) target(%dma_start3A_109 : memref<32x128xf32, #tpu.memory_space<vmem_shared>>) target_semaphore(%run_scoped3A : memref<!tpu.dma_semaphore, #tpu.memory_space<semaphore_mem>>)
      %dma_wait3A = arith.constant 0 : i32
      %dma_wait3A_110 = tpu.memref_slice %arg6[%add3A_19, %dma_wait3A] : memref<10240x128xf32, #tpu.memory_space<vmem_shared>> -> memref<32x128xf32, #tpu.memory_space<vmem_shared>>
      %dma_wait3A_111 = arith.constant 0 : i32
      %dma_wait3A_112 = tpu.memref_slice %arg6[%add3A_19, %dma_wait3A_111] : memref<10240x128xf32, #tpu.memory_space<vmem_shared>> -> memref<32x128xf32, #tpu.memory_space<vmem_shared>>
      tpu.wait_dma2 semaphore(%run_scoped3A : memref<!tpu.dma_semaphore, #tpu.memory_space<semaphore_mem>>) src(%arg9 : memref<32x128xf32, #tpu.memory_space<vmem>>) dst(%dma_wait3A_112 : memref<32x128xf32, #tpu.memory_space<vmem_shared>>)
      tpu.yield
    }) : () -> ()
    %mul3A_20 = arith.constant 640 : i32
    %mul3A_21 = arith.muli %mul3A_20, %arg1 : i32
    %add3A_22 = arith.constant 128 : i32
    %add3A_23 = arith.addi %mul3A_21, %add3A_22 : i32
    "tpu.region"() ({
      %run_scoped3A = tpu.sem_alloc : memref<!tpu.dma_semaphore, #tpu.memory_space<semaphore_mem>>
      %dma_start3A = arith.constant 0 : i32
      %dma_start3A_107 = tpu.memref_slice %arg6[%add3A_23, %dma_start3A] : memref<10240x128xf32, #tpu.memory_space<vmem_shared>> -> memref<32x128xf32, #tpu.memory_space<vmem_shared>>
      %dma_start3A_108 = arith.constant 0 : i32
      %dma_start3A_109 = tpu.memref_slice %arg6[%add3A_23, %dma_start3A_108] : memref<10240x128xf32, #tpu.memory_space<vmem_shared>> -> memref<32x128xf32, #tpu.memory_space<vmem_shared>>
      tpu.enqueue_dma source(%arg9 : memref<32x128xf32, #tpu.memory_space<vmem>>) target(%dma_start3A_109 : memref<32x128xf32, #tpu.memory_space<vmem_shared>>) target_semaphore(%run_scoped3A : memref<!tpu.dma_semaphore, #tpu.memory_space<semaphore_mem>>)
      %dma_wait3A = arith.constant 0 : i32
      %dma_wait3A_110 = tpu.memref_slice %arg6[%add3A_23, %dma_wait3A] : memref<10240x128xf32, #tpu.memory_space<vmem_shared>> -> memref<32x128xf32, #tpu.memory_space<vmem_shared>>
      %dma_wait3A_111 = arith.constant 0 : i32
      %dma_wait3A_112 = tpu.memref_slice %arg6[%add3A_23, %dma_wait3A_111] : memref<10240x128xf32, #tpu.memory_space<vmem_shared>> -> memref<32x128xf32, #tpu.memory_space<vmem_shared>>
      tpu.wait_dma2 semaphore(%run_scoped3A : memref<!tpu.dma_semaphore, #tpu.memory_space<semaphore_mem>>) src(%arg9 : memref<32x128xf32, #tpu.memory_space<vmem>>) dst(%dma_wait3A_112 : memref<32x128xf32, #tpu.memory_space<vmem_shared>>)
      tpu.yield
    }) : () -> ()
    %mul3A_24 = arith.constant 640 : i32
    %mul3A_25 = arith.muli %mul3A_24, %arg1 : i32
    %add3A_26 = arith.constant 160 : i32
    %add3A_27 = arith.addi %mul3A_25, %add3A_26 : i32
    "tpu.region"() ({
      %run_scoped3A = tpu.sem_alloc : memref<!tpu.dma_semaphore, #tpu.memory_space<semaphore_mem>>
      %dma_start3A = arith.constant 0 : i32
      %dma_start3A_107 = tpu.memref_slice %arg6[%add3A_27, %dma_start3A] : memref<10240x128xf32, #tpu.memory_space<vmem_shared>> -> memref<32x128xf32, #tpu.memory_space<vmem_shared>>
      %dma_start3A_108 = arith.constant 0 : i32
      %dma_start3A_109 = tpu.memref_slice %arg6[%add3A_27, %dma_start3A_108] : memref<10240x128xf32, #tpu.memory_space<vmem_shared>> -> memref<32x128xf32, #tpu.memory_space<vmem_shared>>
      tpu.enqueue_dma source(%arg9 : memref<32x128xf32, #tpu.memory_space<vmem>>) target(%dma_start3A_109 : memref<32x128xf32, #tpu.memory_space<vmem_shared>>) target_semaphore(%run_scoped3A : memref<!tpu.dma_semaphore, #tpu.memory_space<semaphore_mem>>)
      %dma_wait3A = arith.constant 0 : i32
      %dma_wait3A_110 = tpu.memref_slice %arg6[%add3A_27, %dma_wait3A] : memref<10240x128xf32, #tpu.memory_space<vmem_shared>> -> memref<32x128xf32, #tpu.memory_space<vmem_shared>>
      %dma_wait3A_111 = arith.constant 0 : i32
      %dma_wait3A_112 = tpu.memref_slice %arg6[%add3A_27, %dma_wait3A_111] : memref<10240x128xf32, #tpu.memory_space<vmem_shared>> -> memref<32x128xf32, #tpu.memory_space<vmem_shared>>
      tpu.wait_dma2 semaphore(%run_scoped3A : memref<!tpu.dma_semaphore, #tpu.memory_space<semaphore_mem>>) src(%arg9 : memref<32x128xf32, #tpu.memory_space<vmem>>) dst(%dma_wait3A_112 : memref<32x128xf32, #tpu.memory_space<vmem_shared>>)
      tpu.yield
    }) : () -> ()
    %mul3A_28 = arith.constant 640 : i32
    %mul3A_29 = arith.muli %mul3A_28, %arg1 : i32
    %add3A_30 = arith.constant 192 : i32
    %add3A_31 = arith.addi %mul3A_29, %add3A_30 : i32
    "tpu.region"() ({
      %run_scoped3A = tpu.sem_alloc : memref<!tpu.dma_semaphore, #tpu.memory_space<semaphore_mem>>
      %dma_start3A = arith.constant 0 : i32
      %dma_start3A_107 = tpu.memref_slice %arg6[%add3A_31, %dma_start3A] : memref<10240x128xf32, #tpu.memory_space<vmem_shared>> -> memref<32x128xf32, #tpu.memory_space<vmem_shared>>
      %dma_start3A_108 = arith.constant 0 : i32
      %dma_start3A_109 = tpu.memref_slice %arg6[%add3A_31, %dma_start3A_108] : memref<10240x128xf32, #tpu.memory_space<vmem_shared>> -> memref<32x128xf32, #tpu.memory_space<vmem_shared>>
      tpu.enqueue_dma source(%arg9 : memref<32x128xf32, #tpu.memory_space<vmem>>) target(%dma_start3A_109 : memref<32x128xf32, #tpu.memory_space<vmem_shared>>) target_semaphore(%run_scoped3A : memref<!tpu.dma_semaphore, #tpu.memory_space<semaphore_mem>>)
      %dma_wait3A = arith.constant 0 : i32
      %dma_wait3A_110 = tpu.memref_slice %arg6[%add3A_31, %dma_wait3A] : memref<10240x128xf32, #tpu.memory_space<vmem_shared>> -> memref<32x128xf32, #tpu.memory_space<vmem_shared>>
      %dma_wait3A_111 = arith.constant 0 : i32
      %dma_wait3A_112 = tpu.memref_slice %arg6[%add3A_31, %dma_wait3A_111] : memref<10240x128xf32, #tpu.memory_space<vmem_shared>> -> memref<32x128xf32, #tpu.memory_space<vmem_shared>>
      tpu.wait_dma2 semaphore(%run_scoped3A : memref<!tpu.dma_semaphore, #tpu.memory_space<semaphore_mem>>) src(%arg9 : memref<32x128xf32, #tpu.memory_space<vmem>>) dst(%dma_wait3A_112 : memref<32x128xf32, #tpu.memory_space<vmem_shared>>)
      tpu.yield
    }) : () -> ()
    %mul3A_32 = arith.constant 640 : i32
    %mul3A_33 = arith.muli %mul3A_32, %arg1 : i32
    %add3A_34 = arith.constant 224 : i32
    %add3A_35 = arith.addi %mul3A_33, %add3A_34 : i32
    "tpu.region"() ({
      %run_scoped3A = tpu.sem_alloc : memref<!tpu.dma_semaphore, #tpu.memory_space<semaphore_mem>>
      %dma_start3A = arith.constant 0 : i32
      %dma_start3A_107 = tpu.memref_slice %arg6[%add3A_35, %dma_start3A] : memref<10240x128xf32, #tpu.memory_space<vmem_shared>> -> memref<32x128xf32, #tpu.memory_space<vmem_shared>>
      %dma_start3A_108 = arith.constant 0 : i32
      %dma_start3A_109 = tpu.memref_slice %arg6[%add3A_35, %dma_start3A_108] : memref<10240x128xf32, #tpu.memory_space<vmem_shared>> -> memref<32x128xf32, #tpu.memory_space<vmem_shared>>
      tpu.enqueue_dma source(%arg9 : memref<32x128xf32, #tpu.memory_space<vmem>>) target(%dma_start3A_109 : memref<32x128xf32, #tpu.memory_space<vmem_shared>>) target_semaphore(%run_scoped3A : memref<!tpu.dma_semaphore, #tpu.memory_space<semaphore_mem>>)
      %dma_wait3A = arith.constant 0 : i32
      %dma_wait3A_110 = tpu.memref_slice %arg6[%add3A_35, %dma_wait3A] : memref<10240x128xf32, #tpu.memory_space<vmem_shared>> -> memref<32x128xf32, #tpu.memory_space<vmem_shared>>
      %dma_wait3A_111 = arith.constant 0 : i32
      %dma_wait3A_112 = tpu.memref_slice %arg6[%add3A_35, %dma_wait3A_111] : memref<10240x128xf32, #tpu.memory_space<vmem_shared>> -> memref<32x128xf32, #tpu.memory_space<vmem_shared>>
      tpu.wait_dma2 semaphore(%run_scoped3A : memref<!tpu.dma_semaphore, #tpu.memory_space<semaphore_mem>>) src(%arg9 : memref<32x128xf32, #tpu.memory_space<vmem>>) dst(%dma_wait3A_112 : memref<32x128xf32, #tpu.memory_space<vmem_shared>>)
      tpu.yield
    }) : () -> ()
    %mul3A_36 = arith.constant 640 : i32
    %mul3A_37 = arith.muli %mul3A_36, %arg1 : i32
    %add3A_38 = arith.constant 256 : i32
    %add3A_39 = arith.addi %mul3A_37, %add3A_38 : i32
    "tpu.region"() ({
      %run_scoped3A = tpu.sem_alloc : memref<!tpu.dma_semaphore, #tpu.memory_space<semaphore_mem>>
      %dma_start3A = arith.constant 0 : i32
      %dma_start3A_107 = tpu.memref_slice %arg6[%add3A_39, %dma_start3A] : memref<10240x128xf32, #tpu.memory_space<vmem_shared>> -> memref<32x128xf32, #tpu.memory_space<vmem_shared>>
      %dma_start3A_108 = arith.constant 0 : i32
      %dma_start3A_109 = tpu.memref_slice %arg6[%add3A_39, %dma_start3A_108] : memref<10240x128xf32, #tpu.memory_space<vmem_shared>> -> memref<32x128xf32, #tpu.memory_space<vmem_shared>>
      tpu.enqueue_dma source(%arg9 : memref<32x128xf32, #tpu.memory_space<vmem>>) target(%dma_start3A_109 : memref<32x128xf32, #tpu.memory_space<vmem_shared>>) target_semaphore(%run_scoped3A : memref<!tpu.dma_semaphore, #tpu.memory_space<semaphore_mem>>)
      %dma_wait3A = arith.constant 0 : i32
      %dma_wait3A_110 = tpu.memref_slice %arg6[%add3A_39, %dma_wait3A] : memref<10240x128xf32, #tpu.memory_space<vmem_shared>> -> memref<32x128xf32, #tpu.memory_space<vmem_shared>>
      %dma_wait3A_111 = arith.constant 0 : i32
      %dma_wait3A_112 = tpu.memref_slice %arg6[%add3A_39, %dma_wait3A_111] : memref<10240x128xf32, #tpu.memory_space<vmem_shared>> -> memref<32x128xf32, #tpu.memory_space<vmem_shared>>
      tpu.wait_dma2 semaphore(%run_scoped3A : memref<!tpu.dma_semaphore, #tpu.memory_space<semaphore_mem>>) src(%arg9 : memref<32x128xf32, #tpu.memory_space<vmem>>) dst(%dma_wait3A_112 : memref<32x128xf32, #tpu.memory_space<vmem_shared>>)
      tpu.yield
    }) : () -> ()
    %mul3A_40 = arith.constant 640 : i32
    %mul3A_41 = arith.muli %mul3A_40, %arg1 : i32
    %add3A_42 = arith.constant 288 : i32
    %add3A_43 = arith.addi %mul3A_41, %add3A_42 : i32
    "tpu.region"() ({
      %run_scoped3A = tpu.sem_alloc : memref<!tpu.dma_semaphore, #tpu.memory_space<semaphore_mem>>
      %dma_start3A = arith.constant 0 : i32
      %dma_start3A_107 = tpu.memref_slice %arg6[%add3A_43, %dma_start3A] : memref<10240x128xf32, #tpu.memory_space<vmem_shared>> -> memref<32x128xf32, #tpu.memory_space<vmem_shared>>
      %dma_start3A_108 = arith.constant 0 : i32
      %dma_start3A_109 = tpu.memref_slice %arg6[%add3A_43, %dma_start3A_108] : memref<10240x128xf32, #tpu.memory_space<vmem_shared>> -> memref<32x128xf32, #tpu.memory_space<vmem_shared>>
      tpu.enqueue_dma source(%arg9 : memref<32x128xf32, #tpu.memory_space<vmem>>) target(%dma_start3A_109 : memref<32x128xf32, #tpu.memory_space<vmem_shared>>) target_semaphore(%run_scoped3A : memref<!tpu.dma_semaphore, #tpu.memory_space<semaphore_mem>>)
      %dma_wait3A = arith.constant 0 : i32
      %dma_wait3A_110 = tpu.memref_slice %arg6[%add3A_43, %dma_wait3A] : memref<10240x128xf32, #tpu.memory_space<vmem_shared>> -> memref<32x128xf32, #tpu.memory_space<vmem_shared>>
      %dma_wait3A_111 = arith.constant 0 : i32
      %dma_wait3A_112 = tpu.memref_slice %arg6[%add3A_43, %dma_wait3A_111] : memref<10240x128xf32, #tpu.memory_space<vmem_shared>> -> memref<32x128xf32, #tpu.memory_space<vmem_shared>>
      tpu.wait_dma2 semaphore(%run_scoped3A : memref<!tpu.dma_semaphore, #tpu.memory_space<semaphore_mem>>) src(%arg9 : memref<32x128xf32, #tpu.memory_space<vmem>>) dst(%dma_wait3A_112 : memref<32x128xf32, #tpu.memory_space<vmem_shared>>)
      tpu.yield
    }) : () -> ()
    %mul3A_44 = arith.constant 640 : i32
    %mul3A_45 = arith.muli %mul3A_44, %arg1 : i32
    %add3A_46 = arith.constant 320 : i32
    %add3A_47 = arith.addi %mul3A_45, %add3A_46 : i32
    "tpu.region"() ({
      %run_scoped3A = tpu.sem_alloc : memref<!tpu.dma_semaphore, #tpu.memory_space<semaphore_mem>>
      %dma_start3A = arith.constant 0 : i32
      %dma_start3A_107 = tpu.memref_slice %arg6[%add3A_47, %dma_start3A] : memref<10240x128xf32, #tpu.memory_space<vmem_shared>> -> memref<32x128xf32, #tpu.memory_space<vmem_shared>>
      %dma_start3A_108 = arith.constant 0 : i32
      %dma_start3A_109 = tpu.memref_slice %arg6[%add3A_47, %dma_start3A_108] : memref<10240x128xf32, #tpu.memory_space<vmem_shared>> -> memref<32x128xf32, #tpu.memory_space<vmem_shared>>
      tpu.enqueue_dma source(%arg9 : memref<32x128xf32, #tpu.memory_space<vmem>>) target(%dma_start3A_109 : memref<32x128xf32, #tpu.memory_space<vmem_shared>>) target_semaphore(%run_scoped3A : memref<!tpu.dma_semaphore, #tpu.memory_space<semaphore_mem>>)
      %dma_wait3A = arith.constant 0 : i32
      %dma_wait3A_110 = tpu.memref_slice %arg6[%add3A_47, %dma_wait3A] : memref<10240x128xf32, #tpu.memory_space<vmem_shared>> -> memref<32x128xf32, #tpu.memory_space<vmem_shared>>
      %dma_wait3A_111 = arith.constant 0 : i32
      %dma_wait3A_112 = tpu.memref_slice %arg6[%add3A_47, %dma_wait3A_111] : memref<10240x128xf32, #tpu.memory_space<vmem_shared>> -> memref<32x128xf32, #tpu.memory_space<vmem_shared>>
      tpu.wait_dma2 semaphore(%run_scoped3A : memref<!tpu.dma_semaphore, #tpu.memory_space<semaphore_mem>>) src(%arg9 : memref<32x128xf32, #tpu.memory_space<vmem>>) dst(%dma_wait3A_112 : memref<32x128xf32, #tpu.memory_space<vmem_shared>>)
      tpu.yield
    }) : () -> ()
    %mul3A_48 = arith.constant 640 : i32
    %mul3A_49 = arith.muli %mul3A_48, %arg1 : i32
    %add3A_50 = arith.constant 352 : i32
    %add3A_51 = arith.addi %mul3A_49, %add3A_50 : i32
    "tpu.region"() ({
      %run_scoped3A = tpu.sem_alloc : memref<!tpu.dma_semaphore, #tpu.memory_space<semaphore_mem>>
      %dma_start3A = arith.constant 0 : i32
      %dma_start3A_107 = tpu.memref_slice %arg6[%add3A_51, %dma_start3A] : memref<10240x128xf32, #tpu.memory_space<vmem_shared>> -> memref<32x128xf32, #tpu.memory_space<vmem_shared>>
      %dma_start3A_108 = arith.constant 0 : i32
      %dma_start3A_109 = tpu.memref_slice %arg6[%add3A_51, %dma_start3A_108] : memref<10240x128xf32, #tpu.memory_space<vmem_shared>> -> memref<32x128xf32, #tpu.memory_space<vmem_shared>>
      tpu.enqueue_dma source(%arg9 : memref<32x128xf32, #tpu.memory_space<vmem>>) target(%dma_start3A_109 : memref<32x128xf32, #tpu.memory_space<vmem_shared>>) target_semaphore(%run_scoped3A : memref<!tpu.dma_semaphore, #tpu.memory_space<semaphore_mem>>)
      %dma_wait3A = arith.constant 0 : i32
      %dma_wait3A_110 = tpu.memref_slice %arg6[%add3A_51, %dma_wait3A] : memref<10240x128xf32, #tpu.memory_space<vmem_shared>> -> memref<32x128xf32, #tpu.memory_space<vmem_shared>>
      %dma_wait3A_111 = arith.constant 0 : i32
      %dma_wait3A_112 = tpu.memref_slice %arg6[%add3A_51, %dma_wait3A_111] : memref<10240x128xf32, #tpu.memory_space<vmem_shared>> -> memref<32x128xf32, #tpu.memory_space<vmem_shared>>
      tpu.wait_dma2 semaphore(%run_scoped3A : memref<!tpu.dma_semaphore, #tpu.memory_space<semaphore_mem>>) src(%arg9 : memref<32x128xf32, #tpu.memory_space<vmem>>) dst(%dma_wait3A_112 : memref<32x128xf32, #tpu.memory_space<vmem_shared>>)
      tpu.yield
    }) : () -> ()
    %mul3A_52 = arith.constant 640 : i32
    %mul3A_53 = arith.muli %mul3A_52, %arg1 : i32
    %add3A_54 = arith.constant 384 : i32
    %add3A_55 = arith.addi %mul3A_53, %add3A_54 : i32
    "tpu.region"() ({
      %run_scoped3A = tpu.sem_alloc : memref<!tpu.dma_semaphore, #tpu.memory_space<semaphore_mem>>
      %dma_start3A = arith.constant 0 : i32
      %dma_start3A_107 = tpu.memref_slice %arg6[%add3A_55, %dma_start3A] : memref<10240x128xf32, #tpu.memory_space<vmem_shared>> -> memref<32x128xf32, #tpu.memory_space<vmem_shared>>
      %dma_start3A_108 = arith.constant 0 : i32
      %dma_start3A_109 = tpu.memref_slice %arg6[%add3A_55, %dma_start3A_108] : memref<10240x128xf32, #tpu.memory_space<vmem_shared>> -> memref<32x128xf32, #tpu.memory_space<vmem_shared>>
      tpu.enqueue_dma source(%arg9 : memref<32x128xf32, #tpu.memory_space<vmem>>) target(%dma_start3A_109 : memref<32x128xf32, #tpu.memory_space<vmem_shared>>) target_semaphore(%run_scoped3A : memref<!tpu.dma_semaphore, #tpu.memory_space<semaphore_mem>>)
      %dma_wait3A = arith.constant 0 : i32
      %dma_wait3A_110 = tpu.memref_slice %arg6[%add3A_55, %dma_wait3A] : memref<10240x128xf32, #tpu.memory_space<vmem_shared>> -> memref<32x128xf32, #tpu.memory_space<vmem_shared>>
      %dma_wait3A_111 = arith.constant 0 : i32
      %dma_wait3A_112 = tpu.memref_slice %arg6[%add3A_55, %dma_wait3A_111] : memref<10240x128xf32, #tpu.memory_space<vmem_shared>> -> memref<32x128xf32, #tpu.memory_space<vmem_shared>>
      tpu.wait_dma2 semaphore(%run_scoped3A : memref<!tpu.dma_semaphore, #tpu.memory_space<semaphore_mem>>) src(%arg9 : memref<32x128xf32, #tpu.memory_space<vmem>>) dst(%dma_wait3A_112 : memref<32x128xf32, #tpu.memory_space<vmem_shared>>)
      tpu.yield
    }) : () -> ()
    %mul3A_56 = arith.constant 640 : i32
    %mul3A_57 = arith.muli %mul3A_56, %arg1 : i32
    %add3A_58 = arith.constant 416 : i32
    %add3A_59 = arith.addi %mul3A_57, %add3A_58 : i32
    "tpu.region"() ({
      %run_scoped3A = tpu.sem_alloc : memref<!tpu.dma_semaphore, #tpu.memory_space<semaphore_mem>>
      %dma_start3A = arith.constant 0 : i32
      %dma_start3A_107 = tpu.memref_slice %arg6[%add3A_59, %dma_start3A] : memref<10240x128xf32, #tpu.memory_space<vmem_shared>> -> memref<32x128xf32, #tpu.memory_space<vmem_shared>>
      %dma_start3A_108 = arith.constant 0 : i32
      %dma_start3A_109 = tpu.memref_slice %arg6[%add3A_59, %dma_start3A_108] : memref<10240x128xf32, #tpu.memory_space<vmem_shared>> -> memref<32x128xf32, #tpu.memory_space<vmem_shared>>
      tpu.enqueue_dma source(%arg9 : memref<32x128xf32, #tpu.memory_space<vmem>>) target(%dma_start3A_109 : memref<32x128xf32, #tpu.memory_space<vmem_shared>>) target_semaphore(%run_scoped3A : memref<!tpu.dma_semaphore, #tpu.memory_space<semaphore_mem>>)
      %dma_wait3A = arith.constant 0 : i32
      %dma_wait3A_110 = tpu.memref_slice %arg6[%add3A_59, %dma_wait3A] : memref<10240x128xf32, #tpu.memory_space<vmem_shared>> -> memref<32x128xf32, #tpu.memory_space<vmem_shared>>
      %dma_wait3A_111 = arith.constant 0 : i32
      %dma_wait3A_112 = tpu.memref_slice %arg6[%add3A_59, %dma_wait3A_111] : memref<10240x128xf32, #tpu.memory_space<vmem_shared>> -> memref<32x128xf32, #tpu.memory_space<vmem_shared>>
      tpu.wait_dma2 semaphore(%run_scoped3A : memref<!tpu.dma_semaphore, #tpu.memory_space<semaphore_mem>>) src(%arg9 : memref<32x128xf32, #tpu.memory_space<vmem>>) dst(%dma_wait3A_112 : memref<32x128xf32, #tpu.memory_space<vmem_shared>>)
      tpu.yield
    }) : () -> ()
    %mul3A_60 = arith.constant 640 : i32
    %mul3A_61 = arith.muli %mul3A_60, %arg1 : i32
    %add3A_62 = arith.constant 448 : i32
    %add3A_63 = arith.addi %mul3A_61, %add3A_62 : i32
    "tpu.region"() ({
      %run_scoped3A = tpu.sem_alloc : memref<!tpu.dma_semaphore, #tpu.memory_space<semaphore_mem>>
      %dma_start3A = arith.constant 0 : i32
      %dma_start3A_107 = tpu.memref_slice %arg6[%add3A_63, %dma_start3A] : memref<10240x128xf32, #tpu.memory_space<vmem_shared>> -> memref<32x128xf32, #tpu.memory_space<vmem_shared>>
      %dma_start3A_108 = arith.constant 0 : i32
      %dma_start3A_109 = tpu.memref_slice %arg6[%add3A_63, %dma_start3A_108] : memref<10240x128xf32, #tpu.memory_space<vmem_shared>> -> memref<32x128xf32, #tpu.memory_space<vmem_shared>>
      tpu.enqueue_dma source(%arg9 : memref<32x128xf32, #tpu.memory_space<vmem>>) target(%dma_start3A_109 : memref<32x128xf32, #tpu.memory_space<vmem_shared>>) target_semaphore(%run_scoped3A : memref<!tpu.dma_semaphore, #tpu.memory_space<semaphore_mem>>)
      %dma_wait3A = arith.constant 0 : i32
      %dma_wait3A_110 = tpu.memref_slice %arg6[%add3A_63, %dma_wait3A] : memref<10240x128xf32, #tpu.memory_space<vmem_shared>> -> memref<32x128xf32, #tpu.memory_space<vmem_shared>>
      %dma_wait3A_111 = arith.constant 0 : i32
      %dma_wait3A_112 = tpu.memref_slice %arg6[%add3A_63, %dma_wait3A_111] : memref<10240x128xf32, #tpu.memory_space<vmem_shared>> -> memref<32x128xf32, #tpu.memory_space<vmem_shared>>
      tpu.wait_dma2 semaphore(%run_scoped3A : memref<!tpu.dma_semaphore, #tpu.memory_space<semaphore_mem>>) src(%arg9 : memref<32x128xf32, #tpu.memory_space<vmem>>) dst(%dma_wait3A_112 : memref<32x128xf32, #tpu.memory_space<vmem_shared>>)
      tpu.yield
    }) : () -> ()
    %mul3A_64 = arith.constant 640 : i32
    %mul3A_65 = arith.muli %mul3A_64, %arg1 : i32
    %add3A_66 = arith.constant 480 : i32
    %add3A_67 = arith.addi %mul3A_65, %add3A_66 : i32
    "tpu.region"() ({
      %run_scoped3A = tpu.sem_alloc : memref<!tpu.dma_semaphore, #tpu.memory_space<semaphore_mem>>
      %dma_start3A = arith.constant 0 : i32
      %dma_start3A_107 = tpu.memref_slice %arg6[%add3A_67, %dma_start3A] : memref<10240x128xf32, #tpu.memory_space<vmem_shared>> -> memref<32x128xf32, #tpu.memory_space<vmem_shared>>
      %dma_start3A_108 = arith.constant 0 : i32
      %dma_start3A_109 = tpu.memref_slice %arg6[%add3A_67, %dma_start3A_108] : memref<10240x128xf32, #tpu.memory_space<vmem_shared>> -> memref<32x128xf32, #tpu.memory_space<vmem_shared>>
      tpu.enqueue_dma source(%arg9 : memref<32x128xf32, #tpu.memory_space<vmem>>) target(%dma_start3A_109 : memref<32x128xf32, #tpu.memory_space<vmem_shared>>) target_semaphore(%run_scoped3A : memref<!tpu.dma_semaphore, #tpu.memory_space<semaphore_mem>>)
      %dma_wait3A = arith.constant 0 : i32
      %dma_wait3A_110 = tpu.memref_slice %arg6[%add3A_67, %dma_wait3A] : memref<10240x128xf32, #tpu.memory_space<vmem_shared>> -> memref<32x128xf32, #tpu.memory_space<vmem_shared>>
      %dma_wait3A_111 = arith.constant 0 : i32
      %dma_wait3A_112 = tpu.memref_slice %arg6[%add3A_67, %dma_wait3A_111] : memref<10240x128xf32, #tpu.memory_space<vmem_shared>> -> memref<32x128xf32, #tpu.memory_space<vmem_shared>>
      tpu.wait_dma2 semaphore(%run_scoped3A : memref<!tpu.dma_semaphore, #tpu.memory_space<semaphore_mem>>) src(%arg9 : memref<32x128xf32, #tpu.memory_space<vmem>>) dst(%dma_wait3A_112 : memref<32x128xf32, #tpu.memory_space<vmem_shared>>)
      tpu.yield
    }) : () -> ()
    %mul3A_68 = arith.constant 640 : i32
    %mul3A_69 = arith.muli %mul3A_68, %arg1 : i32
    %add3A_70 = arith.constant 512 : i32
    %add3A_71 = arith.addi %mul3A_69, %add3A_70 : i32
    "tpu.region"() ({
      %run_scoped3A = tpu.sem_alloc : memref<!tpu.dma_semaphore, #tpu.memory_space<semaphore_mem>>
      %dma_start3A = arith.constant 0 : i32
      %dma_start3A_107 = tpu.memref_slice %arg6[%add3A_71, %dma_start3A] : memref<10240x128xf32, #tpu.memory_space<vmem_shared>> -> memref<32x128xf32, #tpu.memory_space<vmem_shared>>
      %dma_start3A_108 = arith.constant 0 : i32
      %dma_start3A_109 = tpu.memref_slice %arg6[%add3A_71, %dma_start3A_108] : memref<10240x128xf32, #tpu.memory_space<vmem_shared>> -> memref<32x128xf32, #tpu.memory_space<vmem_shared>>
      tpu.enqueue_dma source(%arg9 : memref<32x128xf32, #tpu.memory_space<vmem>>) target(%dma_start3A_109 : memref<32x128xf32, #tpu.memory_space<vmem_shared>>) target_semaphore(%run_scoped3A : memref<!tpu.dma_semaphore, #tpu.memory_space<semaphore_mem>>)
      %dma_wait3A = arith.constant 0 : i32
      %dma_wait3A_110 = tpu.memref_slice %arg6[%add3A_71, %dma_wait3A] : memref<10240x128xf32, #tpu.memory_space<vmem_shared>> -> memref<32x128xf32, #tpu.memory_space<vmem_shared>>
      %dma_wait3A_111 = arith.constant 0 : i32
      %dma_wait3A_112 = tpu.memref_slice %arg6[%add3A_71, %dma_wait3A_111] : memref<10240x128xf32, #tpu.memory_space<vmem_shared>> -> memref<32x128xf32, #tpu.memory_space<vmem_shared>>
      tpu.wait_dma2 semaphore(%run_scoped3A : memref<!tpu.dma_semaphore, #tpu.memory_space<semaphore_mem>>) src(%arg9 : memref<32x128xf32, #tpu.memory_space<vmem>>) dst(%dma_wait3A_112 : memref<32x128xf32, #tpu.memory_space<vmem_shared>>)
      tpu.yield
    }) : () -> ()
    %mul3A_72 = arith.constant 640 : i32
    %mul3A_73 = arith.muli %mul3A_72, %arg1 : i32
    %add3A_74 = arith.constant 544 : i32
    %add3A_75 = arith.addi %mul3A_73, %add3A_74 : i32
    "tpu.region"() ({
      %run_scoped3A = tpu.sem_alloc : memref<!tpu.dma_semaphore, #tpu.memory_space<semaphore_mem>>
      %dma_start3A = arith.constant 0 : i32
      %dma_start3A_107 = tpu.memref_slice %arg6[%add3A_75, %dma_start3A] : memref<10240x128xf32, #tpu.memory_space<vmem_shared>> -> memref<32x128xf32, #tpu.memory_space<vmem_shared>>
      %dma_start3A_108 = arith.constant 0 : i32
      %dma_start3A_109 = tpu.memref_slice %arg6[%add3A_75, %dma_start3A_108] : memref<10240x128xf32, #tpu.memory_space<vmem_shared>> -> memref<32x128xf32, #tpu.memory_space<vmem_shared>>
      tpu.enqueue_dma source(%arg9 : memref<32x128xf32, #tpu.memory_space<vmem>>) target(%dma_start3A_109 : memref<32x128xf32, #tpu.memory_space<vmem_shared>>) target_semaphore(%run_scoped3A : memref<!tpu.dma_semaphore, #tpu.memory_space<semaphore_mem>>)
      %dma_wait3A = arith.constant 0 : i32
      %dma_wait3A_110 = tpu.memref_slice %arg6[%add3A_75, %dma_wait3A] : memref<10240x128xf32, #tpu.memory_space<vmem_shared>> -> memref<32x128xf32, #tpu.memory_space<vmem_shared>>
      %dma_wait3A_111 = arith.constant 0 : i32
      %dma_wait3A_112 = tpu.memref_slice %arg6[%add3A_75, %dma_wait3A_111] : memref<10240x128xf32, #tpu.memory_space<vmem_shared>> -> memref<32x128xf32, #tpu.memory_space<vmem_shared>>
      tpu.wait_dma2 semaphore(%run_scoped3A : memref<!tpu.dma_semaphore, #tpu.memory_space<semaphore_mem>>) src(%arg9 : memref<32x128xf32, #tpu.memory_space<vmem>>) dst(%dma_wait3A_112 : memref<32x128xf32, #tpu.memory_space<vmem_shared>>)
      tpu.yield
    }) : () -> ()
    %mul3A_76 = arith.constant 640 : i32
    %mul3A_77 = arith.muli %mul3A_76, %arg1 : i32
    %add3A_78 = arith.constant 576 : i32
    %add3A_79 = arith.addi %mul3A_77, %add3A_78 : i32
    "tpu.region"() ({
      %run_scoped3A = tpu.sem_alloc : memref<!tpu.dma_semaphore, #tpu.memory_space<semaphore_mem>>
      %dma_start3A = arith.constant 0 : i32
      %dma_start3A_107 = tpu.memref_slice %arg6[%add3A_79, %dma_start3A] : memref<10240x128xf32, #tpu.memory_space<vmem_shared>> -> memref<32x128xf32, #tpu.memory_space<vmem_shared>>
      %dma_start3A_108 = arith.constant 0 : i32
      %dma_start3A_109 = tpu.memref_slice %arg6[%add3A_79, %dma_start3A_108] : memref<10240x128xf32, #tpu.memory_space<vmem_shared>> -> memref<32x128xf32, #tpu.memory_space<vmem_shared>>
      tpu.enqueue_dma source(%arg9 : memref<32x128xf32, #tpu.memory_space<vmem>>) target(%dma_start3A_109 : memref<32x128xf32, #tpu.memory_space<vmem_shared>>) target_semaphore(%run_scoped3A : memref<!tpu.dma_semaphore, #tpu.memory_space<semaphore_mem>>)
      %dma_wait3A = arith.constant 0 : i32
      %dma_wait3A_110 = tpu.memref_slice %arg6[%add3A_79, %dma_wait3A] : memref<10240x128xf32, #tpu.memory_space<vmem_shared>> -> memref<32x128xf32, #tpu.memory_space<vmem_shared>>
      %dma_wait3A_111 = arith.constant 0 : i32
      %dma_wait3A_112 = tpu.memref_slice %arg6[%add3A_79, %dma_wait3A_111] : memref<10240x128xf32, #tpu.memory_space<vmem_shared>> -> memref<32x128xf32, #tpu.memory_space<vmem_shared>>
      tpu.wait_dma2 semaphore(%run_scoped3A : memref<!tpu.dma_semaphore, #tpu.memory_space<semaphore_mem>>) src(%arg9 : memref<32x128xf32, #tpu.memory_space<vmem>>) dst(%dma_wait3A_112 : memref<32x128xf32, #tpu.memory_space<vmem_shared>>)
      tpu.yield
    }) : () -> ()
    %mul3A_80 = arith.constant 640 : i32
    %mul3A_81 = arith.muli %mul3A_80, %arg1 : i32
    %add3A_82 = arith.constant 608 : i32
    %add3A_83 = arith.addi %mul3A_81, %add3A_82 : i32
    "tpu.region"() ({
      %run_scoped3A = tpu.sem_alloc : memref<!tpu.dma_semaphore, #tpu.memory_space<semaphore_mem>>
      %dma_start3A = arith.constant 0 : i32
      %dma_start3A_107 = tpu.memref_slice %arg6[%add3A_83, %dma_start3A] : memref<10240x128xf32, #tpu.memory_space<vmem_shared>> -> memref<32x128xf32, #tpu.memory_space<vmem_shared>>
      %dma_start3A_108 = arith.constant 0 : i32
      %dma_start3A_109 = tpu.memref_slice %arg6[%add3A_83, %dma_start3A_108] : memref<10240x128xf32, #tpu.memory_space<vmem_shared>> -> memref<32x128xf32, #tpu.memory_space<vmem_shared>>
      tpu.enqueue_dma source(%arg9 : memref<32x128xf32, #tpu.memory_space<vmem>>) target(%dma_start3A_109 : memref<32x128xf32, #tpu.memory_space<vmem_shared>>) target_semaphore(%run_scoped3A : memref<!tpu.dma_semaphore, #tpu.memory_space<semaphore_mem>>)
      %dma_wait3A = arith.constant 0 : i32
      %dma_wait3A_110 = tpu.memref_slice %arg6[%add3A_83, %dma_wait3A] : memref<10240x128xf32, #tpu.memory_space<vmem_shared>> -> memref<32x128xf32, #tpu.memory_space<vmem_shared>>
      %dma_wait3A_111 = arith.constant 0 : i32
      %dma_wait3A_112 = tpu.memref_slice %arg6[%add3A_83, %dma_wait3A_111] : memref<10240x128xf32, #tpu.memory_space<vmem_shared>> -> memref<32x128xf32, #tpu.memory_space<vmem_shared>>
      tpu.wait_dma2 semaphore(%run_scoped3A : memref<!tpu.dma_semaphore, #tpu.memory_space<semaphore_mem>>) src(%arg9 : memref<32x128xf32, #tpu.memory_space<vmem>>) dst(%dma_wait3A_112 : memref<32x128xf32, #tpu.memory_space<vmem_shared>>)
      tpu.yield
    }) : () -> ()
    %barrier3A = arith.constant 0 : index
    tpu.barrier barrier_id(%barrier3A)
    %eq3A = arith.constant 0 : i32
    %eq3A_84 = arith.cmpi eq, %arg0, %eq3A : i32
    %jit3A = arith.constant 5 : i32
    %jit3A_85 = arith.constant 5 : i32
    %select_n3A = arith.select %eq3A_84, %jit3A, %jit3A_85 : i32
    %eq3A_86 = arith.constant 0 : i32
    %eq3A_87 = arith.cmpi eq, %arg0, %eq3A_86 : i32
    %mul3A_88 = arith.constant 320 : i32
    %mul3A_89 = arith.muli %mul3A_88, %arg1 : i32
    %mul3A_90 = arith.constant 320 : i32
    %mul3A_91 = arith.muli %mul3A_90, %arg1 : i32
    %add3A_92 = arith.constant 5120 : i32
    %add3A_93 = arith.addi %add3A_92, %mul3A_91 : i32
    %select_n3A_94 = arith.select %eq3A_87, %mul3A_89, %add3A_93 : i32
    %while3A = arith.constant 0 : i32
    %while3A_95 = arith.constant 0 : i32
    %while3A_96 = arith.subi %select_n3A, %while3A_95 : i32
    %while3A_97 = arith.addi %while3A_95, %while3A_96 : i32
    %while3A_98 = arith.constant 1 : i32
    %while3A_99 = arith.divsi %while3A_96, %while3A_98 : i32
    %while3A_100 = arith.muli %while3A_99, %while3A_98 : i32
    %while3A_101 = arith.addi %while3A_95, %while3A_100 : i32
    %while3A_102 = arith.constant 1 : i32
    scf.for %while3A_107 = %while3A_95 to %while3A_101 step %while3A_102  : i32 {
      %mul3A_108 = arith.constant 64 : i32
      %mul3A_109 = arith.muli %while3A_107, %mul3A_108 : i32
      %add3A_110 = arith.addi %select_n3A_94, %mul3A_109 : i32
      "tpu.region"() ({
        %run_scoped3A = tpu.sem_alloc : memref<!tpu.dma_semaphore, #tpu.memory_space<semaphore_mem>>
        %dma_start3A_165 = arith.constant 0 : i32
        %dma_start3A_166 = tpu.memref_slice %arg3[%add3A_110, %dma_start3A_165] : memref<10240x32xi32, #tpu.memory_space<hbm>> -> memref<64x32xi32, #tpu.memory_space<hbm>>
        %dma_start3A_167 = arith.constant 0 : i32
        %dma_start3A_168 = tpu.memref_slice %arg3[%add3A_110, %dma_start3A_167] : memref<10240x32xi32, #tpu.memory_space<hbm>> -> memref<64x32xi32, #tpu.memory_space<hbm>>
        tpu.enqueue_dma source(%dma_start3A_168 : memref<64x32xi32, #tpu.memory_space<hbm>>) target(%arg7 : memref<64x32xi32, #tpu.memory_space<vmem>>) target_semaphore(%run_scoped3A : memref<!tpu.dma_semaphore, #tpu.memory_space<semaphore_mem>>)
        %dma_wait3A = arith.constant 0 : i32
        %dma_wait3A_169 = tpu.memref_slice %arg3[%add3A_110, %dma_wait3A] : memref<10240x32xi32, #tpu.memory_space<hbm>> -> memref<64x32xi32, #tpu.memory_space<hbm>>
        %dma_wait3A_170 = arith.constant 0 : i32
        %dma_wait3A_171 = tpu.memref_slice %arg3[%add3A_110, %dma_wait3A_170] : memref<10240x32xi32, #tpu.memory_space<hbm>> -> memref<64x32xi32, #tpu.memory_space<hbm>>
        tpu.wait_dma2 semaphore(%run_scoped3A : memref<!tpu.dma_semaphore, #tpu.memory_space<semaphore_mem>>) src(%dma_wait3A_171 : memref<64x32xi32, #tpu.memory_space<hbm>>) dst(%arg7 : memref<64x32xi32, #tpu.memory_space<vmem>>)
        tpu.yield
      }) : () -> ()
      "tpu.region"() ({
        %run_scoped3A = tpu.sem_alloc : memref<!tpu.dma_semaphore, #tpu.memory_space<semaphore_mem>>
        %dma_start3A_165 = arith.constant 0 : i32
        %dma_start3A_166 = tpu.memref_slice %arg4[%add3A_110, %dma_start3A_165] : memref<10240x32xi32, #tpu.memory_space<hbm>> -> memref<64x32xi32, #tpu.memory_space<hbm>>
        %dma_start3A_167 = arith.constant 0 : i32
        %dma_start3A_168 = tpu.memref_slice %arg4[%add3A_110, %dma_start3A_167] : memref<10240x32xi32, #tpu.memory_space<hbm>> -> memref<64x32xi32, #tpu.memory_space<hbm>>
        tpu.enqueue_dma source(%dma_start3A_168 : memref<64x32xi32, #tpu.memory_space<hbm>>) target(%arg8 : memref<64x32xi32, #tpu.memory_space<vmem>>) target_semaphore(%run_scoped3A : memref<!tpu.dma_semaphore, #tpu.memory_space<semaphore_mem>>)
        %dma_wait3A = arith.constant 0 : i32
        %dma_wait3A_169 = tpu.memref_slice %arg4[%add3A_110, %dma_wait3A] : memref<10240x32xi32, #tpu.memory_space<hbm>> -> memref<64x32xi32, #tpu.memory_space<hbm>>
        %dma_wait3A_170 = arith.constant 0 : i32
        %dma_wait3A_171 = tpu.memref_slice %arg4[%add3A_110, %dma_wait3A_170] : memref<10240x32xi32, #tpu.memory_space<hbm>> -> memref<64x32xi32, #tpu.memory_space<hbm>>
        tpu.wait_dma2 semaphore(%run_scoped3A : memref<!tpu.dma_semaphore, #tpu.memory_space<semaphore_mem>>) src(%dma_wait3A_171 : memref<64x32xi32, #tpu.memory_space<hbm>>) dst(%arg8 : memref<64x32xi32, #tpu.memory_space<vmem>>)
        tpu.yield
      }) : () -> ()
      %dma_start3A = arith.constant 0 : i32
      %dma_start3A_111 = arith.constant 0 : i32
      %dma_start3A_112 = tpu.memref_slice %arg7[%dma_start3A, %dma_start3A_111] : memref<64x32xi32, #tpu.memory_space<vmem>> -> memref<1x32xi32, #tpu.memory_space<vmem>>
      %dma_start3A_113 = tpu.memref_squeeze %dma_start3A_112 : memref<1x32xi32, #tpu.memory_space<vmem>> -> memref<32xi32, #tpu.memory_space<vmem>>
      %dma_start3A_114 = arith.constant 0 : i32
      %dma_start3A_115 = arith.constant 0 : i32
      %dma_start3A_116 = tpu.memref_slice %arg2[%dma_start3A_114, %dma_start3A_115] : memref<10240x128xf32, #tpu.memory_space<hbm>> -> memref<10240x128xf32, #tpu.memory_space<hbm>>
      tpu.enqueue_indirect_dma source(%dma_start3A_116 : memref<10240x128xf32, #tpu.memory_space<hbm>>) target(%arg9 : memref<32x128xf32, #tpu.memory_space<vmem>>) offsets(%dma_start3A_113 : memref<32xi32, #tpu.memory_space<vmem>>) semaphore(%arg17 : memref<!tpu.dma_semaphore, #tpu.memory_space<semaphore_mem>>)
      %dma_start3A_117 = arith.constant 1 : i32
      %dma_start3A_118 = arith.constant 0 : i32
      %dma_start3A_119 = tpu.memref_slice %arg7[%dma_start3A_117, %dma_start3A_118] : memref<64x32xi32, #tpu.memory_space<vmem>> -> memref<1x32xi32, #tpu.memory_space<vmem>>
      %dma_start3A_120 = tpu.memref_squeeze %dma_start3A_119 : memref<1x32xi32, #tpu.memory_space<vmem>> -> memref<32xi32, #tpu.memory_space<vmem>>
      %dma_start3A_121 = arith.constant 0 : i32
      %dma_start3A_122 = arith.constant 0 : i32
      %dma_start3A_123 = tpu.memref_slice %arg2[%dma_start3A_121, %dma_start3A_122] : memref<10240x128xf32, #tpu.memory_space<hbm>> -> memref<10240x128xf32, #tpu.memory_space<hbm>>
      tpu.enqueue_indirect_dma source(%dma_start3A_123 : memref<10240x128xf32, #tpu.memory_space<hbm>>) target(%arg10 : memref<32x128xf32, #tpu.memory_space<vmem>>) offsets(%dma_start3A_120 : memref<32xi32, #tpu.memory_space<vmem>>) semaphore(%arg18 : memref<!tpu.dma_semaphore, #tpu.memory_space<semaphore_mem>>)
      %dma_start3A_124 = arith.constant 2 : i32
      %dma_start3A_125 = arith.constant 0 : i32
      %dma_start3A_126 = tpu.memref_slice %arg7[%dma_start3A_124, %dma_start3A_125] : memref<64x32xi32, #tpu.memory_space<vmem>> -> memref<1x32xi32, #tpu.memory_space<vmem>>
      %dma_start3A_127 = tpu.memref_squeeze %dma_start3A_126 : memref<1x32xi32, #tpu.memory_space<vmem>> -> memref<32xi32, #tpu.memory_space<vmem>>
      %dma_start3A_128 = arith.constant 0 : i32
      %dma_start3A_129 = arith.constant 0 : i32
      %dma_start3A_130 = tpu.memref_slice %arg2[%dma_start3A_128, %dma_start3A_129] : memref<10240x128xf32, #tpu.memory_space<hbm>> -> memref<10240x128xf32, #tpu.memory_space<hbm>>
      tpu.enqueue_indirect_dma source(%dma_start3A_130 : memref<10240x128xf32, #tpu.memory_space<hbm>>) target(%arg11 : memref<32x128xf32, #tpu.memory_space<vmem>>) offsets(%dma_start3A_127 : memref<32xi32, #tpu.memory_space<vmem>>) semaphore(%arg19 : memref<!tpu.dma_semaphore, #tpu.memory_space<semaphore_mem>>)
      %dma_start3A_131 = arith.constant 3 : i32
      %dma_start3A_132 = arith.constant 0 : i32
      %dma_start3A_133 = tpu.memref_slice %arg7[%dma_start3A_131, %dma_start3A_132] : memref<64x32xi32, #tpu.memory_space<vmem>> -> memref<1x32xi32, #tpu.memory_space<vmem>>
      %dma_start3A_134 = tpu.memref_squeeze %dma_start3A_133 : memref<1x32xi32, #tpu.memory_space<vmem>> -> memref<32xi32, #tpu.memory_space<vmem>>
      %dma_start3A_135 = arith.constant 0 : i32
      %dma_start3A_136 = arith.constant 0 : i32
      %dma_start3A_137 = tpu.memref_slice %arg2[%dma_start3A_135, %dma_start3A_136] : memref<10240x128xf32, #tpu.memory_space<hbm>> -> memref<10240x128xf32, #tpu.memory_space<hbm>>
      tpu.enqueue_indirect_dma source(%dma_start3A_137 : memref<10240x128xf32, #tpu.memory_space<hbm>>) target(%arg12 : memref<32x128xf32, #tpu.memory_space<vmem>>) offsets(%dma_start3A_134 : memref<32xi32, #tpu.memory_space<vmem>>) semaphore(%arg20 : memref<!tpu.dma_semaphore, #tpu.memory_space<semaphore_mem>>)
      %dma_start3A_138 = arith.constant 4 : i32
      %dma_start3A_139 = arith.constant 0 : i32
      %dma_start3A_140 = tpu.memref_slice %arg7[%dma_start3A_138, %dma_start3A_139] : memref<64x32xi32, #tpu.memory_space<vmem>> -> memref<1x32xi32, #tpu.memory_space<vmem>>
      %dma_start3A_141 = tpu.memref_squeeze %dma_start3A_140 : memref<1x32xi32, #tpu.memory_space<vmem>> -> memref<32xi32, #tpu.memory_space<vmem>>
      %dma_start3A_142 = arith.constant 0 : i32
      %dma_start3A_143 = arith.constant 0 : i32
      %dma_start3A_144 = tpu.memref_slice %arg2[%dma_start3A_142, %dma_start3A_143] : memref<10240x128xf32, #tpu.memory_space<hbm>> -> memref<10240x128xf32, #tpu.memory_space<hbm>>
      tpu.enqueue_indirect_dma source(%dma_start3A_144 : memref<10240x128xf32, #tpu.memory_space<hbm>>) target(%arg13 : memref<32x128xf32, #tpu.memory_space<vmem>>) offsets(%dma_start3A_141 : memref<32xi32, #tpu.memory_space<vmem>>) semaphore(%arg21 : memref<!tpu.dma_semaphore, #tpu.memory_space<semaphore_mem>>)
      %dma_start3A_145 = arith.constant 5 : i32
      %dma_start3A_146 = arith.constant 0 : i32
      %dma_start3A_147 = tpu.memref_slice %arg7[%dma_start3A_145, %dma_start3A_146] : memref<64x32xi32, #tpu.memory_space<vmem>> -> memref<1x32xi32, #tpu.memory_space<vmem>>
      %dma_start3A_148 = tpu.memref_squeeze %dma_start3A_147 : memref<1x32xi32, #tpu.memory_space<vmem>> -> memref<32xi32, #tpu.memory_space<vmem>>
      %dma_start3A_149 = arith.constant 0 : i32
      %dma_start3A_150 = arith.constant 0 : i32
      %dma_start3A_151 = tpu.memref_slice %arg2[%dma_start3A_149, %dma_start3A_150] : memref<10240x128xf32, #tpu.memory_space<hbm>> -> memref<10240x128xf32, #tpu.memory_space<hbm>>
      tpu.enqueue_indirect_dma source(%dma_start3A_151 : memref<10240x128xf32, #tpu.memory_space<hbm>>) target(%arg14 : memref<32x128xf32, #tpu.memory_space<vmem>>) offsets(%dma_start3A_148 : memref<32xi32, #tpu.memory_space<vmem>>) semaphore(%arg22 : memref<!tpu.dma_semaphore, #tpu.memory_space<semaphore_mem>>)
      %dma_start3A_152 = arith.constant 6 : i32
      %dma_start3A_153 = arith.constant 0 : i32
      %dma_start3A_154 = tpu.memref_slice %arg7[%dma_start3A_152, %dma_start3A_153] : memref<64x32xi32, #tpu.memory_space<vmem>> -> memref<1x32xi32, #tpu.memory_space<vmem>>
      %dma_start3A_155 = tpu.memref_squeeze %dma_start3A_154 : memref<1x32xi32, #tpu.memory_space<vmem>> -> memref<32xi32, #tpu.memory_space<vmem>>
      %dma_start3A_156 = arith.constant 0 : i32
      %dma_start3A_157 = arith.constant 0 : i32
      %dma_start3A_158 = tpu.memref_slice %arg2[%dma_start3A_156, %dma_start3A_157] : memref<10240x128xf32, #tpu.memory_space<hbm>> -> memref<10240x128xf32, #tpu.memory_space<hbm>>
      tpu.enqueue_indirect_dma source(%dma_start3A_158 : memref<10240x128xf32, #tpu.memory_space<hbm>>) target(%arg15 : memref<32x128xf32, #tpu.memory_space<vmem>>) offsets(%dma_start3A_155 : memref<32xi32, #tpu.memory_space<vmem>>) semaphore(%arg23 : memref<!tpu.dma_semaphore, #tpu.memory_space<semaphore_mem>>)
      %scan3A_159 = arith.constant 0 : i32
      %scan3A_160 = arith.constant 0 : i32
      %scan3A_161 = arith.constant 8 : i32
      %scan3A_162 = arith.addi %scan3A_160, %scan3A_161 : i32
      %scan3A_163 = arith.constant 1 : i32
      scf.for %scan3A_165 = %scan3A_160 to %scan3A_162 step %scan3A_163  : i32 {
        %mul3A_166 = arith.constant 8 : i32
        %mul3A_167 = arith.muli %mul3A_166, %scan3A_165 : i32
        %add3A_168 = arith.constant 0 : i32
        %add3A_169 = arith.addi %mul3A_167, %add3A_168 : i32
        %dma_wait3A = arith.constant 0 : i32
        %dma_wait3A_170 = tpu.memref_slice %arg7[%add3A_169, %dma_wait3A] : memref<64x32xi32, #tpu.memory_space<vmem>> -> memref<1x32xi32, #tpu.memory_space<vmem>>
        %dma_wait3A_171 = tpu.memref_squeeze %dma_wait3A_170 : memref<1x32xi32, #tpu.memory_space<vmem>> -> memref<32xi32, #tpu.memory_space<vmem>>
        %dma_wait3A_172 = arith.constant 0 : i32
        %dma_wait3A_173 = arith.constant 0 : i32
        %dma_wait3A_174 = tpu.memref_slice %arg2[%dma_wait3A_172, %dma_wait3A_173] : memref<10240x128xf32, #tpu.memory_space<hbm>> -> memref<10240x128xf32, #tpu.memory_space<hbm>>
        tpu.wait_indirect_dma semaphore(%arg17 : memref<!tpu.dma_semaphore, #tpu.memory_space<semaphore_mem>>) src(%dma_wait3A_174 : memref<10240x128xf32, #tpu.memory_space<hbm>>) dst(%arg9 : memref<32x128xf32, #tpu.memory_space<vmem>>)
        "tpu.region"() ({
          %run_scoped3A = tpu.sem_alloc : memref<!tpu.dma_semaphore, #tpu.memory_space<semaphore_mem>>
          %dma_start3A_313 = arith.constant 0 : i32
          %dma_start3A_314 = tpu.memref_slice %arg8[%add3A_169, %dma_start3A_313] : memref<64x32xi32, #tpu.memory_space<vmem>> -> memref<1x32xi32, #tpu.memory_space<vmem>>
          %dma_start3A_315 = tpu.memref_squeeze %dma_start3A_314 : memref<1x32xi32, #tpu.memory_space<vmem>> -> memref<32xi32, #tpu.memory_space<vmem>>
          %dma_start3A_316 = arith.constant 0 : i32
          %dma_start3A_317 = arith.constant 0 : i32
          %dma_start3A_318 = tpu.memref_slice %arg6[%dma_start3A_316, %dma_start3A_317] : memref<10240x128xf32, #tpu.memory_space<vmem_shared>> -> memref<10240x128xf32, #tpu.memory_space<vmem_shared>>
          tpu.enqueue_indirect_dma source(%arg9 : memref<32x128xf32, #tpu.memory_space<vmem>>) target(%dma_start3A_318 : memref<10240x128xf32, #tpu.memory_space<vmem_shared>>) offsets(%dma_start3A_315 : memref<32xi32, #tpu.memory_space<vmem>>) semaphore(%run_scoped3A : memref<!tpu.dma_semaphore, #tpu.memory_space<semaphore_mem>>) {add = true}
          %dma_wait3A_319 = arith.constant 0 : i32
          %dma_wait3A_320 = tpu.memref_slice %arg8[%add3A_169, %dma_wait3A_319] : memref<64x32xi32, #tpu.memory_space<vmem>> -> memref<1x32xi32, #tpu.memory_space<vmem>>
          %dma_wait3A_321 = tpu.memref_squeeze %dma_wait3A_320 : memref<1x32xi32, #tpu.memory_space<vmem>> -> memref<32xi32, #tpu.memory_space<vmem>>
          %dma_wait3A_322 = arith.constant 0 : i32
          %dma_wait3A_323 = arith.constant 0 : i32
          %dma_wait3A_324 = tpu.memref_slice %arg6[%dma_wait3A_322, %dma_wait3A_323] : memref<10240x128xf32, #tpu.memory_space<vmem_shared>> -> memref<10240x128xf32, #tpu.memory_space<vmem_shared>>
          tpu.wait_indirect_dma semaphore(%run_scoped3A : memref<!tpu.dma_semaphore, #tpu.memory_space<semaphore_mem>>) src(%arg9 : memref<32x128xf32, #tpu.memory_space<vmem>>) dst(%dma_wait3A_324 : memref<10240x128xf32, #tpu.memory_space<vmem_shared>>)
          tpu.yield
        }) : () -> ()
        %add3A_175 = arith.constant 8 : i32
        %add3A_176 = arith.addi %add3A_169, %add3A_175 : i32
        %sub3A = arith.constant 1 : i32
        %sub3A_177 = arith.subi %add3A_176, %sub3A : i32
        %lt3A = arith.constant 64 : i32
        %lt3A_178 = arith.cmpi slt, %sub3A_177, %lt3A : i32
        %convert_element_type3A = arith.extui %lt3A_178 : i1 to i32
        %cond3A = arith.constant 0 : i32
        %cond3A_179 = arith.cmpi ne, %convert_element_type3A, %cond3A : i32
        scf.if %cond3A_179 {
          %add3A_313 = arith.constant 8 : i32
          %add3A_314 = arith.addi %add3A_169, %add3A_313 : i32
          %sub3A_315 = arith.constant 1 : i32
          %sub3A_316 = arith.subi %add3A_314, %sub3A_315 : i32
          %dma_start3A_317 = arith.constant 0 : i32
          %dma_start3A_318 = tpu.memref_slice %arg7[%sub3A_316, %dma_start3A_317] : memref<64x32xi32, #tpu.memory_space<vmem>> -> memref<1x32xi32, #tpu.memory_space<vmem>>
          %dma_start3A_319 = tpu.memref_squeeze %dma_start3A_318 : memref<1x32xi32, #tpu.memory_space<vmem>> -> memref<32xi32, #tpu.memory_space<vmem>>
          %dma_start3A_320 = arith.constant 0 : i32
          %dma_start3A_321 = arith.constant 0 : i32
          %dma_start3A_322 = tpu.memref_slice %arg2[%dma_start3A_320, %dma_start3A_321] : memref<10240x128xf32, #tpu.memory_space<hbm>> -> memref<10240x128xf32, #tpu.memory_space<hbm>>
          tpu.enqueue_indirect_dma source(%dma_start3A_322 : memref<10240x128xf32, #tpu.memory_space<hbm>>) target(%arg16 : memref<32x128xf32, #tpu.memory_space<vmem>>) offsets(%dma_start3A_319 : memref<32xi32, #tpu.memory_space<vmem>>) semaphore(%arg24 : memref<!tpu.dma_semaphore, #tpu.memory_space<semaphore_mem>>)
        } else {
        }
        %mul3A_180 = arith.constant 8 : i32
        %mul3A_181 = arith.muli %mul3A_180, %scan3A_165 : i32
        %add3A_182 = arith.constant 1 : i32
        %add3A_183 = arith.addi %mul3A_181, %add3A_182 : i32
        %dma_wait3A_184 = arith.constant 0 : i32
        %dma_wait3A_185 = tpu.memref_slice %arg7[%add3A_183, %dma_wait3A_184] : memref<64x32xi32, #tpu.memory_space<vmem>> -> memref<1x32xi32, #tpu.memory_space<vmem>>
        %dma_wait3A_186 = tpu.memref_squeeze %dma_wait3A_185 : memref<1x32xi32, #tpu.memory_space<vmem>> -> memref<32xi32, #tpu.memory_space<vmem>>
        %dma_wait3A_187 = arith.constant 0 : i32
        %dma_wait3A_188 = arith.constant 0 : i32
        %dma_wait3A_189 = tpu.memref_slice %arg2[%dma_wait3A_187, %dma_wait3A_188] : memref<10240x128xf32, #tpu.memory_space<hbm>> -> memref<10240x128xf32, #tpu.memory_space<hbm>>
        tpu.wait_indirect_dma semaphore(%arg18 : memref<!tpu.dma_semaphore, #tpu.memory_space<semaphore_mem>>) src(%dma_wait3A_189 : memref<10240x128xf32, #tpu.memory_space<hbm>>) dst(%arg10 : memref<32x128xf32, #tpu.memory_space<vmem>>)
        "tpu.region"() ({
          %run_scoped3A = tpu.sem_alloc : memref<!tpu.dma_semaphore, #tpu.memory_space<semaphore_mem>>
          %dma_start3A_313 = arith.constant 0 : i32
          %dma_start3A_314 = tpu.memref_slice %arg8[%add3A_183, %dma_start3A_313] : memref<64x32xi32, #tpu.memory_space<vmem>> -> memref<1x32xi32, #tpu.memory_space<vmem>>
          %dma_start3A_315 = tpu.memref_squeeze %dma_start3A_314 : memref<1x32xi32, #tpu.memory_space<vmem>> -> memref<32xi32, #tpu.memory_space<vmem>>
          %dma_start3A_316 = arith.constant 0 : i32
          %dma_start3A_317 = arith.constant 0 : i32
          %dma_start3A_318 = tpu.memref_slice %arg6[%dma_start3A_316, %dma_start3A_317] : memref<10240x128xf32, #tpu.memory_space<vmem_shared>> -> memref<10240x128xf32, #tpu.memory_space<vmem_shared>>
          tpu.enqueue_indirect_dma source(%arg10 : memref<32x128xf32, #tpu.memory_space<vmem>>) target(%dma_start3A_318 : memref<10240x128xf32, #tpu.memory_space<vmem_shared>>) offsets(%dma_start3A_315 : memref<32xi32, #tpu.memory_space<vmem>>) semaphore(%run_scoped3A : memref<!tpu.dma_semaphore, #tpu.memory_space<semaphore_mem>>) {add = true}
          %dma_wait3A_319 = arith.constant 0 : i32
          %dma_wait3A_320 = tpu.memref_slice %arg8[%add3A_183, %dma_wait3A_319] : memref<64x32xi32, #tpu.memory_space<vmem>> -> memref<1x32xi32, #tpu.memory_space<vmem>>
          %dma_wait3A_321 = tpu.memref_squeeze %dma_wait3A_320 : memref<1x32xi32, #tpu.memory_space<vmem>> -> memref<32xi32, #tpu.memory_space<vmem>>
          %dma_wait3A_322 = arith.constant 0 : i32
          %dma_wait3A_323 = arith.constant 0 : i32
          %dma_wait3A_324 = tpu.memref_slice %arg6[%dma_wait3A_322, %dma_wait3A_323] : memref<10240x128xf32, #tpu.memory_space<vmem_shared>> -> memref<10240x128xf32, #tpu.memory_space<vmem_shared>>
          tpu.wait_indirect_dma semaphore(%run_scoped3A : memref<!tpu.dma_semaphore, #tpu.memory_space<semaphore_mem>>) src(%arg10 : memref<32x128xf32, #tpu.memory_space<vmem>>) dst(%dma_wait3A_324 : memref<10240x128xf32, #tpu.memory_space<vmem_shared>>)
          tpu.yield
        }) : () -> ()
        %add3A_190 = arith.constant 8 : i32
        %add3A_191 = arith.addi %add3A_183, %add3A_190 : i32
        %sub3A_192 = arith.constant 1 : i32
        %sub3A_193 = arith.subi %add3A_191, %sub3A_192 : i32
        %lt3A_194 = arith.constant 64 : i32
        %lt3A_195 = arith.cmpi slt, %sub3A_193, %lt3A_194 : i32
        %convert_element_type3A_196 = arith.extui %lt3A_195 : i1 to i32
        %cond3A_197 = arith.constant 0 : i32
        %cond3A_198 = arith.cmpi ne, %convert_element_type3A_196, %cond3A_197 : i32
        scf.if %cond3A_198 {
          %add3A_313 = arith.constant 8 : i32
          %add3A_314 = arith.addi %add3A_183, %add3A_313 : i32
          %sub3A_315 = arith.constant 1 : i32
          %sub3A_316 = arith.subi %add3A_314, %sub3A_315 : i32
          %dma_start3A_317 = arith.constant 0 : i32
          %dma_start3A_318 = tpu.memref_slice %arg7[%sub3A_316, %dma_start3A_317] : memref<64x32xi32, #tpu.memory_space<vmem>> -> memref<1x32xi32, #tpu.memory_space<vmem>>
          %dma_start3A_319 = tpu.memref_squeeze %dma_start3A_318 : memref<1x32xi32, #tpu.memory_space<vmem>> -> memref<32xi32, #tpu.memory_space<vmem>>
          %dma_start3A_320 = arith.constant 0 : i32
          %dma_start3A_321 = arith.constant 0 : i32
          %dma_start3A_322 = tpu.memref_slice %arg2[%dma_start3A_320, %dma_start3A_321] : memref<10240x128xf32, #tpu.memory_space<hbm>> -> memref<10240x128xf32, #tpu.memory_space<hbm>>
          tpu.enqueue_indirect_dma source(%dma_start3A_322 : memref<10240x128xf32, #tpu.memory_space<hbm>>) target(%arg9 : memref<32x128xf32, #tpu.memory_space<vmem>>) offsets(%dma_start3A_319 : memref<32xi32, #tpu.memory_space<vmem>>) semaphore(%arg17 : memref<!tpu.dma_semaphore, #tpu.memory_space<semaphore_mem>>)
        } else {
        }
        %mul3A_199 = arith.constant 8 : i32
        %mul3A_200 = arith.muli %mul3A_199, %scan3A_165 : i32
        %add3A_201 = arith.constant 2 : i32
        %add3A_202 = arith.addi %mul3A_200, %add3A_201 : i32
        %dma_wait3A_203 = arith.constant 0 : i32
        %dma_wait3A_204 = tpu.memref_slice %arg7[%add3A_202, %dma_wait3A_203] : memref<64x32xi32, #tpu.memory_space<vmem>> -> memref<1x32xi32, #tpu.memory_space<vmem>>
        %dma_wait3A_205 = tpu.memref_squeeze %dma_wait3A_204 : memref<1x32xi32, #tpu.memory_space<vmem>> -> memref<32xi32, #tpu.memory_space<vmem>>
        %dma_wait3A_206 = arith.constant 0 : i32
        %dma_wait3A_207 = arith.constant 0 : i32
        %dma_wait3A_208 = tpu.memref_slice %arg2[%dma_wait3A_206, %dma_wait3A_207] : memref<10240x128xf32, #tpu.memory_space<hbm>> -> memref<10240x128xf32, #tpu.memory_space<hbm>>
        tpu.wait_indirect_dma semaphore(%arg19 : memref<!tpu.dma_semaphore, #tpu.memory_space<semaphore_mem>>) src(%dma_wait3A_208 : memref<10240x128xf32, #tpu.memory_space<hbm>>) dst(%arg11 : memref<32x128xf32, #tpu.memory_space<vmem>>)
        "tpu.region"() ({
          %run_scoped3A = tpu.sem_alloc : memref<!tpu.dma_semaphore, #tpu.memory_space<semaphore_mem>>
          %dma_start3A_313 = arith.constant 0 : i32
          %dma_start3A_314 = tpu.memref_slice %arg8[%add3A_202, %dma_start3A_313] : memref<64x32xi32, #tpu.memory_space<vmem>> -> memref<1x32xi32, #tpu.memory_space<vmem>>
          %dma_start3A_315 = tpu.memref_squeeze %dma_start3A_314 : memref<1x32xi32, #tpu.memory_space<vmem>> -> memref<32xi32, #tpu.memory_space<vmem>>
          %dma_start3A_316 = arith.constant 0 : i32
          %dma_start3A_317 = arith.constant 0 : i32
          %dma_start3A_318 = tpu.memref_slice %arg6[%dma_start3A_316, %dma_start3A_317] : memref<10240x128xf32, #tpu.memory_space<vmem_shared>> -> memref<10240x128xf32, #tpu.memory_space<vmem_shared>>
          tpu.enqueue_indirect_dma source(%arg11 : memref<32x128xf32, #tpu.memory_space<vmem>>) target(%dma_start3A_318 : memref<10240x128xf32, #tpu.memory_space<vmem_shared>>) offsets(%dma_start3A_315 : memref<32xi32, #tpu.memory_space<vmem>>) semaphore(%run_scoped3A : memref<!tpu.dma_semaphore, #tpu.memory_space<semaphore_mem>>) {add = true}
          %dma_wait3A_319 = arith.constant 0 : i32
          %dma_wait3A_320 = tpu.memref_slice %arg8[%add3A_202, %dma_wait3A_319] : memref<64x32xi32, #tpu.memory_space<vmem>> -> memref<1x32xi32, #tpu.memory_space<vmem>>
          %dma_wait3A_321 = tpu.memref_squeeze %dma_wait3A_320 : memref<1x32xi32, #tpu.memory_space<vmem>> -> memref<32xi32, #tpu.memory_space<vmem>>
          %dma_wait3A_322 = arith.constant 0 : i32
          %dma_wait3A_323 = arith.constant 0 : i32
          %dma_wait3A_324 = tpu.memref_slice %arg6[%dma_wait3A_322, %dma_wait3A_323] : memref<10240x128xf32, #tpu.memory_space<vmem_shared>> -> memref<10240x128xf32, #tpu.memory_space<vmem_shared>>
          tpu.wait_indirect_dma semaphore(%run_scoped3A : memref<!tpu.dma_semaphore, #tpu.memory_space<semaphore_mem>>) src(%arg11 : memref<32x128xf32, #tpu.memory_space<vmem>>) dst(%dma_wait3A_324 : memref<10240x128xf32, #tpu.memory_space<vmem_shared>>)
          tpu.yield
        }) : () -> ()
        %add3A_209 = arith.constant 8 : i32
        %add3A_210 = arith.addi %add3A_202, %add3A_209 : i32
        %sub3A_211 = arith.constant 1 : i32
        %sub3A_212 = arith.subi %add3A_210, %sub3A_211 : i32
        %lt3A_213 = arith.constant 64 : i32
        %lt3A_214 = arith.cmpi slt, %sub3A_212, %lt3A_213 : i32
        %convert_element_type3A_215 = arith.extui %lt3A_214 : i1 to i32
        %cond3A_216 = arith.constant 0 : i32
        %cond3A_217 = arith.cmpi ne, %convert_element_type3A_215, %cond3A_216 : i32
        scf.if %cond3A_217 {
          %add3A_313 = arith.constant 8 : i32
          %add3A_314 = arith.addi %add3A_202, %add3A_313 : i32
          %sub3A_315 = arith.constant 1 : i32
          %sub3A_316 = arith.subi %add3A_314, %sub3A_315 : i32
          %dma_start3A_317 = arith.constant 0 : i32
          %dma_start3A_318 = tpu.memref_slice %arg7[%sub3A_316, %dma_start3A_317] : memref<64x32xi32, #tpu.memory_space<vmem>> -> memref<1x32xi32, #tpu.memory_space<vmem>>
          %dma_start3A_319 = tpu.memref_squeeze %dma_start3A_318 : memref<1x32xi32, #tpu.memory_space<vmem>> -> memref<32xi32, #tpu.memory_space<vmem>>
          %dma_start3A_320 = arith.constant 0 : i32
          %dma_start3A_321 = arith.constant 0 : i32
          %dma_start3A_322 = tpu.memref_slice %arg2[%dma_start3A_320, %dma_start3A_321] : memref<10240x128xf32, #tpu.memory_space<hbm>> -> memref<10240x128xf32, #tpu.memory_space<hbm>>
          tpu.enqueue_indirect_dma source(%dma_start3A_322 : memref<10240x128xf32, #tpu.memory_space<hbm>>) target(%arg10 : memref<32x128xf32, #tpu.memory_space<vmem>>) offsets(%dma_start3A_319 : memref<32xi32, #tpu.memory_space<vmem>>) semaphore(%arg18 : memref<!tpu.dma_semaphore, #tpu.memory_space<semaphore_mem>>)
        } else {
        }
        %mul3A_218 = arith.constant 8 : i32
        %mul3A_219 = arith.muli %mul3A_218, %scan3A_165 : i32
        %add3A_220 = arith.constant 3 : i32
        %add3A_221 = arith.addi %mul3A_219, %add3A_220 : i32
        %dma_wait3A_222 = arith.constant 0 : i32
        %dma_wait3A_223 = tpu.memref_slice %arg7[%add3A_221, %dma_wait3A_222] : memref<64x32xi32, #tpu.memory_space<vmem>> -> memref<1x32xi32, #tpu.memory_space<vmem>>
        %dma_wait3A_224 = tpu.memref_squeeze %dma_wait3A_223 : memref<1x32xi32, #tpu.memory_space<vmem>> -> memref<32xi32, #tpu.memory_space<vmem>>
        %dma_wait3A_225 = arith.constant 0 : i32
        %dma_wait3A_226 = arith.constant 0 : i32
        %dma_wait3A_227 = tpu.memref_slice %arg2[%dma_wait3A_225, %dma_wait3A_226] : memref<10240x128xf32, #tpu.memory_space<hbm>> -> memref<10240x128xf32, #tpu.memory_space<hbm>>
        tpu.wait_indirect_dma semaphore(%arg20 : memref<!tpu.dma_semaphore, #tpu.memory_space<semaphore_mem>>) src(%dma_wait3A_227 : memref<10240x128xf32, #tpu.memory_space<hbm>>) dst(%arg12 : memref<32x128xf32, #tpu.memory_space<vmem>>)
        "tpu.region"() ({
          %run_scoped3A = tpu.sem_alloc : memref<!tpu.dma_semaphore, #tpu.memory_space<semaphore_mem>>
          %dma_start3A_313 = arith.constant 0 : i32
          %dma_start3A_314 = tpu.memref_slice %arg8[%add3A_221, %dma_start3A_313] : memref<64x32xi32, #tpu.memory_space<vmem>> -> memref<1x32xi32, #tpu.memory_space<vmem>>
          %dma_start3A_315 = tpu.memref_squeeze %dma_start3A_314 : memref<1x32xi32, #tpu.memory_space<vmem>> -> memref<32xi32, #tpu.memory_space<vmem>>
          %dma_start3A_316 = arith.constant 0 : i32
          %dma_start3A_317 = arith.constant 0 : i32
          %dma_start3A_318 = tpu.memref_slice %arg6[%dma_start3A_316, %dma_start3A_317] : memref<10240x128xf32, #tpu.memory_space<vmem_shared>> -> memref<10240x128xf32, #tpu.memory_space<vmem_shared>>
          tpu.enqueue_indirect_dma source(%arg12 : memref<32x128xf32, #tpu.memory_space<vmem>>) target(%dma_start3A_318 : memref<10240x128xf32, #tpu.memory_space<vmem_shared>>) offsets(%dma_start3A_315 : memref<32xi32, #tpu.memory_space<vmem>>) semaphore(%run_scoped3A : memref<!tpu.dma_semaphore, #tpu.memory_space<semaphore_mem>>) {add = true}
          %dma_wait3A_319 = arith.constant 0 : i32
          %dma_wait3A_320 = tpu.memref_slice %arg8[%add3A_221, %dma_wait3A_319] : memref<64x32xi32, #tpu.memory_space<vmem>> -> memref<1x32xi32, #tpu.memory_space<vmem>>
          %dma_wait3A_321 = tpu.memref_squeeze %dma_wait3A_320 : memref<1x32xi32, #tpu.memory_space<vmem>> -> memref<32xi32, #tpu.memory_space<vmem>>
          %dma_wait3A_322 = arith.constant 0 : i32
          %dma_wait3A_323 = arith.constant 0 : i32
          %dma_wait3A_324 = tpu.memref_slice %arg6[%dma_wait3A_322, %dma_wait3A_323] : memref<10240x128xf32, #tpu.memory_space<vmem_shared>> -> memref<10240x128xf32, #tpu.memory_space<vmem_shared>>
          tpu.wait_indirect_dma semaphore(%run_scoped3A : memref<!tpu.dma_semaphore, #tpu.memory_space<semaphore_mem>>) src(%arg12 : memref<32x128xf32, #tpu.memory_space<vmem>>) dst(%dma_wait3A_324 : memref<10240x128xf32, #tpu.memory_space<vmem_shared>>)
          tpu.yield
        }) : () -> ()
        %add3A_228 = arith.constant 8 : i32
        %add3A_229 = arith.addi %add3A_221, %add3A_228 : i32
        %sub3A_230 = arith.constant 1 : i32
        %sub3A_231 = arith.subi %add3A_229, %sub3A_230 : i32
        %lt3A_232 = arith.constant 64 : i32
        %lt3A_233 = arith.cmpi slt, %sub3A_231, %lt3A_232 : i32
        %convert_element_type3A_234 = arith.extui %lt3A_233 : i1 to i32
        %cond3A_235 = arith.constant 0 : i32
        %cond3A_236 = arith.cmpi ne, %convert_element_type3A_234, %cond3A_235 : i32
        scf.if %cond3A_236 {
          %add3A_313 = arith.constant 8 : i32
          %add3A_314 = arith.addi %add3A_221, %add3A_313 : i32
          %sub3A_315 = arith.constant 1 : i32
          %sub3A_316 = arith.subi %add3A_314, %sub3A_315 : i32
          %dma_start3A_317 = arith.constant 0 : i32
          %dma_start3A_318 = tpu.memref_slice %arg7[%sub3A_316, %dma_start3A_317] : memref<64x32xi32, #tpu.memory_space<vmem>> -> memref<1x32xi32, #tpu.memory_space<vmem>>
          %dma_start3A_319 = tpu.memref_squeeze %dma_start3A_318 : memref<1x32xi32, #tpu.memory_space<vmem>> -> memref<32xi32, #tpu.memory_space<vmem>>
          %dma_start3A_320 = arith.constant 0 : i32
          %dma_start3A_321 = arith.constant 0 : i32
          %dma_start3A_322 = tpu.memref_slice %arg2[%dma_start3A_320, %dma_start3A_321] : memref<10240x128xf32, #tpu.memory_space<hbm>> -> memref<10240x128xf32, #tpu.memory_space<hbm>>
          tpu.enqueue_indirect_dma source(%dma_start3A_322 : memref<10240x128xf32, #tpu.memory_space<hbm>>) target(%arg11 : memref<32x128xf32, #tpu.memory_space<vmem>>) offsets(%dma_start3A_319 : memref<32xi32, #tpu.memory_space<vmem>>) semaphore(%arg19 : memref<!tpu.dma_semaphore, #tpu.memory_space<semaphore_mem>>)
        } else {
        }
        %mul3A_237 = arith.constant 8 : i32
        %mul3A_238 = arith.muli %mul3A_237, %scan3A_165 : i32
        %add3A_239 = arith.constant 4 : i32
        %add3A_240 = arith.addi %mul3A_238, %add3A_239 : i32
        %dma_wait3A_241 = arith.constant 0 : i32
        %dma_wait3A_242 = tpu.memref_slice %arg7[%add3A_240, %dma_wait3A_241] : memref<64x32xi32, #tpu.memory_space<vmem>> -> memref<1x32xi32, #tpu.memory_space<vmem>>
        %dma_wait3A_243 = tpu.memref_squeeze %dma_wait3A_242 : memref<1x32xi32, #tpu.memory_space<vmem>> -> memref<32xi32, #tpu.memory_space<vmem>>
        %dma_wait3A_244 = arith.constant 0 : i32
        %dma_wait3A_245 = arith.constant 0 : i32
        %dma_wait3A_246 = tpu.memref_slice %arg2[%dma_wait3A_244, %dma_wait3A_245] : memref<10240x128xf32, #tpu.memory_space<hbm>> -> memref<10240x128xf32, #tpu.memory_space<hbm>>
        tpu.wait_indirect_dma semaphore(%arg21 : memref<!tpu.dma_semaphore, #tpu.memory_space<semaphore_mem>>) src(%dma_wait3A_246 : memref<10240x128xf32, #tpu.memory_space<hbm>>) dst(%arg13 : memref<32x128xf32, #tpu.memory_space<vmem>>)
        "tpu.region"() ({
          %run_scoped3A = tpu.sem_alloc : memref<!tpu.dma_semaphore, #tpu.memory_space<semaphore_mem>>
          %dma_start3A_313 = arith.constant 0 : i32
          %dma_start3A_314 = tpu.memref_slice %arg8[%add3A_240, %dma_start3A_313] : memref<64x32xi32, #tpu.memory_space<vmem>> -> memref<1x32xi32, #tpu.memory_space<vmem>>
          %dma_start3A_315 = tpu.memref_squeeze %dma_start3A_314 : memref<1x32xi32, #tpu.memory_space<vmem>> -> memref<32xi32, #tpu.memory_space<vmem>>
          %dma_start3A_316 = arith.constant 0 : i32
          %dma_start3A_317 = arith.constant 0 : i32
          %dma_start3A_318 = tpu.memref_slice %arg6[%dma_start3A_316, %dma_start3A_317] : memref<10240x128xf32, #tpu.memory_space<vmem_shared>> -> memref<10240x128xf32, #tpu.memory_space<vmem_shared>>
          tpu.enqueue_indirect_dma source(%arg13 : memref<32x128xf32, #tpu.memory_space<vmem>>) target(%dma_start3A_318 : memref<10240x128xf32, #tpu.memory_space<vmem_shared>>) offsets(%dma_start3A_315 : memref<32xi32, #tpu.memory_space<vmem>>) semaphore(%run_scoped3A : memref<!tpu.dma_semaphore, #tpu.memory_space<semaphore_mem>>) {add = true}
          %dma_wait3A_319 = arith.constant 0 : i32
          %dma_wait3A_320 = tpu.memref_slice %arg8[%add3A_240, %dma_wait3A_319] : memref<64x32xi32, #tpu.memory_space<vmem>> -> memref<1x32xi32, #tpu.memory_space<vmem>>
          %dma_wait3A_321 = tpu.memref_squeeze %dma_wait3A_320 : memref<1x32xi32, #tpu.memory_space<vmem>> -> memref<32xi32, #tpu.memory_space<vmem>>
          %dma_wait3A_322 = arith.constant 0 : i32
          %dma_wait3A_323 = arith.constant 0 : i32
          %dma_wait3A_324 = tpu.memref_slice %arg6[%dma_wait3A_322, %dma_wait3A_323] : memref<10240x128xf32, #tpu.memory_space<vmem_shared>> -> memref<10240x128xf32, #tpu.memory_space<vmem_shared>>
          tpu.wait_indirect_dma semaphore(%run_scoped3A : memref<!tpu.dma_semaphore, #tpu.memory_space<semaphore_mem>>) src(%arg13 : memref<32x128xf32, #tpu.memory_space<vmem>>) dst(%dma_wait3A_324 : memref<10240x128xf32, #tpu.memory_space<vmem_shared>>)
          tpu.yield
        }) : () -> ()
        %add3A_247 = arith.constant 8 : i32
        %add3A_248 = arith.addi %add3A_240, %add3A_247 : i32
        %sub3A_249 = arith.constant 1 : i32
        %sub3A_250 = arith.subi %add3A_248, %sub3A_249 : i32
        %lt3A_251 = arith.constant 64 : i32
        %lt3A_252 = arith.cmpi slt, %sub3A_250, %lt3A_251 : i32
        %convert_element_type3A_253 = arith.extui %lt3A_252 : i1 to i32
        %cond3A_254 = arith.constant 0 : i32
        %cond3A_255 = arith.cmpi ne, %convert_element_type3A_253, %cond3A_254 : i32
        scf.if %cond3A_255 {
          %add3A_313 = arith.constant 8 : i32
          %add3A_314 = arith.addi %add3A_240, %add3A_313 : i32
          %sub3A_315 = arith.constant 1 : i32
          %sub3A_316 = arith.subi %add3A_314, %sub3A_315 : i32
          %dma_start3A_317 = arith.constant 0 : i32
          %dma_start3A_318 = tpu.memref_slice %arg7[%sub3A_316, %dma_start3A_317] : memref<64x32xi32, #tpu.memory_space<vmem>> -> memref<1x32xi32, #tpu.memory_space<vmem>>
          %dma_start3A_319 = tpu.memref_squeeze %dma_start3A_318 : memref<1x32xi32, #tpu.memory_space<vmem>> -> memref<32xi32, #tpu.memory_space<vmem>>
          %dma_start3A_320 = arith.constant 0 : i32
          %dma_start3A_321 = arith.constant 0 : i32
          %dma_start3A_322 = tpu.memref_slice %arg2[%dma_start3A_320, %dma_start3A_321] : memref<10240x128xf32, #tpu.memory_space<hbm>> -> memref<10240x128xf32, #tpu.memory_space<hbm>>
          tpu.enqueue_indirect_dma source(%dma_start3A_322 : memref<10240x128xf32, #tpu.memory_space<hbm>>) target(%arg12 : memref<32x128xf32, #tpu.memory_space<vmem>>) offsets(%dma_start3A_319 : memref<32xi32, #tpu.memory_space<vmem>>) semaphore(%arg20 : memref<!tpu.dma_semaphore, #tpu.memory_space<semaphore_mem>>)
        } else {
        }
        %mul3A_256 = arith.constant 8 : i32
        %mul3A_257 = arith.muli %mul3A_256, %scan3A_165 : i32
        %add3A_258 = arith.constant 5 : i32
        %add3A_259 = arith.addi %mul3A_257, %add3A_258 : i32
        %dma_wait3A_260 = arith.constant 0 : i32
        %dma_wait3A_261 = tpu.memref_slice %arg7[%add3A_259, %dma_wait3A_260] : memref<64x32xi32, #tpu.memory_space<vmem>> -> memref<1x32xi32, #tpu.memory_space<vmem>>
        %dma_wait3A_262 = tpu.memref_squeeze %dma_wait3A_261 : memref<1x32xi32, #tpu.memory_space<vmem>> -> memref<32xi32, #tpu.memory_space<vmem>>
        %dma_wait3A_263 = arith.constant 0 : i32
        %dma_wait3A_264 = arith.constant 0 : i32
        %dma_wait3A_265 = tpu.memref_slice %arg2[%dma_wait3A_263, %dma_wait3A_264] : memref<10240x128xf32, #tpu.memory_space<hbm>> -> memref<10240x128xf32, #tpu.memory_space<hbm>>
        tpu.wait_indirect_dma semaphore(%arg22 : memref<!tpu.dma_semaphore, #tpu.memory_space<semaphore_mem>>) src(%dma_wait3A_265 : memref<10240x128xf32, #tpu.memory_space<hbm>>) dst(%arg14 : memref<32x128xf32, #tpu.memory_space<vmem>>)
        "tpu.region"() ({
          %run_scoped3A = tpu.sem_alloc : memref<!tpu.dma_semaphore, #tpu.memory_space<semaphore_mem>>
          %dma_start3A_313 = arith.constant 0 : i32
          %dma_start3A_314 = tpu.memref_slice %arg8[%add3A_259, %dma_start3A_313] : memref<64x32xi32, #tpu.memory_space<vmem>> -> memref<1x32xi32, #tpu.memory_space<vmem>>
          %dma_start3A_315 = tpu.memref_squeeze %dma_start3A_314 : memref<1x32xi32, #tpu.memory_space<vmem>> -> memref<32xi32, #tpu.memory_space<vmem>>
          %dma_start3A_316 = arith.constant 0 : i32
          %dma_start3A_317 = arith.constant 0 : i32
          %dma_start3A_318 = tpu.memref_slice %arg6[%dma_start3A_316, %dma_start3A_317] : memref<10240x128xf32, #tpu.memory_space<vmem_shared>> -> memref<10240x128xf32, #tpu.memory_space<vmem_shared>>
          tpu.enqueue_indirect_dma source(%arg14 : memref<32x128xf32, #tpu.memory_space<vmem>>) target(%dma_start3A_318 : memref<10240x128xf32, #tpu.memory_space<vmem_shared>>) offsets(%dma_start3A_315 : memref<32xi32, #tpu.memory_space<vmem>>) semaphore(%run_scoped3A : memref<!tpu.dma_semaphore, #tpu.memory_space<semaphore_mem>>) {add = true}
          %dma_wait3A_319 = arith.constant 0 : i32
          %dma_wait3A_320 = tpu.memref_slice %arg8[%add3A_259, %dma_wait3A_319] : memref<64x32xi32, #tpu.memory_space<vmem>> -> memref<1x32xi32, #tpu.memory_space<vmem>>
          %dma_wait3A_321 = tpu.memref_squeeze %dma_wait3A_320 : memref<1x32xi32, #tpu.memory_space<vmem>> -> memref<32xi32, #tpu.memory_space<vmem>>
          %dma_wait3A_322 = arith.constant 0 : i32
          %dma_wait3A_323 = arith.constant 0 : i32
          %dma_wait3A_324 = tpu.memref_slice %arg6[%dma_wait3A_322, %dma_wait3A_323] : memref<10240x128xf32, #tpu.memory_space<vmem_shared>> -> memref<10240x128xf32, #tpu.memory_space<vmem_shared>>
          tpu.wait_indirect_dma semaphore(%run_scoped3A : memref<!tpu.dma_semaphore, #tpu.memory_space<semaphore_mem>>) src(%arg14 : memref<32x128xf32, #tpu.memory_space<vmem>>) dst(%dma_wait3A_324 : memref<10240x128xf32, #tpu.memory_space<vmem_shared>>)
          tpu.yield
        }) : () -> ()
        %add3A_266 = arith.constant 8 : i32
        %add3A_267 = arith.addi %add3A_259, %add3A_266 : i32
        %sub3A_268 = arith.constant 1 : i32
        %sub3A_269 = arith.subi %add3A_267, %sub3A_268 : i32
        %lt3A_270 = arith.constant 64 : i32
        %lt3A_271 = arith.cmpi slt, %sub3A_269, %lt3A_270 : i32
        %convert_element_type3A_272 = arith.extui %lt3A_271 : i1 to i32
        %cond3A_273 = arith.constant 0 : i32
        %cond3A_274 = arith.cmpi ne, %convert_element_type3A_272, %cond3A_273 : i32
        scf.if %cond3A_274 {
          %add3A_313 = arith.constant 8 : i32
          %add3A_314 = arith.addi %add3A_259, %add3A_313 : i32
          %sub3A_315 = arith.constant 1 : i32
          %sub3A_316 = arith.subi %add3A_314, %sub3A_315 : i32
          %dma_start3A_317 = arith.constant 0 : i32
          %dma_start3A_318 = tpu.memref_slice %arg7[%sub3A_316, %dma_start3A_317] : memref<64x32xi32, #tpu.memory_space<vmem>> -> memref<1x32xi32, #tpu.memory_space<vmem>>
          %dma_start3A_319 = tpu.memref_squeeze %dma_start3A_318 : memref<1x32xi32, #tpu.memory_space<vmem>> -> memref<32xi32, #tpu.memory_space<vmem>>
          %dma_start3A_320 = arith.constant 0 : i32
          %dma_start3A_321 = arith.constant 0 : i32
          %dma_start3A_322 = tpu.memref_slice %arg2[%dma_start3A_320, %dma_start3A_321] : memref<10240x128xf32, #tpu.memory_space<hbm>> -> memref<10240x128xf32, #tpu.memory_space<hbm>>
          tpu.enqueue_indirect_dma source(%dma_start3A_322 : memref<10240x128xf32, #tpu.memory_space<hbm>>) target(%arg13 : memref<32x128xf32, #tpu.memory_space<vmem>>) offsets(%dma_start3A_319 : memref<32xi32, #tpu.memory_space<vmem>>) semaphore(%arg21 : memref<!tpu.dma_semaphore, #tpu.memory_space<semaphore_mem>>)
        } else {
        }
        %mul3A_275 = arith.constant 8 : i32
        %mul3A_276 = arith.muli %mul3A_275, %scan3A_165 : i32
        %add3A_277 = arith.constant 6 : i32
        %add3A_278 = arith.addi %mul3A_276, %add3A_277 : i32
        %dma_wait3A_279 = arith.constant 0 : i32
        %dma_wait3A_280 = tpu.memref_slice %arg7[%add3A_278, %dma_wait3A_279] : memref<64x32xi32, #tpu.memory_space<vmem>> -> memref<1x32xi32, #tpu.memory_space<vmem>>
        %dma_wait3A_281 = tpu.memref_squeeze %dma_wait3A_280 : memref<1x32xi32, #tpu.memory_space<vmem>> -> memref<32xi32, #tpu.memory_space<vmem>>
        %dma_wait3A_282 = arith.constant 0 : i32
        %dma_wait3A_283 = arith.constant 0 : i32
        %dma_wait3A_284 = tpu.memref_slice %arg2[%dma_wait3A_282, %dma_wait3A_283] : memref<10240x128xf32, #tpu.memory_space<hbm>> -> memref<10240x128xf32, #tpu.memory_space<hbm>>
        tpu.wait_indirect_dma semaphore(%arg23 : memref<!tpu.dma_semaphore, #tpu.memory_space<semaphore_mem>>) src(%dma_wait3A_284 : memref<10240x128xf32, #tpu.memory_space<hbm>>) dst(%arg15 : memref<32x128xf32, #tpu.memory_space<vmem>>)
        "tpu.region"() ({
          %run_scoped3A = tpu.sem_alloc : memref<!tpu.dma_semaphore, #tpu.memory_space<semaphore_mem>>
          %dma_start3A_313 = arith.constant 0 : i32
          %dma_start3A_314 = tpu.memref_slice %arg8[%add3A_278, %dma_start3A_313] : memref<64x32xi32, #tpu.memory_space<vmem>> -> memref<1x32xi32, #tpu.memory_space<vmem>>
          %dma_start3A_315 = tpu.memref_squeeze %dma_start3A_314 : memref<1x32xi32, #tpu.memory_space<vmem>> -> memref<32xi32, #tpu.memory_space<vmem>>
          %dma_start3A_316 = arith.constant 0 : i32
          %dma_start3A_317 = arith.constant 0 : i32
          %dma_start3A_318 = tpu.memref_slice %arg6[%dma_start3A_316, %dma_start3A_317] : memref<10240x128xf32, #tpu.memory_space<vmem_shared>> -> memref<10240x128xf32, #tpu.memory_space<vmem_shared>>
          tpu.enqueue_indirect_dma source(%arg15 : memref<32x128xf32, #tpu.memory_space<vmem>>) target(%dma_start3A_318 : memref<10240x128xf32, #tpu.memory_space<vmem_shared>>) offsets(%dma_start3A_315 : memref<32xi32, #tpu.memory_space<vmem>>) semaphore(%run_scoped3A : memref<!tpu.dma_semaphore, #tpu.memory_space<semaphore_mem>>) {add = true}
          %dma_wait3A_319 = arith.constant 0 : i32
          %dma_wait3A_320 = tpu.memref_slice %arg8[%add3A_278, %dma_wait3A_319] : memref<64x32xi32, #tpu.memory_space<vmem>> -> memref<1x32xi32, #tpu.memory_space<vmem>>
          %dma_wait3A_321 = tpu.memref_squeeze %dma_wait3A_320 : memref<1x32xi32, #tpu.memory_space<vmem>> -> memref<32xi32, #tpu.memory_space<vmem>>
          %dma_wait3A_322 = arith.constant 0 : i32
          %dma_wait3A_323 = arith.constant 0 : i32
          %dma_wait3A_324 = tpu.memref_slice %arg6[%dma_wait3A_322, %dma_wait3A_323] : memref<10240x128xf32, #tpu.memory_space<vmem_shared>> -> memref<10240x128xf32, #tpu.memory_space<vmem_shared>>
          tpu.wait_indirect_dma semaphore(%run_scoped3A : memref<!tpu.dma_semaphore, #tpu.memory_space<semaphore_mem>>) src(%arg15 : memref<32x128xf32, #tpu.memory_space<vmem>>) dst(%dma_wait3A_324 : memref<10240x128xf32, #tpu.memory_space<vmem_shared>>)
          tpu.yield
        }) : () -> ()
        %add3A_285 = arith.constant 8 : i32
        %add3A_286 = arith.addi %add3A_278, %add3A_285 : i32
        %sub3A_287 = arith.constant 1 : i32
        %sub3A_288 = arith.subi %add3A_286, %sub3A_287 : i32
        %lt3A_289 = arith.constant 64 : i32
        %lt3A_290 = arith.cmpi slt, %sub3A_288, %lt3A_289 : i32
        %convert_element_type3A_291 = arith.extui %lt3A_290 : i1 to i32
        %cond3A_292 = arith.constant 0 : i32
        %cond3A_293 = arith.cmpi ne, %convert_element_type3A_291, %cond3A_292 : i32
        scf.if %cond3A_293 {
          %add3A_313 = arith.constant 8 : i32
          %add3A_314 = arith.addi %add3A_278, %add3A_313 : i32
          %sub3A_315 = arith.constant 1 : i32
          %sub3A_316 = arith.subi %add3A_314, %sub3A_315 : i32
          %dma_start3A_317 = arith.constant 0 : i32
          %dma_start3A_318 = tpu.memref_slice %arg7[%sub3A_316, %dma_start3A_317] : memref<64x32xi32, #tpu.memory_space<vmem>> -> memref<1x32xi32, #tpu.memory_space<vmem>>
          %dma_start3A_319 = tpu.memref_squeeze %dma_start3A_318 : memref<1x32xi32, #tpu.memory_space<vmem>> -> memref<32xi32, #tpu.memory_space<vmem>>
          %dma_start3A_320 = arith.constant 0 : i32
          %dma_start3A_321 = arith.constant 0 : i32
          %dma_start3A_322 = tpu.memref_slice %arg2[%dma_start3A_320, %dma_start3A_321] : memref<10240x128xf32, #tpu.memory_space<hbm>> -> memref<10240x128xf32, #tpu.memory_space<hbm>>
          tpu.enqueue_indirect_dma source(%dma_start3A_322 : memref<10240x128xf32, #tpu.memory_space<hbm>>) target(%arg14 : memref<32x128xf32, #tpu.memory_space<vmem>>) offsets(%dma_start3A_319 : memref<32xi32, #tpu.memory_space<vmem>>) semaphore(%arg22 : memref<!tpu.dma_semaphore, #tpu.memory_space<semaphore_mem>>)
        } else {
        }
        %mul3A_294 = arith.constant 8 : i32
        %mul3A_295 = arith.muli %mul3A_294, %scan3A_165 : i32
        %add3A_296 = arith.constant 7 : i32
        %add3A_297 = arith.addi %mul3A_295, %add3A_296 : i32
        %dma_wait3A_298 = arith.constant 0 : i32
        %dma_wait3A_299 = tpu.memref_slice %arg7[%add3A_297, %dma_wait3A_298] : memref<64x32xi32, #tpu.memory_space<vmem>> -> memref<1x32xi32, #tpu.memory_space<vmem>>
        %dma_wait3A_300 = tpu.memref_squeeze %dma_wait3A_299 : memref<1x32xi32, #tpu.memory_space<vmem>> -> memref<32xi32, #tpu.memory_space<vmem>>
        %dma_wait3A_301 = arith.constant 0 : i32
        %dma_wait3A_302 = arith.constant 0 : i32
        %dma_wait3A_303 = tpu.memref_slice %arg2[%dma_wait3A_301, %dma_wait3A_302] : memref<10240x128xf32, #tpu.memory_space<hbm>> -> memref<10240x128xf32, #tpu.memory_space<hbm>>
        tpu.wait_indirect_dma semaphore(%arg24 : memref<!tpu.dma_semaphore, #tpu.memory_space<semaphore_mem>>) src(%dma_wait3A_303 : memref<10240x128xf32, #tpu.memory_space<hbm>>) dst(%arg16 : memref<32x128xf32, #tpu.memory_space<vmem>>)
        "tpu.region"() ({
          %run_scoped3A = tpu.sem_alloc : memref<!tpu.dma_semaphore, #tpu.memory_space<semaphore_mem>>
          %dma_start3A_313 = arith.constant 0 : i32
          %dma_start3A_314 = tpu.memref_slice %arg8[%add3A_297, %dma_start3A_313] : memref<64x32xi32, #tpu.memory_space<vmem>> -> memref<1x32xi32, #tpu.memory_space<vmem>>
          %dma_start3A_315 = tpu.memref_squeeze %dma_start3A_314 : memref<1x32xi32, #tpu.memory_space<vmem>> -> memref<32xi32, #tpu.memory_space<vmem>>
          %dma_start3A_316 = arith.constant 0 : i32
          %dma_start3A_317 = arith.constant 0 : i32
          %dma_start3A_318 = tpu.memref_slice %arg6[%dma_start3A_316, %dma_start3A_317] : memref<10240x128xf32, #tpu.memory_space<vmem_shared>> -> memref<10240x128xf32, #tpu.memory_space<vmem_shared>>
          tpu.enqueue_indirect_dma source(%arg16 : memref<32x128xf32, #tpu.memory_space<vmem>>) target(%dma_start3A_318 : memref<10240x128xf32, #tpu.memory_space<vmem_shared>>) offsets(%dma_start3A_315 : memref<32xi32, #tpu.memory_space<vmem>>) semaphore(%run_scoped3A : memref<!tpu.dma_semaphore, #tpu.memory_space<semaphore_mem>>) {add = true}
          %dma_wait3A_319 = arith.constant 0 : i32
          %dma_wait3A_320 = tpu.memref_slice %arg8[%add3A_297, %dma_wait3A_319] : memref<64x32xi32, #tpu.memory_space<vmem>> -> memref<1x32xi32, #tpu.memory_space<vmem>>
          %dma_wait3A_321 = tpu.memref_squeeze %dma_wait3A_320 : memref<1x32xi32, #tpu.memory_space<vmem>> -> memref<32xi32, #tpu.memory_space<vmem>>
          %dma_wait3A_322 = arith.constant 0 : i32
          %dma_wait3A_323 = arith.constant 0 : i32
          %dma_wait3A_324 = tpu.memref_slice %arg6[%dma_wait3A_322, %dma_wait3A_323] : memref<10240x128xf32, #tpu.memory_space<vmem_shared>> -> memref<10240x128xf32, #tpu.memory_space<vmem_shared>>
          tpu.wait_indirect_dma semaphore(%run_scoped3A : memref<!tpu.dma_semaphore, #tpu.memory_space<semaphore_mem>>) src(%arg16 : memref<32x128xf32, #tpu.memory_space<vmem>>) dst(%dma_wait3A_324 : memref<10240x128xf32, #tpu.memory_space<vmem_shared>>)
          tpu.yield
        }) : () -> ()
        %add3A_304 = arith.constant 8 : i32
        %add3A_305 = arith.addi %add3A_297, %add3A_304 : i32
        %sub3A_306 = arith.constant 1 : i32
        %sub3A_307 = arith.subi %add3A_305, %sub3A_306 : i32
        %lt3A_308 = arith.constant 64 : i32
        %lt3A_309 = arith.cmpi slt, %sub3A_307, %lt3A_308 : i32
        %convert_element_type3A_310 = arith.extui %lt3A_309 : i1 to i32
        %cond3A_311 = arith.constant 0 : i32
        %cond3A_312 = arith.cmpi ne, %convert_element_type3A_310, %cond3A_311 : i32
        scf.if %cond3A_312 {
          %add3A_313 = arith.constant 8 : i32
          %add3A_314 = arith.addi %add3A_297, %add3A_313 : i32
          %sub3A_315 = arith.constant 1 : i32
          %sub3A_316 = arith.subi %add3A_314, %sub3A_315 : i32
          %dma_start3A_317 = arith.constant 0 : i32
          %dma_start3A_318 = tpu.memref_slice %arg7[%sub3A_316, %dma_start3A_317] : memref<64x32xi32, #tpu.memory_space<vmem>> -> memref<1x32xi32, #tpu.memory_space<vmem>>
          %dma_start3A_319 = tpu.memref_squeeze %dma_start3A_318 : memref<1x32xi32, #tpu.memory_space<vmem>> -> memref<32xi32, #tpu.memory_space<vmem>>
          %dma_start3A_320 = arith.constant 0 : i32
          %dma_start3A_321 = arith.constant 0 : i32
          %dma_start3A_322 = tpu.memref_slice %arg2[%dma_start3A_320, %dma_start3A_321] : memref<10240x128xf32, #tpu.memory_space<hbm>> -> memref<10240x128xf32, #tpu.memory_space<hbm>>
          tpu.enqueue_indirect_dma source(%dma_start3A_322 : memref<10240x128xf32, #tpu.memory_space<hbm>>) target(%arg15 : memref<32x128xf32, #tpu.memory_space<vmem>>) offsets(%dma_start3A_319 : memref<32xi32, #tpu.memory_space<vmem>>) semaphore(%arg23 : memref<!tpu.dma_semaphore, #tpu.memory_space<semaphore_mem>>)
        } else {
        }
      }
      %scan3A_164 = arith.constant 8 : i32
    }
    %while3A_103 = arith.constant 1 : i32
    scf.for %while3A_107 = %while3A_101 to %while3A_97 step %while3A_103  : i32 {
      %mul3A_108 = arith.constant 64 : i32
      %mul3A_109 = arith.muli %while3A_107, %mul3A_108 : i32
      %add3A_110 = arith.addi %select_n3A_94, %mul3A_109 : i32
      "tpu.region"() ({
        %run_scoped3A = tpu.sem_alloc : memref<!tpu.dma_semaphore, #tpu.memory_space<semaphore_mem>>
        %dma_start3A_165 = arith.constant 0 : i32
        %dma_start3A_166 = tpu.memref_slice %arg3[%add3A_110, %dma_start3A_165] : memref<10240x32xi32, #tpu.memory_space<hbm>> -> memref<64x32xi32, #tpu.memory_space<hbm>>
        %dma_start3A_167 = arith.constant 0 : i32
        %dma_start3A_168 = tpu.memref_slice %arg3[%add3A_110, %dma_start3A_167] : memref<10240x32xi32, #tpu.memory_space<hbm>> -> memref<64x32xi32, #tpu.memory_space<hbm>>
        tpu.enqueue_dma source(%dma_start3A_168 : memref<64x32xi32, #tpu.memory_space<hbm>>) target(%arg7 : memref<64x32xi32, #tpu.memory_space<vmem>>) target_semaphore(%run_scoped3A : memref<!tpu.dma_semaphore, #tpu.memory_space<semaphore_mem>>)
        %dma_wait3A = arith.constant 0 : i32
        %dma_wait3A_169 = tpu.memref_slice %arg3[%add3A_110, %dma_wait3A] : memref<10240x32xi32, #tpu.memory_space<hbm>> -> memref<64x32xi32, #tpu.memory_space<hbm>>
        %dma_wait3A_170 = arith.constant 0 : i32
        %dma_wait3A_171 = tpu.memref_slice %arg3[%add3A_110, %dma_wait3A_170] : memref<10240x32xi32, #tpu.memory_space<hbm>> -> memref<64x32xi32, #tpu.memory_space<hbm>>
        tpu.wait_dma2 semaphore(%run_scoped3A : memref<!tpu.dma_semaphore, #tpu.memory_space<semaphore_mem>>) src(%dma_wait3A_171 : memref<64x32xi32, #tpu.memory_space<hbm>>) dst(%arg7 : memref<64x32xi32, #tpu.memory_space<vmem>>)
        tpu.yield
      }) : () -> ()
      "tpu.region"() ({
        %run_scoped3A = tpu.sem_alloc : memref<!tpu.dma_semaphore, #tpu.memory_space<semaphore_mem>>
        %dma_start3A_165 = arith.constant 0 : i32
        %dma_start3A_166 = tpu.memref_slice %arg4[%add3A_110, %dma_start3A_165] : memref<10240x32xi32, #tpu.memory_space<hbm>> -> memref<64x32xi32, #tpu.memory_space<hbm>>
        %dma_start3A_167 = arith.constant 0 : i32
        %dma_start3A_168 = tpu.memref_slice %arg4[%add3A_110, %dma_start3A_167] : memref<10240x32xi32, #tpu.memory_space<hbm>> -> memref<64x32xi32, #tpu.memory_space<hbm>>
        tpu.enqueue_dma source(%dma_start3A_168 : memref<64x32xi32, #tpu.memory_space<hbm>>) target(%arg8 : memref<64x32xi32, #tpu.memory_space<vmem>>) target_semaphore(%run_scoped3A : memref<!tpu.dma_semaphore, #tpu.memory_space<semaphore_mem>>)
        %dma_wait3A = arith.constant 0 : i32
        %dma_wait3A_169 = tpu.memref_slice %arg4[%add3A_110, %dma_wait3A] : memref<10240x32xi32, #tpu.memory_space<hbm>> -> memref<64x32xi32, #tpu.memory_space<hbm>>
        %dma_wait3A_170 = arith.constant 0 : i32
        %dma_wait3A_171 = tpu.memref_slice %arg4[%add3A_110, %dma_wait3A_170] : memref<10240x32xi32, #tpu.memory_space<hbm>> -> memref<64x32xi32, #tpu.memory_space<hbm>>
        tpu.wait_dma2 semaphore(%run_scoped3A : memref<!tpu.dma_semaphore, #tpu.memory_space<semaphore_mem>>) src(%dma_wait3A_171 : memref<64x32xi32, #tpu.memory_space<hbm>>) dst(%arg8 : memref<64x32xi32, #tpu.memory_space<vmem>>)
        tpu.yield
      }) : () -> ()
      %dma_start3A = arith.constant 0 : i32
      %dma_start3A_111 = arith.constant 0 : i32
      %dma_start3A_112 = tpu.memref_slice %arg7[%dma_start3A, %dma_start3A_111] : memref<64x32xi32, #tpu.memory_space<vmem>> -> memref<1x32xi32, #tpu.memory_space<vmem>>
      %dma_start3A_113 = tpu.memref_squeeze %dma_start3A_112 : memref<1x32xi32, #tpu.memory_space<vmem>> -> memref<32xi32, #tpu.memory_space<vmem>>
      %dma_start3A_114 = arith.constant 0 : i32
      %dma_start3A_115 = arith.constant 0 : i32
      %dma_start3A_116 = tpu.memref_slice %arg2[%dma_start3A_114, %dma_start3A_115] : memref<10240x128xf32, #tpu.memory_space<hbm>> -> memref<10240x128xf32, #tpu.memory_space<hbm>>
      tpu.enqueue_indirect_dma source(%dma_start3A_116 : memref<10240x128xf32, #tpu.memory_space<hbm>>) target(%arg9 : memref<32x128xf32, #tpu.memory_space<vmem>>) offsets(%dma_start3A_113 : memref<32xi32, #tpu.memory_space<vmem>>) semaphore(%arg17 : memref<!tpu.dma_semaphore, #tpu.memory_space<semaphore_mem>>)
      %dma_start3A_117 = arith.constant 1 : i32
      %dma_start3A_118 = arith.constant 0 : i32
      %dma_start3A_119 = tpu.memref_slice %arg7[%dma_start3A_117, %dma_start3A_118] : memref<64x32xi32, #tpu.memory_space<vmem>> -> memref<1x32xi32, #tpu.memory_space<vmem>>
      %dma_start3A_120 = tpu.memref_squeeze %dma_start3A_119 : memref<1x32xi32, #tpu.memory_space<vmem>> -> memref<32xi32, #tpu.memory_space<vmem>>
      %dma_start3A_121 = arith.constant 0 : i32
      %dma_start3A_122 = arith.constant 0 : i32
      %dma_start3A_123 = tpu.memref_slice %arg2[%dma_start3A_121, %dma_start3A_122] : memref<10240x128xf32, #tpu.memory_space<hbm>> -> memref<10240x128xf32, #tpu.memory_space<hbm>>
      tpu.enqueue_indirect_dma source(%dma_start3A_123 : memref<10240x128xf32, #tpu.memory_space<hbm>>) target(%arg10 : memref<32x128xf32, #tpu.memory_space<vmem>>) offsets(%dma_start3A_120 : memref<32xi32, #tpu.memory_space<vmem>>) semaphore(%arg18 : memref<!tpu.dma_semaphore, #tpu.memory_space<semaphore_mem>>)
      %dma_start3A_124 = arith.constant 2 : i32
      %dma_start3A_125 = arith.constant 0 : i32
      %dma_start3A_126 = tpu.memref_slice %arg7[%dma_start3A_124, %dma_start3A_125] : memref<64x32xi32, #tpu.memory_space<vmem>> -> memref<1x32xi32, #tpu.memory_space<vmem>>
      %dma_start3A_127 = tpu.memref_squeeze %dma_start3A_126 : memref<1x32xi32, #tpu.memory_space<vmem>> -> memref<32xi32, #tpu.memory_space<vmem>>
      %dma_start3A_128 = arith.constant 0 : i32
      %dma_start3A_129 = arith.constant 0 : i32
      %dma_start3A_130 = tpu.memref_slice %arg2[%dma_start3A_128, %dma_start3A_129] : memref<10240x128xf32, #tpu.memory_space<hbm>> -> memref<10240x128xf32, #tpu.memory_space<hbm>>
      tpu.enqueue_indirect_dma source(%dma_start3A_130 : memref<10240x128xf32, #tpu.memory_space<hbm>>) target(%arg11 : memref<32x128xf32, #tpu.memory_space<vmem>>) offsets(%dma_start3A_127 : memref<32xi32, #tpu.memory_space<vmem>>) semaphore(%arg19 : memref<!tpu.dma_semaphore, #tpu.memory_space<semaphore_mem>>)
      %dma_start3A_131 = arith.constant 3 : i32
      %dma_start3A_132 = arith.constant 0 : i32
      %dma_start3A_133 = tpu.memref_slice %arg7[%dma_start3A_131, %dma_start3A_132] : memref<64x32xi32, #tpu.memory_space<vmem>> -> memref<1x32xi32, #tpu.memory_space<vmem>>
      %dma_start3A_134 = tpu.memref_squeeze %dma_start3A_133 : memref<1x32xi32, #tpu.memory_space<vmem>> -> memref<32xi32, #tpu.memory_space<vmem>>
      %dma_start3A_135 = arith.constant 0 : i32
      %dma_start3A_136 = arith.constant 0 : i32
      %dma_start3A_137 = tpu.memref_slice %arg2[%dma_start3A_135, %dma_start3A_136] : memref<10240x128xf32, #tpu.memory_space<hbm>> -> memref<10240x128xf32, #tpu.memory_space<hbm>>
      tpu.enqueue_indirect_dma source(%dma_start3A_137 : memref<10240x128xf32, #tpu.memory_space<hbm>>) target(%arg12 : memref<32x128xf32, #tpu.memory_space<vmem>>) offsets(%dma_start3A_134 : memref<32xi32, #tpu.memory_space<vmem>>) semaphore(%arg20 : memref<!tpu.dma_semaphore, #tpu.memory_space<semaphore_mem>>)
      %dma_start3A_138 = arith.constant 4 : i32
      %dma_start3A_139 = arith.constant 0 : i32
      %dma_start3A_140 = tpu.memref_slice %arg7[%dma_start3A_138, %dma_start3A_139] : memref<64x32xi32, #tpu.memory_space<vmem>> -> memref<1x32xi32, #tpu.memory_space<vmem>>
      %dma_start3A_141 = tpu.memref_squeeze %dma_start3A_140 : memref<1x32xi32, #tpu.memory_space<vmem>> -> memref<32xi32, #tpu.memory_space<vmem>>
      %dma_start3A_142 = arith.constant 0 : i32
      %dma_start3A_143 = arith.constant 0 : i32
      %dma_start3A_144 = tpu.memref_slice %arg2[%dma_start3A_142, %dma_start3A_143] : memref<10240x128xf32, #tpu.memory_space<hbm>> -> memref<10240x128xf32, #tpu.memory_space<hbm>>
      tpu.enqueue_indirect_dma source(%dma_start3A_144 : memref<10240x128xf32, #tpu.memory_space<hbm>>) target(%arg13 : memref<32x128xf32, #tpu.memory_space<vmem>>) offsets(%dma_start3A_141 : memref<32xi32, #tpu.memory_space<vmem>>) semaphore(%arg21 : memref<!tpu.dma_semaphore, #tpu.memory_space<semaphore_mem>>)
      %dma_start3A_145 = arith.constant 5 : i32
      %dma_start3A_146 = arith.constant 0 : i32
      %dma_start3A_147 = tpu.memref_slice %arg7[%dma_start3A_145, %dma_start3A_146] : memref<64x32xi32, #tpu.memory_space<vmem>> -> memref<1x32xi32, #tpu.memory_space<vmem>>
      %dma_start3A_148 = tpu.memref_squeeze %dma_start3A_147 : memref<1x32xi32, #tpu.memory_space<vmem>> -> memref<32xi32, #tpu.memory_space<vmem>>
      %dma_start3A_149 = arith.constant 0 : i32
      %dma_start3A_150 = arith.constant 0 : i32
      %dma_start3A_151 = tpu.memref_slice %arg2[%dma_start3A_149, %dma_start3A_150] : memref<10240x128xf32, #tpu.memory_space<hbm>> -> memref<10240x128xf32, #tpu.memory_space<hbm>>
      tpu.enqueue_indirect_dma source(%dma_start3A_151 : memref<10240x128xf32, #tpu.memory_space<hbm>>) target(%arg14 : memref<32x128xf32, #tpu.memory_space<vmem>>) offsets(%dma_start3A_148 : memref<32xi32, #tpu.memory_space<vmem>>) semaphore(%arg22 : memref<!tpu.dma_semaphore, #tpu.memory_space<semaphore_mem>>)
      %dma_start3A_152 = arith.constant 6 : i32
      %dma_start3A_153 = arith.constant 0 : i32
      %dma_start3A_154 = tpu.memref_slice %arg7[%dma_start3A_152, %dma_start3A_153] : memref<64x32xi32, #tpu.memory_space<vmem>> -> memref<1x32xi32, #tpu.memory_space<vmem>>
      %dma_start3A_155 = tpu.memref_squeeze %dma_start3A_154 : memref<1x32xi32, #tpu.memory_space<vmem>> -> memref<32xi32, #tpu.memory_space<vmem>>
      %dma_start3A_156 = arith.constant 0 : i32
      %dma_start3A_157 = arith.constant 0 : i32
      %dma_start3A_158 = tpu.memref_slice %arg2[%dma_start3A_156, %dma_start3A_157] : memref<10240x128xf32, #tpu.memory_space<hbm>> -> memref<10240x128xf32, #tpu.memory_space<hbm>>
      tpu.enqueue_indirect_dma source(%dma_start3A_158 : memref<10240x128xf32, #tpu.memory_space<hbm>>) target(%arg15 : memref<32x128xf32, #tpu.memory_space<vmem>>) offsets(%dma_start3A_155 : memref<32xi32, #tpu.memory_space<vmem>>) semaphore(%arg23 : memref<!tpu.dma_semaphore, #tpu.memory_space<semaphore_mem>>)
      %scan3A_159 = arith.constant 0 : i32
      %scan3A_160 = arith.constant 0 : i32
      %scan3A_161 = arith.constant 8 : i32
      %scan3A_162 = arith.addi %scan3A_160, %scan3A_161 : i32
      %scan3A_163 = arith.constant 1 : i32
      scf.for %scan3A_165 = %scan3A_160 to %scan3A_162 step %scan3A_163  : i32 {
        %mul3A_166 = arith.constant 8 : i32
        %mul3A_167 = arith.muli %mul3A_166, %scan3A_165 : i32
        %add3A_168 = arith.constant 0 : i32
        %add3A_169 = arith.addi %mul3A_167, %add3A_168 : i32
        %dma_wait3A = arith.constant 0 : i32
        %dma_wait3A_170 = tpu.memref_slice %arg7[%add3A_169, %dma_wait3A] : memref<64x32xi32, #tpu.memory_space<vmem>> -> memref<1x32xi32, #tpu.memory_space<vmem>>
        %dma_wait3A_171 = tpu.memref_squeeze %dma_wait3A_170 : memref<1x32xi32, #tpu.memory_space<vmem>> -> memref<32xi32, #tpu.memory_space<vmem>>
        %dma_wait3A_172 = arith.constant 0 : i32
        %dma_wait3A_173 = arith.constant 0 : i32
        %dma_wait3A_174 = tpu.memref_slice %arg2[%dma_wait3A_172, %dma_wait3A_173] : memref<10240x128xf32, #tpu.memory_space<hbm>> -> memref<10240x128xf32, #tpu.memory_space<hbm>>
        tpu.wait_indirect_dma semaphore(%arg17 : memref<!tpu.dma_semaphore, #tpu.memory_space<semaphore_mem>>) src(%dma_wait3A_174 : memref<10240x128xf32, #tpu.memory_space<hbm>>) dst(%arg9 : memref<32x128xf32, #tpu.memory_space<vmem>>)
        "tpu.region"() ({
          %run_scoped3A = tpu.sem_alloc : memref<!tpu.dma_semaphore, #tpu.memory_space<semaphore_mem>>
          %dma_start3A_313 = arith.constant 0 : i32
          %dma_start3A_314 = tpu.memref_slice %arg8[%add3A_169, %dma_start3A_313] : memref<64x32xi32, #tpu.memory_space<vmem>> -> memref<1x32xi32, #tpu.memory_space<vmem>>
          %dma_start3A_315 = tpu.memref_squeeze %dma_start3A_314 : memref<1x32xi32, #tpu.memory_space<vmem>> -> memref<32xi32, #tpu.memory_space<vmem>>
          %dma_start3A_316 = arith.constant 0 : i32
          %dma_start3A_317 = arith.constant 0 : i32
          %dma_start3A_318 = tpu.memref_slice %arg6[%dma_start3A_316, %dma_start3A_317] : memref<10240x128xf32, #tpu.memory_space<vmem_shared>> -> memref<10240x128xf32, #tpu.memory_space<vmem_shared>>
          tpu.enqueue_indirect_dma source(%arg9 : memref<32x128xf32, #tpu.memory_space<vmem>>) target(%dma_start3A_318 : memref<10240x128xf32, #tpu.memory_space<vmem_shared>>) offsets(%dma_start3A_315 : memref<32xi32, #tpu.memory_space<vmem>>) semaphore(%run_scoped3A : memref<!tpu.dma_semaphore, #tpu.memory_space<semaphore_mem>>) {add = true}
          %dma_wait3A_319 = arith.constant 0 : i32
          %dma_wait3A_320 = tpu.memref_slice %arg8[%add3A_169, %dma_wait3A_319] : memref<64x32xi32, #tpu.memory_space<vmem>> -> memref<1x32xi32, #tpu.memory_space<vmem>>
          %dma_wait3A_321 = tpu.memref_squeeze %dma_wait3A_320 : memref<1x32xi32, #tpu.memory_space<vmem>> -> memref<32xi32, #tpu.memory_space<vmem>>
          %dma_wait3A_322 = arith.constant 0 : i32
          %dma_wait3A_323 = arith.constant 0 : i32
          %dma_wait3A_324 = tpu.memref_slice %arg6[%dma_wait3A_322, %dma_wait3A_323] : memref<10240x128xf32, #tpu.memory_space<vmem_shared>> -> memref<10240x128xf32, #tpu.memory_space<vmem_shared>>
          tpu.wait_indirect_dma semaphore(%run_scoped3A : memref<!tpu.dma_semaphore, #tpu.memory_space<semaphore_mem>>) src(%arg9 : memref<32x128xf32, #tpu.memory_space<vmem>>) dst(%dma_wait3A_324 : memref<10240x128xf32, #tpu.memory_space<vmem_shared>>)
          tpu.yield
        }) : () -> ()
        %add3A_175 = arith.constant 8 : i32
        %add3A_176 = arith.addi %add3A_169, %add3A_175 : i32
        %sub3A = arith.constant 1 : i32
        %sub3A_177 = arith.subi %add3A_176, %sub3A : i32
        %lt3A = arith.constant 64 : i32
        %lt3A_178 = arith.cmpi slt, %sub3A_177, %lt3A : i32
        %convert_element_type3A = arith.extui %lt3A_178 : i1 to i32
        %cond3A = arith.constant 0 : i32
        %cond3A_179 = arith.cmpi ne, %convert_element_type3A, %cond3A : i32
        scf.if %cond3A_179 {
          %add3A_313 = arith.constant 8 : i32
          %add3A_314 = arith.addi %add3A_169, %add3A_313 : i32
          %sub3A_315 = arith.constant 1 : i32
          %sub3A_316 = arith.subi %add3A_314, %sub3A_315 : i32
          %dma_start3A_317 = arith.constant 0 : i32
          %dma_start3A_318 = tpu.memref_slice %arg7[%sub3A_316, %dma_start3A_317] : memref<64x32xi32, #tpu.memory_space<vmem>> -> memref<1x32xi32, #tpu.memory_space<vmem>>
          %dma_start3A_319 = tpu.memref_squeeze %dma_start3A_318 : memref<1x32xi32, #tpu.memory_space<vmem>> -> memref<32xi32, #tpu.memory_space<vmem>>
          %dma_start3A_320 = arith.constant 0 : i32
          %dma_start3A_321 = arith.constant 0 : i32
          %dma_start3A_322 = tpu.memref_slice %arg2[%dma_start3A_320, %dma_start3A_321] : memref<10240x128xf32, #tpu.memory_space<hbm>> -> memref<10240x128xf32, #tpu.memory_space<hbm>>
          tpu.enqueue_indirect_dma source(%dma_start3A_322 : memref<10240x128xf32, #tpu.memory_space<hbm>>) target(%arg16 : memref<32x128xf32, #tpu.memory_space<vmem>>) offsets(%dma_start3A_319 : memref<32xi32, #tpu.memory_space<vmem>>) semaphore(%arg24 : memref<!tpu.dma_semaphore, #tpu.memory_space<semaphore_mem>>)
        } else {
        }
        %mul3A_180 = arith.constant 8 : i32
        %mul3A_181 = arith.muli %mul3A_180, %scan3A_165 : i32
        %add3A_182 = arith.constant 1 : i32
        %add3A_183 = arith.addi %mul3A_181, %add3A_182 : i32
        %dma_wait3A_184 = arith.constant 0 : i32
        %dma_wait3A_185 = tpu.memref_slice %arg7[%add3A_183, %dma_wait3A_184] : memref<64x32xi32, #tpu.memory_space<vmem>> -> memref<1x32xi32, #tpu.memory_space<vmem>>
        %dma_wait3A_186 = tpu.memref_squeeze %dma_wait3A_185 : memref<1x32xi32, #tpu.memory_space<vmem>> -> memref<32xi32, #tpu.memory_space<vmem>>
        %dma_wait3A_187 = arith.constant 0 : i32
        %dma_wait3A_188 = arith.constant 0 : i32
        %dma_wait3A_189 = tpu.memref_slice %arg2[%dma_wait3A_187, %dma_wait3A_188] : memref<10240x128xf32, #tpu.memory_space<hbm>> -> memref<10240x128xf32, #tpu.memory_space<hbm>>
        tpu.wait_indirect_dma semaphore(%arg18 : memref<!tpu.dma_semaphore, #tpu.memory_space<semaphore_mem>>) src(%dma_wait3A_189 : memref<10240x128xf32, #tpu.memory_space<hbm>>) dst(%arg10 : memref<32x128xf32, #tpu.memory_space<vmem>>)
        "tpu.region"() ({
          %run_scoped3A = tpu.sem_alloc : memref<!tpu.dma_semaphore, #tpu.memory_space<semaphore_mem>>
          %dma_start3A_313 = arith.constant 0 : i32
          %dma_start3A_314 = tpu.memref_slice %arg8[%add3A_183, %dma_start3A_313] : memref<64x32xi32, #tpu.memory_space<vmem>> -> memref<1x32xi32, #tpu.memory_space<vmem>>
          %dma_start3A_315 = tpu.memref_squeeze %dma_start3A_314 : memref<1x32xi32, #tpu.memory_space<vmem>> -> memref<32xi32, #tpu.memory_space<vmem>>
          %dma_start3A_316 = arith.constant 0 : i32
          %dma_start3A_317 = arith.constant 0 : i32
          %dma_start3A_318 = tpu.memref_slice %arg6[%dma_start3A_316, %dma_start3A_317] : memref<10240x128xf32, #tpu.memory_space<vmem_shared>> -> memref<10240x128xf32, #tpu.memory_space<vmem_shared>>
          tpu.enqueue_indirect_dma source(%arg10 : memref<32x128xf32, #tpu.memory_space<vmem>>) target(%dma_start3A_318 : memref<10240x128xf32, #tpu.memory_space<vmem_shared>>) offsets(%dma_start3A_315 : memref<32xi32, #tpu.memory_space<vmem>>) semaphore(%run_scoped3A : memref<!tpu.dma_semaphore, #tpu.memory_space<semaphore_mem>>) {add = true}
          %dma_wait3A_319 = arith.constant 0 : i32
          %dma_wait3A_320 = tpu.memref_slice %arg8[%add3A_183, %dma_wait3A_319] : memref<64x32xi32, #tpu.memory_space<vmem>> -> memref<1x32xi32, #tpu.memory_space<vmem>>
          %dma_wait3A_321 = tpu.memref_squeeze %dma_wait3A_320 : memref<1x32xi32, #tpu.memory_space<vmem>> -> memref<32xi32, #tpu.memory_space<vmem>>
          %dma_wait3A_322 = arith.constant 0 : i32
          %dma_wait3A_323 = arith.constant 0 : i32
          %dma_wait3A_324 = tpu.memref_slice %arg6[%dma_wait3A_322, %dma_wait3A_323] : memref<10240x128xf32, #tpu.memory_space<vmem_shared>> -> memref<10240x128xf32, #tpu.memory_space<vmem_shared>>
          tpu.wait_indirect_dma semaphore(%run_scoped3A : memref<!tpu.dma_semaphore, #tpu.memory_space<semaphore_mem>>) src(%arg10 : memref<32x128xf32, #tpu.memory_space<vmem>>) dst(%dma_wait3A_324 : memref<10240x128xf32, #tpu.memory_space<vmem_shared>>)
          tpu.yield
        }) : () -> ()
        %add3A_190 = arith.constant 8 : i32
        %add3A_191 = arith.addi %add3A_183, %add3A_190 : i32
        %sub3A_192 = arith.constant 1 : i32
        %sub3A_193 = arith.subi %add3A_191, %sub3A_192 : i32
        %lt3A_194 = arith.constant 64 : i32
        %lt3A_195 = arith.cmpi slt, %sub3A_193, %lt3A_194 : i32
        %convert_element_type3A_196 = arith.extui %lt3A_195 : i1 to i32
        %cond3A_197 = arith.constant 0 : i32
        %cond3A_198 = arith.cmpi ne, %convert_element_type3A_196, %cond3A_197 : i32
        scf.if %cond3A_198 {
          %add3A_313 = arith.constant 8 : i32
          %add3A_314 = arith.addi %add3A_183, %add3A_313 : i32
          %sub3A_315 = arith.constant 1 : i32
          %sub3A_316 = arith.subi %add3A_314, %sub3A_315 : i32
          %dma_start3A_317 = arith.constant 0 : i32
          %dma_start3A_318 = tpu.memref_slice %arg7[%sub3A_316, %dma_start3A_317] : memref<64x32xi32, #tpu.memory_space<vmem>> -> memref<1x32xi32, #tpu.memory_space<vmem>>
          %dma_start3A_319 = tpu.memref_squeeze %dma_start3A_318 : memref<1x32xi32, #tpu.memory_space<vmem>> -> memref<32xi32, #tpu.memory_space<vmem>>
          %dma_start3A_320 = arith.constant 0 : i32
          %dma_start3A_321 = arith.constant 0 : i32
          %dma_start3A_322 = tpu.memref_slice %arg2[%dma_start3A_320, %dma_start3A_321] : memref<10240x128xf32, #tpu.memory_space<hbm>> -> memref<10240x128xf32, #tpu.memory_space<hbm>>
          tpu.enqueue_indirect_dma source(%dma_start3A_322 : memref<10240x128xf32, #tpu.memory_space<hbm>>) target(%arg9 : memref<32x128xf32, #tpu.memory_space<vmem>>) offsets(%dma_start3A_319 : memref<32xi32, #tpu.memory_space<vmem>>) semaphore(%arg17 : memref<!tpu.dma_semaphore, #tpu.memory_space<semaphore_mem>>)
        } else {
        }
        %mul3A_199 = arith.constant 8 : i32
        %mul3A_200 = arith.muli %mul3A_199, %scan3A_165 : i32
        %add3A_201 = arith.constant 2 : i32
        %add3A_202 = arith.addi %mul3A_200, %add3A_201 : i32
        %dma_wait3A_203 = arith.constant 0 : i32
        %dma_wait3A_204 = tpu.memref_slice %arg7[%add3A_202, %dma_wait3A_203] : memref<64x32xi32, #tpu.memory_space<vmem>> -> memref<1x32xi32, #tpu.memory_space<vmem>>
        %dma_wait3A_205 = tpu.memref_squeeze %dma_wait3A_204 : memref<1x32xi32, #tpu.memory_space<vmem>> -> memref<32xi32, #tpu.memory_space<vmem>>
        %dma_wait3A_206 = arith.constant 0 : i32
        %dma_wait3A_207 = arith.constant 0 : i32
        %dma_wait3A_208 = tpu.memref_slice %arg2[%dma_wait3A_206, %dma_wait3A_207] : memref<10240x128xf32, #tpu.memory_space<hbm>> -> memref<10240x128xf32, #tpu.memory_space<hbm>>
        tpu.wait_indirect_dma semaphore(%arg19 : memref<!tpu.dma_semaphore, #tpu.memory_space<semaphore_mem>>) src(%dma_wait3A_208 : memref<10240x128xf32, #tpu.memory_space<hbm>>) dst(%arg11 : memref<32x128xf32, #tpu.memory_space<vmem>>)
        "tpu.region"() ({
          %run_scoped3A = tpu.sem_alloc : memref<!tpu.dma_semaphore, #tpu.memory_space<semaphore_mem>>
          %dma_start3A_313 = arith.constant 0 : i32
          %dma_start3A_314 = tpu.memref_slice %arg8[%add3A_202, %dma_start3A_313] : memref<64x32xi32, #tpu.memory_space<vmem>> -> memref<1x32xi32, #tpu.memory_space<vmem>>
          %dma_start3A_315 = tpu.memref_squeeze %dma_start3A_314 : memref<1x32xi32, #tpu.memory_space<vmem>> -> memref<32xi32, #tpu.memory_space<vmem>>
          %dma_start3A_316 = arith.constant 0 : i32
          %dma_start3A_317 = arith.constant 0 : i32
          %dma_start3A_318 = tpu.memref_slice %arg6[%dma_start3A_316, %dma_start3A_317] : memref<10240x128xf32, #tpu.memory_space<vmem_shared>> -> memref<10240x128xf32, #tpu.memory_space<vmem_shared>>
          tpu.enqueue_indirect_dma source(%arg11 : memref<32x128xf32, #tpu.memory_space<vmem>>) target(%dma_start3A_318 : memref<10240x128xf32, #tpu.memory_space<vmem_shared>>) offsets(%dma_start3A_315 : memref<32xi32, #tpu.memory_space<vmem>>) semaphore(%run_scoped3A : memref<!tpu.dma_semaphore, #tpu.memory_space<semaphore_mem>>) {add = true}
          %dma_wait3A_319 = arith.constant 0 : i32
          %dma_wait3A_320 = tpu.memref_slice %arg8[%add3A_202, %dma_wait3A_319] : memref<64x32xi32, #tpu.memory_space<vmem>> -> memref<1x32xi32, #tpu.memory_space<vmem>>
          %dma_wait3A_321 = tpu.memref_squeeze %dma_wait3A_320 : memref<1x32xi32, #tpu.memory_space<vmem>> -> memref<32xi32, #tpu.memory_space<vmem>>
          %dma_wait3A_322 = arith.constant 0 : i32
          %dma_wait3A_323 = arith.constant 0 : i32
          %dma_wait3A_324 = tpu.memref_slice %arg6[%dma_wait3A_322, %dma_wait3A_323] : memref<10240x128xf32, #tpu.memory_space<vmem_shared>> -> memref<10240x128xf32, #tpu.memory_space<vmem_shared>>
          tpu.wait_indirect_dma semaphore(%run_scoped3A : memref<!tpu.dma_semaphore, #tpu.memory_space<semaphore_mem>>) src(%arg11 : memref<32x128xf32, #tpu.memory_space<vmem>>) dst(%dma_wait3A_324 : memref<10240x128xf32, #tpu.memory_space<vmem_shared>>)
          tpu.yield
        }) : () -> ()
        %add3A_209 = arith.constant 8 : i32
        %add3A_210 = arith.addi %add3A_202, %add3A_209 : i32
        %sub3A_211 = arith.constant 1 : i32
        %sub3A_212 = arith.subi %add3A_210, %sub3A_211 : i32
        %lt3A_213 = arith.constant 64 : i32
        %lt3A_214 = arith.cmpi slt, %sub3A_212, %lt3A_213 : i32
        %convert_element_type3A_215 = arith.extui %lt3A_214 : i1 to i32
        %cond3A_216 = arith.constant 0 : i32
        %cond3A_217 = arith.cmpi ne, %convert_element_type3A_215, %cond3A_216 : i32
        scf.if %cond3A_217 {
          %add3A_313 = arith.constant 8 : i32
          %add3A_314 = arith.addi %add3A_202, %add3A_313 : i32
          %sub3A_315 = arith.constant 1 : i32
          %sub3A_316 = arith.subi %add3A_314, %sub3A_315 : i32
          %dma_start3A_317 = arith.constant 0 : i32
          %dma_start3A_318 = tpu.memref_slice %arg7[%sub3A_316, %dma_start3A_317] : memref<64x32xi32, #tpu.memory_space<vmem>> -> memref<1x32xi32, #tpu.memory_space<vmem>>
          %dma_start3A_319 = tpu.memref_squeeze %dma_start3A_318 : memref<1x32xi32, #tpu.memory_space<vmem>> -> memref<32xi32, #tpu.memory_space<vmem>>
          %dma_start3A_320 = arith.constant 0 : i32
          %dma_start3A_321 = arith.constant 0 : i32
          %dma_start3A_322 = tpu.memref_slice %arg2[%dma_start3A_320, %dma_start3A_321] : memref<10240x128xf32, #tpu.memory_space<hbm>> -> memref<10240x128xf32, #tpu.memory_space<hbm>>
          tpu.enqueue_indirect_dma source(%dma_start3A_322 : memref<10240x128xf32, #tpu.memory_space<hbm>>) target(%arg10 : memref<32x128xf32, #tpu.memory_space<vmem>>) offsets(%dma_start3A_319 : memref<32xi32, #tpu.memory_space<vmem>>) semaphore(%arg18 : memref<!tpu.dma_semaphore, #tpu.memory_space<semaphore_mem>>)
        } else {
        }
        %mul3A_218 = arith.constant 8 : i32
        %mul3A_219 = arith.muli %mul3A_218, %scan3A_165 : i32
        %add3A_220 = arith.constant 3 : i32
        %add3A_221 = arith.addi %mul3A_219, %add3A_220 : i32
        %dma_wait3A_222 = arith.constant 0 : i32
        %dma_wait3A_223 = tpu.memref_slice %arg7[%add3A_221, %dma_wait3A_222] : memref<64x32xi32, #tpu.memory_space<vmem>> -> memref<1x32xi32, #tpu.memory_space<vmem>>
        %dma_wait3A_224 = tpu.memref_squeeze %dma_wait3A_223 : memref<1x32xi32, #tpu.memory_space<vmem>> -> memref<32xi32, #tpu.memory_space<vmem>>
        %dma_wait3A_225 = arith.constant 0 : i32
        %dma_wait3A_226 = arith.constant 0 : i32
        %dma_wait3A_227 = tpu.memref_slice %arg2[%dma_wait3A_225, %dma_wait3A_226] : memref<10240x128xf32, #tpu.memory_space<hbm>> -> memref<10240x128xf32, #tpu.memory_space<hbm>>
        tpu.wait_indirect_dma semaphore(%arg20 : memref<!tpu.dma_semaphore, #tpu.memory_space<semaphore_mem>>) src(%dma_wait3A_227 : memref<10240x128xf32, #tpu.memory_space<hbm>>) dst(%arg12 : memref<32x128xf32, #tpu.memory_space<vmem>>)
        "tpu.region"() ({
          %run_scoped3A = tpu.sem_alloc : memref<!tpu.dma_semaphore, #tpu.memory_space<semaphore_mem>>
          %dma_start3A_313 = arith.constant 0 : i32
          %dma_start3A_314 = tpu.memref_slice %arg8[%add3A_221, %dma_start3A_313] : memref<64x32xi32, #tpu.memory_space<vmem>> -> memref<1x32xi32, #tpu.memory_space<vmem>>
          %dma_start3A_315 = tpu.memref_squeeze %dma_start3A_314 : memref<1x32xi32, #tpu.memory_space<vmem>> -> memref<32xi32, #tpu.memory_space<vmem>>
          %dma_start3A_316 = arith.constant 0 : i32
          %dma_start3A_317 = arith.constant 0 : i32
          %dma_start3A_318 = tpu.memref_slice %arg6[%dma_start3A_316, %dma_start3A_317] : memref<10240x128xf32, #tpu.memory_space<vmem_shared>> -> memref<10240x128xf32, #tpu.memory_space<vmem_shared>>
          tpu.enqueue_indirect_dma source(%arg12 : memref<32x128xf32, #tpu.memory_space<vmem>>) target(%dma_start3A_318 : memref<10240x128xf32, #tpu.memory_space<vmem_shared>>) offsets(%dma_start3A_315 : memref<32xi32, #tpu.memory_space<vmem>>) semaphore(%run_scoped3A : memref<!tpu.dma_semaphore, #tpu.memory_space<semaphore_mem>>) {add = true}
          %dma_wait3A_319 = arith.constant 0 : i32
          %dma_wait3A_320 = tpu.memref_slice %arg8[%add3A_221, %dma_wait3A_319] : memref<64x32xi32, #tpu.memory_space<vmem>> -> memref<1x32xi32, #tpu.memory_space<vmem>>
          %dma_wait3A_321 = tpu.memref_squeeze %dma_wait3A_320 : memref<1x32xi32, #tpu.memory_space<vmem>> -> memref<32xi32, #tpu.memory_space<vmem>>
          %dma_wait3A_322 = arith.constant 0 : i32
          %dma_wait3A_323 = arith.constant 0 : i32
          %dma_wait3A_324 = tpu.memref_slice %arg6[%dma_wait3A_322, %dma_wait3A_323] : memref<10240x128xf32, #tpu.memory_space<vmem_shared>> -> memref<10240x128xf32, #tpu.memory_space<vmem_shared>>
          tpu.wait_indirect_dma semaphore(%run_scoped3A : memref<!tpu.dma_semaphore, #tpu.memory_space<semaphore_mem>>) src(%arg12 : memref<32x128xf32, #tpu.memory_space<vmem>>) dst(%dma_wait3A_324 : memref<10240x128xf32, #tpu.memory_space<vmem_shared>>)
          tpu.yield
        }) : () -> ()
        %add3A_228 = arith.constant 8 : i32
        %add3A_229 = arith.addi %add3A_221, %add3A_228 : i32
        %sub3A_230 = arith.constant 1 : i32
        %sub3A_231 = arith.subi %add3A_229, %sub3A_230 : i32
        %lt3A_232 = arith.constant 64 : i32
        %lt3A_233 = arith.cmpi slt, %sub3A_231, %lt3A_232 : i32
        %convert_element_type3A_234 = arith.extui %lt3A_233 : i1 to i32
        %cond3A_235 = arith.constant 0 : i32
        %cond3A_236 = arith.cmpi ne, %convert_element_type3A_234, %cond3A_235 : i32
        scf.if %cond3A_236 {
          %add3A_313 = arith.constant 8 : i32
          %add3A_314 = arith.addi %add3A_221, %add3A_313 : i32
          %sub3A_315 = arith.constant 1 : i32
          %sub3A_316 = arith.subi %add3A_314, %sub3A_315 : i32
          %dma_start3A_317 = arith.constant 0 : i32
          %dma_start3A_318 = tpu.memref_slice %arg7[%sub3A_316, %dma_start3A_317] : memref<64x32xi32, #tpu.memory_space<vmem>> -> memref<1x32xi32, #tpu.memory_space<vmem>>
          %dma_start3A_319 = tpu.memref_squeeze %dma_start3A_318 : memref<1x32xi32, #tpu.memory_space<vmem>> -> memref<32xi32, #tpu.memory_space<vmem>>
          %dma_start3A_320 = arith.constant 0 : i32
          %dma_start3A_321 = arith.constant 0 : i32
          %dma_start3A_322 = tpu.memref_slice %arg2[%dma_start3A_320, %dma_start3A_321] : memref<10240x128xf32, #tpu.memory_space<hbm>> -> memref<10240x128xf32, #tpu.memory_space<hbm>>
          tpu.enqueue_indirect_dma source(%dma_start3A_322 : memref<10240x128xf32, #tpu.memory_space<hbm>>) target(%arg11 : memref<32x128xf32, #tpu.memory_space<vmem>>) offsets(%dma_start3A_319 : memref<32xi32, #tpu.memory_space<vmem>>) semaphore(%arg19 : memref<!tpu.dma_semaphore, #tpu.memory_space<semaphore_mem>>)
        } else {
        }
        %mul3A_237 = arith.constant 8 : i32
        %mul3A_238 = arith.muli %mul3A_237, %scan3A_165 : i32
        %add3A_239 = arith.constant 4 : i32
        %add3A_240 = arith.addi %mul3A_238, %add3A_239 : i32
        %dma_wait3A_241 = arith.constant 0 : i32
        %dma_wait3A_242 = tpu.memref_slice %arg7[%add3A_240, %dma_wait3A_241] : memref<64x32xi32, #tpu.memory_space<vmem>> -> memref<1x32xi32, #tpu.memory_space<vmem>>
        %dma_wait3A_243 = tpu.memref_squeeze %dma_wait3A_242 : memref<1x32xi32, #tpu.memory_space<vmem>> -> memref<32xi32, #tpu.memory_space<vmem>>
        %dma_wait3A_244 = arith.constant 0 : i32
        %dma_wait3A_245 = arith.constant 0 : i32
        %dma_wait3A_246 = tpu.memref_slice %arg2[%dma_wait3A_244, %dma_wait3A_245] : memref<10240x128xf32, #tpu.memory_space<hbm>> -> memref<10240x128xf32, #tpu.memory_space<hbm>>
        tpu.wait_indirect_dma semaphore(%arg21 : memref<!tpu.dma_semaphore, #tpu.memory_space<semaphore_mem>>) src(%dma_wait3A_246 : memref<10240x128xf32, #tpu.memory_space<hbm>>) dst(%arg13 : memref<32x128xf32, #tpu.memory_space<vmem>>)
        "tpu.region"() ({
          %run_scoped3A = tpu.sem_alloc : memref<!tpu.dma_semaphore, #tpu.memory_space<semaphore_mem>>
          %dma_start3A_313 = arith.constant 0 : i32
          %dma_start3A_314 = tpu.memref_slice %arg8[%add3A_240, %dma_start3A_313] : memref<64x32xi32, #tpu.memory_space<vmem>> -> memref<1x32xi32, #tpu.memory_space<vmem>>
          %dma_start3A_315 = tpu.memref_squeeze %dma_start3A_314 : memref<1x32xi32, #tpu.memory_space<vmem>> -> memref<32xi32, #tpu.memory_space<vmem>>
          %dma_start3A_316 = arith.constant 0 : i32
          %dma_start3A_317 = arith.constant 0 : i32
          %dma_start3A_318 = tpu.memref_slice %arg6[%dma_start3A_316, %dma_start3A_317] : memref<10240x128xf32, #tpu.memory_space<vmem_shared>> -> memref<10240x128xf32, #tpu.memory_space<vmem_shared>>
          tpu.enqueue_indirect_dma source(%arg13 : memref<32x128xf32, #tpu.memory_space<vmem>>) target(%dma_start3A_318 : memref<10240x128xf32, #tpu.memory_space<vmem_shared>>) offsets(%dma_start3A_315 : memref<32xi32, #tpu.memory_space<vmem>>) semaphore(%run_scoped3A : memref<!tpu.dma_semaphore, #tpu.memory_space<semaphore_mem>>) {add = true}
          %dma_wait3A_319 = arith.constant 0 : i32
          %dma_wait3A_320 = tpu.memref_slice %arg8[%add3A_240, %dma_wait3A_319] : memref<64x32xi32, #tpu.memory_space<vmem>> -> memref<1x32xi32, #tpu.memory_space<vmem>>
          %dma_wait3A_321 = tpu.memref_squeeze %dma_wait3A_320 : memref<1x32xi32, #tpu.memory_space<vmem>> -> memref<32xi32, #tpu.memory_space<vmem>>
          %dma_wait3A_322 = arith.constant 0 : i32
          %dma_wait3A_323 = arith.constant 0 : i32
          %dma_wait3A_324 = tpu.memref_slice %arg6[%dma_wait3A_322, %dma_wait3A_323] : memref<10240x128xf32, #tpu.memory_space<vmem_shared>> -> memref<10240x128xf32, #tpu.memory_space<vmem_shared>>
          tpu.wait_indirect_dma semaphore(%run_scoped3A : memref<!tpu.dma_semaphore, #tpu.memory_space<semaphore_mem>>) src(%arg13 : memref<32x128xf32, #tpu.memory_space<vmem>>) dst(%dma_wait3A_324 : memref<10240x128xf32, #tpu.memory_space<vmem_shared>>)
          tpu.yield
        }) : () -> ()
        %add3A_247 = arith.constant 8 : i32
        %add3A_248 = arith.addi %add3A_240, %add3A_247 : i32
        %sub3A_249 = arith.constant 1 : i32
        %sub3A_250 = arith.subi %add3A_248, %sub3A_249 : i32
        %lt3A_251 = arith.constant 64 : i32
        %lt3A_252 = arith.cmpi slt, %sub3A_250, %lt3A_251 : i32
        %convert_element_type3A_253 = arith.extui %lt3A_252 : i1 to i32
        %cond3A_254 = arith.constant 0 : i32
        %cond3A_255 = arith.cmpi ne, %convert_element_type3A_253, %cond3A_254 : i32
        scf.if %cond3A_255 {
          %add3A_313 = arith.constant 8 : i32
          %add3A_314 = arith.addi %add3A_240, %add3A_313 : i32
          %sub3A_315 = arith.constant 1 : i32
          %sub3A_316 = arith.subi %add3A_314, %sub3A_315 : i32
          %dma_start3A_317 = arith.constant 0 : i32
          %dma_start3A_318 = tpu.memref_slice %arg7[%sub3A_316, %dma_start3A_317] : memref<64x32xi32, #tpu.memory_space<vmem>> -> memref<1x32xi32, #tpu.memory_space<vmem>>
          %dma_start3A_319 = tpu.memref_squeeze %dma_start3A_318 : memref<1x32xi32, #tpu.memory_space<vmem>> -> memref<32xi32, #tpu.memory_space<vmem>>
          %dma_start3A_320 = arith.constant 0 : i32
          %dma_start3A_321 = arith.constant 0 : i32
          %dma_start3A_322 = tpu.memref_slice %arg2[%dma_start3A_320, %dma_start3A_321] : memref<10240x128xf32, #tpu.memory_space<hbm>> -> memref<10240x128xf32, #tpu.memory_space<hbm>>
          tpu.enqueue_indirect_dma source(%dma_start3A_322 : memref<10240x128xf32, #tpu.memory_space<hbm>>) target(%arg12 : memref<32x128xf32, #tpu.memory_space<vmem>>) offsets(%dma_start3A_319 : memref<32xi32, #tpu.memory_space<vmem>>) semaphore(%arg20 : memref<!tpu.dma_semaphore, #tpu.memory_space<semaphore_mem>>)
        } else {
        }
        %mul3A_256 = arith.constant 8 : i32
        %mul3A_257 = arith.muli %mul3A_256, %scan3A_165 : i32
        %add3A_258 = arith.constant 5 : i32
        %add3A_259 = arith.addi %mul3A_257, %add3A_258 : i32
        %dma_wait3A_260 = arith.constant 0 : i32
        %dma_wait3A_261 = tpu.memref_slice %arg7[%add3A_259, %dma_wait3A_260] : memref<64x32xi32, #tpu.memory_space<vmem>> -> memref<1x32xi32, #tpu.memory_space<vmem>>
        %dma_wait3A_262 = tpu.memref_squeeze %dma_wait3A_261 : memref<1x32xi32, #tpu.memory_space<vmem>> -> memref<32xi32, #tpu.memory_space<vmem>>
        %dma_wait3A_263 = arith.constant 0 : i32
        %dma_wait3A_264 = arith.constant 0 : i32
        %dma_wait3A_265 = tpu.memref_slice %arg2[%dma_wait3A_263, %dma_wait3A_264] : memref<10240x128xf32, #tpu.memory_space<hbm>> -> memref<10240x128xf32, #tpu.memory_space<hbm>>
        tpu.wait_indirect_dma semaphore(%arg22 : memref<!tpu.dma_semaphore, #tpu.memory_space<semaphore_mem>>) src(%dma_wait3A_265 : memref<10240x128xf32, #tpu.memory_space<hbm>>) dst(%arg14 : memref<32x128xf32, #tpu.memory_space<vmem>>)
        "tpu.region"() ({
          %run_scoped3A = tpu.sem_alloc : memref<!tpu.dma_semaphore, #tpu.memory_space<semaphore_mem>>
          %dma_start3A_313 = arith.constant 0 : i32
          %dma_start3A_314 = tpu.memref_slice %arg8[%add3A_259, %dma_start3A_313] : memref<64x32xi32, #tpu.memory_space<vmem>> -> memref<1x32xi32, #tpu.memory_space<vmem>>
          %dma_start3A_315 = tpu.memref_squeeze %dma_start3A_314 : memref<1x32xi32, #tpu.memory_space<vmem>> -> memref<32xi32, #tpu.memory_space<vmem>>
          %dma_start3A_316 = arith.constant 0 : i32
          %dma_start3A_317 = arith.constant 0 : i32
          %dma_start3A_318 = tpu.memref_slice %arg6[%dma_start3A_316, %dma_start3A_317] : memref<10240x128xf32, #tpu.memory_space<vmem_shared>> -> memref<10240x128xf32, #tpu.memory_space<vmem_shared>>
          tpu.enqueue_indirect_dma source(%arg14 : memref<32x128xf32, #tpu.memory_space<vmem>>) target(%dma_start3A_318 : memref<10240x128xf32, #tpu.memory_space<vmem_shared>>) offsets(%dma_start3A_315 : memref<32xi32, #tpu.memory_space<vmem>>) semaphore(%run_scoped3A : memref<!tpu.dma_semaphore, #tpu.memory_space<semaphore_mem>>) {add = true}
          %dma_wait3A_319 = arith.constant 0 : i32
          %dma_wait3A_320 = tpu.memref_slice %arg8[%add3A_259, %dma_wait3A_319] : memref<64x32xi32, #tpu.memory_space<vmem>> -> memref<1x32xi32, #tpu.memory_space<vmem>>
          %dma_wait3A_321 = tpu.memref_squeeze %dma_wait3A_320 : memref<1x32xi32, #tpu.memory_space<vmem>> -> memref<32xi32, #tpu.memory_space<vmem>>
          %dma_wait3A_322 = arith.constant 0 : i32
          %dma_wait3A_323 = arith.constant 0 : i32
          %dma_wait3A_324 = tpu.memref_slice %arg6[%dma_wait3A_322, %dma_wait3A_323] : memref<10240x128xf32, #tpu.memory_space<vmem_shared>> -> memref<10240x128xf32, #tpu.memory_space<vmem_shared>>
          tpu.wait_indirect_dma semaphore(%run_scoped3A : memref<!tpu.dma_semaphore, #tpu.memory_space<semaphore_mem>>) src(%arg14 : memref<32x128xf32, #tpu.memory_space<vmem>>) dst(%dma_wait3A_324 : memref<10240x128xf32, #tpu.memory_space<vmem_shared>>)
          tpu.yield
        }) : () -> ()
        %add3A_266 = arith.constant 8 : i32
        %add3A_267 = arith.addi %add3A_259, %add3A_266 : i32
        %sub3A_268 = arith.constant 1 : i32
        %sub3A_269 = arith.subi %add3A_267, %sub3A_268 : i32
        %lt3A_270 = arith.constant 64 : i32
        %lt3A_271 = arith.cmpi slt, %sub3A_269, %lt3A_270 : i32
        %convert_element_type3A_272 = arith.extui %lt3A_271 : i1 to i32
        %cond3A_273 = arith.constant 0 : i32
        %cond3A_274 = arith.cmpi ne, %convert_element_type3A_272, %cond3A_273 : i32
        scf.if %cond3A_274 {
          %add3A_313 = arith.constant 8 : i32
          %add3A_314 = arith.addi %add3A_259, %add3A_313 : i32
          %sub3A_315 = arith.constant 1 : i32
          %sub3A_316 = arith.subi %add3A_314, %sub3A_315 : i32
          %dma_start3A_317 = arith.constant 0 : i32
          %dma_start3A_318 = tpu.memref_slice %arg7[%sub3A_316, %dma_start3A_317] : memref<64x32xi32, #tpu.memory_space<vmem>> -> memref<1x32xi32, #tpu.memory_space<vmem>>
          %dma_start3A_319 = tpu.memref_squeeze %dma_start3A_318 : memref<1x32xi32, #tpu.memory_space<vmem>> -> memref<32xi32, #tpu.memory_space<vmem>>
          %dma_start3A_320 = arith.constant 0 : i32
          %dma_start3A_321 = arith.constant 0 : i32
          %dma_start3A_322 = tpu.memref_slice %arg2[%dma_start3A_320, %dma_start3A_321] : memref<10240x128xf32, #tpu.memory_space<hbm>> -> memref<10240x128xf32, #tpu.memory_space<hbm>>
          tpu.enqueue_indirect_dma source(%dma_start3A_322 : memref<10240x128xf32, #tpu.memory_space<hbm>>) target(%arg13 : memref<32x128xf32, #tpu.memory_space<vmem>>) offsets(%dma_start3A_319 : memref<32xi32, #tpu.memory_space<vmem>>) semaphore(%arg21 : memref<!tpu.dma_semaphore, #tpu.memory_space<semaphore_mem>>)
        } else {
        }
        %mul3A_275 = arith.constant 8 : i32
        %mul3A_276 = arith.muli %mul3A_275, %scan3A_165 : i32
        %add3A_277 = arith.constant 6 : i32
        %add3A_278 = arith.addi %mul3A_276, %add3A_277 : i32
        %dma_wait3A_279 = arith.constant 0 : i32
        %dma_wait3A_280 = tpu.memref_slice %arg7[%add3A_278, %dma_wait3A_279] : memref<64x32xi32, #tpu.memory_space<vmem>> -> memref<1x32xi32, #tpu.memory_space<vmem>>
        %dma_wait3A_281 = tpu.memref_squeeze %dma_wait3A_280 : memref<1x32xi32, #tpu.memory_space<vmem>> -> memref<32xi32, #tpu.memory_space<vmem>>
        %dma_wait3A_282 = arith.constant 0 : i32
        %dma_wait3A_283 = arith.constant 0 : i32
        %dma_wait3A_284 = tpu.memref_slice %arg2[%dma_wait3A_282, %dma_wait3A_283] : memref<10240x128xf32, #tpu.memory_space<hbm>> -> memref<10240x128xf32, #tpu.memory_space<hbm>>
        tpu.wait_indirect_dma semaphore(%arg23 : memref<!tpu.dma_semaphore, #tpu.memory_space<semaphore_mem>>) src(%dma_wait3A_284 : memref<10240x128xf32, #tpu.memory_space<hbm>>) dst(%arg15 : memref<32x128xf32, #tpu.memory_space<vmem>>)
        "tpu.region"() ({
          %run_scoped3A = tpu.sem_alloc : memref<!tpu.dma_semaphore, #tpu.memory_space<semaphore_mem>>
          %dma_start3A_313 = arith.constant 0 : i32
          %dma_start3A_314 = tpu.memref_slice %arg8[%add3A_278, %dma_start3A_313] : memref<64x32xi32, #tpu.memory_space<vmem>> -> memref<1x32xi32, #tpu.memory_space<vmem>>
          %dma_start3A_315 = tpu.memref_squeeze %dma_start3A_314 : memref<1x32xi32, #tpu.memory_space<vmem>> -> memref<32xi32, #tpu.memory_space<vmem>>
          %dma_start3A_316 = arith.constant 0 : i32
          %dma_start3A_317 = arith.constant 0 : i32
          %dma_start3A_318 = tpu.memref_slice %arg6[%dma_start3A_316, %dma_start3A_317] : memref<10240x128xf32, #tpu.memory_space<vmem_shared>> -> memref<10240x128xf32, #tpu.memory_space<vmem_shared>>
          tpu.enqueue_indirect_dma source(%arg15 : memref<32x128xf32, #tpu.memory_space<vmem>>) target(%dma_start3A_318 : memref<10240x128xf32, #tpu.memory_space<vmem_shared>>) offsets(%dma_start3A_315 : memref<32xi32, #tpu.memory_space<vmem>>) semaphore(%run_scoped3A : memref<!tpu.dma_semaphore, #tpu.memory_space<semaphore_mem>>) {add = true}
          %dma_wait3A_319 = arith.constant 0 : i32
          %dma_wait3A_320 = tpu.memref_slice %arg8[%add3A_278, %dma_wait3A_319] : memref<64x32xi32, #tpu.memory_space<vmem>> -> memref<1x32xi32, #tpu.memory_space<vmem>>
          %dma_wait3A_321 = tpu.memref_squeeze %dma_wait3A_320 : memref<1x32xi32, #tpu.memory_space<vmem>> -> memref<32xi32, #tpu.memory_space<vmem>>
          %dma_wait3A_322 = arith.constant 0 : i32
          %dma_wait3A_323 = arith.constant 0 : i32
          %dma_wait3A_324 = tpu.memref_slice %arg6[%dma_wait3A_322, %dma_wait3A_323] : memref<10240x128xf32, #tpu.memory_space<vmem_shared>> -> memref<10240x128xf32, #tpu.memory_space<vmem_shared>>
          tpu.wait_indirect_dma semaphore(%run_scoped3A : memref<!tpu.dma_semaphore, #tpu.memory_space<semaphore_mem>>) src(%arg15 : memref<32x128xf32, #tpu.memory_space<vmem>>) dst(%dma_wait3A_324 : memref<10240x128xf32, #tpu.memory_space<vmem_shared>>)
          tpu.yield
        }) : () -> ()
        %add3A_285 = arith.constant 8 : i32
        %add3A_286 = arith.addi %add3A_278, %add3A_285 : i32
        %sub3A_287 = arith.constant 1 : i32
        %sub3A_288 = arith.subi %add3A_286, %sub3A_287 : i32
        %lt3A_289 = arith.constant 64 : i32
        %lt3A_290 = arith.cmpi slt, %sub3A_288, %lt3A_289 : i32
        %convert_element_type3A_291 = arith.extui %lt3A_290 : i1 to i32
        %cond3A_292 = arith.constant 0 : i32
        %cond3A_293 = arith.cmpi ne, %convert_element_type3A_291, %cond3A_292 : i32
        scf.if %cond3A_293 {
          %add3A_313 = arith.constant 8 : i32
          %add3A_314 = arith.addi %add3A_278, %add3A_313 : i32
          %sub3A_315 = arith.constant 1 : i32
          %sub3A_316 = arith.subi %add3A_314, %sub3A_315 : i32
          %dma_start3A_317 = arith.constant 0 : i32
          %dma_start3A_318 = tpu.memref_slice %arg7[%sub3A_316, %dma_start3A_317] : memref<64x32xi32, #tpu.memory_space<vmem>> -> memref<1x32xi32, #tpu.memory_space<vmem>>
          %dma_start3A_319 = tpu.memref_squeeze %dma_start3A_318 : memref<1x32xi32, #tpu.memory_space<vmem>> -> memref<32xi32, #tpu.memory_space<vmem>>
          %dma_start3A_320 = arith.constant 0 : i32
          %dma_start3A_321 = arith.constant 0 : i32
          %dma_start3A_322 = tpu.memref_slice %arg2[%dma_start3A_320, %dma_start3A_321] : memref<10240x128xf32, #tpu.memory_space<hbm>> -> memref<10240x128xf32, #tpu.memory_space<hbm>>
          tpu.enqueue_indirect_dma source(%dma_start3A_322 : memref<10240x128xf32, #tpu.memory_space<hbm>>) target(%arg14 : memref<32x128xf32, #tpu.memory_space<vmem>>) offsets(%dma_start3A_319 : memref<32xi32, #tpu.memory_space<vmem>>) semaphore(%arg22 : memref<!tpu.dma_semaphore, #tpu.memory_space<semaphore_mem>>)
        } else {
        }
        %mul3A_294 = arith.constant 8 : i32
        %mul3A_295 = arith.muli %mul3A_294, %scan3A_165 : i32
        %add3A_296 = arith.constant 7 : i32
        %add3A_297 = arith.addi %mul3A_295, %add3A_296 : i32
        %dma_wait3A_298 = arith.constant 0 : i32
        %dma_wait3A_299 = tpu.memref_slice %arg7[%add3A_297, %dma_wait3A_298] : memref<64x32xi32, #tpu.memory_space<vmem>> -> memref<1x32xi32, #tpu.memory_space<vmem>>
        %dma_wait3A_300 = tpu.memref_squeeze %dma_wait3A_299 : memref<1x32xi32, #tpu.memory_space<vmem>> -> memref<32xi32, #tpu.memory_space<vmem>>
        %dma_wait3A_301 = arith.constant 0 : i32
        %dma_wait3A_302 = arith.constant 0 : i32
        %dma_wait3A_303 = tpu.memref_slice %arg2[%dma_wait3A_301, %dma_wait3A_302] : memref<10240x128xf32, #tpu.memory_space<hbm>> -> memref<10240x128xf32, #tpu.memory_space<hbm>>
        tpu.wait_indirect_dma semaphore(%arg24 : memref<!tpu.dma_semaphore, #tpu.memory_space<semaphore_mem>>) src(%dma_wait3A_303 : memref<10240x128xf32, #tpu.memory_space<hbm>>) dst(%arg16 : memref<32x128xf32, #tpu.memory_space<vmem>>)
        "tpu.region"() ({
          %run_scoped3A = tpu.sem_alloc : memref<!tpu.dma_semaphore, #tpu.memory_space<semaphore_mem>>
          %dma_start3A_313 = arith.constant 0 : i32
          %dma_start3A_314 = tpu.memref_slice %arg8[%add3A_297, %dma_start3A_313] : memref<64x32xi32, #tpu.memory_space<vmem>> -> memref<1x32xi32, #tpu.memory_space<vmem>>
          %dma_start3A_315 = tpu.memref_squeeze %dma_start3A_314 : memref<1x32xi32, #tpu.memory_space<vmem>> -> memref<32xi32, #tpu.memory_space<vmem>>
          %dma_start3A_316 = arith.constant 0 : i32
          %dma_start3A_317 = arith.constant 0 : i32
          %dma_start3A_318 = tpu.memref_slice %arg6[%dma_start3A_316, %dma_start3A_317] : memref<10240x128xf32, #tpu.memory_space<vmem_shared>> -> memref<10240x128xf32, #tpu.memory_space<vmem_shared>>
          tpu.enqueue_indirect_dma source(%arg16 : memref<32x128xf32, #tpu.memory_space<vmem>>) target(%dma_start3A_318 : memref<10240x128xf32, #tpu.memory_space<vmem_shared>>) offsets(%dma_start3A_315 : memref<32xi32, #tpu.memory_space<vmem>>) semaphore(%run_scoped3A : memref<!tpu.dma_semaphore, #tpu.memory_space<semaphore_mem>>) {add = true}
          %dma_wait3A_319 = arith.constant 0 : i32
          %dma_wait3A_320 = tpu.memref_slice %arg8[%add3A_297, %dma_wait3A_319] : memref<64x32xi32, #tpu.memory_space<vmem>> -> memref<1x32xi32, #tpu.memory_space<vmem>>
          %dma_wait3A_321 = tpu.memref_squeeze %dma_wait3A_320 : memref<1x32xi32, #tpu.memory_space<vmem>> -> memref<32xi32, #tpu.memory_space<vmem>>
          %dma_wait3A_322 = arith.constant 0 : i32
          %dma_wait3A_323 = arith.constant 0 : i32
          %dma_wait3A_324 = tpu.memref_slice %arg6[%dma_wait3A_322, %dma_wait3A_323] : memref<10240x128xf32, #tpu.memory_space<vmem_shared>> -> memref<10240x128xf32, #tpu.memory_space<vmem_shared>>
          tpu.wait_indirect_dma semaphore(%run_scoped3A : memref<!tpu.dma_semaphore, #tpu.memory_space<semaphore_mem>>) src(%arg16 : memref<32x128xf32, #tpu.memory_space<vmem>>) dst(%dma_wait3A_324 : memref<10240x128xf32, #tpu.memory_space<vmem_shared>>)
          tpu.yield
        }) : () -> ()
        %add3A_304 = arith.constant 8 : i32
        %add3A_305 = arith.addi %add3A_297, %add3A_304 : i32
        %sub3A_306 = arith.constant 1 : i32
        %sub3A_307 = arith.subi %add3A_305, %sub3A_306 : i32
        %lt3A_308 = arith.constant 64 : i32
        %lt3A_309 = arith.cmpi slt, %sub3A_307, %lt3A_308 : i32
        %convert_element_type3A_310 = arith.extui %lt3A_309 : i1 to i32
        %cond3A_311 = arith.constant 0 : i32
        %cond3A_312 = arith.cmpi ne, %convert_element_type3A_310, %cond3A_311 : i32
        scf.if %cond3A_312 {
          %add3A_313 = arith.constant 8 : i32
          %add3A_314 = arith.addi %add3A_297, %add3A_313 : i32
          %sub3A_315 = arith.constant 1 : i32
          %sub3A_316 = arith.subi %add3A_314, %sub3A_315 : i32
          %dma_start3A_317 = arith.constant 0 : i32
          %dma_start3A_318 = tpu.memref_slice %arg7[%sub3A_316, %dma_start3A_317] : memref<64x32xi32, #tpu.memory_space<vmem>> -> memref<1x32xi32, #tpu.memory_space<vmem>>
          %dma_start3A_319 = tpu.memref_squeeze %dma_start3A_318 : memref<1x32xi32, #tpu.memory_space<vmem>> -> memref<32xi32, #tpu.memory_space<vmem>>
          %dma_start3A_320 = arith.constant 0 : i32
          %dma_start3A_321 = arith.constant 0 : i32
          %dma_start3A_322 = tpu.memref_slice %arg2[%dma_start3A_320, %dma_start3A_321] : memref<10240x128xf32, #tpu.memory_space<hbm>> -> memref<10240x128xf32, #tpu.memory_space<hbm>>
          tpu.enqueue_indirect_dma source(%dma_start3A_322 : memref<10240x128xf32, #tpu.memory_space<hbm>>) target(%arg15 : memref<32x128xf32, #tpu.memory_space<vmem>>) offsets(%dma_start3A_319 : memref<32xi32, #tpu.memory_space<vmem>>) semaphore(%arg23 : memref<!tpu.dma_semaphore, #tpu.memory_space<semaphore_mem>>)
        } else {
        }
      }
      %scan3A_164 = arith.constant 8 : i32
    }
    %barrier3A_104 = arith.constant 0 : index
    tpu.barrier barrier_id(%barrier3A_104)
    %mul3A_105 = arith.constant 640 : i32
    %mul3A_106 = arith.muli %mul3A_105, %arg1 : i32
    "tpu.region"() ({
      %run_scoped3A = tpu.sem_alloc : memref<!tpu.dma_semaphore, #tpu.memory_space<semaphore_mem>>
      %dma_start3A = arith.constant 0 : i32
      %dma_start3A_107 = arith.constant 0 : i32
      %dma_start3A_108 = tpu.memref_slice %arg5[%arg0, %dma_start3A, %dma_start3A_107] : memref<2x10240x128xf32, #tpu.memory_space<hbm>> -> memref<1x10240x128xf32, #tpu.memory_space<hbm>>
      %dma_start3A_109 = tpu.memref_squeeze %dma_start3A_108 : memref<1x10240x128xf32, #tpu.memory_space<hbm>> -> memref<10240x128xf32, #tpu.memory_space<hbm>>
      %dma_start3A_110 = arith.constant 0 : i32
      %dma_start3A_111 = tpu.memref_slice %dma_start3A_109[%mul3A_106, %dma_start3A_110] : memref<10240x128xf32, #tpu.memory_space<hbm>> -> memref<640x128xf32, #tpu.memory_space<hbm>>
      %dma_start3A_112 = arith.constant 0 : i32
      %dma_start3A_113 = tpu.memref_slice %arg6[%mul3A_106, %dma_start3A_112] : memref<10240x128xf32, #tpu.memory_space<vmem_shared>> -> memref<640x128xf32, #tpu.memory_space<vmem_shared>>
      tpu.enqueue_dma source(%dma_start3A_113 : memref<640x128xf32, #tpu.memory_space<vmem_shared>>) target(%dma_start3A_111 : memref<640x128xf32, #tpu.memory_space<hbm>>) target_semaphore(%run_scoped3A : memref<!tpu.dma_semaphore, #tpu.memory_space<semaphore_mem>>)
      %dma_wait3A = arith.constant 0 : i32
      %dma_wait3A_114 = arith.constant 0 : i32
      %dma_wait3A_115 = tpu.memref_slice %arg5[%arg0, %dma_wait3A, %dma_wait3A_114] : memref<2x10240x128xf32, #tpu.memory_space<hbm>> -> memref<1x10240x128xf32, #tpu.memory_space<hbm>>
      %dma_wait3A_116 = tpu.memref_squeeze %dma_wait3A_115 : memref<1x10240x128xf32, #tpu.memory_space<hbm>> -> memref<10240x128xf32, #tpu.memory_space<hbm>>
      %dma_wait3A_117 = arith.constant 0 : i32
      %dma_wait3A_118 = tpu.memref_slice %dma_wait3A_116[%mul3A_106, %dma_wait3A_117] : memref<10240x128xf32, #tpu.memory_space<hbm>> -> memref<640x128xf32, #tpu.memory_space<hbm>>
      %dma_wait3A_119 = arith.constant 0 : i32
      %dma_wait3A_120 = tpu.memref_slice %arg6[%mul3A_106, %dma_wait3A_119] : memref<10240x128xf32, #tpu.memory_space<vmem_shared>> -> memref<640x128xf32, #tpu.memory_space<vmem_shared>>
      tpu.wait_dma2 semaphore(%run_scoped3A : memref<!tpu.dma_semaphore, #tpu.memory_space<semaphore_mem>>) src(%dma_wait3A_120 : memref<640x128xf32, #tpu.memory_space<vmem_shared>>) dst(%dma_wait3A_118 : memref<640x128xf32, #tpu.memory_space<hbm>>)
      tpu.yield
    }) : () -> ()
    return
  }
}

#map = affine_map<(d0, d1) -> (0, 0)>
#map1 = affine_map<(d0, d1) -> (0)>
module attributes {stable_mosaic.version = 14 : i64} {
  func.func @_deg_kernel(%arg0: i32, %arg1: i32, %arg2: memref<10240x32xi32, #tpu.memory_space<hbm>>, %arg3: memref<10240xf32, #tpu.memory_space<hbm>>, %arg4: memref<10240xf32, #tpu.memory_space<hbm>>, %arg5: memref<16x10240xf32, #tpu.memory_space<vmem_shared>>, %arg6: memref<320x32xi32, #tpu.memory_space<vmem>>, %arg7: memref<10240xf32, #tpu.memory_space<vmem>>, %arg8: memref<640xf32, #tpu.memory_space<vmem>>, %arg9: memref<640xf32, #tpu.memory_space<vmem>>) attributes {dimension_semantics = [#tpu.dimension_semantics<core_parallel>, #tpu.dimension_semantics<subcore_parallel>], iteration_bounds = array<i64: 2, 16>, scalar_prefetch = 0 : i64, scratch_operands = 5 : i64, tpu.core_type = #tpu.core_type<sc_vector_subcore>, window_params = [{transform_indices = #map}, {transform_indices = #map1}, {transform_indices = #map1}]} {
    %mul3A = arith.constant 16 : i32
    %mul3A_0 = arith.muli %arg0, %mul3A : i32
    %add3A = arith.addi %mul3A_0, %arg1 : i32
    %mul3A_1 = arith.constant 320 : i32
    %mul3A_2 = arith.muli %add3A, %mul3A_1 : i32
    "tpu.region"() ({
      %run_scoped3A_131 = tpu.sem_alloc : memref<!tpu.dma_semaphore, #tpu.memory_space<semaphore_mem>>
      %dma_start3A = arith.constant 0 : i32
      %dma_start3A_132 = tpu.memref_slice %arg2[%mul3A_2, %dma_start3A] : memref<10240x32xi32, #tpu.memory_space<hbm>> -> memref<320x32xi32, #tpu.memory_space<hbm>>
      %dma_start3A_133 = arith.constant 0 : i32
      %dma_start3A_134 = tpu.memref_slice %arg2[%mul3A_2, %dma_start3A_133] : memref<10240x32xi32, #tpu.memory_space<hbm>> -> memref<320x32xi32, #tpu.memory_space<hbm>>
      tpu.enqueue_dma source(%dma_start3A_134 : memref<320x32xi32, #tpu.memory_space<hbm>>) target(%arg6 : memref<320x32xi32, #tpu.memory_space<vmem>>) target_semaphore(%run_scoped3A_131 : memref<!tpu.dma_semaphore, #tpu.memory_space<semaphore_mem>>)
      %dma_wait3A = arith.constant 0 : i32
      %dma_wait3A_135 = tpu.memref_slice %arg2[%mul3A_2, %dma_wait3A] : memref<10240x32xi32, #tpu.memory_space<hbm>> -> memref<320x32xi32, #tpu.memory_space<hbm>>
      %dma_wait3A_136 = arith.constant 0 : i32
      %dma_wait3A_137 = tpu.memref_slice %arg2[%mul3A_2, %dma_wait3A_136] : memref<10240x32xi32, #tpu.memory_space<hbm>> -> memref<320x32xi32, #tpu.memory_space<hbm>>
      tpu.wait_dma2 semaphore(%run_scoped3A_131 : memref<!tpu.dma_semaphore, #tpu.memory_space<semaphore_mem>>) src(%dma_wait3A_137 : memref<320x32xi32, #tpu.memory_space<hbm>>) dst(%arg6 : memref<320x32xi32, #tpu.memory_space<vmem>>)
      tpu.yield
    }) : () -> ()
    %broadcast_in_dim3A = arith.constant 0.000000e+00 : f32
    %broadcast_in_dim3A_3 = vector.broadcast %broadcast_in_dim3A : f32 to vector<16xf32>
    %broadcast_in_dim3A_4 = arith.constant 1.000000e+00 : f32
    %broadcast_in_dim3A_5 = vector.broadcast %broadcast_in_dim3A_4 : f32 to vector<16xf32>
    %scan3A = arith.constant 0 : i32
    %scan3A_6 = arith.constant 0 : i32
    %scan3A_7 = arith.constant 640 : i32
    %scan3A_8 = arith.addi %scan3A_6, %scan3A_7 : i32
    %scan3A_9 = arith.constant 1 : i32
    scf.for %scan3A_131 = %scan3A_6 to %scan3A_8 step %scan3A_9  : i32 {
      %mul3A_132 = arith.constant 16 : i32
      %mul3A_133 = arith.muli %scan3A_131, %mul3A_132 : i32
      %swap3A = arith.index_cast %mul3A_133 : i32 to index
      %swap3A_134 = tpu.vector_load %arg7[%swap3A] {strides = array<i32>} : memref<10240xf32, #tpu.memory_space<vmem>>, vector<16xf32>,
      tpu.vector_store %arg7[%swap3A], %broadcast_in_dim3A_3 {strides = array<i32>} : memref<10240xf32, #tpu.memory_space<vmem>>, vector<16xf32>,
    }
    %scan3A_10 = arith.constant 640 : i32
    %scan3A_11 = arith.constant 0 : i32
    %scan3A_12 = arith.constant 0 : i32
    %scan3A_13 = arith.constant 320 : i32
    %scan3A_14 = arith.addi %scan3A_12, %scan3A_13 : i32
    %scan3A_15 = arith.constant 1 : i32
    scf.for %scan3A_131 = %scan3A_12 to %scan3A_14 step %scan3A_15  : i32 {
      %get3A = arith.index_cast %scan3A_131 : i32 to index
      %get3A_132 = arith.constant 0 : index
      %get3A_133 = tpu.vector_load %arg6[%get3A, %get3A_132] {strides = array<i32>} : memref<320x32xi32, #tpu.memory_space<vmem>>, vector<16xi32>,
      tpu.vector_store_idx %arg7[%get3A_133], %broadcast_in_dim3A_5 {add = true} : memref<10240xf32, #tpu.memory_space<vmem>>[vector<16xi32>], vector<16xf32>,
      %get3A_134 = arith.index_cast %scan3A_131 : i32 to index
      %get3A_135 = arith.constant 16 : index
      %get3A_136 = tpu.vector_load %arg6[%get3A_134, %get3A_135] {strides = array<i32>} : memref<320x32xi32, #tpu.memory_space<vmem>>, vector<16xi32>,
      tpu.vector_store_idx %arg7[%get3A_136], %broadcast_in_dim3A_5 {add = true} : memref<10240xf32, #tpu.memory_space<vmem>>[vector<16xi32>], vector<16xf32>,
    }
    %scan3A_16 = arith.constant 320 : i32
    "tpu.region"() ({
      %run_scoped3A_131 = tpu.sem_alloc : memref<!tpu.dma_semaphore, #tpu.memory_space<semaphore_mem>>
      %dma_start3A = arith.constant 0 : i32
      %dma_start3A_132 = tpu.memref_slice %arg5[%arg1, %dma_start3A] : memref<16x10240xf32, #tpu.memory_space<vmem_shared>> -> memref<1x10240xf32, #tpu.memory_space<vmem_shared>>
      %dma_start3A_133 = tpu.memref_squeeze %dma_start3A_132 : memref<1x10240xf32, #tpu.memory_space<vmem_shared>> -> memref<10240xf32, #tpu.memory_space<vmem_shared>>
      %dma_start3A_134 = arith.constant 0 : i32
      %dma_start3A_135 = tpu.memref_slice %arg5[%arg1, %dma_start3A_134] : memref<16x10240xf32, #tpu.memory_space<vmem_shared>> -> memref<1x10240xf32, #tpu.memory_space<vmem_shared>>
      %dma_start3A_136 = tpu.memref_squeeze %dma_start3A_135 : memref<1x10240xf32, #tpu.memory_space<vmem_shared>> -> memref<10240xf32, #tpu.memory_space<vmem_shared>>
      tpu.enqueue_dma source(%arg7 : memref<10240xf32, #tpu.memory_space<vmem>>) target(%dma_start3A_136 : memref<10240xf32, #tpu.memory_space<vmem_shared>>) target_semaphore(%run_scoped3A_131 : memref<!tpu.dma_semaphore, #tpu.memory_space<semaphore_mem>>)
      %dma_wait3A = arith.constant 0 : i32
      %dma_wait3A_137 = tpu.memref_slice %arg5[%arg1, %dma_wait3A] : memref<16x10240xf32, #tpu.memory_space<vmem_shared>> -> memref<1x10240xf32, #tpu.memory_space<vmem_shared>>
      %dma_wait3A_138 = tpu.memref_squeeze %dma_wait3A_137 : memref<1x10240xf32, #tpu.memory_space<vmem_shared>> -> memref<10240xf32, #tpu.memory_space<vmem_shared>>
      %dma_wait3A_139 = arith.constant 0 : i32
      %dma_wait3A_140 = tpu.memref_slice %arg5[%arg1, %dma_wait3A_139] : memref<16x10240xf32, #tpu.memory_space<vmem_shared>> -> memref<1x10240xf32, #tpu.memory_space<vmem_shared>>
      %dma_wait3A_141 = tpu.memref_squeeze %dma_wait3A_140 : memref<1x10240xf32, #tpu.memory_space<vmem_shared>> -> memref<10240xf32, #tpu.memory_space<vmem_shared>>
      tpu.wait_dma2 semaphore(%run_scoped3A_131 : memref<!tpu.dma_semaphore, #tpu.memory_space<semaphore_mem>>) src(%arg7 : memref<10240xf32, #tpu.memory_space<vmem>>) dst(%dma_wait3A_141 : memref<10240xf32, #tpu.memory_space<vmem_shared>>)
      tpu.yield
    }) : () -> ()
    %barrier3A = arith.constant 0 : index
    tpu.barrier barrier_id(%barrier3A)
    %mul3A_17 = arith.constant 640 : i32
    %mul3A_18 = arith.muli %mul3A_17, %arg1 : i32
    %run_scoped3A = arith.constant 0 : i32
    "tpu.region"() ({
      %run_scoped3A_131 = tpu.sem_alloc : memref<!tpu.dma_semaphore, #tpu.memory_space<semaphore_mem>>
      %dma_start3A = arith.constant 0 : i32
      %dma_start3A_132 = tpu.memref_slice %arg5[%run_scoped3A, %dma_start3A] : memref<16x10240xf32, #tpu.memory_space<vmem_shared>> -> memref<1x10240xf32, #tpu.memory_space<vmem_shared>>
      %dma_start3A_133 = tpu.memref_squeeze %dma_start3A_132 : memref<1x10240xf32, #tpu.memory_space<vmem_shared>> -> memref<10240xf32, #tpu.memory_space<vmem_shared>>
      %dma_start3A_134 = tpu.memref_slice %dma_start3A_133[%mul3A_18] : memref<10240xf32, #tpu.memory_space<vmem_shared>> -> memref<640xf32, #tpu.memory_space<vmem_shared>>
      %dma_start3A_135 = arith.constant 0 : i32
      %dma_start3A_136 = tpu.memref_slice %arg5[%run_scoped3A, %dma_start3A_135] : memref<16x10240xf32, #tpu.memory_space<vmem_shared>> -> memref<1x10240xf32, #tpu.memory_space<vmem_shared>>
      %dma_start3A_137 = tpu.memref_squeeze %dma_start3A_136 : memref<1x10240xf32, #tpu.memory_space<vmem_shared>> -> memref<10240xf32, #tpu.memory_space<vmem_shared>>
      %dma_start3A_138 = tpu.memref_slice %dma_start3A_137[%mul3A_18] : memref<10240xf32, #tpu.memory_space<vmem_shared>> -> memref<640xf32, #tpu.memory_space<vmem_shared>>
      tpu.enqueue_dma source(%dma_start3A_138 : memref<640xf32, #tpu.memory_space<vmem_shared>>) target(%arg8 : memref<640xf32, #tpu.memory_space<vmem>>) target_semaphore(%run_scoped3A_131 : memref<!tpu.dma_semaphore, #tpu.memory_space<semaphore_mem>>)
      %dma_wait3A = arith.constant 0 : i32
      %dma_wait3A_139 = tpu.memref_slice %arg5[%run_scoped3A, %dma_wait3A] : memref<16x10240xf32, #tpu.memory_space<vmem_shared>> -> memref<1x10240xf32, #tpu.memory_space<vmem_shared>>
      %dma_wait3A_140 = tpu.memref_squeeze %dma_wait3A_139 : memref<1x10240xf32, #tpu.memory_space<vmem_shared>> -> memref<10240xf32, #tpu.memory_space<vmem_shared>>
      %dma_wait3A_141 = tpu.memref_slice %dma_wait3A_140[%mul3A_18] : memref<10240xf32, #tpu.memory_space<vmem_shared>> -> memref<640xf32, #tpu.memory_space<vmem_shared>>
      %dma_wait3A_142 = arith.constant 0 : i32
      %dma_wait3A_143 = tpu.memref_slice %arg5[%run_scoped3A, %dma_wait3A_142] : memref<16x10240xf32, #tpu.memory_space<vmem_shared>> -> memref<1x10240xf32, #tpu.memory_space<vmem_shared>>
      %dma_wait3A_144 = tpu.memref_squeeze %dma_wait3A_143 : memref<1x10240xf32, #tpu.memory_space<vmem_shared>> -> memref<10240xf32, #tpu.memory_space<vmem_shared>>
      %dma_wait3A_145 = tpu.memref_slice %dma_wait3A_144[%mul3A_18] : memref<10240xf32, #tpu.memory_space<vmem_shared>> -> memref<640xf32, #tpu.memory_space<vmem_shared>>
      tpu.wait_dma2 semaphore(%run_scoped3A_131 : memref<!tpu.dma_semaphore, #tpu.memory_space<semaphore_mem>>) src(%dma_wait3A_145 : memref<640xf32, #tpu.memory_space<vmem_shared>>) dst(%arg8 : memref<640xf32, #tpu.memory_space<vmem>>)
      tpu.yield
    }) : () -> ()
    %run_scoped3A_19 = arith.constant 1 : i32
    "tpu.region"() ({
      %run_scoped3A_131 = tpu.sem_alloc : memref<!tpu.dma_semaphore, #tpu.memory_space<semaphore_mem>>
      %dma_start3A = arith.constant 0 : i32
      %dma_start3A_132 = tpu.memref_slice %arg5[%run_scoped3A_19, %dma_start3A] : memref<16x10240xf32, #tpu.memory_space<vmem_shared>> -> memref<1x10240xf32, #tpu.memory_space<vmem_shared>>
      %dma_start3A_133 = tpu.memref_squeeze %dma_start3A_132 : memref<1x10240xf32, #tpu.memory_space<vmem_shared>> -> memref<10240xf32, #tpu.memory_space<vmem_shared>>
      %dma_start3A_134 = tpu.memref_slice %dma_start3A_133[%mul3A_18] : memref<10240xf32, #tpu.memory_space<vmem_shared>> -> memref<640xf32, #tpu.memory_space<vmem_shared>>
      %dma_start3A_135 = arith.constant 0 : i32
      %dma_start3A_136 = tpu.memref_slice %arg5[%run_scoped3A_19, %dma_start3A_135] : memref<16x10240xf32, #tpu.memory_space<vmem_shared>> -> memref<1x10240xf32, #tpu.memory_space<vmem_shared>>
      %dma_start3A_137 = tpu.memref_squeeze %dma_start3A_136 : memref<1x10240xf32, #tpu.memory_space<vmem_shared>> -> memref<10240xf32, #tpu.memory_space<vmem_shared>>
      %dma_start3A_138 = tpu.memref_slice %dma_start3A_137[%mul3A_18] : memref<10240xf32, #tpu.memory_space<vmem_shared>> -> memref<640xf32, #tpu.memory_space<vmem_shared>>
      tpu.enqueue_dma source(%dma_start3A_138 : memref<640xf32, #tpu.memory_space<vmem_shared>>) target(%arg9 : memref<640xf32, #tpu.memory_space<vmem>>) target_semaphore(%run_scoped3A_131 : memref<!tpu.dma_semaphore, #tpu.memory_space<semaphore_mem>>)
      %dma_wait3A = arith.constant 0 : i32
      %dma_wait3A_139 = tpu.memref_slice %arg5[%run_scoped3A_19, %dma_wait3A] : memref<16x10240xf32, #tpu.memory_space<vmem_shared>> -> memref<1x10240xf32, #tpu.memory_space<vmem_shared>>
      %dma_wait3A_140 = tpu.memref_squeeze %dma_wait3A_139 : memref<1x10240xf32, #tpu.memory_space<vmem_shared>> -> memref<10240xf32, #tpu.memory_space<vmem_shared>>
      %dma_wait3A_141 = tpu.memref_slice %dma_wait3A_140[%mul3A_18] : memref<10240xf32, #tpu.memory_space<vmem_shared>> -> memref<640xf32, #tpu.memory_space<vmem_shared>>
      %dma_wait3A_142 = arith.constant 0 : i32
      %dma_wait3A_143 = tpu.memref_slice %arg5[%run_scoped3A_19, %dma_wait3A_142] : memref<16x10240xf32, #tpu.memory_space<vmem_shared>> -> memref<1x10240xf32, #tpu.memory_space<vmem_shared>>
      %dma_wait3A_144 = tpu.memref_squeeze %dma_wait3A_143 : memref<1x10240xf32, #tpu.memory_space<vmem_shared>> -> memref<10240xf32, #tpu.memory_space<vmem_shared>>
      %dma_wait3A_145 = tpu.memref_slice %dma_wait3A_144[%mul3A_18] : memref<10240xf32, #tpu.memory_space<vmem_shared>> -> memref<640xf32, #tpu.memory_space<vmem_shared>>
      tpu.wait_dma2 semaphore(%run_scoped3A_131 : memref<!tpu.dma_semaphore, #tpu.memory_space<semaphore_mem>>) src(%dma_wait3A_145 : memref<640xf32, #tpu.memory_space<vmem_shared>>) dst(%arg9 : memref<640xf32, #tpu.memory_space<vmem>>)
      tpu.yield
    }) : () -> ()
    %scan3A_20 = arith.constant 0 : i32
    %scan3A_21 = arith.constant 0 : i32
    %scan3A_22 = arith.constant 40 : i32
    %scan3A_23 = arith.addi %scan3A_21, %scan3A_22 : i32
    %scan3A_24 = arith.constant 1 : i32
    scf.for %scan3A_131 = %scan3A_21 to %scan3A_23 step %scan3A_24  : i32 {
      %mul3A_132 = arith.constant 16 : i32
      %mul3A_133 = arith.muli %scan3A_131, %mul3A_132 : i32
      %get3A = arith.index_cast %mul3A_133 : i32 to index
      %get3A_134 = tpu.vector_load %arg8[%get3A] {strides = array<i32>} : memref<640xf32, #tpu.memory_space<vmem>>, vector<16xf32>,
      %mul3A_135 = arith.constant 16 : i32
      %mul3A_136 = arith.muli %scan3A_131, %mul3A_135 : i32
      %get3A_137 = arith.index_cast %mul3A_136 : i32 to index
      %get3A_138 = tpu.vector_load %arg9[%get3A_137] {strides = array<i32>} : memref<640xf32, #tpu.memory_space<vmem>>, vector<16xf32>,
      %add3A_139 = arith.addf %get3A_134, %get3A_138 : vector<16xf32>
      %mul3A_140 = arith.constant 16 : i32
      %mul3A_141 = arith.muli %scan3A_131, %mul3A_140 : i32
      %swap3A = arith.index_cast %mul3A_141 : i32 to index
      %swap3A_142 = tpu.vector_load %arg8[%swap3A] {strides = array<i32>} : memref<640xf32, #tpu.memory_space<vmem>>, vector<16xf32>,
      tpu.vector_store %arg8[%swap3A], %add3A_139 {strides = array<i32>} : memref<640xf32, #tpu.memory_space<vmem>>, vector<16xf32>,
    }
    %scan3A_25 = arith.constant 40 : i32
    %run_scoped3A_26 = arith.constant 2 : i32
    "tpu.region"() ({
      %run_scoped3A_131 = tpu.sem_alloc : memref<!tpu.dma_semaphore, #tpu.memory_space<semaphore_mem>>
      %dma_start3A = arith.constant 0 : i32
      %dma_start3A_132 = tpu.memref_slice %arg5[%run_scoped3A_26, %dma_start3A] : memref<16x10240xf32, #tpu.memory_space<vmem_shared>> -> memref<1x10240xf32, #tpu.memory_space<vmem_shared>>
      %dma_start3A_133 = tpu.memref_squeeze %dma_start3A_132 : memref<1x10240xf32, #tpu.memory_space<vmem_shared>> -> memref<10240xf32, #tpu.memory_space<vmem_shared>>
      %dma_start3A_134 = tpu.memref_slice %dma_start3A_133[%mul3A_18] : memref<10240xf32, #tpu.memory_space<vmem_shared>> -> memref<640xf32, #tpu.memory_space<vmem_shared>>
      %dma_start3A_135 = arith.constant 0 : i32
      %dma_start3A_136 = tpu.memref_slice %arg5[%run_scoped3A_26, %dma_start3A_135] : memref<16x10240xf32, #tpu.memory_space<vmem_shared>> -> memref<1x10240xf32, #tpu.memory_space<vmem_shared>>
      %dma_start3A_137 = tpu.memref_squeeze %dma_start3A_136 : memref<1x10240xf32, #tpu.memory_space<vmem_shared>> -> memref<10240xf32, #tpu.memory_space<vmem_shared>>
      %dma_start3A_138 = tpu.memref_slice %dma_start3A_137[%mul3A_18] : memref<10240xf32, #tpu.memory_space<vmem_shared>> -> memref<640xf32, #tpu.memory_space<vmem_shared>>
      tpu.enqueue_dma source(%dma_start3A_138 : memref<640xf32, #tpu.memory_space<vmem_shared>>) target(%arg9 : memref<640xf32, #tpu.memory_space<vmem>>) target_semaphore(%run_scoped3A_131 : memref<!tpu.dma_semaphore, #tpu.memory_space<semaphore_mem>>)
      %dma_wait3A = arith.constant 0 : i32
      %dma_wait3A_139 = tpu.memref_slice %arg5[%run_scoped3A_26, %dma_wait3A] : memref<16x10240xf32, #tpu.memory_space<vmem_shared>> -> memref<1x10240xf32, #tpu.memory_space<vmem_shared>>
      %dma_wait3A_140 = tpu.memref_squeeze %dma_wait3A_139 : memref<1x10240xf32, #tpu.memory_space<vmem_shared>> -> memref<10240xf32, #tpu.memory_space<vmem_shared>>
      %dma_wait3A_141 = tpu.memref_slice %dma_wait3A_140[%mul3A_18] : memref<10240xf32, #tpu.memory_space<vmem_shared>> -> memref<640xf32, #tpu.memory_space<vmem_shared>>
      %dma_wait3A_142 = arith.constant 0 : i32
      %dma_wait3A_143 = tpu.memref_slice %arg5[%run_scoped3A_26, %dma_wait3A_142] : memref<16x10240xf32, #tpu.memory_space<vmem_shared>> -> memref<1x10240xf32, #tpu.memory_space<vmem_shared>>
      %dma_wait3A_144 = tpu.memref_squeeze %dma_wait3A_143 : memref<1x10240xf32, #tpu.memory_space<vmem_shared>> -> memref<10240xf32, #tpu.memory_space<vmem_shared>>
      %dma_wait3A_145 = tpu.memref_slice %dma_wait3A_144[%mul3A_18] : memref<10240xf32, #tpu.memory_space<vmem_shared>> -> memref<640xf32, #tpu.memory_space<vmem_shared>>
      tpu.wait_dma2 semaphore(%run_scoped3A_131 : memref<!tpu.dma_semaphore, #tpu.memory_space<semaphore_mem>>) src(%dma_wait3A_145 : memref<640xf32, #tpu.memory_space<vmem_shared>>) dst(%arg9 : memref<640xf32, #tpu.memory_space<vmem>>)
      tpu.yield
    }) : () -> ()
    %scan3A_27 = arith.constant 0 : i32
    %scan3A_28 = arith.constant 0 : i32
    %scan3A_29 = arith.constant 40 : i32
    %scan3A_30 = arith.addi %scan3A_28, %scan3A_29 : i32
    %scan3A_31 = arith.constant 1 : i32
    scf.for %scan3A_131 = %scan3A_28 to %scan3A_30 step %scan3A_31  : i32 {
      %mul3A_132 = arith.constant 16 : i32
      %mul3A_133 = arith.muli %scan3A_131, %mul3A_132 : i32
      %get3A = arith.index_cast %mul3A_133 : i32 to index
      %get3A_134 = tpu.vector_load %arg8[%get3A] {strides = array<i32>} : memref<640xf32, #tpu.memory_space<vmem>>, vector<16xf32>,
      %mul3A_135 = arith.constant 16 : i32
      %mul3A_136 = arith.muli %scan3A_131, %mul3A_135 : i32
      %get3A_137 = arith.index_cast %mul3A_136 : i32 to index
      %get3A_138 = tpu.vector_load %arg9[%get3A_137] {strides = array<i32>} : memref<640xf32, #tpu.memory_space<vmem>>, vector<16xf32>,
      %add3A_139 = arith.addf %get3A_134, %get3A_138 : vector<16xf32>
      %mul3A_140 = arith.constant 16 : i32
      %mul3A_141 = arith.muli %scan3A_131, %mul3A_140 : i32
      %swap3A = arith.index_cast %mul3A_141 : i32 to index
      %swap3A_142 = tpu.vector_load %arg8[%swap3A] {strides = array<i32>} : memref<640xf32, #tpu.memory_space<vmem>>, vector<16xf32>,
      tpu.vector_store %arg8[%swap3A], %add3A_139 {strides = array<i32>} : memref<640xf32, #tpu.memory_space<vmem>>, vector<16xf32>,
    }
    %scan3A_32 = arith.constant 40 : i32
    %run_scoped3A_33 = arith.constant 3 : i32
    "tpu.region"() ({
      %run_scoped3A_131 = tpu.sem_alloc : memref<!tpu.dma_semaphore, #tpu.memory_space<semaphore_mem>>
      %dma_start3A = arith.constant 0 : i32
      %dma_start3A_132 = tpu.memref_slice %arg5[%run_scoped3A_33, %dma_start3A] : memref<16x10240xf32, #tpu.memory_space<vmem_shared>> -> memref<1x10240xf32, #tpu.memory_space<vmem_shared>>
      %dma_start3A_133 = tpu.memref_squeeze %dma_start3A_132 : memref<1x10240xf32, #tpu.memory_space<vmem_shared>> -> memref<10240xf32, #tpu.memory_space<vmem_shared>>
      %dma_start3A_134 = tpu.memref_slice %dma_start3A_133[%mul3A_18] : memref<10240xf32, #tpu.memory_space<vmem_shared>> -> memref<640xf32, #tpu.memory_space<vmem_shared>>
      %dma_start3A_135 = arith.constant 0 : i32
      %dma_start3A_136 = tpu.memref_slice %arg5[%run_scoped3A_33, %dma_start3A_135] : memref<16x10240xf32, #tpu.memory_space<vmem_shared>> -> memref<1x10240xf32, #tpu.memory_space<vmem_shared>>
      %dma_start3A_137 = tpu.memref_squeeze %dma_start3A_136 : memref<1x10240xf32, #tpu.memory_space<vmem_shared>> -> memref<10240xf32, #tpu.memory_space<vmem_shared>>
      %dma_start3A_138 = tpu.memref_slice %dma_start3A_137[%mul3A_18] : memref<10240xf32, #tpu.memory_space<vmem_shared>> -> memref<640xf32, #tpu.memory_space<vmem_shared>>
      tpu.enqueue_dma source(%dma_start3A_138 : memref<640xf32, #tpu.memory_space<vmem_shared>>) target(%arg9 : memref<640xf32, #tpu.memory_space<vmem>>) target_semaphore(%run_scoped3A_131 : memref<!tpu.dma_semaphore, #tpu.memory_space<semaphore_mem>>)
      %dma_wait3A = arith.constant 0 : i32
      %dma_wait3A_139 = tpu.memref_slice %arg5[%run_scoped3A_33, %dma_wait3A] : memref<16x10240xf32, #tpu.memory_space<vmem_shared>> -> memref<1x10240xf32, #tpu.memory_space<vmem_shared>>
      %dma_wait3A_140 = tpu.memref_squeeze %dma_wait3A_139 : memref<1x10240xf32, #tpu.memory_space<vmem_shared>> -> memref<10240xf32, #tpu.memory_space<vmem_shared>>
      %dma_wait3A_141 = tpu.memref_slice %dma_wait3A_140[%mul3A_18] : memref<10240xf32, #tpu.memory_space<vmem_shared>> -> memref<640xf32, #tpu.memory_space<vmem_shared>>
      %dma_wait3A_142 = arith.constant 0 : i32
      %dma_wait3A_143 = tpu.memref_slice %arg5[%run_scoped3A_33, %dma_wait3A_142] : memref<16x10240xf32, #tpu.memory_space<vmem_shared>> -> memref<1x10240xf32, #tpu.memory_space<vmem_shared>>
      %dma_wait3A_144 = tpu.memref_squeeze %dma_wait3A_143 : memref<1x10240xf32, #tpu.memory_space<vmem_shared>> -> memref<10240xf32, #tpu.memory_space<vmem_shared>>
      %dma_wait3A_145 = tpu.memref_slice %dma_wait3A_144[%mul3A_18] : memref<10240xf32, #tpu.memory_space<vmem_shared>> -> memref<640xf32, #tpu.memory_space<vmem_shared>>
      tpu.wait_dma2 semaphore(%run_scoped3A_131 : memref<!tpu.dma_semaphore, #tpu.memory_space<semaphore_mem>>) src(%dma_wait3A_145 : memref<640xf32, #tpu.memory_space<vmem_shared>>) dst(%arg9 : memref<640xf32, #tpu.memory_space<vmem>>)
      tpu.yield
    }) : () -> ()
    %scan3A_34 = arith.constant 0 : i32
    %scan3A_35 = arith.constant 0 : i32
    %scan3A_36 = arith.constant 40 : i32
    %scan3A_37 = arith.addi %scan3A_35, %scan3A_36 : i32
    %scan3A_38 = arith.constant 1 : i32
    scf.for %scan3A_131 = %scan3A_35 to %scan3A_37 step %scan3A_38  : i32 {
      %mul3A_132 = arith.constant 16 : i32
      %mul3A_133 = arith.muli %scan3A_131, %mul3A_132 : i32
      %get3A = arith.index_cast %mul3A_133 : i32 to index
      %get3A_134 = tpu.vector_load %arg8[%get3A] {strides = array<i32>} : memref<640xf32, #tpu.memory_space<vmem>>, vector<16xf32>,
      %mul3A_135 = arith.constant 16 : i32
      %mul3A_136 = arith.muli %scan3A_131, %mul3A_135 : i32
      %get3A_137 = arith.index_cast %mul3A_136 : i32 to index
      %get3A_138 = tpu.vector_load %arg9[%get3A_137] {strides = array<i32>} : memref<640xf32, #tpu.memory_space<vmem>>, vector<16xf32>,
      %add3A_139 = arith.addf %get3A_134, %get3A_138 : vector<16xf32>
      %mul3A_140 = arith.constant 16 : i32
      %mul3A_141 = arith.muli %scan3A_131, %mul3A_140 : i32
      %swap3A = arith.index_cast %mul3A_141 : i32 to index
      %swap3A_142 = tpu.vector_load %arg8[%swap3A] {strides = array<i32>} : memref<640xf32, #tpu.memory_space<vmem>>, vector<16xf32>,
      tpu.vector_store %arg8[%swap3A], %add3A_139 {strides = array<i32>} : memref<640xf32, #tpu.memory_space<vmem>>, vector<16xf32>,
    }
    %scan3A_39 = arith.constant 40 : i32
    %run_scoped3A_40 = arith.constant 4 : i32
    "tpu.region"() ({
      %run_scoped3A_131 = tpu.sem_alloc : memref<!tpu.dma_semaphore, #tpu.memory_space<semaphore_mem>>
      %dma_start3A = arith.constant 0 : i32
      %dma_start3A_132 = tpu.memref_slice %arg5[%run_scoped3A_40, %dma_start3A] : memref<16x10240xf32, #tpu.memory_space<vmem_shared>> -> memref<1x10240xf32, #tpu.memory_space<vmem_shared>>
      %dma_start3A_133 = tpu.memref_squeeze %dma_start3A_132 : memref<1x10240xf32, #tpu.memory_space<vmem_shared>> -> memref<10240xf32, #tpu.memory_space<vmem_shared>>
      %dma_start3A_134 = tpu.memref_slice %dma_start3A_133[%mul3A_18] : memref<10240xf32, #tpu.memory_space<vmem_shared>> -> memref<640xf32, #tpu.memory_space<vmem_shared>>
      %dma_start3A_135 = arith.constant 0 : i32
      %dma_start3A_136 = tpu.memref_slice %arg5[%run_scoped3A_40, %dma_start3A_135] : memref<16x10240xf32, #tpu.memory_space<vmem_shared>> -> memref<1x10240xf32, #tpu.memory_space<vmem_shared>>
      %dma_start3A_137 = tpu.memref_squeeze %dma_start3A_136 : memref<1x10240xf32, #tpu.memory_space<vmem_shared>> -> memref<10240xf32, #tpu.memory_space<vmem_shared>>
      %dma_start3A_138 = tpu.memref_slice %dma_start3A_137[%mul3A_18] : memref<10240xf32, #tpu.memory_space<vmem_shared>> -> memref<640xf32, #tpu.memory_space<vmem_shared>>
      tpu.enqueue_dma source(%dma_start3A_138 : memref<640xf32, #tpu.memory_space<vmem_shared>>) target(%arg9 : memref<640xf32, #tpu.memory_space<vmem>>) target_semaphore(%run_scoped3A_131 : memref<!tpu.dma_semaphore, #tpu.memory_space<semaphore_mem>>)
      %dma_wait3A = arith.constant 0 : i32
      %dma_wait3A_139 = tpu.memref_slice %arg5[%run_scoped3A_40, %dma_wait3A] : memref<16x10240xf32, #tpu.memory_space<vmem_shared>> -> memref<1x10240xf32, #tpu.memory_space<vmem_shared>>
      %dma_wait3A_140 = tpu.memref_squeeze %dma_wait3A_139 : memref<1x10240xf32, #tpu.memory_space<vmem_shared>> -> memref<10240xf32, #tpu.memory_space<vmem_shared>>
      %dma_wait3A_141 = tpu.memref_slice %dma_wait3A_140[%mul3A_18] : memref<10240xf32, #tpu.memory_space<vmem_shared>> -> memref<640xf32, #tpu.memory_space<vmem_shared>>
      %dma_wait3A_142 = arith.constant 0 : i32
      %dma_wait3A_143 = tpu.memref_slice %arg5[%run_scoped3A_40, %dma_wait3A_142] : memref<16x10240xf32, #tpu.memory_space<vmem_shared>> -> memref<1x10240xf32, #tpu.memory_space<vmem_shared>>
      %dma_wait3A_144 = tpu.memref_squeeze %dma_wait3A_143 : memref<1x10240xf32, #tpu.memory_space<vmem_shared>> -> memref<10240xf32, #tpu.memory_space<vmem_shared>>
      %dma_wait3A_145 = tpu.memref_slice %dma_wait3A_144[%mul3A_18] : memref<10240xf32, #tpu.memory_space<vmem_shared>> -> memref<640xf32, #tpu.memory_space<vmem_shared>>
      tpu.wait_dma2 semaphore(%run_scoped3A_131 : memref<!tpu.dma_semaphore, #tpu.memory_space<semaphore_mem>>) src(%dma_wait3A_145 : memref<640xf32, #tpu.memory_space<vmem_shared>>) dst(%arg9 : memref<640xf32, #tpu.memory_space<vmem>>)
      tpu.yield
    }) : () -> ()
    %scan3A_41 = arith.constant 0 : i32
    %scan3A_42 = arith.constant 0 : i32
    %scan3A_43 = arith.constant 40 : i32
    %scan3A_44 = arith.addi %scan3A_42, %scan3A_43 : i32
    %scan3A_45 = arith.constant 1 : i32
    scf.for %scan3A_131 = %scan3A_42 to %scan3A_44 step %scan3A_45  : i32 {
      %mul3A_132 = arith.constant 16 : i32
      %mul3A_133 = arith.muli %scan3A_131, %mul3A_132 : i32
      %get3A = arith.index_cast %mul3A_133 : i32 to index
      %get3A_134 = tpu.vector_load %arg8[%get3A] {strides = array<i32>} : memref<640xf32, #tpu.memory_space<vmem>>, vector<16xf32>,
      %mul3A_135 = arith.constant 16 : i32
      %mul3A_136 = arith.muli %scan3A_131, %mul3A_135 : i32
      %get3A_137 = arith.index_cast %mul3A_136 : i32 to index
      %get3A_138 = tpu.vector_load %arg9[%get3A_137] {strides = array<i32>} : memref<640xf32, #tpu.memory_space<vmem>>, vector<16xf32>,
      %add3A_139 = arith.addf %get3A_134, %get3A_138 : vector<16xf32>
      %mul3A_140 = arith.constant 16 : i32
      %mul3A_141 = arith.muli %scan3A_131, %mul3A_140 : i32
      %swap3A = arith.index_cast %mul3A_141 : i32 to index
      %swap3A_142 = tpu.vector_load %arg8[%swap3A] {strides = array<i32>} : memref<640xf32, #tpu.memory_space<vmem>>, vector<16xf32>,
      tpu.vector_store %arg8[%swap3A], %add3A_139 {strides = array<i32>} : memref<640xf32, #tpu.memory_space<vmem>>, vector<16xf32>,
    }
    %scan3A_46 = arith.constant 40 : i32
    %run_scoped3A_47 = arith.constant 5 : i32
    "tpu.region"() ({
      %run_scoped3A_131 = tpu.sem_alloc : memref<!tpu.dma_semaphore, #tpu.memory_space<semaphore_mem>>
      %dma_start3A = arith.constant 0 : i32
      %dma_start3A_132 = tpu.memref_slice %arg5[%run_scoped3A_47, %dma_start3A] : memref<16x10240xf32, #tpu.memory_space<vmem_shared>> -> memref<1x10240xf32, #tpu.memory_space<vmem_shared>>
      %dma_start3A_133 = tpu.memref_squeeze %dma_start3A_132 : memref<1x10240xf32, #tpu.memory_space<vmem_shared>> -> memref<10240xf32, #tpu.memory_space<vmem_shared>>
      %dma_start3A_134 = tpu.memref_slice %dma_start3A_133[%mul3A_18] : memref<10240xf32, #tpu.memory_space<vmem_shared>> -> memref<640xf32, #tpu.memory_space<vmem_shared>>
      %dma_start3A_135 = arith.constant 0 : i32
      %dma_start3A_136 = tpu.memref_slice %arg5[%run_scoped3A_47, %dma_start3A_135] : memref<16x10240xf32, #tpu.memory_space<vmem_shared>> -> memref<1x10240xf32, #tpu.memory_space<vmem_shared>>
      %dma_start3A_137 = tpu.memref_squeeze %dma_start3A_136 : memref<1x10240xf32, #tpu.memory_space<vmem_shared>> -> memref<10240xf32, #tpu.memory_space<vmem_shared>>
      %dma_start3A_138 = tpu.memref_slice %dma_start3A_137[%mul3A_18] : memref<10240xf32, #tpu.memory_space<vmem_shared>> -> memref<640xf32, #tpu.memory_space<vmem_shared>>
      tpu.enqueue_dma source(%dma_start3A_138 : memref<640xf32, #tpu.memory_space<vmem_shared>>) target(%arg9 : memref<640xf32, #tpu.memory_space<vmem>>) target_semaphore(%run_scoped3A_131 : memref<!tpu.dma_semaphore, #tpu.memory_space<semaphore_mem>>)
      %dma_wait3A = arith.constant 0 : i32
      %dma_wait3A_139 = tpu.memref_slice %arg5[%run_scoped3A_47, %dma_wait3A] : memref<16x10240xf32, #tpu.memory_space<vmem_shared>> -> memref<1x10240xf32, #tpu.memory_space<vmem_shared>>
      %dma_wait3A_140 = tpu.memref_squeeze %dma_wait3A_139 : memref<1x10240xf32, #tpu.memory_space<vmem_shared>> -> memref<10240xf32, #tpu.memory_space<vmem_shared>>
      %dma_wait3A_141 = tpu.memref_slice %dma_wait3A_140[%mul3A_18] : memref<10240xf32, #tpu.memory_space<vmem_shared>> -> memref<640xf32, #tpu.memory_space<vmem_shared>>
      %dma_wait3A_142 = arith.constant 0 : i32
      %dma_wait3A_143 = tpu.memref_slice %arg5[%run_scoped3A_47, %dma_wait3A_142] : memref<16x10240xf32, #tpu.memory_space<vmem_shared>> -> memref<1x10240xf32, #tpu.memory_space<vmem_shared>>
      %dma_wait3A_144 = tpu.memref_squeeze %dma_wait3A_143 : memref<1x10240xf32, #tpu.memory_space<vmem_shared>> -> memref<10240xf32, #tpu.memory_space<vmem_shared>>
      %dma_wait3A_145 = tpu.memref_slice %dma_wait3A_144[%mul3A_18] : memref<10240xf32, #tpu.memory_space<vmem_shared>> -> memref<640xf32, #tpu.memory_space<vmem_shared>>
      tpu.wait_dma2 semaphore(%run_scoped3A_131 : memref<!tpu.dma_semaphore, #tpu.memory_space<semaphore_mem>>) src(%dma_wait3A_145 : memref<640xf32, #tpu.memory_space<vmem_shared>>) dst(%arg9 : memref<640xf32, #tpu.memory_space<vmem>>)
      tpu.yield
    }) : () -> ()
    %scan3A_48 = arith.constant 0 : i32
    %scan3A_49 = arith.constant 0 : i32
    %scan3A_50 = arith.constant 40 : i32
    %scan3A_51 = arith.addi %scan3A_49, %scan3A_50 : i32
    %scan3A_52 = arith.constant 1 : i32
    scf.for %scan3A_131 = %scan3A_49 to %scan3A_51 step %scan3A_52  : i32 {
      %mul3A_132 = arith.constant 16 : i32
      %mul3A_133 = arith.muli %scan3A_131, %mul3A_132 : i32
      %get3A = arith.index_cast %mul3A_133 : i32 to index
      %get3A_134 = tpu.vector_load %arg8[%get3A] {strides = array<i32>} : memref<640xf32, #tpu.memory_space<vmem>>, vector<16xf32>,
      %mul3A_135 = arith.constant 16 : i32
      %mul3A_136 = arith.muli %scan3A_131, %mul3A_135 : i32
      %get3A_137 = arith.index_cast %mul3A_136 : i32 to index
      %get3A_138 = tpu.vector_load %arg9[%get3A_137] {strides = array<i32>} : memref<640xf32, #tpu.memory_space<vmem>>, vector<16xf32>,
      %add3A_139 = arith.addf %get3A_134, %get3A_138 : vector<16xf32>
      %mul3A_140 = arith.constant 16 : i32
      %mul3A_141 = arith.muli %scan3A_131, %mul3A_140 : i32
      %swap3A = arith.index_cast %mul3A_141 : i32 to index
      %swap3A_142 = tpu.vector_load %arg8[%swap3A] {strides = array<i32>} : memref<640xf32, #tpu.memory_space<vmem>>, vector<16xf32>,
      tpu.vector_store %arg8[%swap3A], %add3A_139 {strides = array<i32>} : memref<640xf32, #tpu.memory_space<vmem>>, vector<16xf32>,
    }
    %scan3A_53 = arith.constant 40 : i32
    %run_scoped3A_54 = arith.constant 6 : i32
    "tpu.region"() ({
      %run_scoped3A_131 = tpu.sem_alloc : memref<!tpu.dma_semaphore, #tpu.memory_space<semaphore_mem>>
      %dma_start3A = arith.constant 0 : i32
      %dma_start3A_132 = tpu.memref_slice %arg5[%run_scoped3A_54, %dma_start3A] : memref<16x10240xf32, #tpu.memory_space<vmem_shared>> -> memref<1x10240xf32, #tpu.memory_space<vmem_shared>>
      %dma_start3A_133 = tpu.memref_squeeze %dma_start3A_132 : memref<1x10240xf32, #tpu.memory_space<vmem_shared>> -> memref<10240xf32, #tpu.memory_space<vmem_shared>>
      %dma_start3A_134 = tpu.memref_slice %dma_start3A_133[%mul3A_18] : memref<10240xf32, #tpu.memory_space<vmem_shared>> -> memref<640xf32, #tpu.memory_space<vmem_shared>>
      %dma_start3A_135 = arith.constant 0 : i32
      %dma_start3A_136 = tpu.memref_slice %arg5[%run_scoped3A_54, %dma_start3A_135] : memref<16x10240xf32, #tpu.memory_space<vmem_shared>> -> memref<1x10240xf32, #tpu.memory_space<vmem_shared>>
      %dma_start3A_137 = tpu.memref_squeeze %dma_start3A_136 : memref<1x10240xf32, #tpu.memory_space<vmem_shared>> -> memref<10240xf32, #tpu.memory_space<vmem_shared>>
      %dma_start3A_138 = tpu.memref_slice %dma_start3A_137[%mul3A_18] : memref<10240xf32, #tpu.memory_space<vmem_shared>> -> memref<640xf32, #tpu.memory_space<vmem_shared>>
      tpu.enqueue_dma source(%dma_start3A_138 : memref<640xf32, #tpu.memory_space<vmem_shared>>) target(%arg9 : memref<640xf32, #tpu.memory_space<vmem>>) target_semaphore(%run_scoped3A_131 : memref<!tpu.dma_semaphore, #tpu.memory_space<semaphore_mem>>)
      %dma_wait3A = arith.constant 0 : i32
      %dma_wait3A_139 = tpu.memref_slice %arg5[%run_scoped3A_54, %dma_wait3A] : memref<16x10240xf32, #tpu.memory_space<vmem_shared>> -> memref<1x10240xf32, #tpu.memory_space<vmem_shared>>
      %dma_wait3A_140 = tpu.memref_squeeze %dma_wait3A_139 : memref<1x10240xf32, #tpu.memory_space<vmem_shared>> -> memref<10240xf32, #tpu.memory_space<vmem_shared>>
      %dma_wait3A_141 = tpu.memref_slice %dma_wait3A_140[%mul3A_18] : memref<10240xf32, #tpu.memory_space<vmem_shared>> -> memref<640xf32, #tpu.memory_space<vmem_shared>>
      %dma_wait3A_142 = arith.constant 0 : i32
      %dma_wait3A_143 = tpu.memref_slice %arg5[%run_scoped3A_54, %dma_wait3A_142] : memref<16x10240xf32, #tpu.memory_space<vmem_shared>> -> memref<1x10240xf32, #tpu.memory_space<vmem_shared>>
      %dma_wait3A_144 = tpu.memref_squeeze %dma_wait3A_143 : memref<1x10240xf32, #tpu.memory_space<vmem_shared>> -> memref<10240xf32, #tpu.memory_space<vmem_shared>>
      %dma_wait3A_145 = tpu.memref_slice %dma_wait3A_144[%mul3A_18] : memref<10240xf32, #tpu.memory_space<vmem_shared>> -> memref<640xf32, #tpu.memory_space<vmem_shared>>
      tpu.wait_dma2 semaphore(%run_scoped3A_131 : memref<!tpu.dma_semaphore, #tpu.memory_space<semaphore_mem>>) src(%dma_wait3A_145 : memref<640xf32, #tpu.memory_space<vmem_shared>>) dst(%arg9 : memref<640xf32, #tpu.memory_space<vmem>>)
      tpu.yield
    }) : () -> ()
    %scan3A_55 = arith.constant 0 : i32
    %scan3A_56 = arith.constant 0 : i32
    %scan3A_57 = arith.constant 40 : i32
    %scan3A_58 = arith.addi %scan3A_56, %scan3A_57 : i32
    %scan3A_59 = arith.constant 1 : i32
    scf.for %scan3A_131 = %scan3A_56 to %scan3A_58 step %scan3A_59  : i32 {
      %mul3A_132 = arith.constant 16 : i32
      %mul3A_133 = arith.muli %scan3A_131, %mul3A_132 : i32
      %get3A = arith.index_cast %mul3A_133 : i32 to index
      %get3A_134 = tpu.vector_load %arg8[%get3A] {strides = array<i32>} : memref<640xf32, #tpu.memory_space<vmem>>, vector<16xf32>,
      %mul3A_135 = arith.constant 16 : i32
      %mul3A_136 = arith.muli %scan3A_131, %mul3A_135 : i32
      %get3A_137 = arith.index_cast %mul3A_136 : i32 to index
      %get3A_138 = tpu.vector_load %arg9[%get3A_137] {strides = array<i32>} : memref<640xf32, #tpu.memory_space<vmem>>, vector<16xf32>,
      %add3A_139 = arith.addf %get3A_134, %get3A_138 : vector<16xf32>
      %mul3A_140 = arith.constant 16 : i32
      %mul3A_141 = arith.muli %scan3A_131, %mul3A_140 : i32
      %swap3A = arith.index_cast %mul3A_141 : i32 to index
      %swap3A_142 = tpu.vector_load %arg8[%swap3A] {strides = array<i32>} : memref<640xf32, #tpu.memory_space<vmem>>, vector<16xf32>,
      tpu.vector_store %arg8[%swap3A], %add3A_139 {strides = array<i32>} : memref<640xf32, #tpu.memory_space<vmem>>, vector<16xf32>,
    }
    %scan3A_60 = arith.constant 40 : i32
    %run_scoped3A_61 = arith.constant 7 : i32
    "tpu.region"() ({
      %run_scoped3A_131 = tpu.sem_alloc : memref<!tpu.dma_semaphore, #tpu.memory_space<semaphore_mem>>
      %dma_start3A = arith.constant 0 : i32
      %dma_start3A_132 = tpu.memref_slice %arg5[%run_scoped3A_61, %dma_start3A] : memref<16x10240xf32, #tpu.memory_space<vmem_shared>> -> memref<1x10240xf32, #tpu.memory_space<vmem_shared>>
      %dma_start3A_133 = tpu.memref_squeeze %dma_start3A_132 : memref<1x10240xf32, #tpu.memory_space<vmem_shared>> -> memref<10240xf32, #tpu.memory_space<vmem_shared>>
      %dma_start3A_134 = tpu.memref_slice %dma_start3A_133[%mul3A_18] : memref<10240xf32, #tpu.memory_space<vmem_shared>> -> memref<640xf32, #tpu.memory_space<vmem_shared>>
      %dma_start3A_135 = arith.constant 0 : i32
      %dma_start3A_136 = tpu.memref_slice %arg5[%run_scoped3A_61, %dma_start3A_135] : memref<16x10240xf32, #tpu.memory_space<vmem_shared>> -> memref<1x10240xf32, #tpu.memory_space<vmem_shared>>
      %dma_start3A_137 = tpu.memref_squeeze %dma_start3A_136 : memref<1x10240xf32, #tpu.memory_space<vmem_shared>> -> memref<10240xf32, #tpu.memory_space<vmem_shared>>
      %dma_start3A_138 = tpu.memref_slice %dma_start3A_137[%mul3A_18] : memref<10240xf32, #tpu.memory_space<vmem_shared>> -> memref<640xf32, #tpu.memory_space<vmem_shared>>
      tpu.enqueue_dma source(%dma_start3A_138 : memref<640xf32, #tpu.memory_space<vmem_shared>>) target(%arg9 : memref<640xf32, #tpu.memory_space<vmem>>) target_semaphore(%run_scoped3A_131 : memref<!tpu.dma_semaphore, #tpu.memory_space<semaphore_mem>>)
      %dma_wait3A = arith.constant 0 : i32
      %dma_wait3A_139 = tpu.memref_slice %arg5[%run_scoped3A_61, %dma_wait3A] : memref<16x10240xf32, #tpu.memory_space<vmem_shared>> -> memref<1x10240xf32, #tpu.memory_space<vmem_shared>>
      %dma_wait3A_140 = tpu.memref_squeeze %dma_wait3A_139 : memref<1x10240xf32, #tpu.memory_space<vmem_shared>> -> memref<10240xf32, #tpu.memory_space<vmem_shared>>
      %dma_wait3A_141 = tpu.memref_slice %dma_wait3A_140[%mul3A_18] : memref<10240xf32, #tpu.memory_space<vmem_shared>> -> memref<640xf32, #tpu.memory_space<vmem_shared>>
      %dma_wait3A_142 = arith.constant 0 : i32
      %dma_wait3A_143 = tpu.memref_slice %arg5[%run_scoped3A_61, %dma_wait3A_142] : memref<16x10240xf32, #tpu.memory_space<vmem_shared>> -> memref<1x10240xf32, #tpu.memory_space<vmem_shared>>
      %dma_wait3A_144 = tpu.memref_squeeze %dma_wait3A_143 : memref<1x10240xf32, #tpu.memory_space<vmem_shared>> -> memref<10240xf32, #tpu.memory_space<vmem_shared>>
      %dma_wait3A_145 = tpu.memref_slice %dma_wait3A_144[%mul3A_18] : memref<10240xf32, #tpu.memory_space<vmem_shared>> -> memref<640xf32, #tpu.memory_space<vmem_shared>>
      tpu.wait_dma2 semaphore(%run_scoped3A_131 : memref<!tpu.dma_semaphore, #tpu.memory_space<semaphore_mem>>) src(%dma_wait3A_145 : memref<640xf32, #tpu.memory_space<vmem_shared>>) dst(%arg9 : memref<640xf32, #tpu.memory_space<vmem>>)
      tpu.yield
    }) : () -> ()
    %scan3A_62 = arith.constant 0 : i32
    %scan3A_63 = arith.constant 0 : i32
    %scan3A_64 = arith.constant 40 : i32
    %scan3A_65 = arith.addi %scan3A_63, %scan3A_64 : i32
    %scan3A_66 = arith.constant 1 : i32
    scf.for %scan3A_131 = %scan3A_63 to %scan3A_65 step %scan3A_66  : i32 {
      %mul3A_132 = arith.constant 16 : i32
      %mul3A_133 = arith.muli %scan3A_131, %mul3A_132 : i32
      %get3A = arith.index_cast %mul3A_133 : i32 to index
      %get3A_134 = tpu.vector_load %arg8[%get3A] {strides = array<i32>} : memref<640xf32, #tpu.memory_space<vmem>>, vector<16xf32>,
      %mul3A_135 = arith.constant 16 : i32
      %mul3A_136 = arith.muli %scan3A_131, %mul3A_135 : i32
      %get3A_137 = arith.index_cast %mul3A_136 : i32 to index
      %get3A_138 = tpu.vector_load %arg9[%get3A_137] {strides = array<i32>} : memref<640xf32, #tpu.memory_space<vmem>>, vector<16xf32>,
      %add3A_139 = arith.addf %get3A_134, %get3A_138 : vector<16xf32>
      %mul3A_140 = arith.constant 16 : i32
      %mul3A_141 = arith.muli %scan3A_131, %mul3A_140 : i32
      %swap3A = arith.index_cast %mul3A_141 : i32 to index
      %swap3A_142 = tpu.vector_load %arg8[%swap3A] {strides = array<i32>} : memref<640xf32, #tpu.memory_space<vmem>>, vector<16xf32>,
      tpu.vector_store %arg8[%swap3A], %add3A_139 {strides = array<i32>} : memref<640xf32, #tpu.memory_space<vmem>>, vector<16xf32>,
    }
    %scan3A_67 = arith.constant 40 : i32
    %run_scoped3A_68 = arith.constant 8 : i32
    "tpu.region"() ({
      %run_scoped3A_131 = tpu.sem_alloc : memref<!tpu.dma_semaphore, #tpu.memory_space<semaphore_mem>>
      %dma_start3A = arith.constant 0 : i32
      %dma_start3A_132 = tpu.memref_slice %arg5[%run_scoped3A_68, %dma_start3A] : memref<16x10240xf32, #tpu.memory_space<vmem_shared>> -> memref<1x10240xf32, #tpu.memory_space<vmem_shared>>
      %dma_start3A_133 = tpu.memref_squeeze %dma_start3A_132 : memref<1x10240xf32, #tpu.memory_space<vmem_shared>> -> memref<10240xf32, #tpu.memory_space<vmem_shared>>
      %dma_start3A_134 = tpu.memref_slice %dma_start3A_133[%mul3A_18] : memref<10240xf32, #tpu.memory_space<vmem_shared>> -> memref<640xf32, #tpu.memory_space<vmem_shared>>
      %dma_start3A_135 = arith.constant 0 : i32
      %dma_start3A_136 = tpu.memref_slice %arg5[%run_scoped3A_68, %dma_start3A_135] : memref<16x10240xf32, #tpu.memory_space<vmem_shared>> -> memref<1x10240xf32, #tpu.memory_space<vmem_shared>>
      %dma_start3A_137 = tpu.memref_squeeze %dma_start3A_136 : memref<1x10240xf32, #tpu.memory_space<vmem_shared>> -> memref<10240xf32, #tpu.memory_space<vmem_shared>>
      %dma_start3A_138 = tpu.memref_slice %dma_start3A_137[%mul3A_18] : memref<10240xf32, #tpu.memory_space<vmem_shared>> -> memref<640xf32, #tpu.memory_space<vmem_shared>>
      tpu.enqueue_dma source(%dma_start3A_138 : memref<640xf32, #tpu.memory_space<vmem_shared>>) target(%arg9 : memref<640xf32, #tpu.memory_space<vmem>>) target_semaphore(%run_scoped3A_131 : memref<!tpu.dma_semaphore, #tpu.memory_space<semaphore_mem>>)
      %dma_wait3A = arith.constant 0 : i32
      %dma_wait3A_139 = tpu.memref_slice %arg5[%run_scoped3A_68, %dma_wait3A] : memref<16x10240xf32, #tpu.memory_space<vmem_shared>> -> memref<1x10240xf32, #tpu.memory_space<vmem_shared>>
      %dma_wait3A_140 = tpu.memref_squeeze %dma_wait3A_139 : memref<1x10240xf32, #tpu.memory_space<vmem_shared>> -> memref<10240xf32, #tpu.memory_space<vmem_shared>>
      %dma_wait3A_141 = tpu.memref_slice %dma_wait3A_140[%mul3A_18] : memref<10240xf32, #tpu.memory_space<vmem_shared>> -> memref<640xf32, #tpu.memory_space<vmem_shared>>
      %dma_wait3A_142 = arith.constant 0 : i32
      %dma_wait3A_143 = tpu.memref_slice %arg5[%run_scoped3A_68, %dma_wait3A_142] : memref<16x10240xf32, #tpu.memory_space<vmem_shared>> -> memref<1x10240xf32, #tpu.memory_space<vmem_shared>>
      %dma_wait3A_144 = tpu.memref_squeeze %dma_wait3A_143 : memref<1x10240xf32, #tpu.memory_space<vmem_shared>> -> memref<10240xf32, #tpu.memory_space<vmem_shared>>
      %dma_wait3A_145 = tpu.memref_slice %dma_wait3A_144[%mul3A_18] : memref<10240xf32, #tpu.memory_space<vmem_shared>> -> memref<640xf32, #tpu.memory_space<vmem_shared>>
      tpu.wait_dma2 semaphore(%run_scoped3A_131 : memref<!tpu.dma_semaphore, #tpu.memory_space<semaphore_mem>>) src(%dma_wait3A_145 : memref<640xf32, #tpu.memory_space<vmem_shared>>) dst(%arg9 : memref<640xf32, #tpu.memory_space<vmem>>)
      tpu.yield
    }) : () -> ()
    %scan3A_69 = arith.constant 0 : i32
    %scan3A_70 = arith.constant 0 : i32
    %scan3A_71 = arith.constant 40 : i32
    %scan3A_72 = arith.addi %scan3A_70, %scan3A_71 : i32
    %scan3A_73 = arith.constant 1 : i32
    scf.for %scan3A_131 = %scan3A_70 to %scan3A_72 step %scan3A_73  : i32 {
      %mul3A_132 = arith.constant 16 : i32
      %mul3A_133 = arith.muli %scan3A_131, %mul3A_132 : i32
      %get3A = arith.index_cast %mul3A_133 : i32 to index
      %get3A_134 = tpu.vector_load %arg8[%get3A] {strides = array<i32>} : memref<640xf32, #tpu.memory_space<vmem>>, vector<16xf32>,
      %mul3A_135 = arith.constant 16 : i32
      %mul3A_136 = arith.muli %scan3A_131, %mul3A_135 : i32
      %get3A_137 = arith.index_cast %mul3A_136 : i32 to index
      %get3A_138 = tpu.vector_load %arg9[%get3A_137] {strides = array<i32>} : memref<640xf32, #tpu.memory_space<vmem>>, vector<16xf32>,
      %add3A_139 = arith.addf %get3A_134, %get3A_138 : vector<16xf32>
      %mul3A_140 = arith.constant 16 : i32
      %mul3A_141 = arith.muli %scan3A_131, %mul3A_140 : i32
      %swap3A = arith.index_cast %mul3A_141 : i32 to index
      %swap3A_142 = tpu.vector_load %arg8[%swap3A] {strides = array<i32>} : memref<640xf32, #tpu.memory_space<vmem>>, vector<16xf32>,
      tpu.vector_store %arg8[%swap3A], %add3A_139 {strides = array<i32>} : memref<640xf32, #tpu.memory_space<vmem>>, vector<16xf32>,
    }
    %scan3A_74 = arith.constant 40 : i32
    %run_scoped3A_75 = arith.constant 9 : i32
    "tpu.region"() ({
      %run_scoped3A_131 = tpu.sem_alloc : memref<!tpu.dma_semaphore, #tpu.memory_space<semaphore_mem>>
      %dma_start3A = arith.constant 0 : i32
      %dma_start3A_132 = tpu.memref_slice %arg5[%run_scoped3A_75, %dma_start3A] : memref<16x10240xf32, #tpu.memory_space<vmem_shared>> -> memref<1x10240xf32, #tpu.memory_space<vmem_shared>>
      %dma_start3A_133 = tpu.memref_squeeze %dma_start3A_132 : memref<1x10240xf32, #tpu.memory_space<vmem_shared>> -> memref<10240xf32, #tpu.memory_space<vmem_shared>>
      %dma_start3A_134 = tpu.memref_slice %dma_start3A_133[%mul3A_18] : memref<10240xf32, #tpu.memory_space<vmem_shared>> -> memref<640xf32, #tpu.memory_space<vmem_shared>>
      %dma_start3A_135 = arith.constant 0 : i32
      %dma_start3A_136 = tpu.memref_slice %arg5[%run_scoped3A_75, %dma_start3A_135] : memref<16x10240xf32, #tpu.memory_space<vmem_shared>> -> memref<1x10240xf32, #tpu.memory_space<vmem_shared>>
      %dma_start3A_137 = tpu.memref_squeeze %dma_start3A_136 : memref<1x10240xf32, #tpu.memory_space<vmem_shared>> -> memref<10240xf32, #tpu.memory_space<vmem_shared>>
      %dma_start3A_138 = tpu.memref_slice %dma_start3A_137[%mul3A_18] : memref<10240xf32, #tpu.memory_space<vmem_shared>> -> memref<640xf32, #tpu.memory_space<vmem_shared>>
      tpu.enqueue_dma source(%dma_start3A_138 : memref<640xf32, #tpu.memory_space<vmem_shared>>) target(%arg9 : memref<640xf32, #tpu.memory_space<vmem>>) target_semaphore(%run_scoped3A_131 : memref<!tpu.dma_semaphore, #tpu.memory_space<semaphore_mem>>)
      %dma_wait3A = arith.constant 0 : i32
      %dma_wait3A_139 = tpu.memref_slice %arg5[%run_scoped3A_75, %dma_wait3A] : memref<16x10240xf32, #tpu.memory_space<vmem_shared>> -> memref<1x10240xf32, #tpu.memory_space<vmem_shared>>
      %dma_wait3A_140 = tpu.memref_squeeze %dma_wait3A_139 : memref<1x10240xf32, #tpu.memory_space<vmem_shared>> -> memref<10240xf32, #tpu.memory_space<vmem_shared>>
      %dma_wait3A_141 = tpu.memref_slice %dma_wait3A_140[%mul3A_18] : memref<10240xf32, #tpu.memory_space<vmem_shared>> -> memref<640xf32, #tpu.memory_space<vmem_shared>>
      %dma_wait3A_142 = arith.constant 0 : i32
      %dma_wait3A_143 = tpu.memref_slice %arg5[%run_scoped3A_75, %dma_wait3A_142] : memref<16x10240xf32, #tpu.memory_space<vmem_shared>> -> memref<1x10240xf32, #tpu.memory_space<vmem_shared>>
      %dma_wait3A_144 = tpu.memref_squeeze %dma_wait3A_143 : memref<1x10240xf32, #tpu.memory_space<vmem_shared>> -> memref<10240xf32, #tpu.memory_space<vmem_shared>>
      %dma_wait3A_145 = tpu.memref_slice %dma_wait3A_144[%mul3A_18] : memref<10240xf32, #tpu.memory_space<vmem_shared>> -> memref<640xf32, #tpu.memory_space<vmem_shared>>
      tpu.wait_dma2 semaphore(%run_scoped3A_131 : memref<!tpu.dma_semaphore, #tpu.memory_space<semaphore_mem>>) src(%dma_wait3A_145 : memref<640xf32, #tpu.memory_space<vmem_shared>>) dst(%arg9 : memref<640xf32, #tpu.memory_space<vmem>>)
      tpu.yield
    }) : () -> ()
    %scan3A_76 = arith.constant 0 : i32
    %scan3A_77 = arith.constant 0 : i32
    %scan3A_78 = arith.constant 40 : i32
    %scan3A_79 = arith.addi %scan3A_77, %scan3A_78 : i32
    %scan3A_80 = arith.constant 1 : i32
    scf.for %scan3A_131 = %scan3A_77 to %scan3A_79 step %scan3A_80  : i32 {
      %mul3A_132 = arith.constant 16 : i32
      %mul3A_133 = arith.muli %scan3A_131, %mul3A_132 : i32
      %get3A = arith.index_cast %mul3A_133 : i32 to index
      %get3A_134 = tpu.vector_load %arg8[%get3A] {strides = array<i32>} : memref<640xf32, #tpu.memory_space<vmem>>, vector<16xf32>,
      %mul3A_135 = arith.constant 16 : i32
      %mul3A_136 = arith.muli %scan3A_131, %mul3A_135 : i32
      %get3A_137 = arith.index_cast %mul3A_136 : i32 to index
      %get3A_138 = tpu.vector_load %arg9[%get3A_137] {strides = array<i32>} : memref<640xf32, #tpu.memory_space<vmem>>, vector<16xf32>,
      %add3A_139 = arith.addf %get3A_134, %get3A_138 : vector<16xf32>
      %mul3A_140 = arith.constant 16 : i32
      %mul3A_141 = arith.muli %scan3A_131, %mul3A_140 : i32
      %swap3A = arith.index_cast %mul3A_141 : i32 to index
      %swap3A_142 = tpu.vector_load %arg8[%swap3A] {strides = array<i32>} : memref<640xf32, #tpu.memory_space<vmem>>, vector<16xf32>,
      tpu.vector_store %arg8[%swap3A], %add3A_139 {strides = array<i32>} : memref<640xf32, #tpu.memory_space<vmem>>, vector<16xf32>,
    }
    %scan3A_81 = arith.constant 40 : i32
    %run_scoped3A_82 = arith.constant 10 : i32
    "tpu.region"() ({
      %run_scoped3A_131 = tpu.sem_alloc : memref<!tpu.dma_semaphore, #tpu.memory_space<semaphore_mem>>
      %dma_start3A = arith.constant 0 : i32
      %dma_start3A_132 = tpu.memref_slice %arg5[%run_scoped3A_82, %dma_start3A] : memref<16x10240xf32, #tpu.memory_space<vmem_shared>> -> memref<1x10240xf32, #tpu.memory_space<vmem_shared>>
      %dma_start3A_133 = tpu.memref_squeeze %dma_start3A_132 : memref<1x10240xf32, #tpu.memory_space<vmem_shared>> -> memref<10240xf32, #tpu.memory_space<vmem_shared>>
      %dma_start3A_134 = tpu.memref_slice %dma_start3A_133[%mul3A_18] : memref<10240xf32, #tpu.memory_space<vmem_shared>> -> memref<640xf32, #tpu.memory_space<vmem_shared>>
      %dma_start3A_135 = arith.constant 0 : i32
      %dma_start3A_136 = tpu.memref_slice %arg5[%run_scoped3A_82, %dma_start3A_135] : memref<16x10240xf32, #tpu.memory_space<vmem_shared>> -> memref<1x10240xf32, #tpu.memory_space<vmem_shared>>
      %dma_start3A_137 = tpu.memref_squeeze %dma_start3A_136 : memref<1x10240xf32, #tpu.memory_space<vmem_shared>> -> memref<10240xf32, #tpu.memory_space<vmem_shared>>
      %dma_start3A_138 = tpu.memref_slice %dma_start3A_137[%mul3A_18] : memref<10240xf32, #tpu.memory_space<vmem_shared>> -> memref<640xf32, #tpu.memory_space<vmem_shared>>
      tpu.enqueue_dma source(%dma_start3A_138 : memref<640xf32, #tpu.memory_space<vmem_shared>>) target(%arg9 : memref<640xf32, #tpu.memory_space<vmem>>) target_semaphore(%run_scoped3A_131 : memref<!tpu.dma_semaphore, #tpu.memory_space<semaphore_mem>>)
      %dma_wait3A = arith.constant 0 : i32
      %dma_wait3A_139 = tpu.memref_slice %arg5[%run_scoped3A_82, %dma_wait3A] : memref<16x10240xf32, #tpu.memory_space<vmem_shared>> -> memref<1x10240xf32, #tpu.memory_space<vmem_shared>>
      %dma_wait3A_140 = tpu.memref_squeeze %dma_wait3A_139 : memref<1x10240xf32, #tpu.memory_space<vmem_shared>> -> memref<10240xf32, #tpu.memory_space<vmem_shared>>
      %dma_wait3A_141 = tpu.memref_slice %dma_wait3A_140[%mul3A_18] : memref<10240xf32, #tpu.memory_space<vmem_shared>> -> memref<640xf32, #tpu.memory_space<vmem_shared>>
      %dma_wait3A_142 = arith.constant 0 : i32
      %dma_wait3A_143 = tpu.memref_slice %arg5[%run_scoped3A_82, %dma_wait3A_142] : memref<16x10240xf32, #tpu.memory_space<vmem_shared>> -> memref<1x10240xf32, #tpu.memory_space<vmem_shared>>
      %dma_wait3A_144 = tpu.memref_squeeze %dma_wait3A_143 : memref<1x10240xf32, #tpu.memory_space<vmem_shared>> -> memref<10240xf32, #tpu.memory_space<vmem_shared>>
      %dma_wait3A_145 = tpu.memref_slice %dma_wait3A_144[%mul3A_18] : memref<10240xf32, #tpu.memory_space<vmem_shared>> -> memref<640xf32, #tpu.memory_space<vmem_shared>>
      tpu.wait_dma2 semaphore(%run_scoped3A_131 : memref<!tpu.dma_semaphore, #tpu.memory_space<semaphore_mem>>) src(%dma_wait3A_145 : memref<640xf32, #tpu.memory_space<vmem_shared>>) dst(%arg9 : memref<640xf32, #tpu.memory_space<vmem>>)
      tpu.yield
    }) : () -> ()
    %scan3A_83 = arith.constant 0 : i32
    %scan3A_84 = arith.constant 0 : i32
    %scan3A_85 = arith.constant 40 : i32
    %scan3A_86 = arith.addi %scan3A_84, %scan3A_85 : i32
    %scan3A_87 = arith.constant 1 : i32
    scf.for %scan3A_131 = %scan3A_84 to %scan3A_86 step %scan3A_87  : i32 {
      %mul3A_132 = arith.constant 16 : i32
      %mul3A_133 = arith.muli %scan3A_131, %mul3A_132 : i32
      %get3A = arith.index_cast %mul3A_133 : i32 to index
      %get3A_134 = tpu.vector_load %arg8[%get3A] {strides = array<i32>} : memref<640xf32, #tpu.memory_space<vmem>>, vector<16xf32>,
      %mul3A_135 = arith.constant 16 : i32
      %mul3A_136 = arith.muli %scan3A_131, %mul3A_135 : i32
      %get3A_137 = arith.index_cast %mul3A_136 : i32 to index
      %get3A_138 = tpu.vector_load %arg9[%get3A_137] {strides = array<i32>} : memref<640xf32, #tpu.memory_space<vmem>>, vector<16xf32>,
      %add3A_139 = arith.addf %get3A_134, %get3A_138 : vector<16xf32>
      %mul3A_140 = arith.constant 16 : i32
      %mul3A_141 = arith.muli %scan3A_131, %mul3A_140 : i32
      %swap3A = arith.index_cast %mul3A_141 : i32 to index
      %swap3A_142 = tpu.vector_load %arg8[%swap3A] {strides = array<i32>} : memref<640xf32, #tpu.memory_space<vmem>>, vector<16xf32>,
      tpu.vector_store %arg8[%swap3A], %add3A_139 {strides = array<i32>} : memref<640xf32, #tpu.memory_space<vmem>>, vector<16xf32>,
    }
    %scan3A_88 = arith.constant 40 : i32
    %run_scoped3A_89 = arith.constant 11 : i32
    "tpu.region"() ({
      %run_scoped3A_131 = tpu.sem_alloc : memref<!tpu.dma_semaphore, #tpu.memory_space<semaphore_mem>>
      %dma_start3A = arith.constant 0 : i32
      %dma_start3A_132 = tpu.memref_slice %arg5[%run_scoped3A_89, %dma_start3A] : memref<16x10240xf32, #tpu.memory_space<vmem_shared>> -> memref<1x10240xf32, #tpu.memory_space<vmem_shared>>
      %dma_start3A_133 = tpu.memref_squeeze %dma_start3A_132 : memref<1x10240xf32, #tpu.memory_space<vmem_shared>> -> memref<10240xf32, #tpu.memory_space<vmem_shared>>
      %dma_start3A_134 = tpu.memref_slice %dma_start3A_133[%mul3A_18] : memref<10240xf32, #tpu.memory_space<vmem_shared>> -> memref<640xf32, #tpu.memory_space<vmem_shared>>
      %dma_start3A_135 = arith.constant 0 : i32
      %dma_start3A_136 = tpu.memref_slice %arg5[%run_scoped3A_89, %dma_start3A_135] : memref<16x10240xf32, #tpu.memory_space<vmem_shared>> -> memref<1x10240xf32, #tpu.memory_space<vmem_shared>>
      %dma_start3A_137 = tpu.memref_squeeze %dma_start3A_136 : memref<1x10240xf32, #tpu.memory_space<vmem_shared>> -> memref<10240xf32, #tpu.memory_space<vmem_shared>>
      %dma_start3A_138 = tpu.memref_slice %dma_start3A_137[%mul3A_18] : memref<10240xf32, #tpu.memory_space<vmem_shared>> -> memref<640xf32, #tpu.memory_space<vmem_shared>>
      tpu.enqueue_dma source(%dma_start3A_138 : memref<640xf32, #tpu.memory_space<vmem_shared>>) target(%arg9 : memref<640xf32, #tpu.memory_space<vmem>>) target_semaphore(%run_scoped3A_131 : memref<!tpu.dma_semaphore, #tpu.memory_space<semaphore_mem>>)
      %dma_wait3A = arith.constant 0 : i32
      %dma_wait3A_139 = tpu.memref_slice %arg5[%run_scoped3A_89, %dma_wait3A] : memref<16x10240xf32, #tpu.memory_space<vmem_shared>> -> memref<1x10240xf32, #tpu.memory_space<vmem_shared>>
      %dma_wait3A_140 = tpu.memref_squeeze %dma_wait3A_139 : memref<1x10240xf32, #tpu.memory_space<vmem_shared>> -> memref<10240xf32, #tpu.memory_space<vmem_shared>>
      %dma_wait3A_141 = tpu.memref_slice %dma_wait3A_140[%mul3A_18] : memref<10240xf32, #tpu.memory_space<vmem_shared>> -> memref<640xf32, #tpu.memory_space<vmem_shared>>
      %dma_wait3A_142 = arith.constant 0 : i32
      %dma_wait3A_143 = tpu.memref_slice %arg5[%run_scoped3A_89, %dma_wait3A_142] : memref<16x10240xf32, #tpu.memory_space<vmem_shared>> -> memref<1x10240xf32, #tpu.memory_space<vmem_shared>>
      %dma_wait3A_144 = tpu.memref_squeeze %dma_wait3A_143 : memref<1x10240xf32, #tpu.memory_space<vmem_shared>> -> memref<10240xf32, #tpu.memory_space<vmem_shared>>
      %dma_wait3A_145 = tpu.memref_slice %dma_wait3A_144[%mul3A_18] : memref<10240xf32, #tpu.memory_space<vmem_shared>> -> memref<640xf32, #tpu.memory_space<vmem_shared>>
      tpu.wait_dma2 semaphore(%run_scoped3A_131 : memref<!tpu.dma_semaphore, #tpu.memory_space<semaphore_mem>>) src(%dma_wait3A_145 : memref<640xf32, #tpu.memory_space<vmem_shared>>) dst(%arg9 : memref<640xf32, #tpu.memory_space<vmem>>)
      tpu.yield
    }) : () -> ()
    %scan3A_90 = arith.constant 0 : i32
    %scan3A_91 = arith.constant 0 : i32
    %scan3A_92 = arith.constant 40 : i32
    %scan3A_93 = arith.addi %scan3A_91, %scan3A_92 : i32
    %scan3A_94 = arith.constant 1 : i32
    scf.for %scan3A_131 = %scan3A_91 to %scan3A_93 step %scan3A_94  : i32 {
      %mul3A_132 = arith.constant 16 : i32
      %mul3A_133 = arith.muli %scan3A_131, %mul3A_132 : i32
      %get3A = arith.index_cast %mul3A_133 : i32 to index
      %get3A_134 = tpu.vector_load %arg8[%get3A] {strides = array<i32>} : memref<640xf32, #tpu.memory_space<vmem>>, vector<16xf32>,
      %mul3A_135 = arith.constant 16 : i32
      %mul3A_136 = arith.muli %scan3A_131, %mul3A_135 : i32
      %get3A_137 = arith.index_cast %mul3A_136 : i32 to index
      %get3A_138 = tpu.vector_load %arg9[%get3A_137] {strides = array<i32>} : memref<640xf32, #tpu.memory_space<vmem>>, vector<16xf32>,
      %add3A_139 = arith.addf %get3A_134, %get3A_138 : vector<16xf32>
      %mul3A_140 = arith.constant 16 : i32
      %mul3A_141 = arith.muli %scan3A_131, %mul3A_140 : i32
      %swap3A = arith.index_cast %mul3A_141 : i32 to index
      %swap3A_142 = tpu.vector_load %arg8[%swap3A] {strides = array<i32>} : memref<640xf32, #tpu.memory_space<vmem>>, vector<16xf32>,
      tpu.vector_store %arg8[%swap3A], %add3A_139 {strides = array<i32>} : memref<640xf32, #tpu.memory_space<vmem>>, vector<16xf32>,
    }
    %scan3A_95 = arith.constant 40 : i32
    %run_scoped3A_96 = arith.constant 12 : i32
    "tpu.region"() ({
      %run_scoped3A_131 = tpu.sem_alloc : memref<!tpu.dma_semaphore, #tpu.memory_space<semaphore_mem>>
      %dma_start3A = arith.constant 0 : i32
      %dma_start3A_132 = tpu.memref_slice %arg5[%run_scoped3A_96, %dma_start3A] : memref<16x10240xf32, #tpu.memory_space<vmem_shared>> -> memref<1x10240xf32, #tpu.memory_space<vmem_shared>>
      %dma_start3A_133 = tpu.memref_squeeze %dma_start3A_132 : memref<1x10240xf32, #tpu.memory_space<vmem_shared>> -> memref<10240xf32, #tpu.memory_space<vmem_shared>>
      %dma_start3A_134 = tpu.memref_slice %dma_start3A_133[%mul3A_18] : memref<10240xf32, #tpu.memory_space<vmem_shared>> -> memref<640xf32, #tpu.memory_space<vmem_shared>>
      %dma_start3A_135 = arith.constant 0 : i32
      %dma_start3A_136 = tpu.memref_slice %arg5[%run_scoped3A_96, %dma_start3A_135] : memref<16x10240xf32, #tpu.memory_space<vmem_shared>> -> memref<1x10240xf32, #tpu.memory_space<vmem_shared>>
      %dma_start3A_137 = tpu.memref_squeeze %dma_start3A_136 : memref<1x10240xf32, #tpu.memory_space<vmem_shared>> -> memref<10240xf32, #tpu.memory_space<vmem_shared>>
      %dma_start3A_138 = tpu.memref_slice %dma_start3A_137[%mul3A_18] : memref<10240xf32, #tpu.memory_space<vmem_shared>> -> memref<640xf32, #tpu.memory_space<vmem_shared>>
      tpu.enqueue_dma source(%dma_start3A_138 : memref<640xf32, #tpu.memory_space<vmem_shared>>) target(%arg9 : memref<640xf32, #tpu.memory_space<vmem>>) target_semaphore(%run_scoped3A_131 : memref<!tpu.dma_semaphore, #tpu.memory_space<semaphore_mem>>)
      %dma_wait3A = arith.constant 0 : i32
      %dma_wait3A_139 = tpu.memref_slice %arg5[%run_scoped3A_96, %dma_wait3A] : memref<16x10240xf32, #tpu.memory_space<vmem_shared>> -> memref<1x10240xf32, #tpu.memory_space<vmem_shared>>
      %dma_wait3A_140 = tpu.memref_squeeze %dma_wait3A_139 : memref<1x10240xf32, #tpu.memory_space<vmem_shared>> -> memref<10240xf32, #tpu.memory_space<vmem_shared>>
      %dma_wait3A_141 = tpu.memref_slice %dma_wait3A_140[%mul3A_18] : memref<10240xf32, #tpu.memory_space<vmem_shared>> -> memref<640xf32, #tpu.memory_space<vmem_shared>>
      %dma_wait3A_142 = arith.constant 0 : i32
      %dma_wait3A_143 = tpu.memref_slice %arg5[%run_scoped3A_96, %dma_wait3A_142] : memref<16x10240xf32, #tpu.memory_space<vmem_shared>> -> memref<1x10240xf32, #tpu.memory_space<vmem_shared>>
      %dma_wait3A_144 = tpu.memref_squeeze %dma_wait3A_143 : memref<1x10240xf32, #tpu.memory_space<vmem_shared>> -> memref<10240xf32, #tpu.memory_space<vmem_shared>>
      %dma_wait3A_145 = tpu.memref_slice %dma_wait3A_144[%mul3A_18] : memref<10240xf32, #tpu.memory_space<vmem_shared>> -> memref<640xf32, #tpu.memory_space<vmem_shared>>
      tpu.wait_dma2 semaphore(%run_scoped3A_131 : memref<!tpu.dma_semaphore, #tpu.memory_space<semaphore_mem>>) src(%dma_wait3A_145 : memref<640xf32, #tpu.memory_space<vmem_shared>>) dst(%arg9 : memref<640xf32, #tpu.memory_space<vmem>>)
      tpu.yield
    }) : () -> ()
    %scan3A_97 = arith.constant 0 : i32
    %scan3A_98 = arith.constant 0 : i32
    %scan3A_99 = arith.constant 40 : i32
    %scan3A_100 = arith.addi %scan3A_98, %scan3A_99 : i32
    %scan3A_101 = arith.constant 1 : i32
    scf.for %scan3A_131 = %scan3A_98 to %scan3A_100 step %scan3A_101  : i32 {
      %mul3A_132 = arith.constant 16 : i32
      %mul3A_133 = arith.muli %scan3A_131, %mul3A_132 : i32
      %get3A = arith.index_cast %mul3A_133 : i32 to index
      %get3A_134 = tpu.vector_load %arg8[%get3A] {strides = array<i32>} : memref<640xf32, #tpu.memory_space<vmem>>, vector<16xf32>,
      %mul3A_135 = arith.constant 16 : i32
      %mul3A_136 = arith.muli %scan3A_131, %mul3A_135 : i32
      %get3A_137 = arith.index_cast %mul3A_136 : i32 to index
      %get3A_138 = tpu.vector_load %arg9[%get3A_137] {strides = array<i32>} : memref<640xf32, #tpu.memory_space<vmem>>, vector<16xf32>,
      %add3A_139 = arith.addf %get3A_134, %get3A_138 : vector<16xf32>
      %mul3A_140 = arith.constant 16 : i32
      %mul3A_141 = arith.muli %scan3A_131, %mul3A_140 : i32
      %swap3A = arith.index_cast %mul3A_141 : i32 to index
      %swap3A_142 = tpu.vector_load %arg8[%swap3A] {strides = array<i32>} : memref<640xf32, #tpu.memory_space<vmem>>, vector<16xf32>,
      tpu.vector_store %arg8[%swap3A], %add3A_139 {strides = array<i32>} : memref<640xf32, #tpu.memory_space<vmem>>, vector<16xf32>,
    }
    %scan3A_102 = arith.constant 40 : i32
    %run_scoped3A_103 = arith.constant 13 : i32
    "tpu.region"() ({
      %run_scoped3A_131 = tpu.sem_alloc : memref<!tpu.dma_semaphore, #tpu.memory_space<semaphore_mem>>
      %dma_start3A = arith.constant 0 : i32
      %dma_start3A_132 = tpu.memref_slice %arg5[%run_scoped3A_103, %dma_start3A] : memref<16x10240xf32, #tpu.memory_space<vmem_shared>> -> memref<1x10240xf32, #tpu.memory_space<vmem_shared>>
      %dma_start3A_133 = tpu.memref_squeeze %dma_start3A_132 : memref<1x10240xf32, #tpu.memory_space<vmem_shared>> -> memref<10240xf32, #tpu.memory_space<vmem_shared>>
      %dma_start3A_134 = tpu.memref_slice %dma_start3A_133[%mul3A_18] : memref<10240xf32, #tpu.memory_space<vmem_shared>> -> memref<640xf32, #tpu.memory_space<vmem_shared>>
      %dma_start3A_135 = arith.constant 0 : i32
      %dma_start3A_136 = tpu.memref_slice %arg5[%run_scoped3A_103, %dma_start3A_135] : memref<16x10240xf32, #tpu.memory_space<vmem_shared>> -> memref<1x10240xf32, #tpu.memory_space<vmem_shared>>
      %dma_start3A_137 = tpu.memref_squeeze %dma_start3A_136 : memref<1x10240xf32, #tpu.memory_space<vmem_shared>> -> memref<10240xf32, #tpu.memory_space<vmem_shared>>
      %dma_start3A_138 = tpu.memref_slice %dma_start3A_137[%mul3A_18] : memref<10240xf32, #tpu.memory_space<vmem_shared>> -> memref<640xf32, #tpu.memory_space<vmem_shared>>
      tpu.enqueue_dma source(%dma_start3A_138 : memref<640xf32, #tpu.memory_space<vmem_shared>>) target(%arg9 : memref<640xf32, #tpu.memory_space<vmem>>) target_semaphore(%run_scoped3A_131 : memref<!tpu.dma_semaphore, #tpu.memory_space<semaphore_mem>>)
      %dma_wait3A = arith.constant 0 : i32
      %dma_wait3A_139 = tpu.memref_slice %arg5[%run_scoped3A_103, %dma_wait3A] : memref<16x10240xf32, #tpu.memory_space<vmem_shared>> -> memref<1x10240xf32, #tpu.memory_space<vmem_shared>>
      %dma_wait3A_140 = tpu.memref_squeeze %dma_wait3A_139 : memref<1x10240xf32, #tpu.memory_space<vmem_shared>> -> memref<10240xf32, #tpu.memory_space<vmem_shared>>
      %dma_wait3A_141 = tpu.memref_slice %dma_wait3A_140[%mul3A_18] : memref<10240xf32, #tpu.memory_space<vmem_shared>> -> memref<640xf32, #tpu.memory_space<vmem_shared>>
      %dma_wait3A_142 = arith.constant 0 : i32
      %dma_wait3A_143 = tpu.memref_slice %arg5[%run_scoped3A_103, %dma_wait3A_142] : memref<16x10240xf32, #tpu.memory_space<vmem_shared>> -> memref<1x10240xf32, #tpu.memory_space<vmem_shared>>
      %dma_wait3A_144 = tpu.memref_squeeze %dma_wait3A_143 : memref<1x10240xf32, #tpu.memory_space<vmem_shared>> -> memref<10240xf32, #tpu.memory_space<vmem_shared>>
      %dma_wait3A_145 = tpu.memref_slice %dma_wait3A_144[%mul3A_18] : memref<10240xf32, #tpu.memory_space<vmem_shared>> -> memref<640xf32, #tpu.memory_space<vmem_shared>>
      tpu.wait_dma2 semaphore(%run_scoped3A_131 : memref<!tpu.dma_semaphore, #tpu.memory_space<semaphore_mem>>) src(%dma_wait3A_145 : memref<640xf32, #tpu.memory_space<vmem_shared>>) dst(%arg9 : memref<640xf32, #tpu.memory_space<vmem>>)
      tpu.yield
    }) : () -> ()
    %scan3A_104 = arith.constant 0 : i32
    %scan3A_105 = arith.constant 0 : i32
    %scan3A_106 = arith.constant 40 : i32
    %scan3A_107 = arith.addi %scan3A_105, %scan3A_106 : i32
    %scan3A_108 = arith.constant 1 : i32
    scf.for %scan3A_131 = %scan3A_105 to %scan3A_107 step %scan3A_108  : i32 {
      %mul3A_132 = arith.constant 16 : i32
      %mul3A_133 = arith.muli %scan3A_131, %mul3A_132 : i32
      %get3A = arith.index_cast %mul3A_133 : i32 to index
      %get3A_134 = tpu.vector_load %arg8[%get3A] {strides = array<i32>} : memref<640xf32, #tpu.memory_space<vmem>>, vector<16xf32>,
      %mul3A_135 = arith.constant 16 : i32
      %mul3A_136 = arith.muli %scan3A_131, %mul3A_135 : i32
      %get3A_137 = arith.index_cast %mul3A_136 : i32 to index
      %get3A_138 = tpu.vector_load %arg9[%get3A_137] {strides = array<i32>} : memref<640xf32, #tpu.memory_space<vmem>>, vector<16xf32>,
      %add3A_139 = arith.addf %get3A_134, %get3A_138 : vector<16xf32>
      %mul3A_140 = arith.constant 16 : i32
      %mul3A_141 = arith.muli %scan3A_131, %mul3A_140 : i32
      %swap3A = arith.index_cast %mul3A_141 : i32 to index
      %swap3A_142 = tpu.vector_load %arg8[%swap3A] {strides = array<i32>} : memref<640xf32, #tpu.memory_space<vmem>>, vector<16xf32>,
      tpu.vector_store %arg8[%swap3A], %add3A_139 {strides = array<i32>} : memref<640xf32, #tpu.memory_space<vmem>>, vector<16xf32>,
    }
    %scan3A_109 = arith.constant 40 : i32
    %run_scoped3A_110 = arith.constant 14 : i32
    "tpu.region"() ({
      %run_scoped3A_131 = tpu.sem_alloc : memref<!tpu.dma_semaphore, #tpu.memory_space<semaphore_mem>>
      %dma_start3A = arith.constant 0 : i32
      %dma_start3A_132 = tpu.memref_slice %arg5[%run_scoped3A_110, %dma_start3A] : memref<16x10240xf32, #tpu.memory_space<vmem_shared>> -> memref<1x10240xf32, #tpu.memory_space<vmem_shared>>
      %dma_start3A_133 = tpu.memref_squeeze %dma_start3A_132 : memref<1x10240xf32, #tpu.memory_space<vmem_shared>> -> memref<10240xf32, #tpu.memory_space<vmem_shared>>
      %dma_start3A_134 = tpu.memref_slice %dma_start3A_133[%mul3A_18] : memref<10240xf32, #tpu.memory_space<vmem_shared>> -> memref<640xf32, #tpu.memory_space<vmem_shared>>
      %dma_start3A_135 = arith.constant 0 : i32
      %dma_start3A_136 = tpu.memref_slice %arg5[%run_scoped3A_110, %dma_start3A_135] : memref<16x10240xf32, #tpu.memory_space<vmem_shared>> -> memref<1x10240xf32, #tpu.memory_space<vmem_shared>>
      %dma_start3A_137 = tpu.memref_squeeze %dma_start3A_136 : memref<1x10240xf32, #tpu.memory_space<vmem_shared>> -> memref<10240xf32, #tpu.memory_space<vmem_shared>>
      %dma_start3A_138 = tpu.memref_slice %dma_start3A_137[%mul3A_18] : memref<10240xf32, #tpu.memory_space<vmem_shared>> -> memref<640xf32, #tpu.memory_space<vmem_shared>>
      tpu.enqueue_dma source(%dma_start3A_138 : memref<640xf32, #tpu.memory_space<vmem_shared>>) target(%arg9 : memref<640xf32, #tpu.memory_space<vmem>>) target_semaphore(%run_scoped3A_131 : memref<!tpu.dma_semaphore, #tpu.memory_space<semaphore_mem>>)
      %dma_wait3A = arith.constant 0 : i32
      %dma_wait3A_139 = tpu.memref_slice %arg5[%run_scoped3A_110, %dma_wait3A] : memref<16x10240xf32, #tpu.memory_space<vmem_shared>> -> memref<1x10240xf32, #tpu.memory_space<vmem_shared>>
      %dma_wait3A_140 = tpu.memref_squeeze %dma_wait3A_139 : memref<1x10240xf32, #tpu.memory_space<vmem_shared>> -> memref<10240xf32, #tpu.memory_space<vmem_shared>>
      %dma_wait3A_141 = tpu.memref_slice %dma_wait3A_140[%mul3A_18] : memref<10240xf32, #tpu.memory_space<vmem_shared>> -> memref<640xf32, #tpu.memory_space<vmem_shared>>
      %dma_wait3A_142 = arith.constant 0 : i32
      %dma_wait3A_143 = tpu.memref_slice %arg5[%run_scoped3A_110, %dma_wait3A_142] : memref<16x10240xf32, #tpu.memory_space<vmem_shared>> -> memref<1x10240xf32, #tpu.memory_space<vmem_shared>>
      %dma_wait3A_144 = tpu.memref_squeeze %dma_wait3A_143 : memref<1x10240xf32, #tpu.memory_space<vmem_shared>> -> memref<10240xf32, #tpu.memory_space<vmem_shared>>
      %dma_wait3A_145 = tpu.memref_slice %dma_wait3A_144[%mul3A_18] : memref<10240xf32, #tpu.memory_space<vmem_shared>> -> memref<640xf32, #tpu.memory_space<vmem_shared>>
      tpu.wait_dma2 semaphore(%run_scoped3A_131 : memref<!tpu.dma_semaphore, #tpu.memory_space<semaphore_mem>>) src(%dma_wait3A_145 : memref<640xf32, #tpu.memory_space<vmem_shared>>) dst(%arg9 : memref<640xf32, #tpu.memory_space<vmem>>)
      tpu.yield
    }) : () -> ()
    %scan3A_111 = arith.constant 0 : i32
    %scan3A_112 = arith.constant 0 : i32
    %scan3A_113 = arith.constant 40 : i32
    %scan3A_114 = arith.addi %scan3A_112, %scan3A_113 : i32
    %scan3A_115 = arith.constant 1 : i32
    scf.for %scan3A_131 = %scan3A_112 to %scan3A_114 step %scan3A_115  : i32 {
      %mul3A_132 = arith.constant 16 : i32
      %mul3A_133 = arith.muli %scan3A_131, %mul3A_132 : i32
      %get3A = arith.index_cast %mul3A_133 : i32 to index
      %get3A_134 = tpu.vector_load %arg8[%get3A] {strides = array<i32>} : memref<640xf32, #tpu.memory_space<vmem>>, vector<16xf32>,
      %mul3A_135 = arith.constant 16 : i32
      %mul3A_136 = arith.muli %scan3A_131, %mul3A_135 : i32
      %get3A_137 = arith.index_cast %mul3A_136 : i32 to index
      %get3A_138 = tpu.vector_load %arg9[%get3A_137] {strides = array<i32>} : memref<640xf32, #tpu.memory_space<vmem>>, vector<16xf32>,
      %add3A_139 = arith.addf %get3A_134, %get3A_138 : vector<16xf32>
      %mul3A_140 = arith.constant 16 : i32
      %mul3A_141 = arith.muli %scan3A_131, %mul3A_140 : i32
      %swap3A = arith.index_cast %mul3A_141 : i32 to index
      %swap3A_142 = tpu.vector_load %arg8[%swap3A] {strides = array<i32>} : memref<640xf32, #tpu.memory_space<vmem>>, vector<16xf32>,
      tpu.vector_store %arg8[%swap3A], %add3A_139 {strides = array<i32>} : memref<640xf32, #tpu.memory_space<vmem>>, vector<16xf32>,
    }
    %scan3A_116 = arith.constant 40 : i32
    %run_scoped3A_117 = arith.constant 15 : i32
    "tpu.region"() ({
      %run_scoped3A_131 = tpu.sem_alloc : memref<!tpu.dma_semaphore, #tpu.memory_space<semaphore_mem>>
      %dma_start3A = arith.constant 0 : i32
      %dma_start3A_132 = tpu.memref_slice %arg5[%run_scoped3A_117, %dma_start3A] : memref<16x10240xf32, #tpu.memory_space<vmem_shared>> -> memref<1x10240xf32, #tpu.memory_space<vmem_shared>>
      %dma_start3A_133 = tpu.memref_squeeze %dma_start3A_132 : memref<1x10240xf32, #tpu.memory_space<vmem_shared>> -> memref<10240xf32, #tpu.memory_space<vmem_shared>>
      %dma_start3A_134 = tpu.memref_slice %dma_start3A_133[%mul3A_18] : memref<10240xf32, #tpu.memory_space<vmem_shared>> -> memref<640xf32, #tpu.memory_space<vmem_shared>>
      %dma_start3A_135 = arith.constant 0 : i32
      %dma_start3A_136 = tpu.memref_slice %arg5[%run_scoped3A_117, %dma_start3A_135] : memref<16x10240xf32, #tpu.memory_space<vmem_shared>> -> memref<1x10240xf32, #tpu.memory_space<vmem_shared>>
      %dma_start3A_137 = tpu.memref_squeeze %dma_start3A_136 : memref<1x10240xf32, #tpu.memory_space<vmem_shared>> -> memref<10240xf32, #tpu.memory_space<vmem_shared>>
      %dma_start3A_138 = tpu.memref_slice %dma_start3A_137[%mul3A_18] : memref<10240xf32, #tpu.memory_space<vmem_shared>> -> memref<640xf32, #tpu.memory_space<vmem_shared>>
      tpu.enqueue_dma source(%dma_start3A_138 : memref<640xf32, #tpu.memory_space<vmem_shared>>) target(%arg9 : memref<640xf32, #tpu.memory_space<vmem>>) target_semaphore(%run_scoped3A_131 : memref<!tpu.dma_semaphore, #tpu.memory_space<semaphore_mem>>)
      %dma_wait3A = arith.constant 0 : i32
      %dma_wait3A_139 = tpu.memref_slice %arg5[%run_scoped3A_117, %dma_wait3A] : memref<16x10240xf32, #tpu.memory_space<vmem_shared>> -> memref<1x10240xf32, #tpu.memory_space<vmem_shared>>
      %dma_wait3A_140 = tpu.memref_squeeze %dma_wait3A_139 : memref<1x10240xf32, #tpu.memory_space<vmem_shared>> -> memref<10240xf32, #tpu.memory_space<vmem_shared>>
      %dma_wait3A_141 = tpu.memref_slice %dma_wait3A_140[%mul3A_18] : memref<10240xf32, #tpu.memory_space<vmem_shared>> -> memref<640xf32, #tpu.memory_space<vmem_shared>>
      %dma_wait3A_142 = arith.constant 0 : i32
      %dma_wait3A_143 = tpu.memref_slice %arg5[%run_scoped3A_117, %dma_wait3A_142] : memref<16x10240xf32, #tpu.memory_space<vmem_shared>> -> memref<1x10240xf32, #tpu.memory_space<vmem_shared>>
      %dma_wait3A_144 = tpu.memref_squeeze %dma_wait3A_143 : memref<1x10240xf32, #tpu.memory_space<vmem_shared>> -> memref<10240xf32, #tpu.memory_space<vmem_shared>>
      %dma_wait3A_145 = tpu.memref_slice %dma_wait3A_144[%mul3A_18] : memref<10240xf32, #tpu.memory_space<vmem_shared>> -> memref<640xf32, #tpu.memory_space<vmem_shared>>
      tpu.wait_dma2 semaphore(%run_scoped3A_131 : memref<!tpu.dma_semaphore, #tpu.memory_space<semaphore_mem>>) src(%dma_wait3A_145 : memref<640xf32, #tpu.memory_space<vmem_shared>>) dst(%arg9 : memref<640xf32, #tpu.memory_space<vmem>>)
      tpu.yield
    }) : () -> ()
    %scan3A_118 = arith.constant 0 : i32
    %scan3A_119 = arith.constant 0 : i32
    %scan3A_120 = arith.constant 40 : i32
    %scan3A_121 = arith.addi %scan3A_119, %scan3A_120 : i32
    %scan3A_122 = arith.constant 1 : i32
    scf.for %scan3A_131 = %scan3A_119 to %scan3A_121 step %scan3A_122  : i32 {
      %mul3A_132 = arith.constant 16 : i32
      %mul3A_133 = arith.muli %scan3A_131, %mul3A_132 : i32
      %get3A = arith.index_cast %mul3A_133 : i32 to index
      %get3A_134 = tpu.vector_load %arg8[%get3A] {strides = array<i32>} : memref<640xf32, #tpu.memory_space<vmem>>, vector<16xf32>,
      %mul3A_135 = arith.constant 16 : i32
      %mul3A_136 = arith.muli %scan3A_131, %mul3A_135 : i32
      %get3A_137 = arith.index_cast %mul3A_136 : i32 to index
      %get3A_138 = tpu.vector_load %arg9[%get3A_137] {strides = array<i32>} : memref<640xf32, #tpu.memory_space<vmem>>, vector<16xf32>,
      %add3A_139 = arith.addf %get3A_134, %get3A_138 : vector<16xf32>
      %mul3A_140 = arith.constant 16 : i32
      %mul3A_141 = arith.muli %scan3A_131, %mul3A_140 : i32
      %swap3A = arith.index_cast %mul3A_141 : i32 to index
      %swap3A_142 = tpu.vector_load %arg8[%swap3A] {strides = array<i32>} : memref<640xf32, #tpu.memory_space<vmem>>, vector<16xf32>,
      tpu.vector_store %arg8[%swap3A], %add3A_139 {strides = array<i32>} : memref<640xf32, #tpu.memory_space<vmem>>, vector<16xf32>,
    }
    %scan3A_123 = arith.constant 40 : i32
    %eq3A = arith.constant 0 : i32
    %eq3A_124 = arith.cmpi eq, %arg0, %eq3A : i32
    %convert_element_type3A = arith.extui %eq3A_124 : i1 to i32
    %cond3A = arith.constant 0 : i32
    %cond3A_125 = arith.cmpi ne, %convert_element_type3A, %cond3A : i32
    scf.if %cond3A_125 {
      "tpu.region"() ({
        %run_scoped3A_131 = tpu.sem_alloc : memref<!tpu.dma_semaphore, #tpu.memory_space<semaphore_mem>>
        %dma_start3A = tpu.memref_slice %arg3[%mul3A_18] : memref<10240xf32, #tpu.memory_space<hbm>> -> memref<640xf32, #tpu.memory_space<hbm>>
        %dma_start3A_132 = tpu.memref_slice %arg3[%mul3A_18] : memref<10240xf32, #tpu.memory_space<hbm>> -> memref<640xf32, #tpu.memory_space<hbm>>
        tpu.enqueue_dma source(%arg8 : memref<640xf32, #tpu.memory_space<vmem>>) target(%dma_start3A_132 : memref<640xf32, #tpu.memory_space<hbm>>) target_semaphore(%run_scoped3A_131 : memref<!tpu.dma_semaphore, #tpu.memory_space<semaphore_mem>>)
        %dma_wait3A = tpu.memref_slice %arg3[%mul3A_18] : memref<10240xf32, #tpu.memory_space<hbm>> -> memref<640xf32, #tpu.memory_space<hbm>>
        %dma_wait3A_133 = tpu.memref_slice %arg3[%mul3A_18] : memref<10240xf32, #tpu.memory_space<hbm>> -> memref<640xf32, #tpu.memory_space<hbm>>
        tpu.wait_dma2 semaphore(%run_scoped3A_131 : memref<!tpu.dma_semaphore, #tpu.memory_space<semaphore_mem>>) src(%arg8 : memref<640xf32, #tpu.memory_space<vmem>>) dst(%dma_wait3A_133 : memref<640xf32, #tpu.memory_space<hbm>>)
        tpu.yield
      }) : () -> ()
    } else {
    }
    %eq3A_126 = arith.constant 1 : i32
    %eq3A_127 = arith.cmpi eq, %arg0, %eq3A_126 : i32
    %convert_element_type3A_128 = arith.extui %eq3A_127 : i1 to i32
    %cond3A_129 = arith.constant 0 : i32
    %cond3A_130 = arith.cmpi ne, %convert_element_type3A_128, %cond3A_129 : i32
    scf.if %cond3A_130 {
      "tpu.region"() ({
        %run_scoped3A_131 = tpu.sem_alloc : memref<!tpu.dma_semaphore, #tpu.memory_space<semaphore_mem>>
        %dma_start3A = tpu.memref_slice %arg4[%mul3A_18] : memref<10240xf32, #tpu.memory_space<hbm>> -> memref<640xf32, #tpu.memory_space<hbm>>
        %dma_start3A_132 = tpu.memref_slice %arg4[%mul3A_18] : memref<10240xf32, #tpu.memory_space<hbm>> -> memref<640xf32, #tpu.memory_space<hbm>>
        tpu.enqueue_dma source(%arg8 : memref<640xf32, #tpu.memory_space<vmem>>) target(%dma_start3A_132 : memref<640xf32, #tpu.memory_space<hbm>>) target_semaphore(%run_scoped3A_131 : memref<!tpu.dma_semaphore, #tpu.memory_space<semaphore_mem>>)
        %dma_wait3A = tpu.memref_slice %arg4[%mul3A_18] : memref<10240xf32, #tpu.memory_space<hbm>> -> memref<640xf32, #tpu.memory_space<hbm>>
        %dma_wait3A_133 = tpu.memref_slice %arg4[%mul3A_18] : memref<10240xf32, #tpu.memory_space<hbm>> -> memref<640xf32, #tpu.memory_space<hbm>>
        tpu.wait_dma2 semaphore(%run_scoped3A_131 : memref<!tpu.dma_semaphore, #tpu.memory_space<semaphore_mem>>) src(%arg8 : memref<640xf32, #tpu.memory_space<vmem>>) dst(%dma_wait3A_133 : memref<640xf32, #tpu.memory_space<hbm>>)
        tpu.yield
      }) : () -> ()
    } else {
    }
    return
  }
}

module attributes {stable_mosaic.version = 14 : i64} {
  func.func @_scale_body(%arg0: i32, %arg1: memref<1024x1xf32, #tpu.memory_space<vmem>>, %arg2: memref<1024x1xf32, #tpu.memory_space<vmem>>, %arg3: memref<1024x128xf32, #tpu.memory_space<vmem>>, %arg4: memref<1024x1xf32, #tpu.memory_space<vmem>>, %arg5: memref<1024x128xf32, #tpu.memory_space<vmem>>) attributes {dimension_semantics = [#tpu.dimension_semantics<arbitrary>], iteration_bounds = array<i64: 10>, scalar_prefetch = 0 : i64, scratch_operands = 0 : i64, tpu.core_type = #tpu.core_type<tc>, window_params = [{transform_indices = @transform_0, window_bounds = array<i64: 1024, 1>}, {transform_indices = @transform_1, window_bounds = array<i64: 1024, 1>}, {transform_indices = @transform_2, window_bounds = array<i64: 1024, 128>}, {transform_indices = @transform_3, window_bounds = array<i64: 1024, 1>}, {transform_indices = @transform_4, window_bounds = array<i64: 1024, 128>}]} {
    %get3A = arith.constant 0 : index
    %get3A_0 = arith.constant 0 : index
    %get3A_1 = vector.load %arg1[%get3A, %get3A_0] : memref<1024x1xf32, #tpu.memory_space<vmem>>, vector<1024x1xf32>
    %get3A_2 = arith.constant 0 : index
    %get3A_3 = arith.constant 0 : index
    %get3A_4 = vector.load %arg2[%get3A_2, %get3A_3] : memref<1024x1xf32, #tpu.memory_space<vmem>>, vector<1024x1xf32>
    %add3A = arith.addf %get3A_1, %get3A_4 : vector<1024x1xf32>
    %add3A_5 = arith.constant 1.000000e+00 : f32
    %add3A_6 = vector.broadcast %add3A_5 : f32 to vector<1024x1xf32>
    %add3A_7 = arith.addf %add3A, %add3A_6 : vector<1024x1xf32>
    %rsqrt3A = math.rsqrt %add3A_7 : vector<1024x1xf32>
    %swap3A = arith.constant 0 : index
    %swap3A_8 = arith.constant 0 : index
    %swap3A_9 = vector.load %arg4[%swap3A, %swap3A_8] : memref<1024x1xf32, #tpu.memory_space<vmem>>, vector<1024x1xf32>
    tpu.vector_store %arg4[%swap3A, %swap3A_8], %rsqrt3A {strides = array<i32>} : memref<1024x1xf32, #tpu.memory_space<vmem>>, vector<1024x1xf32>,
    %get3A_10 = arith.constant 0 : index
    %get3A_11 = arith.constant 0 : index
    %get3A_12 = vector.load %arg3[%get3A_10, %get3A_11] : memref<1024x128xf32, #tpu.memory_space<vmem>>, vector<1024x128xf32>
    %mul3A = vector.broadcast %rsqrt3A : vector<1024x1xf32> to vector<1024x128xf32>
    %mul3A_13 = arith.mulf %get3A_12, %mul3A : vector<1024x128xf32>
    %swap3A_14 = arith.constant 0 : index
    %swap3A_15 = arith.constant 0 : index
    %swap3A_16 = vector.load %arg5[%swap3A_14, %swap3A_15] : memref<1024x128xf32, #tpu.memory_space<vmem>>, vector<1024x128xf32>
    tpu.vector_store %arg5[%swap3A_14, %swap3A_15], %mul3A_13 {strides = array<i32>} : memref<1024x128xf32, #tpu.memory_space<vmem>>, vector<1024x128xf32>,
    return
  }
  func.func @transform_0(%arg0: i32) -> (i32, i32) {
    %c0_i32 = arith.constant 0 : i32
    %c0_i32_0 = arith.constant 0 : i32
    return %arg0, %c0_i32 : i32, i32
  }
  func.func @transform_1(%arg0: i32) -> (i32, i32) {
    %c0_i32 = arith.constant 0 : i32
    %c0_i32_0 = arith.constant 0 : i32
    return %arg0, %c0_i32 : i32, i32
  }
  func.func @transform_2(%arg0: i32) -> (i32, i32) {
    %c0_i32 = arith.constant 0 : i32
    %c0_i32_0 = arith.constant 0 : i32
    return %arg0, %c0_i32 : i32, i32
  }
  func.func @transform_3(%arg0: i32) -> (i32, i32) {
    %c0_i32 = arith.constant 0 : i32
    %c0_i32_0 = arith.constant 0 : i32
    return %arg0, %c0_i32 : i32, i32
  }
  func.func @transform_4(%arg0: i32) -> (i32, i32) {
    %c0_i32 = arith.constant 0 : i32
    %c0_i32_0 = arith.constant 0 : i32
    return %arg0, %c0_i32 : i32, i32
  }
}

module attributes {stable_mosaic.version = 14 : i64} {
  func.func @_fused_body(%arg0: i32, %arg1: memref<2x1024x128xf32, #tpu.memory_space<vmem>>, %arg2: memref<1024x128xf32, #tpu.memory_space<vmem>>, %arg3: memref<1024x1xf32, #tpu.memory_space<vmem>>, %arg4: memref<128x1024xf32, #tpu.memory_space<vmem>>, %arg5: memref<1x1024xf32, #tpu.memory_space<vmem>>, %arg6: memref<1024x64xf32, #tpu.memory_space<vmem>>, %arg7: memref<1024x128xf32, #tpu.memory_space<vmem>>) attributes {dimension_semantics = [#tpu.dimension_semantics<arbitrary>], iteration_bounds = array<i64: 10>, scalar_prefetch = 0 : i64, scratch_operands = 0 : i64, tpu.core_type = #tpu.core_type<tc>, window_params = [{transform_indices = @transform_0, window_bounds = array<i64: 2, 1024, 128>}, {transform_indices = @transform_1, window_bounds = array<i64: 1024, 128>}, {transform_indices = @transform_2, window_bounds = array<i64: 1024, 1>}, {pipeline_mode = #tpu.pipeline_mode<synchronous>, transform_indices = @transform_3, window_bounds = array<i64: 128, 1024>}, {pipeline_mode = #tpu.pipeline_mode<synchronous>, transform_indices = @transform_4, window_bounds = array<i64: 1, 1024>}, {pipeline_mode = #tpu.pipeline_mode<synchronous>, transform_indices = @transform_5, window_bounds = array<i64: 1024, 64>}, {transform_indices = @transform_6, window_bounds = array<i64: 1024, 128>}]} {
    %get3A = arith.constant 0 : index
    %get3A_0 = arith.constant 0 : index
    %get3A_1 = vector.load %arg3[%get3A, %get3A_0] : memref<1024x1xf32, #tpu.memory_space<vmem>>, vector<1024x1xf32>
    %get3A_2 = arith.constant 0 : index
    %get3A_3 = arith.constant 0 : index
    %get3A_4 = arith.constant 0 : index
    %get3A_5 = vector.load %arg1[%get3A_2, %get3A_3, %get3A_4] : memref<2x1024x128xf32, #tpu.memory_space<vmem>>, vector<1x1024x128xf32>
    %get3A_6 = vector.shape_cast %get3A_5 : vector<1x1024x128xf32> to vector<1024x128xf32>
    %get3A_7 = arith.constant 1 : index
    %get3A_8 = arith.constant 0 : index
    %get3A_9 = arith.constant 0 : index
    %get3A_10 = vector.load %arg1[%get3A_7, %get3A_8, %get3A_9] : memref<2x1024x128xf32, #tpu.memory_space<vmem>>, vector<1x1024x128xf32>
    %get3A_11 = vector.shape_cast %get3A_10 : vector<1x1024x128xf32> to vector<1024x128xf32>
    %add3A = arith.addf %get3A_6, %get3A_11 : vector<1024x128xf32>
    %get3A_12 = arith.constant 0 : index
    %get3A_13 = arith.constant 0 : index
    %get3A_14 = vector.load %arg2[%get3A_12, %get3A_13] : memref<1024x128xf32, #tpu.memory_space<vmem>>, vector<1024x128xf32>
    %add3A_15 = arith.addf %add3A, %get3A_14 : vector<1024x128xf32>
    %mul3A = vector.broadcast %get3A_1 : vector<1024x1xf32> to vector<1024x128xf32>
    %mul3A_16 = arith.mulf %add3A_15, %mul3A : vector<1024x128xf32>
    %get3A_17 = arith.constant 0 : index
    %get3A_18 = arith.constant 0 : index
    %get3A_19 = vector.load %arg4[%get3A_17, %get3A_18] : memref<128x1024xf32, #tpu.memory_space<vmem>>, vector<128x1024xf32>
    %dot_general3A = arith.constant dense<0.000000e+00> : vector<1024x1024xf32>
    %dot_general3A_20 = tpu.matmul %mul3A_16, %get3A_19, %dot_general3A {dimension_numbers = #tpu.dot_dimension_numbers<[1], [0], [0], [1], [0, 0, 1, 1], [], []>, transpose_lhs_hint = false} : vector<1024x128xf32>, vector<128x1024xf32>, vector<1024x1024xf32> -> vector<1024x1024xf32>
    %get3A_21 = arith.constant 0 : index
    %get3A_22 = arith.constant 0 : index
    %get3A_23 = vector.load %arg5[%get3A_21, %get3A_22] : memref<1x1024xf32, #tpu.memory_space<vmem>>, vector<1x1024xf32>
    %add3A_24 = vector.broadcast %get3A_23 : vector<1x1024xf32> to vector<1024x1024xf32>
    %add3A_25 = arith.addf %dot_general3A_20, %add3A_24 : vector<1024x1024xf32>
    %max3A = arith.constant 0.000000e+00 : f32
    %max3A_26 = vector.broadcast %max3A : f32 to vector<1024x1024xf32>
    %max3A_27 = arith.maximumf %add3A_25, %max3A_26 : vector<1024x1024xf32>
    %get3A_28 = arith.constant 0 : index
    %get3A_29 = arith.constant 0 : index
    %get3A_30 = vector.load %arg6[%get3A_28, %get3A_29] : memref<1024x64xf32, #tpu.memory_space<vmem>>, vector<1024x64xf32>
    %dot_general3A_31 = arith.constant dense<0.000000e+00> : vector<1024x64xf32>
    %dot_general3A_32 = tpu.matmul %max3A_27, %get3A_30, %dot_general3A_31 {dimension_numbers = #tpu.dot_dimension_numbers<[1], [0], [0], [1], [0, 0, 1, 1], [], []>, transpose_lhs_hint = false} : vector<1024x1024xf32>, vector<1024x64xf32>, vector<1024x64xf32> -> vector<1024x64xf32>
    %mul3A_33 = vector.broadcast %get3A_1 : vector<1024x1xf32> to vector<1024x64xf32>
    %mul3A_34 = arith.mulf %dot_general3A_32, %mul3A_33 : vector<1024x64xf32>
    %broadcast_in_dim3A = arith.constant 0.000000e+00 : f32
    %broadcast_in_dim3A_35 = vector.broadcast %broadcast_in_dim3A : f32 to vector<1024x64xf32>
    %concatenate3A = tpu.concatenate %mul3A_34, %broadcast_in_dim3A_35 in 1 : vector<1024x64xf32>, vector<1024x64xf32> -> vector<1024x128xf32>
    %swap3A = arith.constant 0 : index
    %swap3A_36 = arith.constant 0 : index
    %swap3A_37 = vector.load %arg7[%swap3A, %swap3A_36] : memref<1024x128xf32, #tpu.memory_space<vmem>>, vector<1024x128xf32>
    tpu.vector_store %arg7[%swap3A, %swap3A_36], %concatenate3A {strides = array<i32>} : memref<1024x128xf32, #tpu.memory_space<vmem>>, vector<1024x128xf32>,
    return
  }
  func.func @transform_0(%arg0: i32) -> (i32, i32, i32) {
    %c0_i32 = arith.constant 0 : i32
    %c0_i32_0 = arith.constant 0 : i32
    %c0_i32_1 = arith.constant 0 : i32
    return %c0_i32, %arg0, %c0_i32_0 : i32, i32, i32
  }
  func.func @transform_1(%arg0: i32) -> (i32, i32) {
    %c0_i32 = arith.constant 0 : i32
    %c0_i32_0 = arith.constant 0 : i32
    return %arg0, %c0_i32 : i32, i32
  }
  func.func @transform_2(%arg0: i32) -> (i32, i32) {
    %c0_i32 = arith.constant 0 : i32
    %c0_i32_0 = arith.constant 0 : i32
    return %arg0, %c0_i32 : i32, i32
  }
  func.func @transform_3(%arg0: i32) -> (i32, i32) {
    %c0_i32 = arith.constant 0 : i32
    %c0_i32_0 = arith.constant 0 : i32
    %c0_i32_1 = arith.constant 0 : i32
    return %c0_i32, %c0_i32_0 : i32, i32
  }
  func.func @transform_4(%arg0: i32) -> (i32, i32) {
    %c0_i32 = arith.constant 0 : i32
    %c0_i32_0 = arith.constant 0 : i32
    %c0_i32_1 = arith.constant 0 : i32
    return %c0_i32, %c0_i32_0 : i32, i32
  }
  func.func @transform_5(%arg0: i32) -> (i32, i32) {
    %c0_i32 = arith.constant 0 : i32
    %c0_i32_0 = arith.constant 0 : i32
    %c0_i32_1 = arith.constant 0 : i32
    return %c0_i32, %c0_i32_0 : i32, i32
  }
  func.func @transform_6(%arg0: i32) -> (i32, i32) {
    %c0_i32 = arith.constant 0 : i32
    %c0_i32_0 = arith.constant 0 : i32
    return %arg0, %c0_i32 : i32, i32
  }
}

module attributes {stable_mosaic.version = 14 : i64} {
  func.func @_softmax_body(%arg0: i32, %arg1: memref<2x1024x128xf32, #tpu.memory_space<vmem>>, %arg2: memref<1024x128xf32, #tpu.memory_space<vmem>>, %arg3: memref<1024x1xf32, #tpu.memory_space<vmem>>, %arg4: memref<1x64xf32, #tpu.memory_space<vmem>>, %arg5: memref<1024x64xf32, #tpu.memory_space<vmem>>) attributes {dimension_semantics = [#tpu.dimension_semantics<arbitrary>], iteration_bounds = array<i64: 10>, scalar_prefetch = 0 : i64, scratch_operands = 0 : i64, tpu.core_type = #tpu.core_type<tc>, window_params = [{transform_indices = @transform_0, window_bounds = array<i64: 2, 1024, 128>}, {transform_indices = @transform_1, window_bounds = array<i64: 1024, 128>}, {transform_indices = @transform_2, window_bounds = array<i64: 1024, 1>}, {pipeline_mode = #tpu.pipeline_mode<synchronous>, transform_indices = @transform_3, window_bounds = array<i64: 1, 64>}, {transform_indices = @transform_4, window_bounds = array<i64: 1024, 64>}]} {
    %get3A = arith.constant 0 : index
    %get3A_0 = arith.constant 0 : index
    %get3A_1 = arith.constant 0 : index
    %get3A_2 = vector.load %arg1[%get3A, %get3A_0, %get3A_1] : memref<2x1024x128xf32, #tpu.memory_space<vmem>>, vector<1x1024x128xf32>
    %get3A_3 = vector.shape_cast %get3A_2 : vector<1x1024x128xf32> to vector<1024x128xf32>
    %get3A_4 = arith.constant 1 : index
    %get3A_5 = arith.constant 0 : index
    %get3A_6 = arith.constant 0 : index
    %get3A_7 = vector.load %arg1[%get3A_4, %get3A_5, %get3A_6] : memref<2x1024x128xf32, #tpu.memory_space<vmem>>, vector<1x1024x128xf32>
    %get3A_8 = vector.shape_cast %get3A_7 : vector<1x1024x128xf32> to vector<1024x128xf32>
    %add3A = arith.addf %get3A_3, %get3A_8 : vector<1024x128xf32>
    %get3A_9 = arith.constant 0 : index
    %get3A_10 = arith.constant 0 : index
    %get3A_11 = vector.load %arg2[%get3A_9, %get3A_10] : memref<1024x128xf32, #tpu.memory_space<vmem>>, vector<1024x128xf32>
    %add3A_12 = arith.addf %add3A, %get3A_11 : vector<1024x128xf32>
    %get3A_13 = arith.constant 0 : index
    %get3A_14 = arith.constant 0 : index
    %get3A_15 = vector.load %arg3[%get3A_13, %get3A_14] : memref<1024x1xf32, #tpu.memory_space<vmem>>, vector<1024x1xf32>
    %mul3A = vector.broadcast %get3A_15 : vector<1024x1xf32> to vector<1024x128xf32>
    %mul3A_16 = arith.mulf %add3A_12, %mul3A : vector<1024x128xf32>
    %slice3A = vector.extract_strided_slice %mul3A_16 {offsets = [0, 0], sizes = [1024, 64], strides = [1, 1]} : vector<1024x128xf32> to vector<1024x64xf32>
    %get3A_17 = arith.constant 0 : index
    %get3A_18 = arith.constant 0 : index
    %get3A_19 = vector.load %arg4[%get3A_17, %get3A_18] : memref<1x64xf32, #tpu.memory_space<vmem>>, vector<1x64xf32>
    %add3A_20 = vector.broadcast %get3A_19 : vector<1x64xf32> to vector<1024x64xf32>
    %add3A_21 = arith.addf %slice3A, %add3A_20 : vector<1024x64xf32>
    %reduce_max3A = arith.constant dense<0xFF800000> : vector<1024xf32>
    %reduce_max3A_22 = vector.multi_reduction <maximumf>, %add3A_21, %reduce_max3A [1] : vector<1024x64xf32> to vector<1024xf32>
    %broadcast_in_dim3A = vector.shape_cast %reduce_max3A_22 : vector<1024xf32> to vector<1024x1xf32>
    %sub3A = vector.broadcast %broadcast_in_dim3A : vector<1024x1xf32> to vector<1024x64xf32>
    %sub3A_23 = arith.subf %add3A_21, %sub3A : vector<1024x64xf32>
    %exp3A = math.exp %sub3A_23 : vector<1024x64xf32>
    %reduce_sum3A = arith.constant dense<0.000000e+00> : vector<1024xf32>
    %reduce_sum3A_24 = vector.multi_reduction <add>, %exp3A, %reduce_sum3A [1] : vector<1024x64xf32> to vector<1024xf32>
    %broadcast_in_dim3A_25 = vector.shape_cast %reduce_sum3A_24 : vector<1024xf32> to vector<1024x1xf32>
    %div3A = vector.broadcast %broadcast_in_dim3A_25 : vector<1024x1xf32> to vector<1024x64xf32>
    %div3A_26 = arith.divf %exp3A, %div3A : vector<1024x64xf32>
    %swap3A = arith.constant 0 : index
    %swap3A_27 = arith.constant 0 : index
    %swap3A_28 = vector.load %arg5[%swap3A, %swap3A_27] : memref<1024x64xf32, #tpu.memory_space<vmem>>, vector<1024x64xf32>
    tpu.vector_store %arg5[%swap3A, %swap3A_27], %div3A_26 {strides = array<i32>} : memref<1024x64xf32, #tpu.memory_space<vmem>>, vector<1024x64xf32>,
    return
  }
  func.func @transform_0(%arg0: i32) -> (i32, i32, i32) {
    %c0_i32 = arith.constant 0 : i32
    %c0_i32_0 = arith.constant 0 : i32
    %c0_i32_1 = arith.constant 0 : i32
    return %c0_i32, %arg0, %c0_i32_0 : i32, i32, i32
  }
  func.func @transform_1(%arg0: i32) -> (i32, i32) {
    %c0_i32 = arith.constant 0 : i32
    %c0_i32_0 = arith.constant 0 : i32
    return %arg0, %c0_i32 : i32, i32
  }
  func.func @transform_2(%arg0: i32) -> (i32, i32) {
    %c0_i32 = arith.constant 0 : i32
    %c0_i32_0 = arith.constant 0 : i32
    return %arg0, %c0_i32 : i32, i32
  }
  func.func @transform_3(%arg0: i32) -> (i32, i32) {
    %c0_i32 = arith.constant 0 : i32
    %c0_i32_0 = arith.constant 0 : i32
    %c0_i32_1 = arith.constant 0 : i32
    return %c0_i32, %c0_i32_0 : i32, i32
  }
  func.func @transform_4(%arg0: i32) -> (i32, i32) {
    %c0_i32 = arith.constant 0 : i32
    %c0_i32_0 = arith.constant 0 : i32
    return %arg0, %c0_i32 : i32, i32
  }
}

</mosaic_0001>

<sc_bundles>
// kernel: kernel.11.cloned.1.call-start
scs
__scs_entry_jumppad:
0x0: {  	(pc) =	sbr.rel $0x88, $3  }
0x1: {  	(tag) =	ssettag $0x0;
	lr =	simm.s32 $0x1  }
0x2: {  	[smem:$0x3F9B] =	sst lr;
	_ =	strace $0xD0000000  }
0x3: {  	_ = 	snop  }
0x4: {  	_ = 	snop  }
0x5: {  	_ = 	snop  }
0x6: {  	_ = 	snop  }
0x7: {  	_ = 	snop  }
__scs_overlays_trampoline_lowered:
0x8: {  	[smem:$0x3FAA] =	sst s0  }
0x9: {  	[smem:$0x3FAB] =	sst s1  }
0xa: {  	[smem:$0x3FAC] =	sst s2  }
0xb: {  	[smem:$0x3FAD] =	sst s3  }
0xc: {  	[smem:$0x3FAE] =	sst s4  }
0xd: {  	[smem:$0x3FAF] =	sst s5  }
0xe: {  	[smem:$0x3FB0] =	sst s6  }
0xf: {  	[smem:$0x3FB1] =	sst s7  }
0x10: {  	[smem:$0x3FB2] =	sst s8  }
0x11: {  	[smem:$0x3FB3] =	sst s9;
	s0 =	simm.s32 @!p0 $0x0  }
0x12: {  	s1 =	sld [smem:$0x3F99];
	s0 =	simm.s32 @p0 $0x1  }
0x13: {  	[smem:$0x3FB4] =	sst s0;
	s0 =	simm.s32 @!p1 $0x0  }
0x14: {  	s2 =	sld [smem:$0x3F98];
	s0 =	simm.s32 @p1 $0x1  }
0x15: {  	[smem:$0x3FB5] =	sst s0;
	s0 =	simm.s32 @!p2 $0x0  }
0x16: {  	s3 =	sld [smem:$0x3FDB];
	s0 =	simm.s32 @p2 $0x1  }
0x17: {  	s4 =	simm.s32 $0x1BF5;
	[smem:$0x3FB7] =	sst s0  }
0x18: {  	s0 =	sld [smem:$0x3F9A];
	_ =	swait.ge [sflag:s4], $0x0  }
0x19: {  	s7 =	sld [smem:$0x3F9B]  }
0x1a: {  	s8 =	sadd.s32 $0xFFFFE003, lr  }
0x1b: {  	s9 =	sadd.s32 $0xFFFFFEF7, lr;
	s5 =	simm.s32 $0xFFFFFFFF;
	p2 =	slt.u32 s8, $0xFFFFF086  }
0x1c: {  	p1 =	slt.u32 s9, $0xF7A;
	s5 =	simm.s32 @!p2 $0x0  }
0x1d: {  	s5 =	simm.s32 @p1 $0x1;
	p0 =	seq.s32 s7, s2  }
0x1e: {  	s7 =	smul.u32 @!p0 $0xF7A, s2;
	p2 =	seq.s32 @!p0 s5, $0x0  }
0x1f: {  	s9 =	smul.u32 $0xF7A, s1;
	s8 =	simm.s32 @!p0 $0x1BF5;
	p2 =	por !p2, p0  }
0x20: {  	[sflag:s8] =	ssyncset.s32 @!p0 $0xFFFFF086;
	s6 =	sadd.s32 @!p0 s3, s7;
	s7 =	simm.s32 @!p0 $0x108  }
0x21: {  	s3 =	sadd.s32 s3, s9;
	s6 =	sadd.s32 @!p0 $0x88, s6;
	s7 =	simm.s32 @p2 $0x1082  }
0x22: {  	[simem:s7], [sflag:s8] =	dma.local @!p0 [hbm:s6], $0xF7A  }
0x23: {  	s9 =	sor.u32 $0xD0000000, s2;
	s6 =	simm.s32 $0x108;
	_ =	swait.ge @!p0 [sflag:s8], $0x0  }
0x24: {  	s3 =	sadd.s32 $0x88, s3;
	s6 =	simm.s32 @!p1 $0x1082;
	[sflag:s4] =	ssyncset.s32 $0xFFFFF086  }
0x25: {  	[simem:s6], [sflag:s4] =	dma.local [hbm:s3], $0xF7A  }
0x26: {  	[smem:$0x3F9B] =	sst s1;
	(tag) =	ssettag s2;
	_ =	strace s9  }
0x27: {  	s1 =	sld [smem:$0x3FAB]  }
0x28: {  	s2 =	sld [smem:$0x3FAC]  }
0x29: {  	s4 =	sld [smem:$0x3FAE]  }
0x2a: {  	p0 =	seq.s32 s5, $0x0;
	s5 =	sld [smem:$0x3FAF]  }
0x2b: {  	s6 =	sld [smem:$0x3FB0]  }
0x2c: {  	s7 =	sld [smem:$0x3FB1]  }
0x2d: {  	s3 =	simm.s32 $0x108;
	s8 =	sld [smem:$0x3FB2]  }
0x2e: {  	s3 =	simm.s32 @!p0 $0x1082;
	s9 =	sld [smem:$0x3FB3]  }
0x2f: {  	lr =	sadd.s32 s0, s3;
	s0 =	sld [smem:$0x3FAA]  }
0x30: {  	s3 =	sld [smem:$0x3FAD]  }
0x31: {  	[smem:$0x3FB6] =	sst s10  }
0x32: {  	s10 =	sld [smem:$0x3FB4];
	_ =	sdelay $0x3  }
0x33: {  	p0 =	seq.s32 s10, $0x1;
	s10 =	sld [smem:$0x3FB6];
	_ =	sdelay $0x3  }
0x34: {  	[smem:$0x3FB6] =	sst s10  }
0x35: {  	s10 =	sld [smem:$0x3FB5];
	_ =	sdelay $0x3  }
0x36: {  	p1 =	seq.s32 s10, $0x1;
	s10 =	sld [smem:$0x3FB6];
	_ =	sdelay $0x3  }
0x37: {  	[smem:$0x3FB6] =	sst s10  }
0x38: {  	s10 =	sld [smem:$0x3FB7]  }
0x39: {  	_ = 	snop;
	(pc) =	sbr.ind lr, $3  }
0x3a: {  	_ = 	snop  }
0x3b: {  	_ = 	snop  }
0x3c: {  	p2 =	seq.s32 s10, $0x1;
	s10 =	sld [smem:$0x3FB6]  }
0x3d: {  	_ =	shalt  }
0x3e: {  	_ =	shalt  }
0x3f: {  	_ =	shalt  }
0x40: {  	_ =	shalt  }
0x41: {  	_ =	shalt  }
0x42: {  	_ =	shalt  }
0x43: {  	_ =	shalt  }
0x44: {  	_ =	shalt  }
0x45: {  	_ =	shalt  }
0x46: {  	_ =	shalt  }
0x47: {  	_ =	shalt  }
0x48: {  	_ =	shalt  }
0x49: {  	_ =	shalt  }
0x4a: {  	_ =	shalt  }
0x4b: {  	_ =	shalt  }
0x4c: {  	_ =	shalt  }
0x4d: {  	_ =	shalt  }
0x4e: {  	_ =	shalt  }
0x4f: {  	_ =	shalt  }
0x50: {  	_ =	shalt  }
0x51: {  	_ =	shalt  }
0x52: {  	_ =	shalt  }
0x53: {  	_ =	shalt  }
0x54: {  	_ =	shalt  }
0x55: {  	_ =	shalt  }
0x56: {  	_ =	shalt  }
0x57: {  	_ =	shalt  }
0x58: {  	_ =	shalt  }
0x59: {  	_ =	shalt  }
0x5a: {  	_ =	shalt  }
0x5b: {  	_ =	shalt  }
0x5c: {  	_ =	shalt  }
0x5d: {  	_ =	shalt  }
0x5e: {  	_ =	shalt  }
0x5f: {  	_ =	shalt  }
0x60: {  	_ =	shalt  }
0x61: {  	_ =	shalt  }
0x62: {  	_ =	shalt  }
0x63: {  	_ =	shalt  }
0x64: {  	_ =	shalt  }
0x65: {  	_ =	shalt  }
0x66: {  	_ =	shalt  }
0x67: {  	_ =	shalt  }
0x68: {  	_ =	shalt  }
0x69: {  	_ =	shalt  }
0x6a: {  	_ =	shalt  }
0x6b: {  	_ =	shalt  }
0x6c: {  	_ =	shalt  }
0x6d: {  	_ =	shalt  }
0x6e: {  	_ =	shalt  }
0x6f: {  	_ =	shalt  }
0x70: {  	_ =	shalt  }
0x71: {  	_ =	shalt  }
0x72: {  	_ =	shalt  }
0x73: {  	_ =	shalt  }
0x74: {  	_ =	shalt  }
0x75: {  	_ =	shalt  }
0x76: {  	_ =	shalt  }
0x77: {  	_ =	shalt  }
0x78: {  	_ =	shalt  }
0x79: {  	_ =	shalt  }
0x7a: {  	_ =	shalt  }
0x7b: {  	_ =	shalt  }
0x7c: {  	_ =	shalt  }
0x7d: {  	_ =	shalt  }
0x7e: {  	_ =	shalt  }
0x7f: {  	_ =	shalt  }
0x80: {  	_ =	shalt  }
0x81: {  	_ =	shalt  }
0x82: {  	_ =	shalt  }
0x83: {  	_ =	shalt  }
0x84: {  	_ =	shalt  }
0x85: {  	_ =	shalt  }
0x86: {  	_ =	shalt  }
0x87: {  	_ =	shalt  }
.Lfunc_end0:
.L_simem_size_0:
called_computation.1_lowered:
.L_overlay_start_0:
0x88: {  	s2 =	sld [smem:$0x3FD9]  }
0x89: {  	s3 =	sld [smem:$0x3FFE];
	_ =	sdelay $0x1  }
0x8a: {  	s1 =	srdreg.scid  }
0x8b: {  	s0 =	sand.u32 $0x1, s1  }
0x8c: {  	s16 =	sshll.u32 s0, $0xA;
	s2 =	sadd.s32 s3, s2  }
0x8d: {  	s2 =	sadd.s32 s2, s16  }
0x8e: {  	[smem:$0x3FC2] =	sst s2  }
0x8f: {  	_ = 	snop  }
0x90: {  	(tm) =	ssettm $0x1  }
0x91: {  	s17 =	sld [smem:$0x3FFB];
	_ =	sdelay $0x3  }
0x92: {  	_ =	strace s17  }
0x93: {  	s2 =	sld [smem:$0x3FFC];
	_ =	sdelay $0x3  }
0x94: {  	_ =	strace s2  }
0x95: {  	s2 =	sld [smem:$0x3FFD];
	_ =	sdelay $0x3  }
0x96: {  	_ =	strace s2  }
0x97: {  	_ =	strace $0x8FFFFFFF  }
0x98: {  	s18 =	sld [smem:$0x3FDB];
	_ =	sdelay $0x1  }
0x99: {  	s19 =	simm.s32 $_scs_section_size  }
0x9a: {  	s4 =	simm.s32 $_size__tile_overlayer_lowered;
	s5 =	simm.s32 $_tile_overlayer_lowered  }
0x9b: {  	s22 =	simm.s32 $0x1BFF;
	s21 =	sshll.u32 s5, $0x1;
	s2 =	sadd.s32 s19, s18  }
0x9c: {  	s6 =	simm.s32 $0x0;
	s20 =	sshll.u32 s4, $0x1;
	s4 =	sadd.s32 s21, s2  }
0x9d: {  	[timem:s6], [sflag:s22] =	dma.local [hbm:s4], s20  }
0x9e: {  	_ =	swait.ge [sflag:s22], s20  }
0x9f: {  	s3 =	ssub.s32 $0x0, s20;
	[sflag:s22] =	ssyncset.done $0x0  }
0xa0: {  	[sflag:s22] =	ssyncadd.s32 s3;
	_ =	sdelay $0x1  }
0xa1: {  	s23 =	simm.s32 $0x1B8B  }
0xa2: {  	_ =	swait.ge [sflag:s23], $0x1  }
0xa3: {  	[sflag:s23] =	ssyncset.done $0x0  }
0xa4: {  	s25 =	simm.s32 $0x1B8E;
	s24 =	sld [smem:$0x3FFE];
	[sflag:s23] =	ssyncadd.s32 $0xFFFFFFFF  }
0xa5: {  	s26 =	simm.s32 $execute0_lowered;
	[smem:$0x3FD2] =	sst s25  }
0xa6: {  	s4 =	sshll.u32 s26, $0x1;
	_ =	strace $0x80000049;
	[dreg:$0x1] =	wrdreg $0xFFFFFFFF  }
0xa7: {  	s28 =	simm.s32 $_size_execute0_lowered;
	s2 =	sadd.s32 s2, s4;
	[dreg:$0x0] =	wrdreg $0x0  }
0xa8: {  	s4 =	sshll.u32 s28, $0x1;
	[dreg:$0x2] =	wrdreg s2  }
0xa9: {  	[dreg:$0x3] =	wrdreg s4  }
0xaa: {  	[dreg:$0x4] =	wrdreg $0xC0  }
0xab: {  	_ =	task [dreg:s6], $0x5FFFF  }
0xac: {  	[dreg:$0x1] =	wrdreg $0xFFFFFFFF  }
0xad: {  	[dreg:$0x0] =	wrdreg $0x60  }
0xae: {  	[dreg:$0x2] =	wrdreg s24  }
0xaf: {  	[dreg:$0x3] =	wrdreg $0x0  }
0xb0: {  	[dreg:$0x4] =	wrdreg $0x9  }
0xb1: {  	_ =	task.clear_ibuf [dreg:s6], $0x5FFFF;
	_ =	strace $0x90000049  }
0xb2: {  	s29 =	simm.s32 $0x9;
	_ =	strace $0x8000004B  }
0xb3: {  	_ =	swait.ge [sflag:s29], $0x1  }
0xb4: {  	[sflag:s29] =	ssyncadd.s32 $0xFFFFFFFF  }
0xb5: {  	_ =	strace $0x9000004B  }
0xb6: {  	_ =	sfence  }
0xb7: {  	s30 =	sld [smem:$0x0];
	_ =	sdelay $0x2  }
0xb8: {  	s31 =	sshll.u32 s1, $0xD;
	s1 =	sshrl.u32 s1, $0x2  }
0xb9: {  	s3 =	sand.u32 $0x4000, s31;
	s1 =	sadd.s32 s1, s30  }
0xba: {  	s0 =	sor.u32 s3, s0;
	s1 =	sshll.u32 s1, $0x11  }
0xbb: {  	s0 =	sor.u32 s1, s0  }
0xbc: {  	s0 =	sadd.s32 $0x8F2B, s0  }
0xbd: {  	[sflag:s0] =	ssyncadd.remote.s32 $0x1  }
0xbe: {  	_ =	sfence.sel $0xFFFF  }
0xbf: {  	[dreg:$0x0] =	wrdreg $0xFFFFFFFF;
	(pc) =	sbr.abs _section_cstart, $3  }
0xc0: {  	[dreg:$0x1] =	wrdreg $0xFFFFFFFF  }
0xc1: {  	_ =	task.clear_ibuf [dreg:s6], $0x2FFFF;
	_ =	strace $0x9FFFFFFF  }
0xc2: {  	(tm) =	ssettm $0x7FFFFFFF  }
0xc3: {  	_ =	shalt  }
tec
execute0_lowered:
.L_overlay_start_1:
0x0: {  	(tag) =	ssettag $0x1  }
0x1: {  	s5 =	stileid.u32  }
0x2: {  	s0 =	rddreg [dreg:$0x0];
	s3 =	smul.u32 $0x50000, s5  }
0x3: {  	s1 =	rddreg [dreg:$0x1];
	s2 =	simm.s32 $0x0;
	s24 =	srdreg.scid  }
0x4: {  	[smem:$0x7FF] =	sst s2;
	s6 =	sadd.s32 $0x2B200, s0;
	s3 =	sshrl.u32 s3, $0x2  }
0x5: {  	_ =	strace $0x8000004A;
	[dreg:$0x3] =	wrdreg s6;
	s12 =	sadd.s32 s3, s1  }
0x6: {  	s2 =	sand.u32 $0x1, s24;
	s3 =	sadd.s32 $0x1000, s12;
	[dreg:$0x4] =	wrdreg s12  }
0x7: {  	s8 =	ssub.s32 $0x2, s2;
	s26 =	sadd.s32 $0x2000, s12;
	[dreg:$0x5] =	wrdreg s3  }
0x8: {  	s9 =	sshrl.u32 s8, $0x1;
	s29 =	sadd.s32 $0x3000, s12;
	[dreg:$0x6] =	wrdreg s26  }
0x9: {  	s25 =	ssub.s32 s8, s9;
	s8 =	sadd.s32 $0x4000, s12;
	[dreg:$0x7] =	wrdreg s29  }
0xa: {  	s9 =	sadd.s32 $0x5000, s12;
	[dreg:$0x8] =	wrdreg s8  }
0xb: {  	s31 =	simm.s32 $0x18000;
	s10 =	sadd.s32 $0x6000, s12;
	[dreg:$0x9] =	wrdreg s9  }
0xc: {  	s28 =	simm.s32 $0x8;
	s11 =	sadd.s32 $0x7000, s12;
	[dreg:$0xa] =	wrdreg s10  }
0xd: {  	s30 =	simm.s32 $0x0;
	s13 =	sadd.s32 $0x8000, s12;
	[dreg:$0xb] =	wrdreg s11  }
0xe: {  	s4 =	sadd.s32 $0x53200, s0;
	s14 =	sadd.s32 $0x9000, s12;
	[dreg:$0xc] =	wrdreg s13  }
0xf: {  	s19 =	smul.u32 $0x2800, s5;
	s15 =	sadd.s32 $0xA000, s12;
	[dreg:$0xd] =	wrdreg s14  }
0x10: {  	s7 =	smul.u32 $0x28000, s2;
	s16 =	sadd.s32 $0xB000, s12;
	[dreg:$0xe] =	wrdreg s15  }
0x11: {  	s6 =	sadd.s32 $0x2C00, s0;
	s17 =	sadd.s32 $0xC000, s12;
	[dreg:$0xf] =	wrdreg s16  }
0x12: {  	p0 =	seq.s32 s2, $0x0;
	s18 =	sadd.s32 $0xD000, s12;
	[dreg:$0x10] =	wrdreg s17  }
0x13: {  	s2 =	simm.s32 $0x14000;
	s20 =	sadd.s32 $0xE000, s12;
	[dreg:$0x11] =	wrdreg s18  }
0x14: {  	s0 =	sadd.s32 s7, s0;
	s22 =	sadd.s32 $0xF000, s12;
	[dreg:$0x12] =	wrdreg s20  }
0x15: {  	s0 =	sadd.s32 $0x7B200, s0;
	s23 =	smax.u32 s25, $0x1;
	[dreg:$0x14] =	wrdreg s22  }
0x16: {  	s24 =	sadd.s32 $0x10000, s12;
	s25 =	sadd.s32 $0x11000, s12;
	[dreg:$0x15] =	wrdreg s23  }
0x17: {  	s3 =	smul.u32 $0xA000, s5;
	s0 =	sadd.s32 s19, s0;
	[dreg:$0x16] =	wrdreg s24  }
0x18: {  	[dreg:$0x17] =	wrdreg s25;
	s26 =	sadd.s32 $0x12000, s12;
	s29 =	sadd.s32 $0x13000, s12  }
0x19: {  	s8 =	simm.s32 $0x20;
	s10 =	simm.s32 $0x19000;
	s14 =	simm.s32 $0x1B000  }
.Ltmp0:
0x1a: {  	s18 =	simm.s32 $0x1D000;
	s20 =	simm.s32 $0x1E000;
	(pc) =	sbr.rel .LBB2_1-.Ltmp0, $4  }
0x1b: {  	s22 =	simm.s32 $0x1;
	s23 =	simm.s32 $0x1F000;
	[dreg:$0x13] =	wrdreg s0  }
0x1c: {  	s24 =	simm.s32 $0x2;
	s25 =	simm.s32 $0x4;
	[dreg:$0x18] =	wrdreg s26  }
0x1d: {  	s5 =	simm.s32 $0x0;
	[dreg:$0x19] =	wrdreg s29;
	s21 =	sadd.s32 $0xA0000, s3  }
0x1e: {  	v0 =	vimm.f32 $0.0e+00;
	s0 =	simm.s32 $0x9;
	s26 =	simm.s32 $0x6;
	s21 =	smov.u32 @p0 s3  }
.LBB2_8:
0x1f: {  	s3 =	stileid.u32;
	[bflag:$0x0] =	sbarrier.arrive $0xFFFF  }
0x20: {  	s3 =	sshll.u32 s3, $0x6;
	s12 =	rddreg [dreg:$0x4]  }
0x21: {  	s7 =	rddreg [dreg:$0x13];
	s3 =	sor.u32 $0x1C09, s3;
	s5 =	sshrl.u32 s12, $0x3  }
0x22: {  	[hbm:s7], [sflag:s3] =	dma.local [spmem:s5], $0x2800  }
0x23: {  	_ =	swait.ge [sflag:s0], $0x2800  }
0x24: {  	s19 =	rddreg [dreg:$0x1a]  }
0x25: {  	s29 =	rddreg [dreg:$0x15];
	s5 =	sadd.s32 $0x1, s19  }
0x26: {  	p0 =	sne.s32 s5, s29  }
.Ltmp1:
0x27: {  	_ = 	snop;
	(pc) =	sbr.rel @!p0 .LBB2_9-.Ltmp1, $3  }
0x28: {  	_ =	sdelay $0x1  }
0x29: {  	[sflag:s0] =	ssyncset.done $0x0  }
0x2a: {  	[sflag:s0] =	ssyncadd.s32 $0xFFFFD800  }
.LBB2_1:
0x2b: {  	s29 =	simm.s32 $0x0  }
0x2c: {  	s3 =	sand.u32 $0x3E00, s29  }
0x2d: {  	[dreg:$0x1a] =	wrdreg s5;
	s7 =	sand.u32 $0x70, s29;
	s9 =	sshrl.u32 s3, $0x2  }
0x2e: {  	s3 =	simm.s32 $0x40;
	s9 =	sor.u32 s7, s9;
	s7 =	simm.s32 $0x0  }
.LBB2_2:
0x2f: {  	p0 =	sne.s32 s3, $0x3FC0  }
0x30: {  	[tilespmem:s9+$0x18000] =	vst v0;
	s7 =	sadd.s32 $0x10, s7;
	s9 =	smov.u32 s3;
	s3 =	sadd.s32 $0x40, s3  }
.Ltmp2:
0x31: {  	(pc) =	sbr.rel @p0 .LBB2_2-.Ltmp2, $4  }
0x32: {  	_ = 	snop  }
0x33: {  	s9 =	sand.u32 $0x3E00, s9  }
0x34: {  	s11 =	sand.u32 $0x70, s7;
	s9 =	sshrl.u32 s9, $0x2  }
0x35: {  	s9 =	sor.u32 s11, s9  }
0x36: {  	[tilespmem:s9+$0x18000] =	vst v0  }
0x37: {  	[spmem:s12] =	stream.linear.scatter [tilespmem:s31], [sflag:$0x9], $0x1000, $0x38;
	v63 =	vld [tilespmem:$0x0]  }
0x38: {  	_ =	swait.ge [sflag:s0], $0x1000  }
0x39: {  	[sflag:s0] =	ssyncset.done $0x0  }
0x3a: {  	s3 =	rddreg [dreg:$0x5];
	[sflag:s0] =	ssyncadd.s32 $0xFFFFF000  }
0x3b: {  	[spmem:s3] =	stream.linear.scatter [tilespmem:s31], [sflag:$0x9], $0x1000, $0x38;
	v63 =	vld [tilespmem:$0x0]  }
0x3c: {  	_ =	swait.ge [sflag:s0], $0x1000  }
0x3d: {  	[sflag:s0] =	ssyncset.done $0x0  }
0x3e: {  	s12 =	rddreg [dreg:$0x6];
	[sflag:s0] =	ssyncadd.s32 $0xFFFFF000  }
0x3f: {  	[spmem:s12] =	stream.linear.scatter [tilespmem:s31], [sflag:$0x9], $0x1000, $0x38;
	v63 =	vld [tilespmem:$0x0]  }
0x40: {  	_ =	swait.ge [sflag:s0], $0x1000  }
0x41: {  	[sflag:s0] =	ssyncset.done $0x0  }
0x42: {  	s13 =	rddreg [dreg:$0x7];
	[sflag:s0] =	ssyncadd.s32 $0xFFFFF000  }
0x43: {  	[spmem:s13] =	stream.linear.scatter [tilespmem:s31], [sflag:$0x9], $0x1000, $0x38;
	v63 =	vld [tilespmem:$0x0]  }
0x44: {  	_ =	swait.ge [sflag:s0], $0x1000  }
0x45: {  	[sflag:s0] =	ssyncset.done $0x0  }
0x46: {  	s15 =	rddreg [dreg:$0x8];
	[sflag:s0] =	ssyncadd.s32 $0xFFFFF000  }
0x47: {  	[spmem:s15] =	stream.linear.scatter [tilespmem:s31], [sflag:$0x9], $0x1000, $0x38;
	v63 =	vld [tilespmem:$0x0]  }
0x48: {  	_ =	swait.ge [sflag:s0], $0x1000  }
0x49: {  	[sflag:s0] =	ssyncset.done $0x0  }
0x4a: {  	s16 =	rddreg [dreg:$0x9];
	[sflag:s0] =	ssyncadd.s32 $0xFFFFF000  }
0x4b: {  	[spmem:s16] =	stream.linear.scatter [tilespmem:s31], [sflag:$0x9], $0x1000, $0x38;
	v63 =	vld [tilespmem:$0x0]  }
0x4c: {  	_ =	swait.ge [sflag:s0], $0x1000  }
0x4d: {  	[sflag:s0] =	ssyncset.done $0x0  }
0x4e: {  	s17 =	rddreg [dreg:$0xa];
	[sflag:s0] =	ssyncadd.s32 $0xFFFFF000  }
0x4f: {  	[spmem:s17] =	stream.linear.scatter [tilespmem:s31], [sflag:$0x9], $0x1000, $0x38;
	v63 =	vld [tilespmem:$0x0]  }
0x50: {  	_ =	swait.ge [sflag:s0], $0x1000  }
0x51: {  	[sflag:s0] =	ssyncset.done $0x0  }
0x52: {  	s19 =	rddreg [dreg:$0xb];
	[sflag:s0] =	ssyncadd.s32 $0xFFFFF000  }
0x53: {  	[spmem:s19] =	stream.linear.scatter [tilespmem:s31], [sflag:$0x9], $0x1000, $0x38;
	v63 =	vld [tilespmem:$0x0]  }
0x54: {  	_ =	swait.ge [sflag:s0], $0x1000  }
0x55: {  	[sflag:s0] =	ssyncset.done $0x0  }
0x56: {  	s29 =	rddreg [dreg:$0xc];
	[sflag:s0] =	ssyncadd.s32 $0xFFFFF000  }
0x57: {  	[spmem:s29] =	stream.linear.scatter [tilespmem:s31], [sflag:$0x9], $0x1000, $0x38;
	v63 =	vld [tilespmem:$0x0]  }
0x58: {  	_ =	swait.ge [sflag:s0], $0x1000  }
0x59: {  	[sflag:s0] =	ssyncset.done $0x0  }
0x5a: {  	s5 =	rddreg [dreg:$0xd];
	[sflag:s0] =	ssyncadd.s32 $0xFFFFF000  }
0x5b: {  	[spmem:s5] =	stream.linear.scatter [tilespmem:s31], [sflag:$0x9], $0x1000, $0x38;
	v63 =	vld [tilespmem:$0x0]  }
0x5c: {  	_ =	swait.ge [sflag:s0], $0x1000  }
0x5d: {  	[sflag:s0] =	ssyncset.done $0x0  }
0x5e: {  	s7 =	rddreg [dreg:$0xe];
	[sflag:s0] =	ssyncadd.s32 $0xFFFFF000  }
0x5f: {  	[spmem:s7] =	stream.linear.scatter [tilespmem:s31], [sflag:$0x9], $0x1000, $0x38;
	v63 =	vld [tilespmem:$0x0]  }
0x60: {  	_ =	swait.ge [sflag:s0], $0x1000  }
0x61: {  	[sflag:s0] =	ssyncset.done $0x0  }
0x62: {  	s9 =	rddreg [dreg:$0xf];
	[sflag:s0] =	ssyncadd.s32 $0xFFFFF000  }
0x63: {  	[spmem:s9] =	stream.linear.scatter [tilespmem:s31], [sflag:$0x9], $0x1000, $0x38;
	v63 =	vld [tilespmem:$0x0]  }
0x64: {  	_ =	swait.ge [sflag:s0], $0x1000  }
0x65: {  	[sflag:s0] =	ssyncset.done $0x0  }
0x66: {  	s11 =	rddreg [dreg:$0x10];
	[sflag:s0] =	ssyncadd.s32 $0xFFFFF000  }
0x67: {  	[spmem:s11] =	stream.linear.scatter [tilespmem:s31], [sflag:$0x9], $0x1000, $0x38;
	v63 =	vld [tilespmem:$0x0]  }
0x68: {  	_ =	swait.ge [sflag:s0], $0x1000  }
0x69: {  	[sflag:s0] =	ssyncset.done $0x0  }
0x6a: {  	s12 =	rddreg [dreg:$0x11];
	[sflag:s0] =	ssyncadd.s32 $0xFFFFF000  }
0x6b: {  	[spmem:s12] =	stream.linear.scatter [tilespmem:s31], [sflag:$0x9], $0x1000, $0x38;
	v63 =	vld [tilespmem:$0x0]  }
0x6c: {  	_ =	swait.ge [sflag:s0], $0x1000  }
0x6d: {  	[sflag:s0] =	ssyncset.done $0x0  }
0x6e: {  	s13 =	rddreg [dreg:$0x12];
	[sflag:s0] =	ssyncadd.s32 $0xFFFFF000  }
0x6f: {  	[spmem:s13] =	stream.linear.scatter [tilespmem:s31], [sflag:$0x9], $0x1000, $0x38;
	v63 =	vld [tilespmem:$0x0]  }
0x70: {  	_ =	swait.ge [sflag:s0], $0x1000  }
0x71: {  	[sflag:s0] =	ssyncset.done $0x0  }
0x72: {  	s15 =	rddreg [dreg:$0x14];
	[sflag:s0] =	ssyncadd.s32 $0xFFFFF000  }
0x73: {  	[spmem:s15] =	stream.linear.scatter [tilespmem:s31], [sflag:$0x9], $0x1000, $0x38;
	v63 =	vld [tilespmem:$0x0]  }
0x74: {  	_ =	swait.ge [sflag:s0], $0x1000  }
0x75: {  	[sflag:s0] =	ssyncset.done $0x0  }
0x76: {  	s16 =	rddreg [dreg:$0x16];
	[sflag:s0] =	ssyncadd.s32 $0xFFFFF000  }
0x77: {  	[spmem:s16] =	stream.linear.scatter [tilespmem:s31], [sflag:$0x9], $0x1000, $0x38;
	v63 =	vld [tilespmem:$0x0]  }
0x78: {  	_ =	swait.ge [sflag:s0], $0x1000  }
0x79: {  	[sflag:s0] =	ssyncset.done $0x0  }
0x7a: {  	s17 =	rddreg [dreg:$0x17];
	[sflag:s0] =	ssyncadd.s32 $0xFFFFF000  }
0x7b: {  	[spmem:s17] =	stream.linear.scatter [tilespmem:s31], [sflag:$0x9], $0x1000, $0x38;
	v63 =	vld [tilespmem:$0x0]  }
0x7c: {  	_ =	swait.ge [sflag:s0], $0x1000  }
0x7d: {  	[sflag:s0] =	ssyncset.done $0x0  }
0x7e: {  	s19 =	rddreg [dreg:$0x18];
	[sflag:s0] =	ssyncadd.s32 $0xFFFFF000  }
0x7f: {  	[spmem:s19] =	stream.linear.scatter [tilespmem:s31], [sflag:$0x9], $0x1000, $0x38;
	v63 =	vld [tilespmem:$0x0]  }
0x80: {  	_ =	swait.ge [sflag:s0], $0x1000  }
0x81: {  	[sflag:s0] =	ssyncset.done $0x0  }
0x82: {  	s29 =	rddreg [dreg:$0x19];
	[sflag:s0] =	ssyncadd.s32 $0xFFFFF000  }
0x83: {  	[spmem:s29] =	stream.linear.scatter [tilespmem:s31], [sflag:$0x9], $0x1000, $0x38;
	v63 =	vld [tilespmem:$0x0]  }
.Ltmp3:
0x84: {  	_ =	swait.ge [sflag:s0], $0x1000;
	(pc) =	sbr.rel .LBB2_4-.Ltmp3, $4  }
0x85: {  	[sflag:s0] =	ssyncset.done $0x0  }
0x86: {  	[sflag:s0] =	ssyncadd.s32 $0xFFFFF000  }
0x87: {  	[bflag:$0x0] =	sbarrier.arrive $0xFFFF  }
0x88: {  	s7 =	simm.s32 $0x0  }
.LBB2_7:
0x89: {  	s7 =	sadd.s32 $0x1, s7  }
0x8a: {  	p0 =	sne.s32 s7, $0x5  }
.Ltmp4:
0x8b: {  	_ = 	snop;
	(pc) =	sbr.rel @!p0 .LBB2_8-.Ltmp4, $1  }
0x8c: {  	_ =	sdelay $0x3  }
.LBB2_4:
0x8d: {  	s3 =	sshll.u32 s7, $0xD  }
0x8e: {  	s3 =	sadd.s32 s21, s3  }
0x8f: {  	s5 =	rddreg [dreg:$0x3];
	s3 =	sshrl.u32 s3, $0x3  }
0x90: {  	s9 =	sadd.s32 s5, s3  }
0x91: {  	[tilespmem:s2], [sflag:$0x9] =	stream.linear.gather [hbm4b:s9+s30], $0x2000, $0x38;
	v63 =	vld [tilespmem:$0x0]  }
0x92: {  	_ =	swait.ge [sflag:s0], $0x2000  }
0x93: {  	[sflag:s0] =	ssyncset.done $0x0  }
0x94: {  	s19 =	simm.s32 $0x16000;
	s3 =	sadd.s32 s6, s3;
	[sflag:s0] =	ssyncadd.s32 $0xFFFFE000  }
0x95: {  	[tilespmem:s19], [sflag:$0x9] =	stream.linear.gather [hbm4b:s3+s30], $0x2000, $0x38;
	v63 =	vld [tilespmem:$0x0]  }
0x96: {  	_ =	swait.ge [sflag:s0], $0x2000  }
0x97: {  	[sflag:s0] =	ssyncset.done $0x0  }
0x98: {  	[sflag:s0] =	ssyncadd.s32 $0xFFFFE000  }
0x99: {  	[tilespmem:s31], [sflag:$0x1] =	stream.indirect.gather [hbm4b:s4+s8], $0x80, s2, s8, $0xb8;
	v63 =	vld [tilespmem:$0x0]  }
0x9a: {  	s9 =	simm.s32 $0x14080  }
0x9b: {  	[tilespmem:s10], [sflag:$0x2] =	stream.indirect.gather [hbm4b:s4+s8], $0x80, s9, s8, $0xb8;
	v63 =	vld [tilespmem:$0x0]  }
0x9c: {  	s11 =	simm.s32 $0x14100;
	s12 =	simm.s32 $0x1A000  }
0x9d: {  	[tilespmem:s12], [sflag:$0x3] =	stream.indirect.gather [hbm4b:s4+s8], $0x80, s11, s8, $0xb8;
	v63 =	vld [tilespmem:$0x0]  }
0x9e: {  	s13 =	simm.s32 $0x14180  }
0x9f: {  	[tilespmem:s14], [sflag:$0x4] =	stream.indirect.gather [hbm4b:s4+s8], $0x80, s13, s8, $0xb8;
	v63 =	vld [tilespmem:$0x0]  }
0xa0: {  	s15 =	simm.s32 $0x14200;
	s16 =	simm.s32 $0x1C000  }
0xa1: {  	[tilespmem:s16], [sflag:$0x5] =	stream.indirect.gather [hbm4b:s4+s8], $0x80, s15, s8, $0xb8;
	v63 =	vld [tilespmem:$0x0]  }
0xa2: {  	s17 =	simm.s32 $0x14280  }
0xa3: {  	[tilespmem:s18], [sflag:$0x6] =	stream.indirect.gather [hbm4b:s4+s8], $0x80, s17, s8, $0xb8;
	v63 =	vld [tilespmem:$0x0]  }
0xa4: {  	s29 =	simm.s32 $0x0;
	s19 =	simm.s32 $0x14300  }
0xa5: {  	[tilespmem:s20], [sflag:$0x7] =	stream.indirect.gather [hbm4b:s4+s8], $0x80, s19, s8, $0xb8;
	v63 =	vld [tilespmem:$0x0]  }
.LBB2_5:
0xa6: {  	_ =	swait.ge [sflag:s22], $0x1000  }
0xa7: {  	s3 =	sshra.s32 s29, $0x2;
	[sflag:s22] =	ssyncset.done $0x0  }
0xa8: {  	s9 =	sadd.s32 $0x16000, s3;
	[sflag:s22] =	ssyncadd.s32 $0xFFFFF000  }
0xa9: {  	[spmem:s1] =	stream.indirect.scatter.add.f32 [tilespmem:s31], [sflag:$0x9], $0x80, s9, s8, $0xb8;
	v63 =	vld [tilespmem:$0x0]  }
0xaa: {  	_ =	swait.ge [sflag:s0], $0x1000  }
0xab: {  	[sflag:s0] =	ssyncset.done $0x0  }
0xac: {  	s16 =	sadd.s32 $0x14380, s3;
	[sflag:s0] =	ssyncadd.s32 $0xFFFFF000  }
0xad: {  	[tilespmem:s23], [sflag:$0x8] =	stream.indirect.gather [hbm4b:s4+s8], $0x80, s16, s8, $0xb8;
	v63 =	vld [tilespmem:$0x0]  }
0xae: {  	_ =	swait.ge [sflag:s24], $0x1000  }
0xaf: {  	[sflag:s24] =	ssyncset.done $0x0  }
0xb0: {  	s17 =	sadd.s32 $0x16080, s3;
	[sflag:s24] =	ssyncadd.s32 $0xFFFFF000  }
0xb1: {  	[spmem:s1] =	stream.indirect.scatter.add.f32 [tilespmem:s10], [sflag:$0x9], $0x80, s17, s8, $0xb8;
	v63 =	vld [tilespmem:$0x0]  }
0xb2: {  	_ =	swait.ge [sflag:s0], $0x1000  }
0xb3: {  	p0 =	seq.s32 s29, $0x7000;
	[sflag:s0] =	ssyncset.done $0x0  }
0xb4: {  	s9 =	simm.s32 @p0 $0x3;
	[sflag:s0] =	ssyncadd.s32 $0xFFFFF000  }
0xb5: {  	s12 =	sshra.s32 @p0 s29, $0x2;
	_ =	swait.ge @p0 [sflag:s9], $0x1000  }
0xb6: {  	s13 =	simm.s32 @p0 $0x20;
	s11 =	simm.s32 @p0 $0x1A000;
	[sflag:s9] =	ssyncset.done @p0 $0x0  }
0xb7: {  	s15 =	simm.s32 @p0 $0x9;
	[sflag:s9] =	ssyncadd.s32 @p0 $0xFFFFF000;
	s9 =	sadd.s32 @p0 $0x16100, s12  }
0xb8: {  	[spmem:s1] =	stream.indirect.scatter.add.f32 @p0 [tilespmem:s11], [sflag:$0x9], $0x80, s9, s13, $0xb8;
	v63 =	vld [tilespmem:$0x0]  }
0xb9: {  	_ =	swait.ge @p0 [sflag:s15], $0x1000  }
0xba: {  	s17 =	simm.s32 @!p0 $0x18000;
	s9 =	sshra.s32 @!p0 s29, $0x2;
	[sflag:s15] =	ssyncset.done @p0 $0x0  }
0xbb: {  	s11 =	simm.s32 @!p0 $0x20;
	s16 =	sadd.s32 @!p0 $0x14400, s9;
	[sflag:s15] =	ssyncadd.s32 @p0 $0xFFFFF000  }
0xbc: {  	[tilespmem:s17], [sflag:$0x1] =	stream.indirect.gather @!p0 [hbm4b:s4+s11], $0x80, s16, s11, $0xb8;
	v63 =	vld [tilespmem:$0x0]  }
0xbd: {  	s16 =	simm.s32 @!p0 $0x3  }
0xbe: {  	_ =	swait.ge @!p0 [sflag:s16], $0x1000  }
0xbf: {  	[sflag:s16] =	ssyncset.done @!p0 $0x0  }
0xc0: {  	s17 =	simm.s32 @!p0 $0x1A000;
	[sflag:s16] =	ssyncadd.s32 @!p0 $0xFFFFF000;
	s16 =	sadd.s32 @!p0 $0x16100, s9  }
0xc1: {  	[spmem:s1] =	stream.indirect.scatter.add.f32 @!p0 [tilespmem:s17], [sflag:$0x9], $0x80, s16, s11, $0xb8;
	v63 =	vld [tilespmem:$0x0]  }
0xc2: {  	s16 =	simm.s32 @!p0 $0x9  }
0xc3: {  	_ =	swait.ge @!p0 [sflag:s16], $0x1000  }
0xc4: {  	[sflag:s16] =	ssyncset.done @!p0 $0x0  }
0xc5: {  	s5 =	simm.s32 @!p0 $0x19000;
	s19 =	sadd.s32 @!p0 $0x14480, s9;
	[sflag:s16] =	ssyncadd.s32 @!p0 $0xFFFFF000  }
0xc6: {  	[tilespmem:s5], [sflag:$0x2] =	stream.indirect.gather @!p0 [hbm4b:s4+s11], $0x80, s19, s11, $0xb8;
	v63 =	vld [tilespmem:$0x0]  }
0xc7: {  	_ =	swait.ge [sflag:s25], $0x1000  }
0xc8: {  	[sflag:s25] =	ssyncset.done $0x0  }
0xc9: {  	s19 =	sadd.s32 $0x16180, s3;
	[sflag:s25] =	ssyncadd.s32 $0xFFFFF000  }
0xca: {  	[spmem:s1] =	stream.indirect.scatter.add.f32 [tilespmem:s14], [sflag:$0x9], $0x80, s19, s8, $0xb8;
	v63 =	vld [tilespmem:$0x0]  }
0xcb: {  	_ =	swait.ge [sflag:s0], $0x1000  }
0xcc: {  	[sflag:s0] =	ssyncset.done $0x0  }
0xcd: {  	s5 =	simm.s32 @p0 $0x5;
	[sflag:s0] =	ssyncadd.s32 $0xFFFFF000  }
0xce: {  	_ =	swait.ge @p0 [sflag:s5], $0x1000  }
0xcf: {  	[sflag:s5] =	ssyncset.done @p0 $0x0  }
0xd0: {  	s19 =	simm.s32 @p0 $0x1C000;
	[sflag:s5] =	ssyncadd.s32 @p0 $0xFFFFF000;
	s5 =	sadd.s32 @p0 $0x16200, s12  }
0xd1: {  	[spmem:s1] =	stream.indirect.scatter.add.f32 @p0 [tilespmem:s19], [sflag:$0x9], $0x80, s5, s13, $0xb8;
	v63 =	vld [tilespmem:$0x0]  }
0xd2: {  	_ =	swait.ge @p0 [sflag:s15], $0x1000  }
0xd3: {  	[sflag:s15] =	ssyncset.done @p0 $0x0  }
0xd4: {  	s5 =	sadd.s32 @!p0 $0x14500, s9;
	[sflag:s15] =	ssyncadd.s32 @p0 $0xFFFFF000  }
0xd5: {  	[tilespmem:s17], [sflag:$0x3] =	stream.indirect.gather @!p0 [hbm4b:s4+s11], $0x80, s5, s11, $0xb8;
	v63 =	vld [tilespmem:$0x0]  }
0xd6: {  	s5 =	simm.s32 @!p0 $0x5  }
0xd7: {  	_ =	swait.ge @!p0 [sflag:s5], $0x1000  }
0xd8: {  	[sflag:s5] =	ssyncset.done @!p0 $0x0  }
0xd9: {  	s17 =	simm.s32 @!p0 $0x1C000;
	[sflag:s5] =	ssyncadd.s32 @!p0 $0xFFFFF000;
	s5 =	sadd.s32 @!p0 $0x16200, s9  }
0xda: {  	[spmem:s1] =	stream.indirect.scatter.add.f32 @!p0 [tilespmem:s17], [sflag:$0x9], $0x80, s5, s11, $0xb8;
	v63 =	vld [tilespmem:$0x0]  }
0xdb: {  	_ =	swait.ge @!p0 [sflag:s16], $0x1000  }
0xdc: {  	[sflag:s16] =	ssyncset.done @!p0 $0x0  }
0xdd: {  	s19 =	simm.s32 @!p0 $0x1B000;
	s5 =	sadd.s32 @!p0 $0x14580, s9;
	[sflag:s16] =	ssyncadd.s32 @!p0 $0xFFFFF000  }
0xde: {  	[tilespmem:s19], [sflag:$0x4] =	stream.indirect.gather @!p0 [hbm4b:s4+s11], $0x80, s5, s11, $0xb8;
	v63 =	vld [tilespmem:$0x0]  }
0xdf: {  	_ =	swait.ge [sflag:s26], $0x1000  }
0xe0: {  	[sflag:s26] =	ssyncset.done $0x0  }
0xe1: {  	s19 =	sadd.s32 $0x16280, s3;
	[sflag:s26] =	ssyncadd.s32 $0xFFFFF000  }
0xe2: {  	[spmem:s1] =	stream.indirect.scatter.add.f32 [tilespmem:s18], [sflag:$0x9], $0x80, s19, s8, $0xb8;
	v63 =	vld [tilespmem:$0x0]  }
0xe3: {  	_ =	swait.ge [sflag:s0], $0x1000  }
0xe4: {  	[sflag:s0] =	ssyncset.done $0x0  }
0xe5: {  	s5 =	simm.s32 @p0 $0x7;
	[sflag:s0] =	ssyncadd.s32 $0xFFFFF000  }
0xe6: {  	_ =	swait.ge @p0 [sflag:s5], $0x1000  }
0xe7: {  	[sflag:s5] =	ssyncset.done @p0 $0x0  }
0xe8: {  	[sflag:s5] =	ssyncadd.s32 @p0 $0xFFFFF000;
	s5 =	sadd.s32 @p0 $0x16300, s12;
	s12 =	simm.s32 @p0 $0x1E000  }
0xe9: {  	[spmem:s1] =	stream.indirect.scatter.add.f32 @p0 [tilespmem:s12], [sflag:$0x9], $0x80, s5, s13, $0xb8;
	v63 =	vld [tilespmem:$0x0]  }
0xea: {  	_ =	swait.ge @p0 [sflag:s15], $0x1000  }
0xeb: {  	[sflag:s15] =	ssyncset.done @p0 $0x0  }
0xec: {  	s5 =	sadd.s32 @!p0 $0x14600, s9;
	[sflag:s15] =	ssyncadd.s32 @p0 $0xFFFFF000  }
0xed: {  	[tilespmem:s17], [sflag:$0x5] =	stream.indirect.gather @!p0 [hbm4b:s4+s11], $0x80, s5, s11, $0xb8;
	v63 =	vld [tilespmem:$0x0]  }
0xee: {  	s5 =	simm.s32 @!p0 $0x7  }
0xef: {  	_ =	swait.ge @!p0 [sflag:s5], $0x1000  }
0xf0: {  	[sflag:s5] =	ssyncset.done @!p0 $0x0  }
0xf1: {  	s12 =	simm.s32 @!p0 $0x1E000;
	[sflag:s5] =	ssyncadd.s32 @!p0 $0xFFFFF000;
	s5 =	sadd.s32 @!p0 $0x16300, s9  }
0xf2: {  	[spmem:s1] =	stream.indirect.scatter.add.f32 @!p0 [tilespmem:s12], [sflag:$0x9], $0x80, s5, s11, $0xb8;
	v63 =	vld [tilespmem:$0x0]  }
0xf3: {  	_ =	swait.ge @!p0 [sflag:s16], $0x1000  }
0xf4: {  	[sflag:s16] =	ssyncset.done @!p0 $0x0  }
0xf5: {  	s5 =	sadd.s32 @!p0 $0x14680, s9;
	s9 =	simm.s32 @!p0 $0x1D000;
	[sflag:s16] =	ssyncadd.s32 @!p0 $0xFFFFF000  }
0xf6: {  	[tilespmem:s9], [sflag:$0x6] =	stream.indirect.gather @!p0 [hbm4b:s4+s11], $0x80, s5, s11, $0xb8;
	v63 =	vld [tilespmem:$0x0]  }
0xf7: {  	_ =	swait.ge [sflag:s28], $0x1000  }
0xf8: {  	[sflag:s28] =	ssyncset.done $0x0  }
.Ltmp5:
0xf9: {  	s19 =	sadd.s32 $0x16380, s3;
	[sflag:s28] =	ssyncadd.s32 $0xFFFFF000;
	(pc) =	sbr.rel @p0 .LBB2_7-.Ltmp5, $4  }
0xfa: {  	[spmem:s1] =	stream.indirect.scatter.add.f32 [tilespmem:s23], [sflag:$0x9], $0x80, s19, s8, $0xb8;
	v63 =	vld [tilespmem:$0x0]  }
0xfb: {  	_ =	swait.ge [sflag:s0], $0x1000  }
0xfc: {  	[sflag:s0] =	ssyncset.done $0x0  }
0xfd: {  	[sflag:s0] =	ssyncadd.s32 $0xFFFFF000  }
.Ltmp6:
0xfe: {  	(pc) =	sbr.rel .LBB2_5-.Ltmp6, $3  }
0xff: {  	_ =	sdelay $0x1  }
0x100: {  	s3 =	sadd.s32 $0x14700, s3;
	s29 =	sadd.s32 $0x1000, s29  }
0x101: {  	[tilespmem:s20], [sflag:$0x7] =	stream.indirect.gather [hbm4b:s4+s8], $0x80, s3, s8, $0xb8;
	v63 =	vld [tilespmem:$0x0]  }
.LBB2_9:
0x102: {  	_ =	sfence.sel $0x180000  }
0x103: {  	[bflag:$0x0] =	sbarrier.arrive $0xFFFF  }
0x104: {  	_ =	strace $0x9000004A  }
0x105: {  	s0 =	stileid.u32;
	[bflag:$0x2] =	sbarrier.arrive $0xFFFF  }
0x106: {  	p0 =	sne.s32 s0, $0x0;
	s0 =	rddreg [dreg:$0x2]  }
0x107: {  	s0 =	sadd.s32 @!p0 $0x100000, s0  }
0x108: {  	[sflag:s0] =	ssyncadd.tile.s32 @!p0 $0x1;
	_ =	shalt  }
.Lfunc_end2:
_tile_overlayer_lowered:
.L_overlay_start_2:
0x109: {  	(tag) =	ssettag $0x2  }
0x10a: {  	s0 =	rddreg [dreg:$0x0];
	s2 =	stileid.u32  }
0x10b: {  	s1 =	rddreg [dreg:$0x1];
	p0 =	sne.s32 s2, $0x0  }
0x10c: {  	s3 =	rddreg [dreg:$0x2];
	[bflag:$0x3] =	sbarrier.arrive $0xFFFF;
	s2 =	simm.s32 @!p0 $0x1C09  }
0x10d: {  	[timem:s3], [sflag:s2] =	dma.local @!p0 [hbm:s0], s1  }
0x10e: {  	s0 =	simm.s32 @!p0 $0x9  }
0x10f: {  	_ =	swait.ge @!p0 [sflag:s0], s1  }
0x110: {  	s1 =	ssub.s32 @!p0 $0x0, s1;
	[sflag:s0] =	ssyncset.done @!p0 $0x0  }
0x111: {  	[sflag:s0] =	ssyncadd.s32 @!p0 s1  }
0x112: {  	[bflag:$0x3] =	sbarrier.arrive $0xFFFF  }
0x113: {  	_ =	shalt  }

// kernel: kernel.14.cloned.1.call-start
scs
__scs_entry_jumppad:
0x0: {  	(pc) =	sbr.rel $0x88, $3  }
0x1: {  	(tag) =	ssettag $0x0;
	lr =	simm.s32 $0x1  }
0x2: {  	[smem:$0x3F9B] =	sst lr;
	_ =	strace $0xD0000000  }
0x3: {  	_ = 	snop  }
0x4: {  	_ = 	snop  }
0x5: {  	_ = 	snop  }
0x6: {  	_ = 	snop  }
0x7: {  	_ = 	snop  }
__scs_overlays_trampoline_lowered:
0x8: {  	[smem:$0x3FAA] =	sst s0  }
0x9: {  	[smem:$0x3FAB] =	sst s1  }
0xa: {  	[smem:$0x3FAC] =	sst s2  }
0xb: {  	[smem:$0x3FAD] =	sst s3  }
0xc: {  	[smem:$0x3FAE] =	sst s4  }
0xd: {  	[smem:$0x3FAF] =	sst s5  }
0xe: {  	[smem:$0x3FB0] =	sst s6  }
0xf: {  	[smem:$0x3FB1] =	sst s7  }
0x10: {  	[smem:$0x3FB2] =	sst s8  }
0x11: {  	[smem:$0x3FB3] =	sst s9;
	s0 =	simm.s32 @!p0 $0x0  }
0x12: {  	s1 =	sld [smem:$0x3F99];
	s0 =	simm.s32 @p0 $0x1  }
0x13: {  	[smem:$0x3FB4] =	sst s0;
	s0 =	simm.s32 @!p1 $0x0  }
0x14: {  	s2 =	sld [smem:$0x3F98];
	s0 =	simm.s32 @p1 $0x1  }
0x15: {  	[smem:$0x3FB5] =	sst s0;
	s0 =	simm.s32 @!p2 $0x0  }
0x16: {  	s3 =	sld [smem:$0x3FDB];
	s0 =	simm.s32 @p2 $0x1  }
0x17: {  	s4 =	simm.s32 $0x1BF5;
	[smem:$0x3FB7] =	sst s0  }
0x18: {  	s0 =	sld [smem:$0x3F9A];
	_ =	swait.ge [sflag:s4], $0x0  }
0x19: {  	s7 =	sld [smem:$0x3F9B]  }
0x1a: {  	s8 =	sadd.s32 $0xFFFFE003, lr  }
0x1b: {  	s9 =	sadd.s32 $0xFFFFFEF7, lr;
	s5 =	simm.s32 $0xFFFFFFFF;
	p2 =	slt.u32 s8, $0xFFFFF086  }
0x1c: {  	p1 =	slt.u32 s9, $0xF7A;
	s5 =	simm.s32 @!p2 $0x0  }
0x1d: {  	s5 =	simm.s32 @p1 $0x1;
	p0 =	seq.s32 s7, s2  }
0x1e: {  	s7 =	smul.u32 @!p0 $0xF7A, s2;
	p2 =	seq.s32 @!p0 s5, $0x0  }
0x1f: {  	s9 =	smul.u32 $0xF7A, s1;
	s8 =	simm.s32 @!p0 $0x1BF5;
	p2 =	por !p2, p0  }
0x20: {  	[sflag:s8] =	ssyncset.s32 @!p0 $0xFFFFF086;
	s6 =	sadd.s32 @!p0 s3, s7;
	s7 =	simm.s32 @!p0 $0x108  }
0x21: {  	s3 =	sadd.s32 s3, s9;
	s6 =	sadd.s32 @!p0 $0x88, s6;
	s7 =	simm.s32 @p2 $0x1082  }
0x22: {  	[simem:s7], [sflag:s8] =	dma.local @!p0 [hbm:s6], $0xF7A  }
0x23: {  	s9 =	sor.u32 $0xD0000000, s2;
	s6 =	simm.s32 $0x108;
	_ =	swait.ge @!p0 [sflag:s8], $0x0  }
0x24: {  	s3 =	sadd.s32 $0x88, s3;
	s6 =	simm.s32 @!p1 $0x1082;
	[sflag:s4] =	ssyncset.s32 $0xFFFFF086  }
0x25: {  	[simem:s6], [sflag:s4] =	dma.local [hbm:s3], $0xF7A  }
0x26: {  	[smem:$0x3F9B] =	sst s1;
	(tag) =	ssettag s2;
	_ =	strace s9  }
0x27: {  	s1 =	sld [smem:$0x3FAB]  }
0x28: {  	s2 =	sld [smem:$0x3FAC]  }
0x29: {  	s4 =	sld [smem:$0x3FAE]  }
0x2a: {  	p0 =	seq.s32 s5, $0x0;
	s5 =	sld [smem:$0x3FAF]  }
0x2b: {  	s6 =	sld [smem:$0x3FB0]  }
0x2c: {  	s7 =	sld [smem:$0x3FB1]  }
0x2d: {  	s3 =	simm.s32 $0x108;
	s8 =	sld [smem:$0x3FB2]  }
0x2e: {  	s3 =	simm.s32 @!p0 $0x1082;
	s9 =	sld [smem:$0x3FB3]  }
0x2f: {  	lr =	sadd.s32 s0, s3;
	s0 =	sld [smem:$0x3FAA]  }
0x30: {  	s3 =	sld [smem:$0x3FAD]  }
0x31: {  	[smem:$0x3FB6] =	sst s10  }
0x32: {  	s10 =	sld [smem:$0x3FB4];
	_ =	sdelay $0x3  }
0x33: {  	p0 =	seq.s32 s10, $0x1;
	s10 =	sld [smem:$0x3FB6];
	_ =	sdelay $0x3  }
0x34: {  	[smem:$0x3FB6] =	sst s10  }
0x35: {  	s10 =	sld [smem:$0x3FB5];
	_ =	sdelay $0x3  }
0x36: {  	p1 =	seq.s32 s10, $0x1;
	s10 =	sld [smem:$0x3FB6];
	_ =	sdelay $0x3  }
0x37: {  	[smem:$0x3FB6] =	sst s10  }
0x38: {  	s10 =	sld [smem:$0x3FB7]  }
0x39: {  	_ = 	snop;
	(pc) =	sbr.ind lr, $3  }
0x3a: {  	_ = 	snop  }
0x3b: {  	_ = 	snop  }
0x3c: {  	p2 =	seq.s32 s10, $0x1;
	s10 =	sld [smem:$0x3FB6]  }
0x3d: {  	_ =	shalt  }
0x3e: {  	_ =	shalt  }
0x3f: {  	_ =	shalt  }
0x40: {  	_ =	shalt  }
0x41: {  	_ =	shalt  }
0x42: {  	_ =	shalt  }
0x43: {  	_ =	shalt  }
0x44: {  	_ =	shalt  }
0x45: {  	_ =	shalt  }
0x46: {  	_ =	shalt  }
0x47: {  	_ =	shalt  }
0x48: {  	_ =	shalt  }
0x49: {  	_ =	shalt  }
0x4a: {  	_ =	shalt  }
0x4b: {  	_ =	shalt  }
0x4c: {  	_ =	shalt  }
0x4d: {  	_ =	shalt  }
0x4e: {  	_ =	shalt  }
0x4f: {  	_ =	shalt  }
0x50: {  	_ =	shalt  }
0x51: {  	_ =	shalt  }
0x52: {  	_ =	shalt  }
0x53: {  	_ =	shalt  }
0x54: {  	_ =	shalt  }
0x55: {  	_ =	shalt  }
0x56: {  	_ =	shalt  }
0x57: {  	_ =	shalt  }
0x58: {  	_ =	shalt  }
0x59: {  	_ =	shalt  }
0x5a: {  	_ =	shalt  }
0x5b: {  	_ =	shalt  }
0x5c: {  	_ =	shalt  }
0x5d: {  	_ =	shalt  }
0x5e: {  	_ =	shalt  }
0x5f: {  	_ =	shalt  }
0x60: {  	_ =	shalt  }
0x61: {  	_ =	shalt  }
0x62: {  	_ =	shalt  }
0x63: {  	_ =	shalt  }
0x64: {  	_ =	shalt  }
0x65: {  	_ =	shalt  }
0x66: {  	_ =	shalt  }
0x67: {  	_ =	shalt  }
0x68: {  	_ =	shalt  }
0x69: {  	_ =	shalt  }
0x6a: {  	_ =	shalt  }
0x6b: {  	_ =	shalt  }
0x6c: {  	_ =	shalt  }
0x6d: {  	_ =	shalt  }
0x6e: {  	_ =	shalt  }
0x6f: {  	_ =	shalt  }
0x70: {  	_ =	shalt  }
0x71: {  	_ =	shalt  }
0x72: {  	_ =	shalt  }
0x73: {  	_ =	shalt  }
0x74: {  	_ =	shalt  }
0x75: {  	_ =	shalt  }
0x76: {  	_ =	shalt  }
0x77: {  	_ =	shalt  }
0x78: {  	_ =	shalt  }
0x79: {  	_ =	shalt  }
0x7a: {  	_ =	shalt  }
0x7b: {  	_ =	shalt  }
0x7c: {  	_ =	shalt  }
0x7d: {  	_ =	shalt  }
0x7e: {  	_ =	shalt  }
0x7f: {  	_ =	shalt  }
0x80: {  	_ =	shalt  }
0x81: {  	_ =	shalt  }
0x82: {  	_ =	shalt  }
0x83: {  	_ =	shalt  }
0x84: {  	_ =	shalt  }
0x85: {  	_ =	shalt  }
0x86: {  	_ =	shalt  }
0x87: {  	_ =	shalt  }
.Lfunc_end0:
.L_simem_size_0:
called_computation.2_lowered:
.L_overlay_start_0:
0x88: {  	s2 =	sld [smem:$0x3FD9]  }
0x89: {  	s3 =	sld [smem:$0x3FFE];
	_ =	sdelay $0x1  }
0x8a: {  	s1 =	srdreg.scid  }
0x8b: {  	s0 =	sand.u32 $0x1, s1  }
0x8c: {  	s16 =	sshll.u32 s0, $0xA;
	s2 =	sadd.s32 s3, s2  }
0x8d: {  	s2 =	sadd.s32 s2, s16  }
0x8e: {  	[smem:$0x3FC2] =	sst s2  }
0x8f: {  	_ = 	snop  }
0x90: {  	(tm) =	ssettm $0x1  }
0x91: {  	s17 =	sld [smem:$0x3FFB];
	_ =	sdelay $0x3  }
0x92: {  	_ =	strace s17  }
0x93: {  	s2 =	sld [smem:$0x3FFC];
	_ =	sdelay $0x3  }
0x94: {  	_ =	strace s2  }
0x95: {  	s2 =	sld [smem:$0x3FFD];
	_ =	sdelay $0x3  }
0x96: {  	_ =	strace s2  }
0x97: {  	_ =	strace $0x8FFFFFFF  }
0x98: {  	s18 =	sld [smem:$0x3FDB];
	_ =	sdelay $0x1  }
0x99: {  	s19 =	simm.s32 $_scs_section_size  }
0x9a: {  	s4 =	simm.s32 $_size__tile_overlayer_lowered;
	s5 =	simm.s32 $_tile_overlayer_lowered  }
0x9b: {  	s22 =	simm.s32 $0x1BFF;
	s21 =	sshll.u32 s5, $0x1;
	s2 =	sadd.s32 s19, s18  }
0x9c: {  	s6 =	simm.s32 $0x0;
	s20 =	sshll.u32 s4, $0x1;
	s4 =	sadd.s32 s21, s2  }
0x9d: {  	[timem:s6], [sflag:s22] =	dma.local [hbm:s4], s20  }
0x9e: {  	_ =	swait.ge [sflag:s22], s20  }
0x9f: {  	s3 =	ssub.s32 $0x0, s20;
	[sflag:s22] =	ssyncset.done $0x0  }
0xa0: {  	[sflag:s22] =	ssyncadd.s32 s3;
	_ =	sdelay $0x1  }
0xa1: {  	s23 =	simm.s32 $0x1B8B  }
0xa2: {  	_ =	swait.ge [sflag:s23], $0x1  }
0xa3: {  	[sflag:s23] =	ssyncset.done $0x0  }
0xa4: {  	s25 =	simm.s32 $0x1B8E;
	s24 =	sld [smem:$0x3FFE];
	[sflag:s23] =	ssyncadd.s32 $0xFFFFFFFF  }
0xa5: {  	s26 =	simm.s32 $execute0_lowered;
	[smem:$0x3FD2] =	sst s25  }
0xa6: {  	s4 =	sshll.u32 s26, $0x1;
	_ =	strace $0x8000004C;
	[dreg:$0x1] =	wrdreg $0xFFFFFFFF  }
0xa7: {  	s28 =	simm.s32 $_size_execute0_lowered;
	s2 =	sadd.s32 s2, s4;
	[dreg:$0x0] =	wrdreg $0x0  }
0xa8: {  	s4 =	sshll.u32 s28, $0x1;
	[dreg:$0x2] =	wrdreg s2  }
0xa9: {  	[dreg:$0x3] =	wrdreg s4  }
0xaa: {  	[dreg:$0x4] =	wrdreg $0xC0  }
0xab: {  	_ =	task [dreg:s6], $0x5FFFF  }
0xac: {  	[dreg:$0x1] =	wrdreg $0xFFFFFFFF  }
0xad: {  	[dreg:$0x0] =	wrdreg $0x60  }
0xae: {  	[dreg:$0x2] =	wrdreg s24  }
0xaf: {  	[dreg:$0x3] =	wrdreg $0x0  }
0xb0: {  	[dreg:$0x4] =	wrdreg $0x9  }
0xb1: {  	_ =	task.clear_ibuf [dreg:s6], $0x5FFFF;
	_ =	strace $0x9000004C  }
0xb2: {  	s29 =	simm.s32 $0x9;
	_ =	strace $0x8000004E  }
0xb3: {  	_ =	swait.ge [sflag:s29], $0x1  }
0xb4: {  	[sflag:s29] =	ssyncadd.s32 $0xFFFFFFFF  }
0xb5: {  	_ =	strace $0x9000004E  }
0xb6: {  	_ =	sfence  }
0xb7: {  	s30 =	sld [smem:$0x0];
	_ =	sdelay $0x2  }
0xb8: {  	s31 =	sshll.u32 s1, $0xD;
	s1 =	sshrl.u32 s1, $0x2  }
0xb9: {  	s3 =	sand.u32 $0x4000, s31;
	s1 =	sadd.s32 s1, s30  }
0xba: {  	s0 =	sor.u32 s3, s0;
	s1 =	sshll.u32 s1, $0x11  }
0xbb: {  	s0 =	sor.u32 s1, s0  }
0xbc: {  	s0 =	sadd.s32 $0x8F2B, s0  }
0xbd: {  	[sflag:s0] =	ssyncadd.remote.s32 $0x1  }
0xbe: {  	_ =	sfence.sel $0xFFFF  }
0xbf: {  	[dreg:$0x0] =	wrdreg $0xFFFFFFFF;
	(pc) =	sbr.abs _section_cstart, $3  }
0xc0: {  	[dreg:$0x1] =	wrdreg $0xFFFFFFFF  }
0xc1: {  	_ =	task.clear_ibuf [dreg:s6], $0x2FFFF;
	_ =	strace $0x9FFFFFFF  }
0xc2: {  	(tm) =	ssettm $0x7FFFFFFF  }
0xc3: {  	_ =	shalt  }
tec
execute0_lowered:
.L_overlay_start_1:
0x0: {  	(tag) =	ssettag $0x1  }
0x1: {  	s5 =	stileid.u32  }
0x2: {  	s0 =	rddreg [dreg:$0x0];
	s3 =	smul.u32 $0x50000, s5  }
0x3: {  	s1 =	rddreg [dreg:$0x1];
	s2 =	simm.s32 $0x0;
	s24 =	srdreg.scid  }
0x4: {  	[smem:$0x7FF] =	sst s2;
	s6 =	sadd.s32 $0x2B200, s0;
	s3 =	sshrl.u32 s3, $0x2  }
0x5: {  	_ =	strace $0x8000004D;
	[dreg:$0x3] =	wrdreg s6;
	s12 =	sadd.s32 s3, s1  }
0x6: {  	s2 =	sand.u32 $0x1, s24;
	s3 =	sadd.s32 $0x1000, s12;
	[dreg:$0x4] =	wrdreg s12  }
0x7: {  	s8 =	ssub.s32 $0x2, s2;
	s26 =	sadd.s32 $0x2000, s12;
	[dreg:$0x5] =	wrdreg s3  }
0x8: {  	s9 =	sshrl.u32 s8, $0x1;
	s29 =	sadd.s32 $0x3000, s12;
	[dreg:$0x6] =	wrdreg s26  }
0x9: {  	s25 =	ssub.s32 s8, s9;
	s8 =	sadd.s32 $0x4000, s12;
	[dreg:$0x7] =	wrdreg s29  }
0xa: {  	s9 =	sadd.s32 $0x5000, s12;
	[dreg:$0x8] =	wrdreg s8  }
0xb: {  	s31 =	simm.s32 $0x18000;
	s10 =	sadd.s32 $0x6000, s12;
	[dreg:$0x9] =	wrdreg s9  }
0xc: {  	s28 =	simm.s32 $0x8;
	s11 =	sadd.s32 $0x7000, s12;
	[dreg:$0xa] =	wrdreg s10  }
0xd: {  	s30 =	simm.s32 $0x0;
	s13 =	sadd.s32 $0x8000, s12;
	[dreg:$0xb] =	wrdreg s11  }
0xe: {  	s4 =	sadd.s32 $0x53200, s0;
	s14 =	sadd.s32 $0x9000, s12;
	[dreg:$0xc] =	wrdreg s13  }
0xf: {  	s19 =	smul.u32 $0x2800, s5;
	s15 =	sadd.s32 $0xA000, s12;
	[dreg:$0xd] =	wrdreg s14  }
0x10: {  	s7 =	smul.u32 $0x28000, s2;
	s16 =	sadd.s32 $0xB000, s12;
	[dreg:$0xe] =	wrdreg s15  }
0x11: {  	s6 =	sadd.s32 $0x2C00, s0;
	s17 =	sadd.s32 $0xC000, s12;
	[dreg:$0xf] =	wrdreg s16  }
0x12: {  	p0 =	seq.s32 s2, $0x0;
	s18 =	sadd.s32 $0xD000, s12;
	[dreg:$0x10] =	wrdreg s17  }
0x13: {  	s2 =	simm.s32 $0x14000;
	s20 =	sadd.s32 $0xE000, s12;
	[dreg:$0x11] =	wrdreg s18  }
0x14: {  	s0 =	sadd.s32 s7, s0;
	s22 =	sadd.s32 $0xF000, s12;
	[dreg:$0x12] =	wrdreg s20  }
0x15: {  	s0 =	sadd.s32 $0x7B200, s0;
	s23 =	smax.u32 s25, $0x1;
	[dreg:$0x14] =	wrdreg s22  }
0x16: {  	s24 =	sadd.s32 $0x10000, s12;
	s25 =	sadd.s32 $0x11000, s12;
	[dreg:$0x15] =	wrdreg s23  }
0x17: {  	s3 =	smul.u32 $0xA000, s5;
	s0 =	sadd.s32 s19, s0;
	[dreg:$0x16] =	wrdreg s24  }
0x18: {  	[dreg:$0x17] =	wrdreg s25;
	s26 =	sadd.s32 $0x12000, s12;
	s29 =	sadd.s32 $0x13000, s12  }
0x19: {  	s8 =	simm.s32 $0x20;
	s10 =	simm.s32 $0x19000;
	s14 =	simm.s32 $0x1B000  }
.Ltmp0:
0x1a: {  	s18 =	simm.s32 $0x1D000;
	s20 =	simm.s32 $0x1E000;
	(pc) =	sbr.rel .LBB2_1-.Ltmp0, $4  }
0x1b: {  	s22 =	simm.s32 $0x1;
	s23 =	simm.s32 $0x1F000;
	[dreg:$0x13] =	wrdreg s0  }
0x1c: {  	s24 =	simm.s32 $0x2;
	s25 =	simm.s32 $0x4;
	[dreg:$0x18] =	wrdreg s26  }
0x1d: {  	s5 =	simm.s32 $0x0;
	[dreg:$0x19] =	wrdreg s29;
	s21 =	sadd.s32 $0xA0000, s3  }
0x1e: {  	v0 =	vimm.f32 $0.0e+00;
	s0 =	simm.s32 $0x9;
	s26 =	simm.s32 $0x6;
	s21 =	smov.u32 @p0 s3  }
.LBB2_8:
0x1f: {  	s3 =	stileid.u32;
	[bflag:$0x0] =	sbarrier.arrive $0xFFFF  }
0x20: {  	s3 =	sshll.u32 s3, $0x6;
	s12 =	rddreg [dreg:$0x4]  }
0x21: {  	s7 =	rddreg [dreg:$0x13];
	s3 =	sor.u32 $0x1C09, s3;
	s5 =	sshrl.u32 s12, $0x3  }
0x22: {  	[hbm:s7], [sflag:s3] =	dma.local [spmem:s5], $0x2800  }
0x23: {  	_ =	swait.ge [sflag:s0], $0x2800  }
0x24: {  	s19 =	rddreg [dreg:$0x1a]  }
0x25: {  	s29 =	rddreg [dreg:$0x15];
	s5 =	sadd.s32 $0x1, s19  }
0x26: {  	p0 =	sne.s32 s5, s29  }
.Ltmp1:
0x27: {  	_ = 	snop;
	(pc) =	sbr.rel @!p0 .LBB2_9-.Ltmp1, $3  }
0x28: {  	_ =	sdelay $0x1  }
0x29: {  	[sflag:s0] =	ssyncset.done $0x0  }
0x2a: {  	[sflag:s0] =	ssyncadd.s32 $0xFFFFD800  }
.LBB2_1:
0x2b: {  	s29 =	simm.s32 $0x0  }
0x2c: {  	s3 =	sand.u32 $0x3E00, s29  }
0x2d: {  	[dreg:$0x1a] =	wrdreg s5;
	s7 =	sand.u32 $0x70, s29;
	s9 =	sshrl.u32 s3, $0x2  }
0x2e: {  	s3 =	simm.s32 $0x40;
	s9 =	sor.u32 s7, s9;
	s7 =	simm.s32 $0x0  }
.LBB2_2:
0x2f: {  	p0 =	sne.s32 s3, $0x3FC0  }
0x30: {  	[tilespmem:s9+$0x18000] =	vst v0;
	s7 =	sadd.s32 $0x10, s7;
	s9 =	smov.u32 s3;
	s3 =	sadd.s32 $0x40, s3  }
.Ltmp2:
0x31: {  	(pc) =	sbr.rel @p0 .LBB2_2-.Ltmp2, $4  }
0x32: {  	_ = 	snop  }
0x33: {  	s9 =	sand.u32 $0x3E00, s9  }
0x34: {  	s11 =	sand.u32 $0x70, s7;
	s9 =	sshrl.u32 s9, $0x2  }
0x35: {  	s9 =	sor.u32 s11, s9  }
0x36: {  	[tilespmem:s9+$0x18000] =	vst v0  }
0x37: {  	[spmem:s12] =	stream.linear.scatter [tilespmem:s31], [sflag:$0x9], $0x1000, $0x38;
	v63 =	vld [tilespmem:$0x0]  }
0x38: {  	_ =	swait.ge [sflag:s0], $0x1000  }
0x39: {  	[sflag:s0] =	ssyncset.done $0x0  }
0x3a: {  	s3 =	rddreg [dreg:$0x5];
	[sflag:s0] =	ssyncadd.s32 $0xFFFFF000  }
0x3b: {  	[spmem:s3] =	stream.linear.scatter [tilespmem:s31], [sflag:$0x9], $0x1000, $0x38;
	v63 =	vld [tilespmem:$0x0]  }
0x3c: {  	_ =	swait.ge [sflag:s0], $0x1000  }
0x3d: {  	[sflag:s0] =	ssyncset.done $0x0  }
0x3e: {  	s12 =	rddreg [dreg:$0x6];
	[sflag:s0] =	ssyncadd.s32 $0xFFFFF000  }
0x3f: {  	[spmem:s12] =	stream.linear.scatter [tilespmem:s31], [sflag:$0x9], $0x1000, $0x38;
	v63 =	vld [tilespmem:$0x0]  }
0x40: {  	_ =	swait.ge [sflag:s0], $0x1000  }
0x41: {  	[sflag:s0] =	ssyncset.done $0x0  }
0x42: {  	s13 =	rddreg [dreg:$0x7];
	[sflag:s0] =	ssyncadd.s32 $0xFFFFF000  }
0x43: {  	[spmem:s13] =	stream.linear.scatter [tilespmem:s31], [sflag:$0x9], $0x1000, $0x38;
	v63 =	vld [tilespmem:$0x0]  }
0x44: {  	_ =	swait.ge [sflag:s0], $0x1000  }
0x45: {  	[sflag:s0] =	ssyncset.done $0x0  }
0x46: {  	s15 =	rddreg [dreg:$0x8];
	[sflag:s0] =	ssyncadd.s32 $0xFFFFF000  }
0x47: {  	[spmem:s15] =	stream.linear.scatter [tilespmem:s31], [sflag:$0x9], $0x1000, $0x38;
	v63 =	vld [tilespmem:$0x0]  }
0x48: {  	_ =	swait.ge [sflag:s0], $0x1000  }
0x49: {  	[sflag:s0] =	ssyncset.done $0x0  }
0x4a: {  	s16 =	rddreg [dreg:$0x9];
	[sflag:s0] =	ssyncadd.s32 $0xFFFFF000  }
0x4b: {  	[spmem:s16] =	stream.linear.scatter [tilespmem:s31], [sflag:$0x9], $0x1000, $0x38;
	v63 =	vld [tilespmem:$0x0]  }
0x4c: {  	_ =	swait.ge [sflag:s0], $0x1000  }
0x4d: {  	[sflag:s0] =	ssyncset.done $0x0  }
0x4e: {  	s17 =	rddreg [dreg:$0xa];
	[sflag:s0] =	ssyncadd.s32 $0xFFFFF000  }
0x4f: {  	[spmem:s17] =	stream.linear.scatter [tilespmem:s31], [sflag:$0x9], $0x1000, $0x38;
	v63 =	vld [tilespmem:$0x0]  }
0x50: {  	_ =	swait.ge [sflag:s0], $0x1000  }
0x51: {  	[sflag:s0] =	ssyncset.done $0x0  }
0x52: {  	s19 =	rddreg [dreg:$0xb];
	[sflag:s0] =	ssyncadd.s32 $0xFFFFF000  }
0x53: {  	[spmem:s19] =	stream.linear.scatter [tilespmem:s31], [sflag:$0x9], $0x1000, $0x38;
	v63 =	vld [tilespmem:$0x0]  }
0x54: {  	_ =	swait.ge [sflag:s0], $0x1000  }
0x55: {  	[sflag:s0] =	ssyncset.done $0x0  }
0x56: {  	s29 =	rddreg [dreg:$0xc];
	[sflag:s0] =	ssyncadd.s32 $0xFFFFF000  }
0x57: {  	[spmem:s29] =	stream.linear.scatter [tilespmem:s31], [sflag:$0x9], $0x1000, $0x38;
	v63 =	vld [tilespmem:$0x0]  }
0x58: {  	_ =	swait.ge [sflag:s0], $0x1000  }
0x59: {  	[sflag:s0] =	ssyncset.done $0x0  }
0x5a: {  	s5 =	rddreg [dreg:$0xd];
	[sflag:s0] =	ssyncadd.s32 $0xFFFFF000  }
0x5b: {  	[spmem:s5] =	stream.linear.scatter [tilespmem:s31], [sflag:$0x9], $0x1000, $0x38;
	v63 =	vld [tilespmem:$0x0]  }
0x5c: {  	_ =	swait.ge [sflag:s0], $0x1000  }
0x5d: {  	[sflag:s0] =	ssyncset.done $0x0  }
0x5e: {  	s7 =	rddreg [dreg:$0xe];
	[sflag:s0] =	ssyncadd.s32 $0xFFFFF000  }
0x5f: {  	[spmem:s7] =	stream.linear.scatter [tilespmem:s31], [sflag:$0x9], $0x1000, $0x38;
	v63 =	vld [tilespmem:$0x0]  }
0x60: {  	_ =	swait.ge [sflag:s0], $0x1000  }
0x61: {  	[sflag:s0] =	ssyncset.done $0x0  }
0x62: {  	s9 =	rddreg [dreg:$0xf];
	[sflag:s0] =	ssyncadd.s32 $0xFFFFF000  }
0x63: {  	[spmem:s9] =	stream.linear.scatter [tilespmem:s31], [sflag:$0x9], $0x1000, $0x38;
	v63 =	vld [tilespmem:$0x0]  }
0x64: {  	_ =	swait.ge [sflag:s0], $0x1000  }
0x65: {  	[sflag:s0] =	ssyncset.done $0x0  }
0x66: {  	s11 =	rddreg [dreg:$0x10];
	[sflag:s0] =	ssyncadd.s32 $0xFFFFF000  }
0x67: {  	[spmem:s11] =	stream.linear.scatter [tilespmem:s31], [sflag:$0x9], $0x1000, $0x38;
	v63 =	vld [tilespmem:$0x0]  }
0x68: {  	_ =	swait.ge [sflag:s0], $0x1000  }
0x69: {  	[sflag:s0] =	ssyncset.done $0x0  }
0x6a: {  	s12 =	rddreg [dreg:$0x11];
	[sflag:s0] =	ssyncadd.s32 $0xFFFFF000  }
0x6b: {  	[spmem:s12] =	stream.linear.scatter [tilespmem:s31], [sflag:$0x9], $0x1000, $0x38;
	v63 =	vld [tilespmem:$0x0]  }
0x6c: {  	_ =	swait.ge [sflag:s0], $0x1000  }
0x6d: {  	[sflag:s0] =	ssyncset.done $0x0  }
0x6e: {  	s13 =	rddreg [dreg:$0x12];
	[sflag:s0] =	ssyncadd.s32 $0xFFFFF000  }
0x6f: {  	[spmem:s13] =	stream.linear.scatter [tilespmem:s31], [sflag:$0x9], $0x1000, $0x38;
	v63 =	vld [tilespmem:$0x0]  }
0x70: {  	_ =	swait.ge [sflag:s0], $0x1000  }
0x71: {  	[sflag:s0] =	ssyncset.done $0x0  }
0x72: {  	s15 =	rddreg [dreg:$0x14];
	[sflag:s0] =	ssyncadd.s32 $0xFFFFF000  }
0x73: {  	[spmem:s15] =	stream.linear.scatter [tilespmem:s31], [sflag:$0x9], $0x1000, $0x38;
	v63 =	vld [tilespmem:$0x0]  }
0x74: {  	_ =	swait.ge [sflag:s0], $0x1000  }
0x75: {  	[sflag:s0] =	ssyncset.done $0x0  }
0x76: {  	s16 =	rddreg [dreg:$0x16];
	[sflag:s0] =	ssyncadd.s32 $0xFFFFF000  }
0x77: {  	[spmem:s16] =	stream.linear.scatter [tilespmem:s31], [sflag:$0x9], $0x1000, $0x38;
	v63 =	vld [tilespmem:$0x0]  }
0x78: {  	_ =	swait.ge [sflag:s0], $0x1000  }
0x79: {  	[sflag:s0] =	ssyncset.done $0x0  }
0x7a: {  	s17 =	rddreg [dreg:$0x17];
	[sflag:s0] =	ssyncadd.s32 $0xFFFFF000  }
0x7b: {  	[spmem:s17] =	stream.linear.scatter [tilespmem:s31], [sflag:$0x9], $0x1000, $0x38;
	v63 =	vld [tilespmem:$0x0]  }
0x7c: {  	_ =	swait.ge [sflag:s0], $0x1000  }
0x7d: {  	[sflag:s0] =	ssyncset.done $0x0  }
0x7e: {  	s19 =	rddreg [dreg:$0x18];
	[sflag:s0] =	ssyncadd.s32 $0xFFFFF000  }
0x7f: {  	[spmem:s19] =	stream.linear.scatter [tilespmem:s31], [sflag:$0x9], $0x1000, $0x38;
	v63 =	vld [tilespmem:$0x0]  }
0x80: {  	_ =	swait.ge [sflag:s0], $0x1000  }
0x81: {  	[sflag:s0] =	ssyncset.done $0x0  }
0x82: {  	s29 =	rddreg [dreg:$0x19];
	[sflag:s0] =	ssyncadd.s32 $0xFFFFF000  }
0x83: {  	[spmem:s29] =	stream.linear.scatter [tilespmem:s31], [sflag:$0x9], $0x1000, $0x38;
	v63 =	vld [tilespmem:$0x0]  }
.Ltmp3:
0x84: {  	_ =	swait.ge [sflag:s0], $0x1000;
	(pc) =	sbr.rel .LBB2_4-.Ltmp3, $4  }
0x85: {  	[sflag:s0] =	ssyncset.done $0x0  }
0x86: {  	[sflag:s0] =	ssyncadd.s32 $0xFFFFF000  }
0x87: {  	[bflag:$0x0] =	sbarrier.arrive $0xFFFF  }
0x88: {  	s7 =	simm.s32 $0x0  }
.LBB2_7:
0x89: {  	s7 =	sadd.s32 $0x1, s7  }
0x8a: {  	p0 =	sne.s32 s7, $0x5  }
.Ltmp4:
0x8b: {  	_ = 	snop;
	(pc) =	sbr.rel @!p0 .LBB2_8-.Ltmp4, $1  }
0x8c: {  	_ =	sdelay $0x3  }
.LBB2_4:
0x8d: {  	s3 =	sshll.u32 s7, $0xD  }
0x8e: {  	s3 =	sadd.s32 s21, s3  }
0x8f: {  	s5 =	rddreg [dreg:$0x3];
	s3 =	sshrl.u32 s3, $0x3  }
0x90: {  	s9 =	sadd.s32 s5, s3  }
0x91: {  	[tilespmem:s2], [sflag:$0x9] =	stream.linear.gather [hbm4b:s9+s30], $0x2000, $0x38;
	v63 =	vld [tilespmem:$0x0]  }
0x92: {  	_ =	swait.ge [sflag:s0], $0x2000  }
0x93: {  	[sflag:s0] =	ssyncset.done $0x0  }
0x94: {  	s19 =	simm.s32 $0x16000;
	s3 =	sadd.s32 s6, s3;
	[sflag:s0] =	ssyncadd.s32 $0xFFFFE000  }
0x95: {  	[tilespmem:s19], [sflag:$0x9] =	stream.linear.gather [hbm4b:s3+s30], $0x2000, $0x38;
	v63 =	vld [tilespmem:$0x0]  }
0x96: {  	_ =	swait.ge [sflag:s0], $0x2000  }
0x97: {  	[sflag:s0] =	ssyncset.done $0x0  }
0x98: {  	[sflag:s0] =	ssyncadd.s32 $0xFFFFE000  }
0x99: {  	[tilespmem:s31], [sflag:$0x1] =	stream.indirect.gather [hbm4b:s4+s8], $0x80, s2, s8, $0xb8;
	v63 =	vld [tilespmem:$0x0]  }
0x9a: {  	s9 =	simm.s32 $0x14080  }
0x9b: {  	[tilespmem:s10], [sflag:$0x2] =	stream.indirect.gather [hbm4b:s4+s8], $0x80, s9, s8, $0xb8;
	v63 =	vld [tilespmem:$0x0]  }
0x9c: {  	s11 =	simm.s32 $0x14100;
	s12 =	simm.s32 $0x1A000  }
0x9d: {  	[tilespmem:s12], [sflag:$0x3] =	stream.indirect.gather [hbm4b:s4+s8], $0x80, s11, s8, $0xb8;
	v63 =	vld [tilespmem:$0x0]  }
0x9e: {  	s13 =	simm.s32 $0x14180  }
0x9f: {  	[tilespmem:s14], [sflag:$0x4] =	stream.indirect.gather [hbm4b:s4+s8], $0x80, s13, s8, $0xb8;
	v63 =	vld [tilespmem:$0x0]  }
0xa0: {  	s15 =	simm.s32 $0x14200;
	s16 =	simm.s32 $0x1C000  }
0xa1: {  	[tilespmem:s16], [sflag:$0x5] =	stream.indirect.gather [hbm4b:s4+s8], $0x80, s15, s8, $0xb8;
	v63 =	vld [tilespmem:$0x0]  }
0xa2: {  	s17 =	simm.s32 $0x14280  }
0xa3: {  	[tilespmem:s18], [sflag:$0x6] =	stream.indirect.gather [hbm4b:s4+s8], $0x80, s17, s8, $0xb8;
	v63 =	vld [tilespmem:$0x0]  }
0xa4: {  	s29 =	simm.s32 $0x0;
	s19 =	simm.s32 $0x14300  }
0xa5: {  	[tilespmem:s20], [sflag:$0x7] =	stream.indirect.gather [hbm4b:s4+s8], $0x80, s19, s8, $0xb8;
	v63 =	vld [tilespmem:$0x0]  }
.LBB2_5:
0xa6: {  	_ =	swait.ge [sflag:s22], $0x1000  }
0xa7: {  	s3 =	sshra.s32 s29, $0x2;
	[sflag:s22] =	ssyncset.done $0x0  }
0xa8: {  	s9 =	sadd.s32 $0x16000, s3;
	[sflag:s22] =	ssyncadd.s32 $0xFFFFF000  }
0xa9: {  	[spmem:s1] =	stream.indirect.scatter.add.f32 [tilespmem:s31], [sflag:$0x9], $0x80, s9, s8, $0xb8;
	v63 =	vld [tilespmem:$0x0]  }
0xaa: {  	_ =	swait.ge [sflag:s0], $0x1000  }
0xab: {  	[sflag:s0] =	ssyncset.done $0x0  }
0xac: {  	s16 =	sadd.s32 $0x14380, s3;
	[sflag:s0] =	ssyncadd.s32 $0xFFFFF000  }
0xad: {  	[tilespmem:s23], [sflag:$0x8] =	stream.indirect.gather [hbm4b:s4+s8], $0x80, s16, s8, $0xb8;
	v63 =	vld [tilespmem:$0x0]  }
0xae: {  	_ =	swait.ge [sflag:s24], $0x1000  }
0xaf: {  	[sflag:s24] =	ssyncset.done $0x0  }
0xb0: {  	s17 =	sadd.s32 $0x16080, s3;
	[sflag:s24] =	ssyncadd.s32 $0xFFFFF000  }
0xb1: {  	[spmem:s1] =	stream.indirect.scatter.add.f32 [tilespmem:s10], [sflag:$0x9], $0x80, s17, s8, $0xb8;
	v63 =	vld [tilespmem:$0x0]  }
0xb2: {  	_ =	swait.ge [sflag:s0], $0x1000  }
0xb3: {  	p0 =	seq.s32 s29, $0x7000;
	[sflag:s0] =	ssyncset.done $0x0  }
0xb4: {  	s9 =	simm.s32 @p0 $0x3;
	[sflag:s0] =	ssyncadd.s32 $0xFFFFF000  }
0xb5: {  	s12 =	sshra.s32 @p0 s29, $0x2;
	_ =	swait.ge @p0 [sflag:s9], $0x1000  }
0xb6: {  	s13 =	simm.s32 @p0 $0x20;
	s11 =	simm.s32 @p0 $0x1A000;
	[sflag:s9] =	ssyncset.done @p0 $0x0  }
0xb7: {  	s15 =	simm.s32 @p0 $0x9;
	[sflag:s9] =	ssyncadd.s32 @p0 $0xFFFFF000;
	s9 =	sadd.s32 @p0 $0x16100, s12  }
0xb8: {  	[spmem:s1] =	stream.indirect.scatter.add.f32 @p0 [tilespmem:s11], [sflag:$0x9], $0x80, s9, s13, $0xb8;
	v63 =	vld [tilespmem:$0x0]  }
0xb9: {  	_ =	swait.ge @p0 [sflag:s15], $0x1000  }
0xba: {  	s17 =	simm.s32 @!p0 $0x18000;
	s9 =	sshra.s32 @!p0 s29, $0x2;
	[sflag:s15] =	ssyncset.done @p0 $0x0  }
0xbb: {  	s11 =	simm.s32 @!p0 $0x20;
	s16 =	sadd.s32 @!p0 $0x14400, s9;
	[sflag:s15] =	ssyncadd.s32 @p0 $0xFFFFF000  }
0xbc: {  	[tilespmem:s17], [sflag:$0x1] =	stream.indirect.gather @!p0 [hbm4b:s4+s11], $0x80, s16, s11, $0xb8;
	v63 =	vld [tilespmem:$0x0]  }
0xbd: {  	s16 =	simm.s32 @!p0 $0x3  }
0xbe: {  	_ =	swait.ge @!p0 [sflag:s16], $0x1000  }
0xbf: {  	[sflag:s16] =	ssyncset.done @!p0 $0x0  }
0xc0: {  	s17 =	simm.s32 @!p0 $0x1A000;
	[sflag:s16] =	ssyncadd.s32 @!p0 $0xFFFFF000;
	s16 =	sadd.s32 @!p0 $0x16100, s9  }
0xc1: {  	[spmem:s1] =	stream.indirect.scatter.add.f32 @!p0 [tilespmem:s17], [sflag:$0x9], $0x80, s16, s11, $0xb8;
	v63 =	vld [tilespmem:$0x0]  }
0xc2: {  	s16 =	simm.s32 @!p0 $0x9  }
0xc3: {  	_ =	swait.ge @!p0 [sflag:s16], $0x1000  }
0xc4: {  	[sflag:s16] =	ssyncset.done @!p0 $0x0  }
0xc5: {  	s5 =	simm.s32 @!p0 $0x19000;
	s19 =	sadd.s32 @!p0 $0x14480, s9;
	[sflag:s16] =	ssyncadd.s32 @!p0 $0xFFFFF000  }
0xc6: {  	[tilespmem:s5], [sflag:$0x2] =	stream.indirect.gather @!p0 [hbm4b:s4+s11], $0x80, s19, s11, $0xb8;
	v63 =	vld [tilespmem:$0x0]  }
0xc7: {  	_ =	swait.ge [sflag:s25], $0x1000  }
0xc8: {  	[sflag:s25] =	ssyncset.done $0x0  }
0xc9: {  	s19 =	sadd.s32 $0x16180, s3;
	[sflag:s25] =	ssyncadd.s32 $0xFFFFF000  }
0xca: {  	[spmem:s1] =	stream.indirect.scatter.add.f32 [tilespmem:s14], [sflag:$0x9], $0x80, s19, s8, $0xb8;
	v63 =	vld [tilespmem:$0x0]  }
0xcb: {  	_ =	swait.ge [sflag:s0], $0x1000  }
0xcc: {  	[sflag:s0] =	ssyncset.done $0x0  }
0xcd: {  	s5 =	simm.s32 @p0 $0x5;
	[sflag:s0] =	ssyncadd.s32 $0xFFFFF000  }
0xce: {  	_ =	swait.ge @p0 [sflag:s5], $0x1000  }
0xcf: {  	[sflag:s5] =	ssyncset.done @p0 $0x0  }
0xd0: {  	s19 =	simm.s32 @p0 $0x1C000;
	[sflag:s5] =	ssyncadd.s32 @p0 $0xFFFFF000;
	s5 =	sadd.s32 @p0 $0x16200, s12  }
0xd1: {  	[spmem:s1] =	stream.indirect.scatter.add.f32 @p0 [tilespmem:s19], [sflag:$0x9], $0x80, s5, s13, $0xb8;
	v63 =	vld [tilespmem:$0x0]  }
0xd2: {  	_ =	swait.ge @p0 [sflag:s15], $0x1000  }
0xd3: {  	[sflag:s15] =	ssyncset.done @p0 $0x0  }
0xd4: {  	s5 =	sadd.s32 @!p0 $0x14500, s9;
	[sflag:s15] =	ssyncadd.s32 @p0 $0xFFFFF000  }
0xd5: {  	[tilespmem:s17], [sflag:$0x3] =	stream.indirect.gather @!p0 [hbm4b:s4+s11], $0x80, s5, s11, $0xb8;
	v63 =	vld [tilespmem:$0x0]  }
0xd6: {  	s5 =	simm.s32 @!p0 $0x5  }
0xd7: {  	_ =	swait.ge @!p0 [sflag:s5], $0x1000  }
0xd8: {  	[sflag:s5] =	ssyncset.done @!p0 $0x0  }
0xd9: {  	s17 =	simm.s32 @!p0 $0x1C000;
	[sflag:s5] =	ssyncadd.s32 @!p0 $0xFFFFF000;
	s5 =	sadd.s32 @!p0 $0x16200, s9  }
0xda: {  	[spmem:s1] =	stream.indirect.scatter.add.f32 @!p0 [tilespmem:s17], [sflag:$0x9], $0x80, s5, s11, $0xb8;
	v63 =	vld [tilespmem:$0x0]  }
0xdb: {  	_ =	swait.ge @!p0 [sflag:s16], $0x1000  }
0xdc: {  	[sflag:s16] =	ssyncset.done @!p0 $0x0  }
0xdd: {  	s19 =	simm.s32 @!p0 $0x1B000;
	s5 =	sadd.s32 @!p0 $0x14580, s9;
	[sflag:s16] =	ssyncadd.s32 @!p0 $0xFFFFF000  }
0xde: {  	[tilespmem:s19], [sflag:$0x4] =	stream.indirect.gather @!p0 [hbm4b:s4+s11], $0x80, s5, s11, $0xb8;
	v63 =	vld [tilespmem:$0x0]  }
0xdf: {  	_ =	swait.ge [sflag:s26], $0x1000  }
0xe0: {  	[sflag:s26] =	ssyncset.done $0x0  }
0xe1: {  	s19 =	sadd.s32 $0x16280, s3;
	[sflag:s26] =	ssyncadd.s32 $0xFFFFF000  }
0xe2: {  	[spmem:s1] =	stream.indirect.scatter.add.f32 [tilespmem:s18], [sflag:$0x9], $0x80, s19, s8, $0xb8;
	v63 =	vld [tilespmem:$0x0]  }
0xe3: {  	_ =	swait.ge [sflag:s0], $0x1000  }
0xe4: {  	[sflag:s0] =	ssyncset.done $0x0  }
0xe5: {  	s5 =	simm.s32 @p0 $0x7;
	[sflag:s0] =	ssyncadd.s32 $0xFFFFF000  }
0xe6: {  	_ =	swait.ge @p0 [sflag:s5], $0x1000  }
0xe7: {  	[sflag:s5] =	ssyncset.done @p0 $0x0  }
0xe8: {  	[sflag:s5] =	ssyncadd.s32 @p0 $0xFFFFF000;
	s5 =	sadd.s32 @p0 $0x16300, s12;
	s12 =	simm.s32 @p0 $0x1E000  }
0xe9: {  	[spmem:s1] =	stream.indirect.scatter.add.f32 @p0 [tilespmem:s12], [sflag:$0x9], $0x80, s5, s13, $0xb8;
	v63 =	vld [tilespmem:$0x0]  }
0xea: {  	_ =	swait.ge @p0 [sflag:s15], $0x1000  }
0xeb: {  	[sflag:s15] =	ssyncset.done @p0 $0x0  }
0xec: {  	s5 =	sadd.s32 @!p0 $0x14600, s9;
	[sflag:s15] =	ssyncadd.s32 @p0 $0xFFFFF000  }
0xed: {  	[tilespmem:s17], [sflag:$0x5] =	stream.indirect.gather @!p0 [hbm4b:s4+s11], $0x80, s5, s11, $0xb8;
	v63 =	vld [tilespmem:$0x0]  }
0xee: {  	s5 =	simm.s32 @!p0 $0x7  }
0xef: {  	_ =	swait.ge @!p0 [sflag:s5], $0x1000  }
0xf0: {  	[sflag:s5] =	ssyncset.done @!p0 $0x0  }
0xf1: {  	s12 =	simm.s32 @!p0 $0x1E000;
	[sflag:s5] =	ssyncadd.s32 @!p0 $0xFFFFF000;
	s5 =	sadd.s32 @!p0 $0x16300, s9  }
0xf2: {  	[spmem:s1] =	stream.indirect.scatter.add.f32 @!p0 [tilespmem:s12], [sflag:$0x9], $0x80, s5, s11, $0xb8;
	v63 =	vld [tilespmem:$0x0]  }
0xf3: {  	_ =	swait.ge @!p0 [sflag:s16], $0x1000  }
0xf4: {  	[sflag:s16] =	ssyncset.done @!p0 $0x0  }
0xf5: {  	s5 =	sadd.s32 @!p0 $0x14680, s9;
	s9 =	simm.s32 @!p0 $0x1D000;
	[sflag:s16] =	ssyncadd.s32 @!p0 $0xFFFFF000  }
0xf6: {  	[tilespmem:s9], [sflag:$0x6] =	stream.indirect.gather @!p0 [hbm4b:s4+s11], $0x80, s5, s11, $0xb8;
	v63 =	vld [tilespmem:$0x0]  }
0xf7: {  	_ =	swait.ge [sflag:s28], $0x1000  }
0xf8: {  	[sflag:s28] =	ssyncset.done $0x0  }
.Ltmp5:
0xf9: {  	s19 =	sadd.s32 $0x16380, s3;
	[sflag:s28] =	ssyncadd.s32 $0xFFFFF000;
	(pc) =	sbr.rel @p0 .LBB2_7-.Ltmp5, $4  }
0xfa: {  	[spmem:s1] =	stream.indirect.scatter.add.f32 [tilespmem:s23], [sflag:$0x9], $0x80, s19, s8, $0xb8;
	v63 =	vld [tilespmem:$0x0]  }
0xfb: {  	_ =	swait.ge [sflag:s0], $0x1000  }
0xfc: {  	[sflag:s0] =	ssyncset.done $0x0  }
0xfd: {  	[sflag:s0] =	ssyncadd.s32 $0xFFFFF000  }
.Ltmp6:
0xfe: {  	(pc) =	sbr.rel .LBB2_5-.Ltmp6, $3  }
0xff: {  	_ =	sdelay $0x1  }
0x100: {  	s3 =	sadd.s32 $0x14700, s3;
	s29 =	sadd.s32 $0x1000, s29  }
0x101: {  	[tilespmem:s20], [sflag:$0x7] =	stream.indirect.gather [hbm4b:s4+s8], $0x80, s3, s8, $0xb8;
	v63 =	vld [tilespmem:$0x0]  }
.LBB2_9:
0x102: {  	_ =	sfence.sel $0x180000  }
0x103: {  	[bflag:$0x0] =	sbarrier.arrive $0xFFFF  }
0x104: {  	_ =	strace $0x9000004D  }
0x105: {  	s0 =	stileid.u32;
	[bflag:$0x2] =	sbarrier.arrive $0xFFFF  }
0x106: {  	p0 =	sne.s32 s0, $0x0;
	s0 =	rddreg [dreg:$0x2]  }
0x107: {  	s0 =	sadd.s32 @!p0 $0x100000, s0  }
0x108: {  	[sflag:s0] =	ssyncadd.tile.s32 @!p0 $0x1;
	_ =	shalt  }
.Lfunc_end2:
_tile_overlayer_lowered:
.L_overlay_start_2:
0x109: {  	(tag) =	ssettag $0x2  }
0x10a: {  	s0 =	rddreg [dreg:$0x0];
	s2 =	stileid.u32  }
0x10b: {  	s1 =	rddreg [dreg:$0x1];
	p0 =	sne.s32 s2, $0x0  }
0x10c: {  	s3 =	rddreg [dreg:$0x2];
	[bflag:$0x3] =	sbarrier.arrive $0xFFFF;
	s2 =	simm.s32 @!p0 $0x1C09  }
0x10d: {  	[timem:s3], [sflag:s2] =	dma.local @!p0 [hbm:s0], s1  }
0x10e: {  	s0 =	simm.s32 @!p0 $0x9  }
0x10f: {  	_ =	swait.ge @!p0 [sflag:s0], s1  }
0x110: {  	s1 =	ssub.s32 @!p0 $0x0, s1;
	[sflag:s0] =	ssyncset.done @!p0 $0x0  }
0x111: {  	[sflag:s0] =	ssyncadd.s32 @!p0 s1  }
0x112: {  	[bflag:$0x3] =	sbarrier.arrive $0xFFFF  }
0x113: {  	_ =	shalt  }

// kernel: kernel.8.cloned.1.call-start
scs
__scs_entry_jumppad:
0x0: {  	(pc) =	sbr.rel $0x88, $3  }
0x1: {  	(tag) =	ssettag $0x0;
	lr =	simm.s32 $0x1  }
0x2: {  	[smem:$0x3F9B] =	sst lr;
	_ =	strace $0xD0000000  }
0x3: {  	_ = 	snop  }
0x4: {  	_ = 	snop  }
0x5: {  	_ = 	snop  }
0x6: {  	_ = 	snop  }
0x7: {  	_ = 	snop  }
__scs_overlays_trampoline_lowered:
0x8: {  	[smem:$0x3FAA] =	sst s0  }
0x9: {  	[smem:$0x3FAB] =	sst s1  }
0xa: {  	[smem:$0x3FAC] =	sst s2  }
0xb: {  	[smem:$0x3FAD] =	sst s3  }
0xc: {  	[smem:$0x3FAE] =	sst s4  }
0xd: {  	[smem:$0x3FAF] =	sst s5  }
0xe: {  	[smem:$0x3FB0] =	sst s6  }
0xf: {  	[smem:$0x3FB1] =	sst s7  }
0x10: {  	[smem:$0x3FB2] =	sst s8  }
0x11: {  	[smem:$0x3FB3] =	sst s9;
	s0 =	simm.s32 @!p0 $0x0  }
0x12: {  	s1 =	sld [smem:$0x3F99];
	s0 =	simm.s32 @p0 $0x1  }
0x13: {  	[smem:$0x3FB4] =	sst s0;
	s0 =	simm.s32 @!p1 $0x0  }
0x14: {  	s2 =	sld [smem:$0x3F98];
	s0 =	simm.s32 @p1 $0x1  }
0x15: {  	[smem:$0x3FB5] =	sst s0;
	s0 =	simm.s32 @!p2 $0x0  }
0x16: {  	s3 =	sld [smem:$0x3FDB];
	s0 =	simm.s32 @p2 $0x1  }
0x17: {  	s4 =	simm.s32 $0x1BF5;
	[smem:$0x3FB7] =	sst s0  }
0x18: {  	s0 =	sld [smem:$0x3F9A];
	_ =	swait.ge [sflag:s4], $0x0  }
0x19: {  	s7 =	sld [smem:$0x3F9B]  }
0x1a: {  	s8 =	sadd.s32 $0xFFFFE003, lr  }
0x1b: {  	s9 =	sadd.s32 $0xFFFFFEF7, lr;
	s5 =	simm.s32 $0xFFFFFFFF;
	p2 =	slt.u32 s8, $0xFFFFF086  }
0x1c: {  	p1 =	slt.u32 s9, $0xF7A;
	s5 =	simm.s32 @!p2 $0x0  }
0x1d: {  	s5 =	simm.s32 @p1 $0x1;
	p0 =	seq.s32 s7, s2  }
0x1e: {  	s7 =	smul.u32 @!p0 $0xF7A, s2;
	p2 =	seq.s32 @!p0 s5, $0x0  }
0x1f: {  	s9 =	smul.u32 $0xF7A, s1;
	s8 =	simm.s32 @!p0 $0x1BF5;
	p2 =	por !p2, p0  }
0x20: {  	[sflag:s8] =	ssyncset.s32 @!p0 $0xFFFFF086;
	s6 =	sadd.s32 @!p0 s3, s7;
	s7 =	simm.s32 @!p0 $0x108  }
0x21: {  	s3 =	sadd.s32 s3, s9;
	s6 =	sadd.s32 @!p0 $0x88, s6;
	s7 =	simm.s32 @p2 $0x1082  }
0x22: {  	[simem:s7], [sflag:s8] =	dma.local @!p0 [hbm:s6], $0xF7A  }
0x23: {  	s9 =	sor.u32 $0xD0000000, s2;
	s6 =	simm.s32 $0x108;
	_ =	swait.ge @!p0 [sflag:s8], $0x0  }
0x24: {  	s3 =	sadd.s32 $0x88, s3;
	s6 =	simm.s32 @!p1 $0x1082;
	[sflag:s4] =	ssyncset.s32 $0xFFFFF086  }
0x25: {  	[simem:s6], [sflag:s4] =	dma.local [hbm:s3], $0xF7A  }
0x26: {  	[smem:$0x3F9B] =	sst s1;
	(tag) =	ssettag s2;
	_ =	strace s9  }
0x27: {  	s1 =	sld [smem:$0x3FAB]  }
0x28: {  	s2 =	sld [smem:$0x3FAC]  }
0x29: {  	s4 =	sld [smem:$0x3FAE]  }
0x2a: {  	p0 =	seq.s32 s5, $0x0;
	s5 =	sld [smem:$0x3FAF]  }
0x2b: {  	s6 =	sld [smem:$0x3FB0]  }
0x2c: {  	s7 =	sld [smem:$0x3FB1]  }
0x2d: {  	s3 =	simm.s32 $0x108;
	s8 =	sld [smem:$0x3FB2]  }
0x2e: {  	s3 =	simm.s32 @!p0 $0x1082;
	s9 =	sld [smem:$0x3FB3]  }
0x2f: {  	lr =	sadd.s32 s0, s3;
	s0 =	sld [smem:$0x3FAA]  }
0x30: {  	s3 =	sld [smem:$0x3FAD]  }
0x31: {  	[smem:$0x3FB6] =	sst s10  }
0x32: {  	s10 =	sld [smem:$0x3FB4];
	_ =	sdelay $0x3  }
0x33: {  	p0 =	seq.s32 s10, $0x1;
	s10 =	sld [smem:$0x3FB6];
	_ =	sdelay $0x3  }
0x34: {  	[smem:$0x3FB6] =	sst s10  }
0x35: {  	s10 =	sld [smem:$0x3FB5];
	_ =	sdelay $0x3  }
0x36: {  	p1 =	seq.s32 s10, $0x1;
	s10 =	sld [smem:$0x3FB6];
	_ =	sdelay $0x3  }
0x37: {  	[smem:$0x3FB6] =	sst s10  }
0x38: {  	s10 =	sld [smem:$0x3FB7]  }
0x39: {  	_ = 	snop;
	(pc) =	sbr.ind lr, $3  }
0x3a: {  	_ = 	snop  }
0x3b: {  	_ = 	snop  }
0x3c: {  	p2 =	seq.s32 s10, $0x1;
	s10 =	sld [smem:$0x3FB6]  }
0x3d: {  	_ =	shalt  }
0x3e: {  	_ =	shalt  }
0x3f: {  	_ =	shalt  }
0x40: {  	_ =	shalt  }
0x41: {  	_ =	shalt  }
0x42: {  	_ =	shalt  }
0x43: {  	_ =	shalt  }
0x44: {  	_ =	shalt  }
0x45: {  	_ =	shalt  }
0x46: {  	_ =	shalt  }
0x47: {  	_ =	shalt  }
0x48: {  	_ =	shalt  }
0x49: {  	_ =	shalt  }
0x4a: {  	_ =	shalt  }
0x4b: {  	_ =	shalt  }
0x4c: {  	_ =	shalt  }
0x4d: {  	_ =	shalt  }
0x4e: {  	_ =	shalt  }
0x4f: {  	_ =	shalt  }
0x50: {  	_ =	shalt  }
0x51: {  	_ =	shalt  }
0x52: {  	_ =	shalt  }
0x53: {  	_ =	shalt  }
0x54: {  	_ =	shalt  }
0x55: {  	_ =	shalt  }
0x56: {  	_ =	shalt  }
0x57: {  	_ =	shalt  }
0x58: {  	_ =	shalt  }
0x59: {  	_ =	shalt  }
0x5a: {  	_ =	shalt  }
0x5b: {  	_ =	shalt  }
0x5c: {  	_ =	shalt  }
0x5d: {  	_ =	shalt  }
0x5e: {  	_ =	shalt  }
0x5f: {  	_ =	shalt  }
0x60: {  	_ =	shalt  }
0x61: {  	_ =	shalt  }
0x62: {  	_ =	shalt  }
0x63: {  	_ =	shalt  }
0x64: {  	_ =	shalt  }
0x65: {  	_ =	shalt  }
0x66: {  	_ =	shalt  }
0x67: {  	_ =	shalt  }
0x68: {  	_ =	shalt  }
0x69: {  	_ =	shalt  }
0x6a: {  	_ =	shalt  }
0x6b: {  	_ =	shalt  }
0x6c: {  	_ =	shalt  }
0x6d: {  	_ =	shalt  }
0x6e: {  	_ =	shalt  }
0x6f: {  	_ =	shalt  }
0x70: {  	_ =	shalt  }
0x71: {  	_ =	shalt  }
0x72: {  	_ =	shalt  }
0x73: {  	_ =	shalt  }
0x74: {  	_ =	shalt  }
0x75: {  	_ =	shalt  }
0x76: {  	_ =	shalt  }
0x77: {  	_ =	shalt  }
0x78: {  	_ =	shalt  }
0x79: {  	_ =	shalt  }
0x7a: {  	_ =	shalt  }
0x7b: {  	_ =	shalt  }
0x7c: {  	_ =	shalt  }
0x7d: {  	_ =	shalt  }
0x7e: {  	_ =	shalt  }
0x7f: {  	_ =	shalt  }
0x80: {  	_ =	shalt  }
0x81: {  	_ =	shalt  }
0x82: {  	_ =	shalt  }
0x83: {  	_ =	shalt  }
0x84: {  	_ =	shalt  }
0x85: {  	_ =	shalt  }
0x86: {  	_ =	shalt  }
0x87: {  	_ =	shalt  }
.Lfunc_end0:
.L_simem_size_0:
called_computation_lowered:
.L_overlay_start_0:
0x88: {  	s2 =	sld [smem:$0x3FD9]  }
0x89: {  	s3 =	sld [smem:$0x3FFE];
	_ =	sdelay $0x1  }
0x8a: {  	s1 =	srdreg.scid  }
0x8b: {  	s0 =	sand.u32 $0x1, s1  }
0x8c: {  	s17 =	sshll.u32 s0, $0xA;
	s2 =	sadd.s32 s3, s2  }
0x8d: {  	s2 =	sadd.s32 s2, s17  }
0x8e: {  	[smem:$0x3FC2] =	sst s2  }
0x8f: {  	_ = 	snop  }
0x90: {  	s2 =	sld [smem:$0x3FD0];
	(tm) =	ssettm $0x1  }
0x91: {  	s18 =	sld [smem:$0x3FFB];
	_ =	sdelay $0x3  }
0x92: {  	_ =	strace s18  }
0x93: {  	s3 =	sld [smem:$0x3FFC];
	_ =	sdelay $0x3  }
0x94: {  	_ =	strace s3  }
0x95: {  	s3 =	sld [smem:$0x3FFD];
	_ =	sdelay $0x3  }
0x96: {  	_ =	strace s3  }
0x97: {  	_ =	strace $0x8FFFFFFF  }
0x98: {  	s19 =	sld [smem:$0x3FDB];
	_ =	sdelay $0x1  }
0x99: {  	s4 =	simm.s32 $_scs_section_size  }
0x9a: {  	s5 =	simm.s32 $_size__tile_overlayer_lowered;
	s6 =	simm.s32 $_tile_overlayer_lowered  }
0x9b: {  	s22 =	simm.s32 $0x1BFF;
	s21 =	sshll.u32 s6, $0x1;
	s3 =	sadd.s32 s4, s19  }
0x9c: {  	s7 =	simm.s32 $0x0;
	s20 =	sshll.u32 s5, $0x1;
	s5 =	sadd.s32 s21, s3  }
0x9d: {  	[timem:s7], [sflag:s22] =	dma.local [hbm:s5], s20  }
0x9e: {  	_ =	swait.ge [sflag:s22], s20  }
0x9f: {  	s4 =	ssub.s32 $0x0, s20;
	[sflag:s22] =	ssyncset.done $0x0  }
0xa0: {  	[sflag:s22] =	ssyncadd.s32 s4;
	_ =	sdelay $0x1  }
0xa1: {  	s23 =	simm.s32 $0x1B8B  }
0xa2: {  	_ =	swait.ge [sflag:s23], $0x1  }
0xa3: {  	[sflag:s23] =	ssyncset.done $0x0  }
0xa4: {  	s25 =	simm.s32 $0x1B8E;
	s24 =	sld [smem:$0x3FFE];
	[sflag:s23] =	ssyncadd.s32 $0xFFFFFFFF  }
0xa5: {  	s26 =	simm.s32 $execute0_lowered;
	[smem:$0x3FD2] =	sst s25  }
0xa6: {  	s5 =	sshll.u32 s26, $0x1;
	_ =	strace $0x80000046;
	[dreg:$0x1] =	wrdreg $0xFFFFFFFF  }
0xa7: {  	s28 =	simm.s32 $_size_execute0_lowered;
	s3 =	sadd.s32 s3, s5;
	[dreg:$0x0] =	wrdreg $0x0  }
0xa8: {  	s5 =	sshll.u32 s28, $0x1;
	[dreg:$0x2] =	wrdreg s3  }
0xa9: {  	[dreg:$0x3] =	wrdreg s5  }
0xaa: {  	[dreg:$0x4] =	wrdreg $0xC0  }
0xab: {  	_ =	task [dreg:s7], $0x5FFFF  }
0xac: {  	[dreg:$0x1] =	wrdreg $0xFFFFFFFF  }
0xad: {  	[dreg:$0x0] =	wrdreg $0x60  }
0xae: {  	[dreg:$0x2] =	wrdreg s24  }
0xaf: {  	[dreg:$0x3] =	wrdreg s2  }
0xb0: {  	[dreg:$0x4] =	wrdreg $0x0  }
0xb1: {  	[dreg:$0x5] =	wrdreg $0x9  }
0xb2: {  	_ =	task.clear_ibuf [dreg:s7], $0x6FFFF;
	_ =	strace $0x90000046  }
0xb3: {  	s29 =	simm.s32 $0x9;
	_ =	strace $0x80000048  }
0xb4: {  	_ =	swait.ge [sflag:s29], $0x1  }
0xb5: {  	[sflag:s29] =	ssyncadd.s32 $0xFFFFFFFF  }
0xb6: {  	_ =	strace $0x90000048  }
0xb7: {  	_ =	sfence  }
0xb8: {  	s30 =	sld [smem:$0x0];
	_ =	sdelay $0x2  }
0xb9: {  	s31 =	sshll.u32 s1, $0xD;
	s1 =	sshrl.u32 s1, $0x2  }
0xba: {  	s3 =	sand.u32 $0x4000, s31;
	s1 =	sadd.s32 s1, s30  }
0xbb: {  	s0 =	sor.u32 s3, s0;
	s1 =	sshll.u32 s1, $0x11  }
0xbc: {  	s0 =	sor.u32 s1, s0  }
0xbd: {  	s0 =	sadd.s32 $0x8F2B, s0  }
0xbe: {  	[sflag:s0] =	ssyncadd.remote.s32 $0x1  }
0xbf: {  	_ =	sfence.sel $0xFFFF  }
0xc0: {  	[dreg:$0x0] =	wrdreg $0xFFFFFFFF;
	(pc) =	sbr.abs _section_cstart, $3  }
0xc1: {  	[dreg:$0x1] =	wrdreg $0xFFFFFFFF  }
0xc2: {  	_ =	task.clear_ibuf [dreg:s7], $0x2FFFF;
	_ =	strace $0x9FFFFFFF  }
0xc3: {  	(tm) =	ssettm $0x7FFFFFFF  }
tec
execute0_lowered:
.L_overlay_start_1:
0x0: {  	(tag) =	ssettag $0x1  }
0x1: {  	s0 =	rddreg [dreg:$0x0]  }
0x2: {  	s1 =	srdreg.scid;
	s22 =	rddreg [dreg:$0x1]  }
0x3: {  	s3 =	rddreg [dreg:$0x2];
	s20 =	stileid.u32;
	s2 =	simm.s32 $0x0  }
0x4: {  	s24 =	simm.s32 $0x1;
	s28 =	simm.s32 $0x400;
	s29 =	simm.s32 $0xF000  }
0x5: {  	s30 =	simm.s32 $0xF280;
	s31 =	simm.s32 $0x0;
	s1 =	sand.u32 $0x1, s1  }
0x6: {  	[smem:$0x7FF] =	sst s2;
	s5 =	sshrl.u32 s20, $0x3;
	s8 =	smul.u32 $0x1400, s20  }
0x7: {  	s25 =	sshll.u32 s20, $0x7;
	s26 =	smul.u32 $0x50, s20;
	s4 =	sshll.u32 s1, $0x4  }
0x8: {  	_ =	strace $0x80000047;
	s6 =	ssub.s32 $0x2, s1;
	s5 =	smul.u32 $0x50000, s5  }
0x9: {  	p0 =	seq.s32 s1, $0x1;
	s4 =	sor.u32 s20, s4;
	s7 =	sshrl.u32 s6, $0x1  }
0xa: {  	s4 =	smul.u32 $0x1400, s4;
	s21 =	ssub.s32 s6, s7;
	s5 =	sshrl.u32 s5, $0x2  }
0xb: {  	s6 =	sand.u32 $0x380, s25;
	s25 =	simm.s32 $0xC800;
	s5 =	sadd.s32 s5, s3  }
0xc: {  	s3 =	sadd.s32 s8, s3;
	s21 =	smax.u32 s21, $0x1;
	s4 =	sadd.s32 s4, s0  }
0xd: {  	s0 =	sadd.s32 $0x2AC00, s0;
	s5 =	sadd.s32 s6, s5;
	s6 =	sadd.s32 $0x80, s3  }
0xe: {  	s7 =	sadd.s32 $0x100, s3;
	s8 =	sadd.s32 $0x180, s3;
	s9 =	sadd.s32 $0x200, s3  }
0xf: {  	s10 =	sadd.s32 $0x280, s3;
	s11 =	sadd.s32 $0x300, s3;
	s12 =	sadd.s32 $0x380, s3  }
0x10: {  	s13 =	sadd.s32 $0x14000, s3;
	s14 =	sadd.s32 $0x14080, s3;
	s15 =	sadd.s32 $0x14100, s3  }
0x11: {  	s16 =	sadd.s32 $0x14180, s3;
	s17 =	sadd.s32 $0x14200, s3;
	s18 =	sadd.s32 $0x14280, s3  }
0x12: {  	s19 =	sadd.s32 $0x14300, s3;
	s20 =	sadd.s32 $0x14380, s3;
	s22 =	smov.u32 @p0 s0  }
0x13: {  	v0 =	vimm.f32 $0.0e+00;
	v1 =	vimm.f32 $1.000000000e+00;
	s4 =	sadd.s32 $0x2C00, s4;
	s22 =	sadd.s32 s22, s26;
	s26 =	simm.s32 $0x80  }
.LBB2_1:
0x14: {  	s0 =	simm.s32 $0x2800  }
0x15: {  	[tilespmem:s0], [sflag:$0x1] =	stream.linear.gather [hbm4b:s4+s2], $0xA000, $0x38;
	[tilespmem:$0xF500] =	vst v63  }
0x16: {  	_ =	swait.ge [sflag:s24], $0xA000  }
0x17: {  	[sflag:s24] =	ssyncset.done $0x0  }
0x18: {  	s0 =	simm.s32 $0x0;
	[sflag:s24] =	ssyncadd.s32 $0xFFFF6000  }
.LBB2_2:
0x19: {  	p0 =	sne.s32 s0, $0x9FC0  }
.Ltmp0:
0x1a: {  	_ = 	snop;
	(pc) =	sbr.rel @p0 .LBB2_2-.Ltmp0, $3  }
0x1b: {  	_ =	sdelay $0x1  }
0x1c: {  	s1 =	sshra.s32 s0, $0x2  }
0x1d: {  	s0 =	sadd.s32 $0x40, s0;
	[tilespmem:s1+$0xC800] =	vst v0  }
0x1e: {  	s1 =	simm.s32 $0x0;
	s0 =	simm.s32 $0x200  }
.LBB2_4:
0x1f: {  	p0 =	sne.s32 s0, $0x27E00;
	v2 =	vld [tilespmem:s1+$0x2800];
	_ =	sdelay $0x7  }
0x20: {  	[tilespmem:v2+s25+$0x0] =	vst.idx.add.f32.msk $0xffff, v1  }
0x21: {  	v2 =	vld [tilespmem:s1+$0x2810];
	_ =	sdelay $0x3  }
.Ltmp1:
0x22: {  	(pc) =	sbr.rel @p0 .LBB2_4-.Ltmp1, $2  }
0x23: {  	_ =	sdelay $0x2  }
0x24: {  	s1 =	sshra.s32 s0, $0x2;
	s0 =	sadd.s32 $0x200, s0;
	[tilespmem:v2+s25+$0x0] =	vst.idx.add.f32.msk $0xffff, v1  }
0x25: {  	v2 =	vld [tilespmem:s1+$0x2800];
	_ =	sdelay $0x7  }
0x26: {  	[tilespmem:v2+s25+$0x0] =	vst.idx.add.f32.msk $0xffff, v1  }
0x27: {  	v2 =	vld [tilespmem:s1+$0x2810];
	_ =	sdelay $0x7  }
0x28: {  	[tilespmem:v2+s25+$0x0] =	vst.idx.add.f32.msk $0xffff, v1  }
0x29: {  	[spmem:s5] =	stream.strided.scatter [tilespmem:s25], [sflag:$0x1], $0x2800, s28, s26, $0x38;
	[tilespmem:$0xF500] =	vst v63  }
0x2a: {  	_ =	swait.ge [sflag:s24], $0x2800  }
0x2b: {  	[sflag:s24] =	ssyncset.done $0x0  }
0x2c: {  	[sflag:s24] =	ssyncadd.s32 $0xFFFFD800  }
0x2d: {  	[bflag:$0x0] =	sbarrier.arrive $0xFFFF  }
0x2e: {  	[tilespmem:s29], [sflag:$0x1] =	stream.strided.gather [spmem:s3], $0x280, s28, s26, $0x38;
	[tilespmem:$0xF500] =	vst v63  }
0x2f: {  	_ =	swait.ge [sflag:s24], $0x280  }
0x30: {  	[sflag:s24] =	ssyncset.done $0x0  }
0x31: {  	[sflag:s24] =	ssyncadd.s32 $0xFFFFFD80  }
0x32: {  	[tilespmem:s30], [sflag:$0x1] =	stream.strided.gather [spmem:s6], $0x280, s28, s26, $0x38;
	[tilespmem:$0xF500] =	vst v63  }
0x33: {  	_ =	swait.ge [sflag:s24], $0x280  }
0x34: {  	[sflag:s24] =	ssyncset.done $0x0  }
0x35: {  	s0 =	simm.s32 $0x0;
	[sflag:s24] =	ssyncadd.s32 $0xFFFFFD80  }
0x36: {  	s1 =	simm.s32 $0x40;
	v2 =	vld [tilespmem:s0+$0xF280]  }
.LBB2_6:
0x37: {  	p0 =	sne.s32 s1, $0x9C0;
	v3 =	vld [tilespmem:s0+$0xF000];
	_ =	sdelay $0x2  }
.Ltmp2:
0x38: {  	(pc) =	sbr.rel @p0 .LBB2_6-.Ltmp2, $4  }
0x39: {  	_ = 	snop  }
0x3a: {  	v3 =	vadd.f32 v2, v3  }
0x3b: {  	s23 =	sshra.s32 s1, $0x2  }
0x3c: {  	s1 =	sadd.s32 $0x40, s1;
	v2 =	vld [tilespmem:s23+$0xF280];
	[tilespmem:s0+$0xF000] =	vst v3;
	s0 =	smov.u32 s23  }
0x3d: {  	v3 =	vld [tilespmem:s0+$0xF000];
	_ =	sdelay $0x4  }
0x3e: {  	v2 =	vadd.f32 v2, v3;
	_ =	sdelay $0x1  }
0x3f: {  	[tilespmem:s0+$0xF000] =	vst v2  }
0x40: {  	[tilespmem:s30], [sflag:$0x1] =	stream.strided.gather [spmem:s7], $0x280, s28, s26, $0x38;
	[tilespmem:$0xF500] =	vst v63  }
0x41: {  	_ =	swait.ge [sflag:s24], $0x280  }
0x42: {  	[sflag:s24] =	ssyncset.done $0x0  }
0x43: {  	s0 =	simm.s32 $0x0;
	[sflag:s24] =	ssyncadd.s32 $0xFFFFFD80  }
0x44: {  	s1 =	simm.s32 $0x40;
	v2 =	vld [tilespmem:s0+$0xF280]  }
.LBB2_8:
0x45: {  	p0 =	sne.s32 s1, $0x9C0;
	v3 =	vld [tilespmem:s0+$0xF000];
	_ =	sdelay $0x2  }
.Ltmp3:
0x46: {  	(pc) =	sbr.rel @p0 .LBB2_8-.Ltmp3, $4  }
0x47: {  	_ = 	snop  }
0x48: {  	v3 =	vadd.f32 v2, v3  }
0x49: {  	s23 =	sshra.s32 s1, $0x2  }
0x4a: {  	s1 =	sadd.s32 $0x40, s1;
	v2 =	vld [tilespmem:s23+$0xF280];
	[tilespmem:s0+$0xF000] =	vst v3;
	s0 =	smov.u32 s23  }
0x4b: {  	v3 =	vld [tilespmem:s0+$0xF000];
	_ =	sdelay $0x4  }
0x4c: {  	v2 =	vadd.f32 v2, v3;
	_ =	sdelay $0x1  }
0x4d: {  	[tilespmem:s0+$0xF000] =	vst v2  }
0x4e: {  	[tilespmem:s30], [sflag:$0x1] =	stream.strided.gather [spmem:s8], $0x280, s28, s26, $0x38;
	[tilespmem:$0xF500] =	vst v63  }
0x4f: {  	_ =	swait.ge [sflag:s24], $0x280  }
0x50: {  	[sflag:s24] =	ssyncset.done $0x0  }
0x51: {  	s0 =	simm.s32 $0x0;
	[sflag:s24] =	ssyncadd.s32 $0xFFFFFD80  }
0x52: {  	s1 =	simm.s32 $0x40;
	v2 =	vld [tilespmem:s0+$0xF280]  }
.LBB2_10:
0x53: {  	p0 =	sne.s32 s1, $0x9C0;
	v3 =	vld [tilespmem:s0+$0xF000];
	_ =	sdelay $0x2  }
.Ltmp4:
0x54: {  	(pc) =	sbr.rel @p0 .LBB2_10-.Ltmp4, $4  }
0x55: {  	_ = 	snop  }
0x56: {  	v3 =	vadd.f32 v2, v3  }
0x57: {  	s23 =	sshra.s32 s1, $0x2  }
0x58: {  	s1 =	sadd.s32 $0x40, s1;
	v2 =	vld [tilespmem:s23+$0xF280];
	[tilespmem:s0+$0xF000] =	vst v3;
	s0 =	smov.u32 s23  }
0x59: {  	v3 =	vld [tilespmem:s0+$0xF000];
	_ =	sdelay $0x4  }
0x5a: {  	v2 =	vadd.f32 v2, v3;
	_ =	sdelay $0x1  }
0x5b: {  	[tilespmem:s0+$0xF000] =	vst v2  }
0x5c: {  	[tilespmem:s30], [sflag:$0x1] =	stream.strided.gather [spmem:s9], $0x280, s28, s26, $0x38;
	[tilespmem:$0xF500] =	vst v63  }
0x5d: {  	_ =	swait.ge [sflag:s24], $0x280  }
0x5e: {  	[sflag:s24] =	ssyncset.done $0x0  }
0x5f: {  	s0 =	simm.s32 $0x0;
	[sflag:s24] =	ssyncadd.s32 $0xFFFFFD80  }
0x60: {  	s1 =	simm.s32 $0x40;
	v2 =	vld [tilespmem:s0+$0xF280]  }
.LBB2_12:
0x61: {  	p0 =	sne.s32 s1, $0x9C0;
	v3 =	vld [tilespmem:s0+$0xF000];
	_ =	sdelay $0x2  }
.Ltmp5:
0x62: {  	(pc) =	sbr.rel @p0 .LBB2_12-.Ltmp5, $4  }
0x63: {  	_ = 	snop  }
0x64: {  	v3 =	vadd.f32 v2, v3  }
0x65: {  	s23 =	sshra.s32 s1, $0x2  }
0x66: {  	s1 =	sadd.s32 $0x40, s1;
	v2 =	vld [tilespmem:s23+$0xF280];
	[tilespmem:s0+$0xF000] =	vst v3;
	s0 =	smov.u32 s23  }
0x67: {  	v3 =	vld [tilespmem:s0+$0xF000];
	_ =	sdelay $0x4  }
0x68: {  	v2 =	vadd.f32 v2, v3;
	_ =	sdelay $0x1  }
0x69: {  	[tilespmem:s0+$0xF000] =	vst v2  }
0x6a: {  	[tilespmem:s30], [sflag:$0x1] =	stream.strided.gather [spmem:s10], $0x280, s28, s26, $0x38;
	[tilespmem:$0xF500] =	vst v63  }
0x6b: {  	_ =	swait.ge [sflag:s24], $0x280  }
0x6c: {  	[sflag:s24] =	ssyncset.done $0x0  }
0x6d: {  	s0 =	simm.s32 $0x0;
	[sflag:s24] =	ssyncadd.s32 $0xFFFFFD80  }
0x6e: {  	s1 =	simm.s32 $0x40;
	v2 =	vld [tilespmem:s0+$0xF280]  }
.LBB2_14:
0x6f: {  	p0 =	sne.s32 s1, $0x9C0;
	v3 =	vld [tilespmem:s0+$0xF000];
	_ =	sdelay $0x2  }
.Ltmp6:
0x70: {  	(pc) =	sbr.rel @p0 .LBB2_14-.Ltmp6, $4  }
0x71: {  	_ = 	snop  }
0x72: {  	v3 =	vadd.f32 v2, v3  }
0x73: {  	s23 =	sshra.s32 s1, $0x2  }
0x74: {  	s1 =	sadd.s32 $0x40, s1;
	v2 =	vld [tilespmem:s23+$0xF280];
	[tilespmem:s0+$0xF000] =	vst v3;
	s0 =	smov.u32 s23  }
0x75: {  	v3 =	vld [tilespmem:s0+$0xF000];
	_ =	sdelay $0x4  }
0x76: {  	v2 =	vadd.f32 v2, v3;
	_ =	sdelay $0x1  }
0x77: {  	[tilespmem:s0+$0xF000] =	vst v2  }
0x78: {  	[tilespmem:s30], [sflag:$0x1] =	stream.strided.gather [spmem:s11], $0x280, s28, s26, $0x38;
	[tilespmem:$0xF500] =	vst v63  }
0x79: {  	_ =	swait.ge [sflag:s24], $0x280  }
0x7a: {  	[sflag:s24] =	ssyncset.done $0x0  }
0x7b: {  	s0 =	simm.s32 $0x0;
	[sflag:s24] =	ssyncadd.s32 $0xFFFFFD80  }
0x7c: {  	s1 =	simm.s32 $0x40;
	v2 =	vld [tilespmem:s0+$0xF280]  }
.LBB2_16:
0x7d: {  	p0 =	sne.s32 s1, $0x9C0;
	v3 =	vld [tilespmem:s0+$0xF000];
	_ =	sdelay $0x2  }
.Ltmp7:
0x7e: {  	(pc) =	sbr.rel @p0 .LBB2_16-.Ltmp7, $4  }
0x7f: {  	_ = 	snop  }
0x80: {  	v3 =	vadd.f32 v2, v3  }
0x81: {  	s23 =	sshra.s32 s1, $0x2  }
0x82: {  	s1 =	sadd.s32 $0x40, s1;
	v2 =	vld [tilespmem:s23+$0xF280];
	[tilespmem:s0+$0xF000] =	vst v3;
	s0 =	smov.u32 s23  }
0x83: {  	v3 =	vld [tilespmem:s0+$0xF000];
	_ =	sdelay $0x4  }
0x84: {  	v2 =	vadd.f32 v2, v3;
	_ =	sdelay $0x1  }
0x85: {  	[tilespmem:s0+$0xF000] =	vst v2  }
0x86: {  	[tilespmem:s30], [sflag:$0x1] =	stream.strided.gather [spmem:s12], $0x280, s28, s26, $0x38;
	[tilespmem:$0xF500] =	vst v63  }
0x87: {  	_ =	swait.ge [sflag:s24], $0x280  }
0x88: {  	[sflag:s24] =	ssyncset.done $0x0  }
0x89: {  	s0 =	simm.s32 $0x0;
	[sflag:s24] =	ssyncadd.s32 $0xFFFFFD80  }
0x8a: {  	s1 =	simm.s32 $0x40;
	v2 =	vld [tilespmem:s0+$0xF280]  }
.LBB2_18:
0x8b: {  	p0 =	sne.s32 s1, $0x9C0;
	v3 =	vld [tilespmem:s0+$0xF000];
	_ =	sdelay $0x2  }
.Ltmp8:
0x8c: {  	(pc) =	sbr.rel @p0 .LBB2_18-.Ltmp8, $4  }
0x8d: {  	_ = 	snop  }
0x8e: {  	v3 =	vadd.f32 v2, v3  }
0x8f: {  	s23 =	sshra.s32 s1, $0x2  }
0x90: {  	s1 =	sadd.s32 $0x40, s1;
	v2 =	vld [tilespmem:s23+$0xF280];
	[tilespmem:s0+$0xF000] =	vst v3;
	s0 =	smov.u32 s23  }
0x91: {  	v3 =	vld [tilespmem:s0+$0xF000];
	_ =	sdelay $0x4  }
0x92: {  	v2 =	vadd.f32 v2, v3;
	_ =	sdelay $0x1  }
0x93: {  	[tilespmem:s0+$0xF000] =	vst v2  }
0x94: {  	[tilespmem:s30], [sflag:$0x1] =	stream.strided.gather [spmem:s13], $0x280, s28, s26, $0x38;
	[tilespmem:$0xF500] =	vst v63  }
0x95: {  	_ =	swait.ge [sflag:s24], $0x280  }
0x96: {  	[sflag:s24] =	ssyncset.done $0x0  }
0x97: {  	s0 =	simm.s32 $0x0;
	[sflag:s24] =	ssyncadd.s32 $0xFFFFFD80  }
0x98: {  	s1 =	simm.s32 $0x40;
	v2 =	vld [tilespmem:s0+$0xF280]  }
.LBB2_20:
0x99: {  	p0 =	sne.s32 s1, $0x9C0;
	v3 =	vld [tilespmem:s0+$0xF000];
	_ =	sdelay $0x2  }
.Ltmp9:
0x9a: {  	(pc) =	sbr.rel @p0 .LBB2_20-.Ltmp9, $4  }
0x9b: {  	_ = 	snop  }
0x9c: {  	v3 =	vadd.f32 v2, v3  }
0x9d: {  	s23 =	sshra.s32 s1, $0x2  }
0x9e: {  	s1 =	sadd.s32 $0x40, s1;
	v2 =	vld [tilespmem:s23+$0xF280];
	[tilespmem:s0+$0xF000] =	vst v3;
	s0 =	smov.u32 s23  }
0x9f: {  	v3 =	vld [tilespmem:s0+$0xF000];
	_ =	sdelay $0x4  }
0xa0: {  	v2 =	vadd.f32 v2, v3;
	_ =	sdelay $0x1  }
0xa1: {  	[tilespmem:s0+$0xF000] =	vst v2  }
0xa2: {  	[tilespmem:s30], [sflag:$0x1] =	stream.strided.gather [spmem:s14], $0x280, s28, s26, $0x38;
	[tilespmem:$0xF500] =	vst v63  }
0xa3: {  	_ =	swait.ge [sflag:s24], $0x280  }
0xa4: {  	[sflag:s24] =	ssyncset.done $0x0  }
0xa5: {  	s0 =	simm.s32 $0x0;
	[sflag:s24] =	ssyncadd.s32 $0xFFFFFD80  }
0xa6: {  	s1 =	simm.s32 $0x40;
	v2 =	vld [tilespmem:s0+$0xF280]  }
.LBB2_22:
0xa7: {  	p0 =	sne.s32 s1, $0x9C0;
	v3 =	vld [tilespmem:s0+$0xF000];
	_ =	sdelay $0x2  }
.Ltmp10:
0xa8: {  	(pc) =	sbr.rel @p0 .LBB2_22-.Ltmp10, $4  }
0xa9: {  	_ = 	snop  }
0xaa: {  	v3 =	vadd.f32 v2, v3  }
0xab: {  	s23 =	sshra.s32 s1, $0x2  }
0xac: {  	s1 =	sadd.s32 $0x40, s1;
	v2 =	vld [tilespmem:s23+$0xF280];
	[tilespmem:s0+$0xF000] =	vst v3;
	s0 =	smov.u32 s23  }
0xad: {  	v3 =	vld [tilespmem:s0+$0xF000];
	_ =	sdelay $0x4  }
0xae: {  	v2 =	vadd.f32 v2, v3;
	_ =	sdelay $0x1  }
0xaf: {  	[tilespmem:s0+$0xF000] =	vst v2  }
0xb0: {  	[tilespmem:s30], [sflag:$0x1] =	stream.strided.gather [spmem:s15], $0x280, s28, s26, $0x38;
	[tilespmem:$0xF500] =	vst v63  }
0xb1: {  	_ =	swait.ge [sflag:s24], $0x280  }
0xb2: {  	[sflag:s24] =	ssyncset.done $0x0  }
0xb3: {  	s0 =	simm.s32 $0x0;
	[sflag:s24] =	ssyncadd.s32 $0xFFFFFD80  }
0xb4: {  	s1 =	simm.s32 $0x40;
	v2 =	vld [tilespmem:s0+$0xF280]  }
.LBB2_24:
0xb5: {  	p0 =	sne.s32 s1, $0x9C0;
	v3 =	vld [tilespmem:s0+$0xF000];
	_ =	sdelay $0x2  }
.Ltmp11:
0xb6: {  	(pc) =	sbr.rel @p0 .LBB2_24-.Ltmp11, $4  }
0xb7: {  	_ = 	snop  }
0xb8: {  	v3 =	vadd.f32 v2, v3  }
0xb9: {  	s23 =	sshra.s32 s1, $0x2  }
0xba: {  	s1 =	sadd.s32 $0x40, s1;
	v2 =	vld [tilespmem:s23+$0xF280];
	[tilespmem:s0+$0xF000] =	vst v3;
	s0 =	smov.u32 s23  }
0xbb: {  	v3 =	vld [tilespmem:s0+$0xF000];
	_ =	sdelay $0x4  }
0xbc: {  	v2 =	vadd.f32 v2, v3;
	_ =	sdelay $0x1  }
0xbd: {  	[tilespmem:s0+$0xF000] =	vst v2  }
0xbe: {  	[tilespmem:s30], [sflag:$0x1] =	stream.strided.gather [spmem:s16], $0x280, s28, s26, $0x38;
	[tilespmem:$0xF500] =	vst v63  }
0xbf: {  	_ =	swait.ge [sflag:s24], $0x280  }
0xc0: {  	[sflag:s24] =	ssyncset.done $0x0  }
0xc1: {  	s0 =	simm.s32 $0x0;
	[sflag:s24] =	ssyncadd.s32 $0xFFFFFD80  }
0xc2: {  	s1 =	simm.s32 $0x40;
	v2 =	vld [tilespmem:s0+$0xF280]  }
.LBB2_26:
0xc3: {  	p0 =	sne.s32 s1, $0x9C0;
	v3 =	vld [tilespmem:s0+$0xF000];
	_ =	sdelay $0x2  }
.Ltmp12:
0xc4: {  	(pc) =	sbr.rel @p0 .LBB2_26-.Ltmp12, $4  }
0xc5: {  	_ = 	snop  }
0xc6: {  	v3 =	vadd.f32 v2, v3  }
0xc7: {  	s23 =	sshra.s32 s1, $0x2  }
0xc8: {  	s1 =	sadd.s32 $0x40, s1;
	v2 =	vld [tilespmem:s23+$0xF280];
	[tilespmem:s0+$0xF000] =	vst v3;
	s0 =	smov.u32 s23  }
0xc9: {  	v3 =	vld [tilespmem:s0+$0xF000];
	_ =	sdelay $0x4  }
0xca: {  	v2 =	vadd.f32 v2, v3;
	_ =	sdelay $0x1  }
0xcb: {  	[tilespmem:s0+$0xF000] =	vst v2  }
0xcc: {  	[tilespmem:s30], [sflag:$0x1] =	stream.strided.gather [spmem:s17], $0x280, s28, s26, $0x38;
	[tilespmem:$0xF500] =	vst v63  }
0xcd: {  	_ =	swait.ge [sflag:s24], $0x280  }
0xce: {  	[sflag:s24] =	ssyncset.done $0x0  }
0xcf: {  	s0 =	simm.s32 $0x0;
	[sflag:s24] =	ssyncadd.s32 $0xFFFFFD80  }
0xd0: {  	s1 =	simm.s32 $0x40;
	v2 =	vld [tilespmem:s0+$0xF280]  }
.LBB2_28:
0xd1: {  	p0 =	sne.s32 s1, $0x9C0;
	v3 =	vld [tilespmem:s0+$0xF000];
	_ =	sdelay $0x2  }
.Ltmp13:
0xd2: {  	(pc) =	sbr.rel @p0 .LBB2_28-.Ltmp13, $4  }
0xd3: {  	_ = 	snop  }
0xd4: {  	v3 =	vadd.f32 v2, v3  }
0xd5: {  	s23 =	sshra.s32 s1, $0x2  }
0xd6: {  	s1 =	sadd.s32 $0x40, s1;
	v2 =	vld [tilespmem:s23+$0xF280];
	[tilespmem:s0+$0xF000] =	vst v3;
	s0 =	smov.u32 s23  }
0xd7: {  	v3 =	vld [tilespmem:s0+$0xF000];
	_ =	sdelay $0x4  }
0xd8: {  	v2 =	vadd.f32 v2, v3;
	_ =	sdelay $0x1  }
0xd9: {  	[tilespmem:s0+$0xF000] =	vst v2  }
0xda: {  	[tilespmem:s30], [sflag:$0x1] =	stream.strided.gather [spmem:s18], $0x280, s28, s26, $0x38;
	[tilespmem:$0xF500] =	vst v63  }
0xdb: {  	_ =	swait.ge [sflag:s24], $0x280  }
0xdc: {  	[sflag:s24] =	ssyncset.done $0x0  }
0xdd: {  	s0 =	simm.s32 $0x0;
	[sflag:s24] =	ssyncadd.s32 $0xFFFFFD80  }
0xde: {  	s1 =	simm.s32 $0x40;
	v2 =	vld [tilespmem:s0+$0xF280]  }
.LBB2_30:
0xdf: {  	p0 =	sne.s32 s1, $0x9C0;
	v3 =	vld [tilespmem:s0+$0xF000];
	_ =	sdelay $0x2  }
.Ltmp14:
0xe0: {  	(pc) =	sbr.rel @p0 .LBB2_30-.Ltmp14, $4  }
0xe1: {  	_ = 	snop  }
0xe2: {  	v3 =	vadd.f32 v2, v3  }
0xe3: {  	s23 =	sshra.s32 s1, $0x2  }
0xe4: {  	s1 =	sadd.s32 $0x40, s1;
	v2 =	vld [tilespmem:s23+$0xF280];
	[tilespmem:s0+$0xF000] =	vst v3;
	s0 =	smov.u32 s23  }
0xe5: {  	v3 =	vld [tilespmem:s0+$0xF000];
	_ =	sdelay $0x4  }
0xe6: {  	v2 =	vadd.f32 v2, v3;
	_ =	sdelay $0x1  }
0xe7: {  	[tilespmem:s0+$0xF000] =	vst v2  }
0xe8: {  	[tilespmem:s30], [sflag:$0x1] =	stream.strided.gather [spmem:s19], $0x280, s28, s26, $0x38;
	[tilespmem:$0xF500] =	vst v63  }
0xe9: {  	_ =	swait.ge [sflag:s24], $0x280  }
0xea: {  	[sflag:s24] =	ssyncset.done $0x0  }
0xeb: {  	s0 =	simm.s32 $0x0;
	[sflag:s24] =	ssyncadd.s32 $0xFFFFFD80  }
0xec: {  	s1 =	simm.s32 $0x40;
	v2 =	vld [tilespmem:s0+$0xF280]  }
.LBB2_32:
0xed: {  	p0 =	sne.s32 s1, $0x9C0;
	v3 =	vld [tilespmem:s0+$0xF000];
	_ =	sdelay $0x2  }
.Ltmp15:
0xee: {  	(pc) =	sbr.rel @p0 .LBB2_32-.Ltmp15, $4  }
0xef: {  	_ = 	snop  }
0xf0: {  	v3 =	vadd.f32 v2, v3  }
0xf1: {  	s23 =	sshra.s32 s1, $0x2  }
0xf2: {  	s1 =	sadd.s32 $0x40, s1;
	v2 =	vld [tilespmem:s23+$0xF280];
	[tilespmem:s0+$0xF000] =	vst v3;
	s0 =	smov.u32 s23  }
0xf3: {  	v3 =	vld [tilespmem:s0+$0xF000];
	_ =	sdelay $0x4  }
0xf4: {  	v2 =	vadd.f32 v2, v3;
	_ =	sdelay $0x1  }
0xf5: {  	[tilespmem:s0+$0xF000] =	vst v2  }
0xf6: {  	[tilespmem:s30], [sflag:$0x1] =	stream.strided.gather [spmem:s20], $0x280, s28, s26, $0x38;
	[tilespmem:$0xF500] =	vst v63  }
0xf7: {  	_ =	swait.ge [sflag:s24], $0x280  }
0xf8: {  	[sflag:s24] =	ssyncset.done $0x0  }
0xf9: {  	s0 =	simm.s32 $0x0;
	[sflag:s24] =	ssyncadd.s32 $0xFFFFFD80  }
0xfa: {  	s1 =	simm.s32 $0x40;
	v2 =	vld [tilespmem:s0+$0xF280]  }
.LBB2_34:
0xfb: {  	p0 =	sne.s32 s1, $0x9C0;
	v3 =	vld [tilespmem:s0+$0xF000];
	_ =	sdelay $0x2  }
.Ltmp16:
0xfc: {  	(pc) =	sbr.rel @p0 .LBB2_34-.Ltmp16, $4  }
0xfd: {  	_ = 	snop  }
0xfe: {  	v3 =	vadd.f32 v2, v3  }
0xff: {  	s23 =	sshra.s32 s1, $0x2  }
0x100: {  	s1 =	sadd.s32 $0x40, s1;
	v2 =	vld [tilespmem:s23+$0xF280];
	[tilespmem:s0+$0xF000] =	vst v3;
	s0 =	smov.u32 s23  }
0x101: {  	v3 =	vld [tilespmem:s0+$0xF000];
	_ =	sdelay $0x4  }
0x102: {  	s31 =	sadd.s32 $0x1, s31;
	v2 =	vadd.f32 v2, v3  }
0x103: {  	p0 =	sne.s32 s31, s21  }
.Ltmp17:
0x104: {  	[tilespmem:s0+$0xF000] =	vst v2;
	(pc) =	sbr.rel @p0 .LBB2_1-.Ltmp17, $4  }
0x105: {  	[hbm4b:s22+s2] =	stream.linear.scatter [tilespmem:s29], [sflag:$0x1], $0x280, $0x38;
	[tilespmem:$0xF500] =	vst v63  }
0x106: {  	_ =	swait.ge [sflag:s24], $0x280  }
0x107: {  	[sflag:s24] =	ssyncset.done $0x0  }
0x108: {  	[sflag:s24] =	ssyncadd.s32 $0xFFFFFD80  }
0x109: {  	_ =	sfence.sel $0x180000  }
0x10a: {  	[bflag:$0x0] =	sbarrier.arrive $0xFFFF  }
0x10b: {  	_ =	strace $0x90000047  }
0x10c: {  	s0 =	stileid.u32;
	[bflag:$0x2] =	sbarrier.arrive $0xFFFF  }
0x10d: {  	p0 =	sne.s32 s0, $0x0;
	s0 =	rddreg [dreg:$0x3]  }
0x10e: {  	s0 =	sadd.s32 @!p0 $0x100000, s0  }
0x10f: {  	[sflag:s0] =	ssyncadd.tile.s32 @!p0 $0x1;
	_ =	shalt  }
.Lfunc_end2:
_tile_overlayer_lowered:
.L_overlay_start_2:
0x110: {  	(tag) =	ssettag $0x2  }
0x111: {  	s0 =	rddreg [dreg:$0x0];
	s2 =	stileid.u32  }
0x112: {  	s1 =	rddreg [dreg:$0x1];
	p0 =	sne.s32 s2, $0x0  }
0x113: {  	s3 =	rddreg [dreg:$0x2];
	[bflag:$0x3] =	sbarrier.arrive $0xFFFF;
	s2 =	simm.s32 @!p0 $0x1C01  }
0x114: {  	[timem:s3], [sflag:s2] =	dma.local @!p0 [hbm:s0], s1  }
0x115: {  	s0 =	simm.s32 @!p0 $0x1  }
0x116: {  	_ =	swait.ge @!p0 [sflag:s0], s1  }
0x117: {  	s1 =	ssub.s32 @!p0 $0x0, s1;
	[sflag:s0] =	ssyncset.done @!p0 $0x0  }
0x118: {  	[sflag:s0] =	ssyncadd.s32 @!p0 s1  }
0x119: {  	[bflag:$0x3] =	sbarrier.arrive $0xFFFF  }
0x11a: {  	_ =	shalt  }

</sc_bundles>
